<compile_context>
chip_gen: v7x
topology: tpu7x:2x2x1
jax: 0.10.2.dev20260603
libtpu: 0.0.44.dev20260713+nightly
codegen_flags: <defaults>
</compile_context>

<pallas_src>
import functools

import jax
import jax.numpy as jnp
from jax import lax
from jax.experimental import pallas as pl
from jax.experimental.pallas import tpu as pltpu
from jax.experimental.pallas import tpu_sc as plsc

N = 10000
D = 128
E = 320000
NC = 2
NS = 16
NW = NC * NS
CH = 128
EPW = E // NW
NCH = 80
NPH = 2
CPP = NCH // NPH
EPWP = NCH * CH
NPAD = 10240
DUMMY = NPAD - 1
RPT = NPAD // NS
HR = NPAD // D
BM = 1024
GRID = NPAD // BM

_mesh = plsc.VectorSubcoreMesh(core_axis_name="c", subcore_axis_name="s")


def _zero16():
    return jnp.zeros((16,), jnp.float32)


def _sc_degree(dstp):

    @functools.partial(
        pl.kernel,
        out_type=jax.ShapeDtypeStruct((NC, HR, D), jnp.float32),
        mesh=_mesh,
        scratch_types=[
            pltpu.VMEM((CPP, CH), jnp.int32),
            pltpu.VMEM((HR, D), jnp.float32),
            pltpu.VMEM((HR,), jnp.int32),
            pltpu.VMEM((8, D), jnp.float32),
            pltpu.VMEM_SHARED((HR, D), jnp.float32),
        ],
        compiler_params=pltpu.CompilerParams(needs_layout_passes=False),
    )
    def k(dst_hbm, out_hbm, dst_v, cnt, idv, zb, acc):
        c = lax.axis_index("c")
        s = lax.axis_index("s")
        wid = c * NS + s
        zrows = 8

        @pl.loop(0, HR)
        def _(r):
            for kk in range(D // 16):
                cnt[r, pl.ds(kk * 16, 16)] = _zero16()

        for r in range(zrows):
            for kk in range(D // 16):
                zb[r, pl.ds(kk * 16, 16)] = _zero16()
        for kk in range(HR // 16):
            idv[pl.ds(kk * 16, 16)] = lax.iota(jnp.int32, 16) + kk * 16

        @pl.when(s < HR // zrows)
        def _():
            pltpu.sync_copy(zb, acc.at[pl.ds(s * zrows, zrows)])

        plsc.subcore_barrier()

        ones = jnp.ones((16,), jnp.float32)

        for ph in range(NPH):
            pltpu.sync_copy(dst_hbm.at[wid, pl.ds(ph * CPP, CPP)], dst_v)

            @pl.loop(0, CPP)
            def _(j):
                for kk in range(CH // 16):
                    v = dst_v[j, pl.ds(kk * 16, 16)]
                    plsc.addupdate_scatter(cnt, [v >> 7, v & 127], ones)

        pltpu.sync_copy(cnt, acc.at[idv], add=True)
        plsc.subcore_barrier()

        @pl.when(s < HR // zrows)
        def _():
            pltpu.sync_copy(acc.at[pl.ds(s * zrows, zrows)],
                            out_hbm.at[c, pl.ds(s * zrows, zrows)])

    return k(dstp)


def _sc_scatter(g, srcp, dstp):

    @functools.partial(
        pl.kernel,
        out_type=jax.ShapeDtypeStruct((NC, NPAD, D), jnp.float32),
        mesh=_mesh,
        scratch_types=[
            pltpu.VMEM((CPP, CH), jnp.int32),
            pltpu.VMEM((CPP, CH), jnp.int32),
            pltpu.VMEM((CH, D), jnp.float32),
            pltpu.VMEM((CH, D), jnp.float32),
            pltpu.VMEM_SHARED((NPAD, D), jnp.float32),
            pltpu.SemaphoreType.DMA,
            pltpu.SemaphoreType.DMA,
        ],
    )
    def k(g_hbm, src_hbm, dst_hbm, out_hbm, src_v, dst_v, buf0, buf1, acc,
          sem0, sem1):
        c = lax.axis_index("c")
        s = lax.axis_index("s")
        wid = c * NS + s

        @pl.loop(0, CH)
        def _(r):
            for kk in range(D // 16):
                buf0[r, pl.ds(kk * 16, 16)] = _zero16()

        for kk in range(RPT // CH):
            pltpu.sync_copy(buf0, acc.at[pl.ds(s * RPT + kk * CH, CH)])
        plsc.subcore_barrier()

        def gather(j, buf, sem):
            return pltpu.make_async_copy(g_hbm.at[src_v.at[j]], buf, sem)

        for ph in range(NPH):
            pltpu.sync_copy(src_hbm.at[wid, pl.ds(ph * CPP, CPP)], src_v)
            pltpu.sync_copy(dst_hbm.at[wid, pl.ds(ph * CPP, CPP)], dst_v)
            gather(0, buf0, sem0).start()
            gather(1, buf1, sem1).start()

            @pl.loop(0, CPP // 2)
            def _(p):
                j0 = 2 * p
                j1 = j0 + 1
                gather(j0, buf0, sem0).wait()
                pltpu.sync_copy(buf0, acc.at[dst_v.at[j0]], add=True)

                @pl.when(p < CPP // 2 - 1)
                def _():
                    gather(j0 + 2, buf0, sem0).start()

                gather(j1, buf1, sem1).wait()
                pltpu.sync_copy(buf1, acc.at[dst_v.at[j1]], add=True)

                @pl.when(p < CPP // 2 - 1)
                def _():
                    gather(j1 + 2, buf1, sem1).start()

        plsc.subcore_barrier()
        for kk in range(RPT // CH):
            pltpu.sync_copy(acc.at[pl.ds(s * RPT + kk * CH, CH)],
                            out_hbm.at[c, pl.ds(s * RPT + kk * CH, CH)])

    return k(g, srcp, dstp)


def _row_spec():
    return pl.BlockSpec((BM, D), lambda i: (i, 0))


def _col_spec():
    return pl.BlockSpec((BM, 1), lambda i: (i, 0))


def _full_spec(shape):
    return pl.BlockSpec(shape, lambda i: tuple(0 for _ in shape))


def _tc_first(x, w1, cnt_col):

    def body(x_ref, w_ref, cnt_ref, g_ref, dis_ref):
        dis = lax.rsqrt(cnt_ref[...] + 1.0)
        h = jnp.dot(x_ref[...], w_ref[...], preferred_element_type=jnp.float32)
        g_ref[...] = h * dis
        dis_ref[...] = dis

    return pl.pallas_call(
        body,
        grid=(GRID,),
        in_specs=[_row_spec(), _full_spec((D, D)), _col_spec()],
        out_specs=[_row_spec(), _col_spec()],
        out_shape=[
            jax.ShapeDtypeStruct((NPAD, D), jnp.float32),
            jax.ShapeDtypeStruct((NPAD, 1), jnp.float32),
        ],
    )(x, w1, cnt_col)


def _tc_mid(agg0, agg1, g, dis, b, w):

    def body(a0_ref, a1_ref, g_ref, dis_ref, b_ref, w_ref, o_ref):
        dis = dis_ref[...]
        t = (a0_ref[...] + a1_ref[...] + g_ref[...]) * dis + b_ref[...]
        t = jnp.maximum(t, 0.0)
        o_ref[...] = jnp.dot(t, w_ref[...],
                             preferred_element_type=jnp.float32) * dis

    return pl.pallas_call(
        body,
        grid=(GRID,),
        in_specs=[_row_spec(), _row_spec(), _row_spec(), _col_spec(),
                  _full_spec((D,)), _full_spec((D, D))],
        out_specs=_row_spec(),
        out_shape=jax.ShapeDtypeStruct((NPAD, D), jnp.float32),
    )(agg0, agg1, g, dis, b, w)


def _tc_last(agg0, agg1, g, dis, b):

    def body(a0_ref, a1_ref, g_ref, dis_ref, b_ref, o_ref):
        o_ref[...] = ((a0_ref[...] + a1_ref[...] + g_ref[...]) * dis_ref[...]
                      + b_ref[...])

    return pl.pallas_call(
        body,
        grid=(GRID,),
        in_specs=[_row_spec(), _row_spec(), _row_spec(), _col_spec(),
                  _full_spec((D,))],
        out_specs=_row_spec(),
        out_shape=jax.ShapeDtypeStruct((NPAD, D), jnp.float32),
    )(agg0, agg1, g, dis, b)


def kernel(x, edge_index, W1, b1, W2, b2, W3, b3):
    x_pad = jnp.pad(x, ((0, NPAD - N), (0, 0)))
    pad_cols = jnp.full((NW, EPWP - EPW), DUMMY, jnp.int32)
    srcp = jnp.concatenate(
        [edge_index[0].reshape(NW, EPW), pad_cols], axis=1).reshape(NW, NCH, CH)
    dstp = jnp.concatenate(
        [edge_index[1].reshape(NW, EPW), pad_cols], axis=1).reshape(NW, NCH, CH)

    cnt = _sc_degree(dstp)
    cnt_col = (cnt[0] + cnt[1]).reshape(NPAD, 1)

    g1, dis = _tc_first(x_pad, W1, cnt_col)
    agg = _sc_scatter(g1, srcp, dstp)
    g2 = _tc_mid(agg[0], agg[1], g1, dis, b1, W2)
    agg = _sc_scatter(g2, srcp, dstp)
    g3 = _tc_mid(agg[0], agg[1], g2, dis, b2, W3)
    agg = _sc_scatter(g3, srcp, dstp)
    out = _tc_last(agg[0], agg[1], g3, dis, b3)
    return out[:N]

# --- scband reference (transcript-rebuilt; emitter-appended) ---
"""Pipeline reference for scband-gcn-67568425501456 (READ-ONLY COPY).

The authoritative reference and input builder live on the scoring server;
editing this copy changes nothing except your own understanding.
"""

import jax, jax.numpy as jnp
import numpy as np


def gcn_conv(x, edge_index, W, b):
    n = x.shape[0]
    loop = jnp.arange(n, dtype=edge_index.dtype)
    src = jnp.concatenate([edge_index[0], loop])
    dst = jnp.concatenate([edge_index[1], loop])
    deg = jnp.zeros((n,), dtype=x.dtype).at[dst].add(1.0)
    dis = jnp.where(deg > 0, jax.lax.rsqrt(jnp.maximum(deg, 1e-12)), 0.0)
    norm = dis[src] * dis[dst]
    h = x @ W
    msg = h[src] * norm[:, None]
    out = jnp.zeros((n, W.shape[1]), dtype=x.dtype).at[dst].add(msg)
    return out + b


def setup_inputs(seed: int = 0) -> dict:
    key = jax.random.key(seed)
    ks = jax.random.split(key, 9)
    n_nodes, n_edges = 10000, 320000
    d_in, d_hidden, d_out = 128, 128, 128
    x = jax.random.normal(ks[0], (n_nodes, d_in), dtype=jnp.float32)
    edge_index = jax.random.randint(ks[1], (2, n_edges), 0, n_nodes, dtype=jnp.int32)
    s1 = (2.0 / (d_in + d_hidden)) ** 0.5
    s2 = (2.0 / (d_hidden + d_hidden)) ** 0.5
    s3 = (2.0 / (d_hidden + d_out)) ** 0.5
    W1 = jax.random.normal(ks[2], (d_in, d_hidden), dtype=jnp.float32) * s1
    b1 = jnp.zeros((d_hidden,), dtype=jnp.float32)
    W2 = jax.random.normal(ks[3], (d_hidden, d_hidden), dtype=jnp.float32) * s2
    b2 = jnp.zeros((d_hidden,), dtype=jnp.float32)
    W3 = jax.random.normal(ks[4], (d_hidden, d_out), dtype=jnp.float32) * s3
    b3 = jnp.zeros((d_out,), dtype=jnp.float32)
    return {"x": x, "edge_index": edge_index, "W1": W1, "b1": b1, "W2": W2, "b2": b2, "W3": W3, "b3": b3}


def reference(x, edge_index, W1, b1, W2, b2, W3, b3):
    # GCN forward, num_layers=3, eval mode (dropout p=0.0 is a no-op)
    h = jax.nn.relu(gcn_conv(x, edge_index, W1, b1))
    h = jax.nn.relu(gcn_conv(h, edge_index, W2, b2))
    return gcn_conv(h, edge_index, W3, b3)

if __name__ == "__main__":
    import jax
    _d = setup_inputs()
    print(jax.jit(kernel)(*tuple(_d.values())))

</pallas_src>

<mosaic_0001>
#map = affine_map<(d0, d1) -> (0, 0)>
#map1 = affine_map<(d0, d1) -> (0, 0, 0)>
module attributes {stable_mosaic.version = 14 : i64} {
  func.func @k(%arg0: i32, %arg1: i32, %arg2: memref<10240x128xf32, #tpu.memory_space<hbm>>, %arg3: memref<32x80x128xi32, #tpu.memory_space<hbm>>, %arg4: memref<32x80x128xi32, #tpu.memory_space<hbm>>, %arg5: memref<2x10240x128xf32, #tpu.memory_space<hbm>>, %arg6: memref<40x128xi32, #tpu.memory_space<vmem>>, %arg7: memref<40x128xi32, #tpu.memory_space<vmem>>, %arg8: memref<128x128xf32, #tpu.memory_space<vmem>>, %arg9: memref<128x128xf32, #tpu.memory_space<vmem>>, %arg10: memref<10240x128xf32, #tpu.memory_space<vmem_shared>>, %arg11: memref<!tpu.dma_semaphore, #tpu.memory_space<semaphore_mem>>, %arg12: memref<!tpu.dma_semaphore, #tpu.memory_space<semaphore_mem>>) attributes {dimension_semantics = [#tpu.dimension_semantics<core_parallel>, #tpu.dimension_semantics<subcore_parallel>], iteration_bounds = array<i64: 2, 16>, scalar_prefetch = 0 : i64, scratch_operands = 7 : i64, tpu.core_type = #tpu.core_type<sc_vector_subcore>, window_params = [{transform_indices = #map}, {transform_indices = #map1}, {transform_indices = #map1}, {transform_indices = #map1}]} {
    %mul3A = arith.constant 16 : i32
    %mul3A_0 = arith.muli %arg0, %mul3A : i32
    %add3A = arith.addi %mul3A_0, %arg1 : i32
    %scan3A = arith.constant 0 : i32
    %scan3A_1 = arith.constant 128 : i32
    %scan3A_2 = arith.addi %scan3A, %scan3A_1 : i32
    %scan3A_3 = arith.constant 1 : i32
    scf.for %scan3A_103 = %scan3A to %scan3A_2 step %scan3A_3  : i32 {
      %mul3A_104 = arith.constant 1 : i32
      %mul3A_105 = arith.muli %scan3A_103, %mul3A_104 : i32
      %add3A_106 = arith.constant 0 : i32
      %add3A_107 = arith.addi %add3A_106, %mul3A_105 : i32
      %broadcast_in_dim3A = arith.constant 0.000000e+00 : f32
      %broadcast_in_dim3A_108 = vector.broadcast %broadcast_in_dim3A : f32 to vector<16xf32>
      %swap3A = arith.index_cast %add3A_107 : i32 to index
      %swap3A_109 = arith.constant 0 : index
      %swap3A_110 = tpu.vector_load %arg8[%swap3A, %swap3A_109] {strides = array<i32>} : memref<128x128xf32, #tpu.memory_space<vmem>>, vector<1x16xf32>,
      %swap3A_111 = vector.shape_cast %swap3A_110 : vector<1x16xf32> to vector<16xf32>
      %swap3A_112 = vector.shape_cast %broadcast_in_dim3A_108 : vector<16xf32> to vector<1x16xf32>
      tpu.vector_store %arg8[%swap3A, %swap3A_109], %swap3A_112 {strides = array<i32>} : memref<128x128xf32, #tpu.memory_space<vmem>>, vector<1x16xf32>,
      %broadcast_in_dim3A_113 = arith.constant 0.000000e+00 : f32
      %broadcast_in_dim3A_114 = vector.broadcast %broadcast_in_dim3A_113 : f32 to vector<16xf32>
      %swap3A_115 = arith.index_cast %add3A_107 : i32 to index
      %swap3A_116 = arith.constant 16 : index
      %swap3A_117 = tpu.vector_load %arg8[%swap3A_115, %swap3A_116] {strides = array<i32>} : memref<128x128xf32, #tpu.memory_space<vmem>>, vector<1x16xf32>,
      %swap3A_118 = vector.shape_cast %swap3A_117 : vector<1x16xf32> to vector<16xf32>
      %swap3A_119 = vector.shape_cast %broadcast_in_dim3A_114 : vector<16xf32> to vector<1x16xf32>
      tpu.vector_store %arg8[%swap3A_115, %swap3A_116], %swap3A_119 {strides = array<i32>} : memref<128x128xf32, #tpu.memory_space<vmem>>, vector<1x16xf32>,
      %broadcast_in_dim3A_120 = arith.constant 0.000000e+00 : f32
      %broadcast_in_dim3A_121 = vector.broadcast %broadcast_in_dim3A_120 : f32 to vector<16xf32>
      %swap3A_122 = arith.index_cast %add3A_107 : i32 to index
      %swap3A_123 = arith.constant 32 : index
      %swap3A_124 = tpu.vector_load %arg8[%swap3A_122, %swap3A_123] {strides = array<i32>} : memref<128x128xf32, #tpu.memory_space<vmem>>, vector<1x16xf32>,
      %swap3A_125 = vector.shape_cast %swap3A_124 : vector<1x16xf32> to vector<16xf32>
      %swap3A_126 = vector.shape_cast %broadcast_in_dim3A_121 : vector<16xf32> to vector<1x16xf32>
      tpu.vector_store %arg8[%swap3A_122, %swap3A_123], %swap3A_126 {strides = array<i32>} : memref<128x128xf32, #tpu.memory_space<vmem>>, vector<1x16xf32>,
      %broadcast_in_dim3A_127 = arith.constant 0.000000e+00 : f32
      %broadcast_in_dim3A_128 = vector.broadcast %broadcast_in_dim3A_127 : f32 to vector<16xf32>
      %swap3A_129 = arith.index_cast %add3A_107 : i32 to index
      %swap3A_130 = arith.constant 48 : index
      %swap3A_131 = tpu.vector_load %arg8[%swap3A_129, %swap3A_130] {strides = array<i32>} : memref<128x128xf32, #tpu.memory_space<vmem>>, vector<1x16xf32>,
      %swap3A_132 = vector.shape_cast %swap3A_131 : vector<1x16xf32> to vector<16xf32>
      %swap3A_133 = vector.shape_cast %broadcast_in_dim3A_128 : vector<16xf32> to vector<1x16xf32>
      tpu.vector_store %arg8[%swap3A_129, %swap3A_130], %swap3A_133 {strides = array<i32>} : memref<128x128xf32, #tpu.memory_space<vmem>>, vector<1x16xf32>,
      %broadcast_in_dim3A_134 = arith.constant 0.000000e+00 : f32
      %broadcast_in_dim3A_135 = vector.broadcast %broadcast_in_dim3A_134 : f32 to vector<16xf32>
      %swap3A_136 = arith.index_cast %add3A_107 : i32 to index
      %swap3A_137 = arith.constant 64 : index
      %swap3A_138 = tpu.vector_load %arg8[%swap3A_136, %swap3A_137] {strides = array<i32>} : memref<128x128xf32, #tpu.memory_space<vmem>>, vector<1x16xf32>,
      %swap3A_139 = vector.shape_cast %swap3A_138 : vector<1x16xf32> to vector<16xf32>
      %swap3A_140 = vector.shape_cast %broadcast_in_dim3A_135 : vector<16xf32> to vector<1x16xf32>
      tpu.vector_store %arg8[%swap3A_136, %swap3A_137], %swap3A_140 {strides = array<i32>} : memref<128x128xf32, #tpu.memory_space<vmem>>, vector<1x16xf32>,
      %broadcast_in_dim3A_141 = arith.constant 0.000000e+00 : f32
      %broadcast_in_dim3A_142 = vector.broadcast %broadcast_in_dim3A_141 : f32 to vector<16xf32>
      %swap3A_143 = arith.index_cast %add3A_107 : i32 to index
      %swap3A_144 = arith.constant 80 : index
      %swap3A_145 = tpu.vector_load %arg8[%swap3A_143, %swap3A_144] {strides = array<i32>} : memref<128x128xf32, #tpu.memory_space<vmem>>, vector<1x16xf32>,
      %swap3A_146 = vector.shape_cast %swap3A_145 : vector<1x16xf32> to vector<16xf32>
      %swap3A_147 = vector.shape_cast %broadcast_in_dim3A_142 : vector<16xf32> to vector<1x16xf32>
      tpu.vector_store %arg8[%swap3A_143, %swap3A_144], %swap3A_147 {strides = array<i32>} : memref<128x128xf32, #tpu.memory_space<vmem>>, vector<1x16xf32>,
      %broadcast_in_dim3A_148 = arith.constant 0.000000e+00 : f32
      %broadcast_in_dim3A_149 = vector.broadcast %broadcast_in_dim3A_148 : f32 to vector<16xf32>
      %swap3A_150 = arith.index_cast %add3A_107 : i32 to index
      %swap3A_151 = arith.constant 96 : index
      %swap3A_152 = tpu.vector_load %arg8[%swap3A_150, %swap3A_151] {strides = array<i32>} : memref<128x128xf32, #tpu.memory_space<vmem>>, vector<1x16xf32>,
      %swap3A_153 = vector.shape_cast %swap3A_152 : vector<1x16xf32> to vector<16xf32>
      %swap3A_154 = vector.shape_cast %broadcast_in_dim3A_149 : vector<16xf32> to vector<1x16xf32>
      tpu.vector_store %arg8[%swap3A_150, %swap3A_151], %swap3A_154 {strides = array<i32>} : memref<128x128xf32, #tpu.memory_space<vmem>>, vector<1x16xf32>,
      %broadcast_in_dim3A_155 = arith.constant 0.000000e+00 : f32
      %broadcast_in_dim3A_156 = vector.broadcast %broadcast_in_dim3A_155 : f32 to vector<16xf32>
      %swap3A_157 = arith.index_cast %add3A_107 : i32 to index
      %swap3A_158 = arith.constant 112 : index
      %swap3A_159 = tpu.vector_load %arg8[%swap3A_157, %swap3A_158] {strides = array<i32>} : memref<128x128xf32, #tpu.memory_space<vmem>>, vector<1x16xf32>,
      %swap3A_160 = vector.shape_cast %swap3A_159 : vector<1x16xf32> to vector<16xf32>
      %swap3A_161 = vector.shape_cast %broadcast_in_dim3A_156 : vector<16xf32> to vector<1x16xf32>
      tpu.vector_store %arg8[%swap3A_157, %swap3A_158], %swap3A_161 {strides = array<i32>} : memref<128x128xf32, #tpu.memory_space<vmem>>, vector<1x16xf32>,
    }
    %scan3A_4 = arith.constant 128 : i32
    %mul3A_5 = arith.constant 640 : i32
    %mul3A_6 = arith.muli %arg1, %mul3A_5 : i32
    %add3A_7 = arith.constant 0 : i32
    %add3A_8 = arith.addi %mul3A_6, %add3A_7 : i32
    "tpu.region"() ({
      %run_scoped3A = tpu.sem_alloc : memref<!tpu.dma_semaphore, #tpu.memory_space<semaphore_mem>>
      %dma_start3A_103 = arith.constant 0 : i32
      %dma_start3A_104 = tpu.memref_slice %arg10[%add3A_8, %dma_start3A_103] : memref<10240x128xf32, #tpu.memory_space<vmem_shared>> -> memref<128x128xf32, #tpu.memory_space<vmem_shared>>
      %dma_start3A_105 = arith.constant 0 : i32
      %dma_start3A_106 = tpu.memref_slice %arg10[%add3A_8, %dma_start3A_105] : memref<10240x128xf32, #tpu.memory_space<vmem_shared>> -> memref<128x128xf32, #tpu.memory_space<vmem_shared>>
      tpu.enqueue_dma source(%arg8 : memref<128x128xf32, #tpu.memory_space<vmem>>) target(%dma_start3A_106 : memref<128x128xf32, #tpu.memory_space<vmem_shared>>) target_semaphore(%run_scoped3A : memref<!tpu.dma_semaphore, #tpu.memory_space<semaphore_mem>>)
      %dma_wait3A = arith.constant 0 : i32
      %dma_wait3A_107 = tpu.memref_slice %arg10[%add3A_8, %dma_wait3A] : memref<10240x128xf32, #tpu.memory_space<vmem_shared>> -> memref<128x128xf32, #tpu.memory_space<vmem_shared>>
      %dma_wait3A_108 = arith.constant 0 : i32
      %dma_wait3A_109 = tpu.memref_slice %arg10[%add3A_8, %dma_wait3A_108] : memref<10240x128xf32, #tpu.memory_space<vmem_shared>> -> memref<128x128xf32, #tpu.memory_space<vmem_shared>>
      tpu.wait_dma2 semaphore(%run_scoped3A : memref<!tpu.dma_semaphore, #tpu.memory_space<semaphore_mem>>) src(%arg8 : memref<128x128xf32, #tpu.memory_space<vmem>>) dst(%dma_wait3A_109 : memref<128x128xf32, #tpu.memory_space<vmem_shared>>)
      tpu.yield
    }) : () -> ()
    %mul3A_9 = arith.constant 640 : i32
    %mul3A_10 = arith.muli %arg1, %mul3A_9 : i32
    %add3A_11 = arith.constant 128 : i32
    %add3A_12 = arith.addi %mul3A_10, %add3A_11 : i32
    "tpu.region"() ({
      %run_scoped3A = tpu.sem_alloc : memref<!tpu.dma_semaphore, #tpu.memory_space<semaphore_mem>>
      %dma_start3A_103 = arith.constant 0 : i32
      %dma_start3A_104 = tpu.memref_slice %arg10[%add3A_12, %dma_start3A_103] : memref<10240x128xf32, #tpu.memory_space<vmem_shared>> -> memref<128x128xf32, #tpu.memory_space<vmem_shared>>
      %dma_start3A_105 = arith.constant 0 : i32
      %dma_start3A_106 = tpu.memref_slice %arg10[%add3A_12, %dma_start3A_105] : memref<10240x128xf32, #tpu.memory_space<vmem_shared>> -> memref<128x128xf32, #tpu.memory_space<vmem_shared>>
      tpu.enqueue_dma source(%arg8 : memref<128x128xf32, #tpu.memory_space<vmem>>) target(%dma_start3A_106 : memref<128x128xf32, #tpu.memory_space<vmem_shared>>) target_semaphore(%run_scoped3A : memref<!tpu.dma_semaphore, #tpu.memory_space<semaphore_mem>>)
      %dma_wait3A = arith.constant 0 : i32
      %dma_wait3A_107 = tpu.memref_slice %arg10[%add3A_12, %dma_wait3A] : memref<10240x128xf32, #tpu.memory_space<vmem_shared>> -> memref<128x128xf32, #tpu.memory_space<vmem_shared>>
      %dma_wait3A_108 = arith.constant 0 : i32
      %dma_wait3A_109 = tpu.memref_slice %arg10[%add3A_12, %dma_wait3A_108] : memref<10240x128xf32, #tpu.memory_space<vmem_shared>> -> memref<128x128xf32, #tpu.memory_space<vmem_shared>>
      tpu.wait_dma2 semaphore(%run_scoped3A : memref<!tpu.dma_semaphore, #tpu.memory_space<semaphore_mem>>) src(%arg8 : memref<128x128xf32, #tpu.memory_space<vmem>>) dst(%dma_wait3A_109 : memref<128x128xf32, #tpu.memory_space<vmem_shared>>)
      tpu.yield
    }) : () -> ()
    %mul3A_13 = arith.constant 640 : i32
    %mul3A_14 = arith.muli %arg1, %mul3A_13 : i32
    %add3A_15 = arith.constant 256 : i32
    %add3A_16 = arith.addi %mul3A_14, %add3A_15 : i32
    "tpu.region"() ({
      %run_scoped3A = tpu.sem_alloc : memref<!tpu.dma_semaphore, #tpu.memory_space<semaphore_mem>>
      %dma_start3A_103 = arith.constant 0 : i32
      %dma_start3A_104 = tpu.memref_slice %arg10[%add3A_16, %dma_start3A_103] : memref<10240x128xf32, #tpu.memory_space<vmem_shared>> -> memref<128x128xf32, #tpu.memory_space<vmem_shared>>
      %dma_start3A_105 = arith.constant 0 : i32
      %dma_start3A_106 = tpu.memref_slice %arg10[%add3A_16, %dma_start3A_105] : memref<10240x128xf32, #tpu.memory_space<vmem_shared>> -> memref<128x128xf32, #tpu.memory_space<vmem_shared>>
      tpu.enqueue_dma source(%arg8 : memref<128x128xf32, #tpu.memory_space<vmem>>) target(%dma_start3A_106 : memref<128x128xf32, #tpu.memory_space<vmem_shared>>) target_semaphore(%run_scoped3A : memref<!tpu.dma_semaphore, #tpu.memory_space<semaphore_mem>>)
      %dma_wait3A = arith.constant 0 : i32
      %dma_wait3A_107 = tpu.memref_slice %arg10[%add3A_16, %dma_wait3A] : memref<10240x128xf32, #tpu.memory_space<vmem_shared>> -> memref<128x128xf32, #tpu.memory_space<vmem_shared>>
      %dma_wait3A_108 = arith.constant 0 : i32
      %dma_wait3A_109 = tpu.memref_slice %arg10[%add3A_16, %dma_wait3A_108] : memref<10240x128xf32, #tpu.memory_space<vmem_shared>> -> memref<128x128xf32, #tpu.memory_space<vmem_shared>>
      tpu.wait_dma2 semaphore(%run_scoped3A : memref<!tpu.dma_semaphore, #tpu.memory_space<semaphore_mem>>) src(%arg8 : memref<128x128xf32, #tpu.memory_space<vmem>>) dst(%dma_wait3A_109 : memref<128x128xf32, #tpu.memory_space<vmem_shared>>)
      tpu.yield
    }) : () -> ()
    %mul3A_17 = arith.constant 640 : i32
    %mul3A_18 = arith.muli %arg1, %mul3A_17 : i32
    %add3A_19 = arith.constant 384 : i32
    %add3A_20 = arith.addi %mul3A_18, %add3A_19 : i32
    "tpu.region"() ({
      %run_scoped3A = tpu.sem_alloc : memref<!tpu.dma_semaphore, #tpu.memory_space<semaphore_mem>>
      %dma_start3A_103 = arith.constant 0 : i32
      %dma_start3A_104 = tpu.memref_slice %arg10[%add3A_20, %dma_start3A_103] : memref<10240x128xf32, #tpu.memory_space<vmem_shared>> -> memref<128x128xf32, #tpu.memory_space<vmem_shared>>
      %dma_start3A_105 = arith.constant 0 : i32
      %dma_start3A_106 = tpu.memref_slice %arg10[%add3A_20, %dma_start3A_105] : memref<10240x128xf32, #tpu.memory_space<vmem_shared>> -> memref<128x128xf32, #tpu.memory_space<vmem_shared>>
      tpu.enqueue_dma source(%arg8 : memref<128x128xf32, #tpu.memory_space<vmem>>) target(%dma_start3A_106 : memref<128x128xf32, #tpu.memory_space<vmem_shared>>) target_semaphore(%run_scoped3A : memref<!tpu.dma_semaphore, #tpu.memory_space<semaphore_mem>>)
      %dma_wait3A = arith.constant 0 : i32
      %dma_wait3A_107 = tpu.memref_slice %arg10[%add3A_20, %dma_wait3A] : memref<10240x128xf32, #tpu.memory_space<vmem_shared>> -> memref<128x128xf32, #tpu.memory_space<vmem_shared>>
      %dma_wait3A_108 = arith.constant 0 : i32
      %dma_wait3A_109 = tpu.memref_slice %arg10[%add3A_20, %dma_wait3A_108] : memref<10240x128xf32, #tpu.memory_space<vmem_shared>> -> memref<128x128xf32, #tpu.memory_space<vmem_shared>>
      tpu.wait_dma2 semaphore(%run_scoped3A : memref<!tpu.dma_semaphore, #tpu.memory_space<semaphore_mem>>) src(%arg8 : memref<128x128xf32, #tpu.memory_space<vmem>>) dst(%dma_wait3A_109 : memref<128x128xf32, #tpu.memory_space<vmem_shared>>)
      tpu.yield
    }) : () -> ()
    %mul3A_21 = arith.constant 640 : i32
    %mul3A_22 = arith.muli %arg1, %mul3A_21 : i32
    %add3A_23 = arith.constant 512 : i32
    %add3A_24 = arith.addi %mul3A_22, %add3A_23 : i32
    "tpu.region"() ({
      %run_scoped3A = tpu.sem_alloc : memref<!tpu.dma_semaphore, #tpu.memory_space<semaphore_mem>>
      %dma_start3A_103 = arith.constant 0 : i32
      %dma_start3A_104 = tpu.memref_slice %arg10[%add3A_24, %dma_start3A_103] : memref<10240x128xf32, #tpu.memory_space<vmem_shared>> -> memref<128x128xf32, #tpu.memory_space<vmem_shared>>
      %dma_start3A_105 = arith.constant 0 : i32
      %dma_start3A_106 = tpu.memref_slice %arg10[%add3A_24, %dma_start3A_105] : memref<10240x128xf32, #tpu.memory_space<vmem_shared>> -> memref<128x128xf32, #tpu.memory_space<vmem_shared>>
      tpu.enqueue_dma source(%arg8 : memref<128x128xf32, #tpu.memory_space<vmem>>) target(%dma_start3A_106 : memref<128x128xf32, #tpu.memory_space<vmem_shared>>) target_semaphore(%run_scoped3A : memref<!tpu.dma_semaphore, #tpu.memory_space<semaphore_mem>>)
      %dma_wait3A = arith.constant 0 : i32
      %dma_wait3A_107 = tpu.memref_slice %arg10[%add3A_24, %dma_wait3A] : memref<10240x128xf32, #tpu.memory_space<vmem_shared>> -> memref<128x128xf32, #tpu.memory_space<vmem_shared>>
      %dma_wait3A_108 = arith.constant 0 : i32
      %dma_wait3A_109 = tpu.memref_slice %arg10[%add3A_24, %dma_wait3A_108] : memref<10240x128xf32, #tpu.memory_space<vmem_shared>> -> memref<128x128xf32, #tpu.memory_space<vmem_shared>>
      tpu.wait_dma2 semaphore(%run_scoped3A : memref<!tpu.dma_semaphore, #tpu.memory_space<semaphore_mem>>) src(%arg8 : memref<128x128xf32, #tpu.memory_space<vmem>>) dst(%dma_wait3A_109 : memref<128x128xf32, #tpu.memory_space<vmem_shared>>)
      tpu.yield
    }) : () -> ()
    %barrier3A = arith.constant 0 : index
    tpu.barrier barrier_id(%barrier3A)
    "tpu.region"() ({
      %run_scoped3A = tpu.sem_alloc : memref<!tpu.dma_semaphore, #tpu.memory_space<semaphore_mem>>
      %dma_start3A_103 = arith.constant 0 : i32
      %dma_start3A_104 = arith.constant 0 : i32
      %dma_start3A_105 = tpu.memref_slice %arg3[%add3A, %dma_start3A_103, %dma_start3A_104] : memref<32x80x128xi32, #tpu.memory_space<hbm>> -> memref<1x40x128xi32, #tpu.memory_space<hbm>>
      %dma_start3A_106 = tpu.memref_squeeze %dma_start3A_105 : memref<1x40x128xi32, #tpu.memory_space<hbm>> -> memref<40x128xi32, #tpu.memory_space<hbm>>
      %dma_start3A_107 = arith.constant 0 : i32
      %dma_start3A_108 = arith.constant 0 : i32
      %dma_start3A_109 = tpu.memref_slice %arg3[%add3A, %dma_start3A_107, %dma_start3A_108] : memref<32x80x128xi32, #tpu.memory_space<hbm>> -> memref<1x40x128xi32, #tpu.memory_space<hbm>>
      %dma_start3A_110 = tpu.memref_squeeze %dma_start3A_109 : memref<1x40x128xi32, #tpu.memory_space<hbm>> -> memref<40x128xi32, #tpu.memory_space<hbm>>
      tpu.enqueue_dma source(%dma_start3A_110 : memref<40x128xi32, #tpu.memory_space<hbm>>) target(%arg6 : memref<40x128xi32, #tpu.memory_space<vmem>>) target_semaphore(%run_scoped3A : memref<!tpu.dma_semaphore, #tpu.memory_space<semaphore_mem>>)
      %dma_wait3A = arith.constant 0 : i32
      %dma_wait3A_111 = arith.constant 0 : i32
      %dma_wait3A_112 = tpu.memref_slice %arg3[%add3A, %dma_wait3A, %dma_wait3A_111] : memref<32x80x128xi32, #tpu.memory_space<hbm>> -> memref<1x40x128xi32, #tpu.memory_space<hbm>>
      %dma_wait3A_113 = tpu.memref_squeeze %dma_wait3A_112 : memref<1x40x128xi32, #tpu.memory_space<hbm>> -> memref<40x128xi32, #tpu.memory_space<hbm>>
      %dma_wait3A_114 = arith.constant 0 : i32
      %dma_wait3A_115 = arith.constant 0 : i32
      %dma_wait3A_116 = tpu.memref_slice %arg3[%add3A, %dma_wait3A_114, %dma_wait3A_115] : memref<32x80x128xi32, #tpu.memory_space<hbm>> -> memref<1x40x128xi32, #tpu.memory_space<hbm>>
      %dma_wait3A_117 = tpu.memref_squeeze %dma_wait3A_116 : memref<1x40x128xi32, #tpu.memory_space<hbm>> -> memref<40x128xi32, #tpu.memory_space<hbm>>
      tpu.wait_dma2 semaphore(%run_scoped3A : memref<!tpu.dma_semaphore, #tpu.memory_space<semaphore_mem>>) src(%dma_wait3A_117 : memref<40x128xi32, #tpu.memory_space<hbm>>) dst(%arg6 : memref<40x128xi32, #tpu.memory_space<vmem>>)
      tpu.yield
    }) : () -> ()
    "tpu.region"() ({
      %run_scoped3A = tpu.sem_alloc : memref<!tpu.dma_semaphore, #tpu.memory_space<semaphore_mem>>
      %dma_start3A_103 = arith.constant 0 : i32
      %dma_start3A_104 = arith.constant 0 : i32
      %dma_start3A_105 = tpu.memref_slice %arg4[%add3A, %dma_start3A_103, %dma_start3A_104] : memref<32x80x128xi32, #tpu.memory_space<hbm>> -> memref<1x40x128xi32, #tpu.memory_space<hbm>>
      %dma_start3A_106 = tpu.memref_squeeze %dma_start3A_105 : memref<1x40x128xi32, #tpu.memory_space<hbm>> -> memref<40x128xi32, #tpu.memory_space<hbm>>
      %dma_start3A_107 = arith.constant 0 : i32
      %dma_start3A_108 = arith.constant 0 : i32
      %dma_start3A_109 = tpu.memref_slice %arg4[%add3A, %dma_start3A_107, %dma_start3A_108] : memref<32x80x128xi32, #tpu.memory_space<hbm>> -> memref<1x40x128xi32, #tpu.memory_space<hbm>>
      %dma_start3A_110 = tpu.memref_squeeze %dma_start3A_109 : memref<1x40x128xi32, #tpu.memory_space<hbm>> -> memref<40x128xi32, #tpu.memory_space<hbm>>
      tpu.enqueue_dma source(%dma_start3A_110 : memref<40x128xi32, #tpu.memory_space<hbm>>) target(%arg7 : memref<40x128xi32, #tpu.memory_space<vmem>>) target_semaphore(%run_scoped3A : memref<!tpu.dma_semaphore, #tpu.memory_space<semaphore_mem>>)
      %dma_wait3A = arith.constant 0 : i32
      %dma_wait3A_111 = arith.constant 0 : i32
      %dma_wait3A_112 = tpu.memref_slice %arg4[%add3A, %dma_wait3A, %dma_wait3A_111] : memref<32x80x128xi32, #tpu.memory_space<hbm>> -> memref<1x40x128xi32, #tpu.memory_space<hbm>>
      %dma_wait3A_113 = tpu.memref_squeeze %dma_wait3A_112 : memref<1x40x128xi32, #tpu.memory_space<hbm>> -> memref<40x128xi32, #tpu.memory_space<hbm>>
      %dma_wait3A_114 = arith.constant 0 : i32
      %dma_wait3A_115 = arith.constant 0 : i32
      %dma_wait3A_116 = tpu.memref_slice %arg4[%add3A, %dma_wait3A_114, %dma_wait3A_115] : memref<32x80x128xi32, #tpu.memory_space<hbm>> -> memref<1x40x128xi32, #tpu.memory_space<hbm>>
      %dma_wait3A_117 = tpu.memref_squeeze %dma_wait3A_116 : memref<1x40x128xi32, #tpu.memory_space<hbm>> -> memref<40x128xi32, #tpu.memory_space<hbm>>
      tpu.wait_dma2 semaphore(%run_scoped3A : memref<!tpu.dma_semaphore, #tpu.memory_space<semaphore_mem>>) src(%dma_wait3A_117 : memref<40x128xi32, #tpu.memory_space<hbm>>) dst(%arg7 : memref<40x128xi32, #tpu.memory_space<vmem>>)
      tpu.yield
    }) : () -> ()
    %dma_start3A = arith.constant 0 : i32
    %dma_start3A_25 = arith.constant 0 : i32
    %dma_start3A_26 = tpu.memref_slice %arg6[%dma_start3A, %dma_start3A_25] : memref<40x128xi32, #tpu.memory_space<vmem>> -> memref<1x128xi32, #tpu.memory_space<vmem>>
    %dma_start3A_27 = tpu.memref_squeeze %dma_start3A_26 : memref<1x128xi32, #tpu.memory_space<vmem>> -> memref<128xi32, #tpu.memory_space<vmem>>
    %dma_start3A_28 = arith.constant 0 : i32
    %dma_start3A_29 = arith.constant 0 : i32
    %dma_start3A_30 = tpu.memref_slice %arg2[%dma_start3A_28, %dma_start3A_29] : memref<10240x128xf32, #tpu.memory_space<hbm>> -> memref<10240x128xf32, #tpu.memory_space<hbm>>
    tpu.enqueue_indirect_dma source(%dma_start3A_30 : memref<10240x128xf32, #tpu.memory_space<hbm>>) target(%arg8 : memref<128x128xf32, #tpu.memory_space<vmem>>) offsets(%dma_start3A_27 : memref<128xi32, #tpu.memory_space<vmem>>) semaphore(%arg11 : memref<!tpu.dma_semaphore, #tpu.memory_space<semaphore_mem>>)
    %dma_start3A_31 = arith.constant 1 : i32
    %dma_start3A_32 = arith.constant 0 : i32
    %dma_start3A_33 = tpu.memref_slice %arg6[%dma_start3A_31, %dma_start3A_32] : memref<40x128xi32, #tpu.memory_space<vmem>> -> memref<1x128xi32, #tpu.memory_space<vmem>>
    %dma_start3A_34 = tpu.memref_squeeze %dma_start3A_33 : memref<1x128xi32, #tpu.memory_space<vmem>> -> memref<128xi32, #tpu.memory_space<vmem>>
    %dma_start3A_35 = arith.constant 0 : i32
    %dma_start3A_36 = arith.constant 0 : i32
    %dma_start3A_37 = tpu.memref_slice %arg2[%dma_start3A_35, %dma_start3A_36] : memref<10240x128xf32, #tpu.memory_space<hbm>> -> memref<10240x128xf32, #tpu.memory_space<hbm>>
    tpu.enqueue_indirect_dma source(%dma_start3A_37 : memref<10240x128xf32, #tpu.memory_space<hbm>>) target(%arg9 : memref<128x128xf32, #tpu.memory_space<vmem>>) offsets(%dma_start3A_34 : memref<128xi32, #tpu.memory_space<vmem>>) semaphore(%arg12 : memref<!tpu.dma_semaphore, #tpu.memory_space<semaphore_mem>>)
    %scan3A_38 = arith.constant 0 : i32
    %scan3A_39 = arith.constant 20 : i32
    %scan3A_40 = arith.addi %scan3A_38, %scan3A_39 : i32
    %scan3A_41 = arith.constant 1 : i32
    scf.for %scan3A_103 = %scan3A_38 to %scan3A_40 step %scan3A_41  : i32 {
      %mul3A_104 = arith.constant 1 : i32
      %mul3A_105 = arith.muli %scan3A_103, %mul3A_104 : i32
      %add3A_106 = arith.constant 0 : i32
      %add3A_107 = arith.addi %add3A_106, %mul3A_105 : i32
      %mul3A_108 = arith.constant 2 : i32
      %mul3A_109 = arith.muli %mul3A_108, %add3A_107 : i32
      %add3A_110 = arith.constant 1 : i32
      %add3A_111 = arith.addi %mul3A_109, %add3A_110 : i32
      %dma_wait3A = arith.constant 0 : i32
      %dma_wait3A_112 = tpu.memref_slice %arg6[%mul3A_109, %dma_wait3A] : memref<40x128xi32, #tpu.memory_space<vmem>> -> memref<1x128xi32, #tpu.memory_space<vmem>>
      %dma_wait3A_113 = tpu.memref_squeeze %dma_wait3A_112 : memref<1x128xi32, #tpu.memory_space<vmem>> -> memref<128xi32, #tpu.memory_space<vmem>>
      %dma_wait3A_114 = arith.constant 0 : i32
      %dma_wait3A_115 = arith.constant 0 : i32
      %dma_wait3A_116 = tpu.memref_slice %arg2[%dma_wait3A_114, %dma_wait3A_115] : memref<10240x128xf32, #tpu.memory_space<hbm>> -> memref<10240x128xf32, #tpu.memory_space<hbm>>
      tpu.wait_indirect_dma semaphore(%arg11 : memref<!tpu.dma_semaphore, #tpu.memory_space<semaphore_mem>>) src(%dma_wait3A_116 : memref<10240x128xf32, #tpu.memory_space<hbm>>) dst(%arg8 : memref<128x128xf32, #tpu.memory_space<vmem>>)
      "tpu.region"() ({
        %run_scoped3A = tpu.sem_alloc : memref<!tpu.dma_semaphore, #tpu.memory_space<semaphore_mem>>
        %dma_start3A_130 = arith.constant 0 : i32
        %dma_start3A_131 = tpu.memref_slice %arg7[%mul3A_109, %dma_start3A_130] : memref<40x128xi32, #tpu.memory_space<vmem>> -> memref<1x128xi32, #tpu.memory_space<vmem>>
        %dma_start3A_132 = tpu.memref_squeeze %dma_start3A_131 : memref<1x128xi32, #tpu.memory_space<vmem>> -> memref<128xi32, #tpu.memory_space<vmem>>
        %dma_start3A_133 = arith.constant 0 : i32
        %dma_start3A_134 = arith.constant 0 : i32
        %dma_start3A_135 = tpu.memref_slice %arg10[%dma_start3A_133, %dma_start3A_134] : memref<10240x128xf32, #tpu.memory_space<vmem_shared>> -> memref<10240x128xf32, #tpu.memory_space<vmem_shared>>
        tpu.enqueue_indirect_dma source(%arg8 : memref<128x128xf32, #tpu.memory_space<vmem>>) target(%dma_start3A_135 : memref<10240x128xf32, #tpu.memory_space<vmem_shared>>) offsets(%dma_start3A_132 : memref<128xi32, #tpu.memory_space<vmem>>) semaphore(%run_scoped3A : memref<!tpu.dma_semaphore, #tpu.memory_space<semaphore_mem>>) {add = true}
        %dma_wait3A_136 = arith.constant 0 : i32
        %dma_wait3A_137 = tpu.memref_slice %arg7[%mul3A_109, %dma_wait3A_136] : memref<40x128xi32, #tpu.memory_space<vmem>> -> memref<1x128xi32, #tpu.memory_space<vmem>>
        %dma_wait3A_138 = tpu.memref_squeeze %dma_wait3A_137 : memref<1x128xi32, #tpu.memory_space<vmem>> -> memref<128xi32, #tpu.memory_space<vmem>>
        %dma_wait3A_139 = arith.constant 0 : i32
        %dma_wait3A_140 = arith.constant 0 : i32
        %dma_wait3A_141 = tpu.memref_slice %arg10[%dma_wait3A_139, %dma_wait3A_140] : memref<10240x128xf32, #tpu.memory_space<vmem_shared>> -> memref<10240x128xf32, #tpu.memory_space<vmem_shared>>
        tpu.wait_indirect_dma semaphore(%run_scoped3A : memref<!tpu.dma_semaphore, #tpu.memory_space<semaphore_mem>>) src(%arg8 : memref<128x128xf32, #tpu.memory_space<vmem>>) dst(%dma_wait3A_141 : memref<10240x128xf32, #tpu.memory_space<vmem_shared>>)
        tpu.yield
      }) : () -> ()
      %lt3A = arith.constant 19 : i32
      %lt3A_117 = arith.cmpi slt, %add3A_107, %lt3A : i32
      %convert_element_type3A = arith.extui %lt3A_117 : i1 to i32
      %cond3A = arith.constant 0 : i32
      %cond3A_118 = arith.cmpi ne, %convert_element_type3A, %cond3A : i32
      scf.if %cond3A_118 {
        %add3A_130 = arith.constant 2 : i32
        %add3A_131 = arith.addi %mul3A_109, %add3A_130 : i32
        %dma_start3A_132 = arith.constant 0 : i32
        %dma_start3A_133 = tpu.memref_slice %arg6[%add3A_131, %dma_start3A_132] : memref<40x128xi32, #tpu.memory_space<vmem>> -> memref<1x128xi32, #tpu.memory_space<vmem>>
        %dma_start3A_134 = tpu.memref_squeeze %dma_start3A_133 : memref<1x128xi32, #tpu.memory_space<vmem>> -> memref<128xi32, #tpu.memory_space<vmem>>
        %dma_start3A_135 = arith.constant 0 : i32
        %dma_start3A_136 = arith.constant 0 : i32
        %dma_start3A_137 = tpu.memref_slice %arg2[%dma_start3A_135, %dma_start3A_136] : memref<10240x128xf32, #tpu.memory_space<hbm>> -> memref<10240x128xf32, #tpu.memory_space<hbm>>
        tpu.enqueue_indirect_dma source(%dma_start3A_137 : memref<10240x128xf32, #tpu.memory_space<hbm>>) target(%arg8 : memref<128x128xf32, #tpu.memory_space<vmem>>) offsets(%dma_start3A_134 : memref<128xi32, #tpu.memory_space<vmem>>) semaphore(%arg11 : memref<!tpu.dma_semaphore, #tpu.memory_space<semaphore_mem>>)
      } else {
      }
      %dma_wait3A_119 = arith.constant 0 : i32
      %dma_wait3A_120 = tpu.memref_slice %arg6[%add3A_111, %dma_wait3A_119] : memref<40x128xi32, #tpu.memory_space<vmem>> -> memref<1x128xi32, #tpu.memory_space<vmem>>
      %dma_wait3A_121 = tpu.memref_squeeze %dma_wait3A_120 : memref<1x128xi32, #tpu.memory_space<vmem>> -> memref<128xi32, #tpu.memory_space<vmem>>
      %dma_wait3A_122 = arith.constant 0 : i32
      %dma_wait3A_123 = arith.constant 0 : i32
      %dma_wait3A_124 = tpu.memref_slice %arg2[%dma_wait3A_122, %dma_wait3A_123] : memref<10240x128xf32, #tpu.memory_space<hbm>> -> memref<10240x128xf32, #tpu.memory_space<hbm>>
      tpu.wait_indirect_dma semaphore(%arg12 : memref<!tpu.dma_semaphore, #tpu.memory_space<semaphore_mem>>) src(%dma_wait3A_124 : memref<10240x128xf32, #tpu.memory_space<hbm>>) dst(%arg9 : memref<128x128xf32, #tpu.memory_space<vmem>>)
      "tpu.region"() ({
        %run_scoped3A = tpu.sem_alloc : memref<!tpu.dma_semaphore, #tpu.memory_space<semaphore_mem>>
        %dma_start3A_130 = arith.constant 0 : i32
        %dma_start3A_131 = tpu.memref_slice %arg7[%add3A_111, %dma_start3A_130] : memref<40x128xi32, #tpu.memory_space<vmem>> -> memref<1x128xi32, #tpu.memory_space<vmem>>
        %dma_start3A_132 = tpu.memref_squeeze %dma_start3A_131 : memref<1x128xi32, #tpu.memory_space<vmem>> -> memref<128xi32, #tpu.memory_space<vmem>>
        %dma_start3A_133 = arith.constant 0 : i32
        %dma_start3A_134 = arith.constant 0 : i32
        %dma_start3A_135 = tpu.memref_slice %arg10[%dma_start3A_133, %dma_start3A_134] : memref<10240x128xf32, #tpu.memory_space<vmem_shared>> -> memref<10240x128xf32, #tpu.memory_space<vmem_shared>>
        tpu.enqueue_indirect_dma source(%arg9 : memref<128x128xf32, #tpu.memory_space<vmem>>) target(%dma_start3A_135 : memref<10240x128xf32, #tpu.memory_space<vmem_shared>>) offsets(%dma_start3A_132 : memref<128xi32, #tpu.memory_space<vmem>>) semaphore(%run_scoped3A : memref<!tpu.dma_semaphore, #tpu.memory_space<semaphore_mem>>) {add = true}
        %dma_wait3A_136 = arith.constant 0 : i32
        %dma_wait3A_137 = tpu.memref_slice %arg7[%add3A_111, %dma_wait3A_136] : memref<40x128xi32, #tpu.memory_space<vmem>> -> memref<1x128xi32, #tpu.memory_space<vmem>>
        %dma_wait3A_138 = tpu.memref_squeeze %dma_wait3A_137 : memref<1x128xi32, #tpu.memory_space<vmem>> -> memref<128xi32, #tpu.memory_space<vmem>>
        %dma_wait3A_139 = arith.constant 0 : i32
        %dma_wait3A_140 = arith.constant 0 : i32
        %dma_wait3A_141 = tpu.memref_slice %arg10[%dma_wait3A_139, %dma_wait3A_140] : memref<10240x128xf32, #tpu.memory_space<vmem_shared>> -> memref<10240x128xf32, #tpu.memory_space<vmem_shared>>
        tpu.wait_indirect_dma semaphore(%run_scoped3A : memref<!tpu.dma_semaphore, #tpu.memory_space<semaphore_mem>>) src(%arg9 : memref<128x128xf32, #tpu.memory_space<vmem>>) dst(%dma_wait3A_141 : memref<10240x128xf32, #tpu.memory_space<vmem_shared>>)
        tpu.yield
      }) : () -> ()
      %lt3A_125 = arith.constant 19 : i32
      %lt3A_126 = arith.cmpi slt, %add3A_107, %lt3A_125 : i32
      %convert_element_type3A_127 = arith.extui %lt3A_126 : i1 to i32
      %cond3A_128 = arith.constant 0 : i32
      %cond3A_129 = arith.cmpi ne, %convert_element_type3A_127, %cond3A_128 : i32
      scf.if %cond3A_129 {
        %add3A_130 = arith.constant 2 : i32
        %add3A_131 = arith.addi %add3A_111, %add3A_130 : i32
        %dma_start3A_132 = arith.constant 0 : i32
        %dma_start3A_133 = tpu.memref_slice %arg6[%add3A_131, %dma_start3A_132] : memref<40x128xi32, #tpu.memory_space<vmem>> -> memref<1x128xi32, #tpu.memory_space<vmem>>
        %dma_start3A_134 = tpu.memref_squeeze %dma_start3A_133 : memref<1x128xi32, #tpu.memory_space<vmem>> -> memref<128xi32, #tpu.memory_space<vmem>>
        %dma_start3A_135 = arith.constant 0 : i32
        %dma_start3A_136 = arith.constant 0 : i32
        %dma_start3A_137 = tpu.memref_slice %arg2[%dma_start3A_135, %dma_start3A_136] : memref<10240x128xf32, #tpu.memory_space<hbm>> -> memref<10240x128xf32, #tpu.memory_space<hbm>>
        tpu.enqueue_indirect_dma source(%dma_start3A_137 : memref<10240x128xf32, #tpu.memory_space<hbm>>) target(%arg9 : memref<128x128xf32, #tpu.memory_space<vmem>>) offsets(%dma_start3A_134 : memref<128xi32, #tpu.memory_space<vmem>>) semaphore(%arg12 : memref<!tpu.dma_semaphore, #tpu.memory_space<semaphore_mem>>)
      } else {
      }
    }
    %scan3A_42 = arith.constant 20 : i32
    "tpu.region"() ({
      %run_scoped3A = tpu.sem_alloc : memref<!tpu.dma_semaphore, #tpu.memory_space<semaphore_mem>>
      %dma_start3A_103 = arith.constant 40 : i32
      %dma_start3A_104 = arith.constant 0 : i32
      %dma_start3A_105 = tpu.memref_slice %arg3[%add3A, %dma_start3A_103, %dma_start3A_104] : memref<32x80x128xi32, #tpu.memory_space<hbm>> -> memref<1x40x128xi32, #tpu.memory_space<hbm>>
      %dma_start3A_106 = tpu.memref_squeeze %dma_start3A_105 : memref<1x40x128xi32, #tpu.memory_space<hbm>> -> memref<40x128xi32, #tpu.memory_space<hbm>>
      %dma_start3A_107 = arith.constant 40 : i32
      %dma_start3A_108 = arith.constant 0 : i32
      %dma_start3A_109 = tpu.memref_slice %arg3[%add3A, %dma_start3A_107, %dma_start3A_108] : memref<32x80x128xi32, #tpu.memory_space<hbm>> -> memref<1x40x128xi32, #tpu.memory_space<hbm>>
      %dma_start3A_110 = tpu.memref_squeeze %dma_start3A_109 : memref<1x40x128xi32, #tpu.memory_space<hbm>> -> memref<40x128xi32, #tpu.memory_space<hbm>>
      tpu.enqueue_dma source(%dma_start3A_110 : memref<40x128xi32, #tpu.memory_space<hbm>>) target(%arg6 : memref<40x128xi32, #tpu.memory_space<vmem>>) target_semaphore(%run_scoped3A : memref<!tpu.dma_semaphore, #tpu.memory_space<semaphore_mem>>)
      %dma_wait3A = arith.constant 40 : i32
      %dma_wait3A_111 = arith.constant 0 : i32
      %dma_wait3A_112 = tpu.memref_slice %arg3[%add3A, %dma_wait3A, %dma_wait3A_111] : memref<32x80x128xi32, #tpu.memory_space<hbm>> -> memref<1x40x128xi32, #tpu.memory_space<hbm>>
      %dma_wait3A_113 = tpu.memref_squeeze %dma_wait3A_112 : memref<1x40x128xi32, #tpu.memory_space<hbm>> -> memref<40x128xi32, #tpu.memory_space<hbm>>
      %dma_wait3A_114 = arith.constant 40 : i32
      %dma_wait3A_115 = arith.constant 0 : i32
      %dma_wait3A_116 = tpu.memref_slice %arg3[%add3A, %dma_wait3A_114, %dma_wait3A_115] : memref<32x80x128xi32, #tpu.memory_space<hbm>> -> memref<1x40x128xi32, #tpu.memory_space<hbm>>
      %dma_wait3A_117 = tpu.memref_squeeze %dma_wait3A_116 : memref<1x40x128xi32, #tpu.memory_space<hbm>> -> memref<40x128xi32, #tpu.memory_space<hbm>>
      tpu.wait_dma2 semaphore(%run_scoped3A : memref<!tpu.dma_semaphore, #tpu.memory_space<semaphore_mem>>) src(%dma_wait3A_117 : memref<40x128xi32, #tpu.memory_space<hbm>>) dst(%arg6 : memref<40x128xi32, #tpu.memory_space<vmem>>)
      tpu.yield
    }) : () -> ()
    "tpu.region"() ({
      %run_scoped3A = tpu.sem_alloc : memref<!tpu.dma_semaphore, #tpu.memory_space<semaphore_mem>>
      %dma_start3A_103 = arith.constant 40 : i32
      %dma_start3A_104 = arith.constant 0 : i32
      %dma_start3A_105 = tpu.memref_slice %arg4[%add3A, %dma_start3A_103, %dma_start3A_104] : memref<32x80x128xi32, #tpu.memory_space<hbm>> -> memref<1x40x128xi32, #tpu.memory_space<hbm>>
      %dma_start3A_106 = tpu.memref_squeeze %dma_start3A_105 : memref<1x40x128xi32, #tpu.memory_space<hbm>> -> memref<40x128xi32, #tpu.memory_space<hbm>>
      %dma_start3A_107 = arith.constant 40 : i32
      %dma_start3A_108 = arith.constant 0 : i32
      %dma_start3A_109 = tpu.memref_slice %arg4[%add3A, %dma_start3A_107, %dma_start3A_108] : memref<32x80x128xi32, #tpu.memory_space<hbm>> -> memref<1x40x128xi32, #tpu.memory_space<hbm>>
      %dma_start3A_110 = tpu.memref_squeeze %dma_start3A_109 : memref<1x40x128xi32, #tpu.memory_space<hbm>> -> memref<40x128xi32, #tpu.memory_space<hbm>>
      tpu.enqueue_dma source(%dma_start3A_110 : memref<40x128xi32, #tpu.memory_space<hbm>>) target(%arg7 : memref<40x128xi32, #tpu.memory_space<vmem>>) target_semaphore(%run_scoped3A : memref<!tpu.dma_semaphore, #tpu.memory_space<semaphore_mem>>)
      %dma_wait3A = arith.constant 40 : i32
      %dma_wait3A_111 = arith.constant 0 : i32
      %dma_wait3A_112 = tpu.memref_slice %arg4[%add3A, %dma_wait3A, %dma_wait3A_111] : memref<32x80x128xi32, #tpu.memory_space<hbm>> -> memref<1x40x128xi32, #tpu.memory_space<hbm>>
      %dma_wait3A_113 = tpu.memref_squeeze %dma_wait3A_112 : memref<1x40x128xi32, #tpu.memory_space<hbm>> -> memref<40x128xi32, #tpu.memory_space<hbm>>
      %dma_wait3A_114 = arith.constant 40 : i32
      %dma_wait3A_115 = arith.constant 0 : i32
      %dma_wait3A_116 = tpu.memref_slice %arg4[%add3A, %dma_wait3A_114, %dma_wait3A_115] : memref<32x80x128xi32, #tpu.memory_space<hbm>> -> memref<1x40x128xi32, #tpu.memory_space<hbm>>
      %dma_wait3A_117 = tpu.memref_squeeze %dma_wait3A_116 : memref<1x40x128xi32, #tpu.memory_space<hbm>> -> memref<40x128xi32, #tpu.memory_space<hbm>>
      tpu.wait_dma2 semaphore(%run_scoped3A : memref<!tpu.dma_semaphore, #tpu.memory_space<semaphore_mem>>) src(%dma_wait3A_117 : memref<40x128xi32, #tpu.memory_space<hbm>>) dst(%arg7 : memref<40x128xi32, #tpu.memory_space<vmem>>)
      tpu.yield
    }) : () -> ()
    %dma_start3A_43 = arith.constant 0 : i32
    %dma_start3A_44 = arith.constant 0 : i32
    %dma_start3A_45 = tpu.memref_slice %arg6[%dma_start3A_43, %dma_start3A_44] : memref<40x128xi32, #tpu.memory_space<vmem>> -> memref<1x128xi32, #tpu.memory_space<vmem>>
    %dma_start3A_46 = tpu.memref_squeeze %dma_start3A_45 : memref<1x128xi32, #tpu.memory_space<vmem>> -> memref<128xi32, #tpu.memory_space<vmem>>
    %dma_start3A_47 = arith.constant 0 : i32
    %dma_start3A_48 = arith.constant 0 : i32
    %dma_start3A_49 = tpu.memref_slice %arg2[%dma_start3A_47, %dma_start3A_48] : memref<10240x128xf32, #tpu.memory_space<hbm>> -> memref<10240x128xf32, #tpu.memory_space<hbm>>
    tpu.enqueue_indirect_dma source(%dma_start3A_49 : memref<10240x128xf32, #tpu.memory_space<hbm>>) target(%arg8 : memref<128x128xf32, #tpu.memory_space<vmem>>) offsets(%dma_start3A_46 : memref<128xi32, #tpu.memory_space<vmem>>) semaphore(%arg11 : memref<!tpu.dma_semaphore, #tpu.memory_space<semaphore_mem>>)
    %dma_start3A_50 = arith.constant 1 : i32
    %dma_start3A_51 = arith.constant 0 : i32
    %dma_start3A_52 = tpu.memref_slice %arg6[%dma_start3A_50, %dma_start3A_51] : memref<40x128xi32, #tpu.memory_space<vmem>> -> memref<1x128xi32, #tpu.memory_space<vmem>>
    %dma_start3A_53 = tpu.memref_squeeze %dma_start3A_52 : memref<1x128xi32, #tpu.memory_space<vmem>> -> memref<128xi32, #tpu.memory_space<vmem>>
    %dma_start3A_54 = arith.constant 0 : i32
    %dma_start3A_55 = arith.constant 0 : i32
    %dma_start3A_56 = tpu.memref_slice %arg2[%dma_start3A_54, %dma_start3A_55] : memref<10240x128xf32, #tpu.memory_space<hbm>> -> memref<10240x128xf32, #tpu.memory_space<hbm>>
    tpu.enqueue_indirect_dma source(%dma_start3A_56 : memref<10240x128xf32, #tpu.memory_space<hbm>>) target(%arg9 : memref<128x128xf32, #tpu.memory_space<vmem>>) offsets(%dma_start3A_53 : memref<128xi32, #tpu.memory_space<vmem>>) semaphore(%arg12 : memref<!tpu.dma_semaphore, #tpu.memory_space<semaphore_mem>>)
    %scan3A_57 = arith.constant 0 : i32
    %scan3A_58 = arith.constant 20 : i32
    %scan3A_59 = arith.addi %scan3A_57, %scan3A_58 : i32
    %scan3A_60 = arith.constant 1 : i32
    scf.for %scan3A_103 = %scan3A_57 to %scan3A_59 step %scan3A_60  : i32 {
      %mul3A_104 = arith.constant 1 : i32
      %mul3A_105 = arith.muli %scan3A_103, %mul3A_104 : i32
      %add3A_106 = arith.constant 0 : i32
      %add3A_107 = arith.addi %add3A_106, %mul3A_105 : i32
      %mul3A_108 = arith.constant 2 : i32
      %mul3A_109 = arith.muli %mul3A_108, %add3A_107 : i32
      %add3A_110 = arith.constant 1 : i32
      %add3A_111 = arith.addi %mul3A_109, %add3A_110 : i32
      %dma_wait3A = arith.constant 0 : i32
      %dma_wait3A_112 = tpu.memref_slice %arg6[%mul3A_109, %dma_wait3A] : memref<40x128xi32, #tpu.memory_space<vmem>> -> memref<1x128xi32, #tpu.memory_space<vmem>>
      %dma_wait3A_113 = tpu.memref_squeeze %dma_wait3A_112 : memref<1x128xi32, #tpu.memory_space<vmem>> -> memref<128xi32, #tpu.memory_space<vmem>>
      %dma_wait3A_114 = arith.constant 0 : i32
      %dma_wait3A_115 = arith.constant 0 : i32
      %dma_wait3A_116 = tpu.memref_slice %arg2[%dma_wait3A_114, %dma_wait3A_115] : memref<10240x128xf32, #tpu.memory_space<hbm>> -> memref<10240x128xf32, #tpu.memory_space<hbm>>
      tpu.wait_indirect_dma semaphore(%arg11 : memref<!tpu.dma_semaphore, #tpu.memory_space<semaphore_mem>>) src(%dma_wait3A_116 : memref<10240x128xf32, #tpu.memory_space<hbm>>) dst(%arg8 : memref<128x128xf32, #tpu.memory_space<vmem>>)
      "tpu.region"() ({
        %run_scoped3A = tpu.sem_alloc : memref<!tpu.dma_semaphore, #tpu.memory_space<semaphore_mem>>
        %dma_start3A_130 = arith.constant 0 : i32
        %dma_start3A_131 = tpu.memref_slice %arg7[%mul3A_109, %dma_start3A_130] : memref<40x128xi32, #tpu.memory_space<vmem>> -> memref<1x128xi32, #tpu.memory_space<vmem>>
        %dma_start3A_132 = tpu.memref_squeeze %dma_start3A_131 : memref<1x128xi32, #tpu.memory_space<vmem>> -> memref<128xi32, #tpu.memory_space<vmem>>
        %dma_start3A_133 = arith.constant 0 : i32
        %dma_start3A_134 = arith.constant 0 : i32
        %dma_start3A_135 = tpu.memref_slice %arg10[%dma_start3A_133, %dma_start3A_134] : memref<10240x128xf32, #tpu.memory_space<vmem_shared>> -> memref<10240x128xf32, #tpu.memory_space<vmem_shared>>
        tpu.enqueue_indirect_dma source(%arg8 : memref<128x128xf32, #tpu.memory_space<vmem>>) target(%dma_start3A_135 : memref<10240x128xf32, #tpu.memory_space<vmem_shared>>) offsets(%dma_start3A_132 : memref<128xi32, #tpu.memory_space<vmem>>) semaphore(%run_scoped3A : memref<!tpu.dma_semaphore, #tpu.memory_space<semaphore_mem>>) {add = true}
        %dma_wait3A_136 = arith.constant 0 : i32
        %dma_wait3A_137 = tpu.memref_slice %arg7[%mul3A_109, %dma_wait3A_136] : memref<40x128xi32, #tpu.memory_space<vmem>> -> memref<1x128xi32, #tpu.memory_space<vmem>>
        %dma_wait3A_138 = tpu.memref_squeeze %dma_wait3A_137 : memref<1x128xi32, #tpu.memory_space<vmem>> -> memref<128xi32, #tpu.memory_space<vmem>>
        %dma_wait3A_139 = arith.constant 0 : i32
        %dma_wait3A_140 = arith.constant 0 : i32
        %dma_wait3A_141 = tpu.memref_slice %arg10[%dma_wait3A_139, %dma_wait3A_140] : memref<10240x128xf32, #tpu.memory_space<vmem_shared>> -> memref<10240x128xf32, #tpu.memory_space<vmem_shared>>
        tpu.wait_indirect_dma semaphore(%run_scoped3A : memref<!tpu.dma_semaphore, #tpu.memory_space<semaphore_mem>>) src(%arg8 : memref<128x128xf32, #tpu.memory_space<vmem>>) dst(%dma_wait3A_141 : memref<10240x128xf32, #tpu.memory_space<vmem_shared>>)
        tpu.yield
      }) : () -> ()
      %lt3A = arith.constant 19 : i32
      %lt3A_117 = arith.cmpi slt, %add3A_107, %lt3A : i32
      %convert_element_type3A = arith.extui %lt3A_117 : i1 to i32
      %cond3A = arith.constant 0 : i32
      %cond3A_118 = arith.cmpi ne, %convert_element_type3A, %cond3A : i32
      scf.if %cond3A_118 {
        %add3A_130 = arith.constant 2 : i32
        %add3A_131 = arith.addi %mul3A_109, %add3A_130 : i32
        %dma_start3A_132 = arith.constant 0 : i32
        %dma_start3A_133 = tpu.memref_slice %arg6[%add3A_131, %dma_start3A_132] : memref<40x128xi32, #tpu.memory_space<vmem>> -> memref<1x128xi32, #tpu.memory_space<vmem>>
        %dma_start3A_134 = tpu.memref_squeeze %dma_start3A_133 : memref<1x128xi32, #tpu.memory_space<vmem>> -> memref<128xi32, #tpu.memory_space<vmem>>
        %dma_start3A_135 = arith.constant 0 : i32
        %dma_start3A_136 = arith.constant 0 : i32
        %dma_start3A_137 = tpu.memref_slice %arg2[%dma_start3A_135, %dma_start3A_136] : memref<10240x128xf32, #tpu.memory_space<hbm>> -> memref<10240x128xf32, #tpu.memory_space<hbm>>
        tpu.enqueue_indirect_dma source(%dma_start3A_137 : memref<10240x128xf32, #tpu.memory_space<hbm>>) target(%arg8 : memref<128x128xf32, #tpu.memory_space<vmem>>) offsets(%dma_start3A_134 : memref<128xi32, #tpu.memory_space<vmem>>) semaphore(%arg11 : memref<!tpu.dma_semaphore, #tpu.memory_space<semaphore_mem>>)
      } else {
      }
      %dma_wait3A_119 = arith.constant 0 : i32
      %dma_wait3A_120 = tpu.memref_slice %arg6[%add3A_111, %dma_wait3A_119] : memref<40x128xi32, #tpu.memory_space<vmem>> -> memref<1x128xi32, #tpu.memory_space<vmem>>
      %dma_wait3A_121 = tpu.memref_squeeze %dma_wait3A_120 : memref<1x128xi32, #tpu.memory_space<vmem>> -> memref<128xi32, #tpu.memory_space<vmem>>
      %dma_wait3A_122 = arith.constant 0 : i32
      %dma_wait3A_123 = arith.constant 0 : i32
      %dma_wait3A_124 = tpu.memref_slice %arg2[%dma_wait3A_122, %dma_wait3A_123] : memref<10240x128xf32, #tpu.memory_space<hbm>> -> memref<10240x128xf32, #tpu.memory_space<hbm>>
      tpu.wait_indirect_dma semaphore(%arg12 : memref<!tpu.dma_semaphore, #tpu.memory_space<semaphore_mem>>) src(%dma_wait3A_124 : memref<10240x128xf32, #tpu.memory_space<hbm>>) dst(%arg9 : memref<128x128xf32, #tpu.memory_space<vmem>>)
      "tpu.region"() ({
        %run_scoped3A = tpu.sem_alloc : memref<!tpu.dma_semaphore, #tpu.memory_space<semaphore_mem>>
        %dma_start3A_130 = arith.constant 0 : i32
        %dma_start3A_131 = tpu.memref_slice %arg7[%add3A_111, %dma_start3A_130] : memref<40x128xi32, #tpu.memory_space<vmem>> -> memref<1x128xi32, #tpu.memory_space<vmem>>
        %dma_start3A_132 = tpu.memref_squeeze %dma_start3A_131 : memref<1x128xi32, #tpu.memory_space<vmem>> -> memref<128xi32, #tpu.memory_space<vmem>>
        %dma_start3A_133 = arith.constant 0 : i32
        %dma_start3A_134 = arith.constant 0 : i32
        %dma_start3A_135 = tpu.memref_slice %arg10[%dma_start3A_133, %dma_start3A_134] : memref<10240x128xf32, #tpu.memory_space<vmem_shared>> -> memref<10240x128xf32, #tpu.memory_space<vmem_shared>>
        tpu.enqueue_indirect_dma source(%arg9 : memref<128x128xf32, #tpu.memory_space<vmem>>) target(%dma_start3A_135 : memref<10240x128xf32, #tpu.memory_space<vmem_shared>>) offsets(%dma_start3A_132 : memref<128xi32, #tpu.memory_space<vmem>>) semaphore(%run_scoped3A : memref<!tpu.dma_semaphore, #tpu.memory_space<semaphore_mem>>) {add = true}
        %dma_wait3A_136 = arith.constant 0 : i32
        %dma_wait3A_137 = tpu.memref_slice %arg7[%add3A_111, %dma_wait3A_136] : memref<40x128xi32, #tpu.memory_space<vmem>> -> memref<1x128xi32, #tpu.memory_space<vmem>>
        %dma_wait3A_138 = tpu.memref_squeeze %dma_wait3A_137 : memref<1x128xi32, #tpu.memory_space<vmem>> -> memref<128xi32, #tpu.memory_space<vmem>>
        %dma_wait3A_139 = arith.constant 0 : i32
        %dma_wait3A_140 = arith.constant 0 : i32
        %dma_wait3A_141 = tpu.memref_slice %arg10[%dma_wait3A_139, %dma_wait3A_140] : memref<10240x128xf32, #tpu.memory_space<vmem_shared>> -> memref<10240x128xf32, #tpu.memory_space<vmem_shared>>
        tpu.wait_indirect_dma semaphore(%run_scoped3A : memref<!tpu.dma_semaphore, #tpu.memory_space<semaphore_mem>>) src(%arg9 : memref<128x128xf32, #tpu.memory_space<vmem>>) dst(%dma_wait3A_141 : memref<10240x128xf32, #tpu.memory_space<vmem_shared>>)
        tpu.yield
      }) : () -> ()
      %lt3A_125 = arith.constant 19 : i32
      %lt3A_126 = arith.cmpi slt, %add3A_107, %lt3A_125 : i32
      %convert_element_type3A_127 = arith.extui %lt3A_126 : i1 to i32
      %cond3A_128 = arith.constant 0 : i32
      %cond3A_129 = arith.cmpi ne, %convert_element_type3A_127, %cond3A_128 : i32
      scf.if %cond3A_129 {
        %add3A_130 = arith.constant 2 : i32
        %add3A_131 = arith.addi %add3A_111, %add3A_130 : i32
        %dma_start3A_132 = arith.constant 0 : i32
        %dma_start3A_133 = tpu.memref_slice %arg6[%add3A_131, %dma_start3A_132] : memref<40x128xi32, #tpu.memory_space<vmem>> -> memref<1x128xi32, #tpu.memory_space<vmem>>
        %dma_start3A_134 = tpu.memref_squeeze %dma_start3A_133 : memref<1x128xi32, #tpu.memory_space<vmem>> -> memref<128xi32, #tpu.memory_space<vmem>>
        %dma_start3A_135 = arith.constant 0 : i32
        %dma_start3A_136 = arith.constant 0 : i32
        %dma_start3A_137 = tpu.memref_slice %arg2[%dma_start3A_135, %dma_start3A_136] : memref<10240x128xf32, #tpu.memory_space<hbm>> -> memref<10240x128xf32, #tpu.memory_space<hbm>>
        tpu.enqueue_indirect_dma source(%dma_start3A_137 : memref<10240x128xf32, #tpu.memory_space<hbm>>) target(%arg9 : memref<128x128xf32, #tpu.memory_space<vmem>>) offsets(%dma_start3A_134 : memref<128xi32, #tpu.memory_space<vmem>>) semaphore(%arg12 : memref<!tpu.dma_semaphore, #tpu.memory_space<semaphore_mem>>)
      } else {
      }
    }
    %scan3A_61 = arith.constant 20 : i32
    %barrier3A_62 = arith.constant 0 : index
    tpu.barrier barrier_id(%barrier3A_62)
    %mul3A_63 = arith.constant 640 : i32
    %mul3A_64 = arith.muli %arg1, %mul3A_63 : i32
    %add3A_65 = arith.constant 0 : i32
    %add3A_66 = arith.addi %mul3A_64, %add3A_65 : i32
    %mul3A_67 = arith.constant 640 : i32
    %mul3A_68 = arith.muli %arg1, %mul3A_67 : i32
    %add3A_69 = arith.constant 0 : i32
    %add3A_70 = arith.addi %mul3A_68, %add3A_69 : i32
    "tpu.region"() ({
      %run_scoped3A = tpu.sem_alloc : memref<!tpu.dma_semaphore, #tpu.memory_space<semaphore_mem>>
      %dma_start3A_103 = arith.constant 0 : i32
      %dma_start3A_104 = tpu.memref_slice %arg5[%arg0, %add3A_70, %dma_start3A_103] : memref<2x10240x128xf32, #tpu.memory_space<hbm>> -> memref<1x128x128xf32, #tpu.memory_space<hbm>>
      %dma_start3A_105 = tpu.memref_squeeze %dma_start3A_104 : memref<1x128x128xf32, #tpu.memory_space<hbm>> -> memref<128x128xf32, #tpu.memory_space<hbm>>
      %dma_start3A_106 = arith.constant 0 : i32
      %dma_start3A_107 = tpu.memref_slice %arg10[%add3A_66, %dma_start3A_106] : memref<10240x128xf32, #tpu.memory_space<vmem_shared>> -> memref<128x128xf32, #tpu.memory_space<vmem_shared>>
      tpu.enqueue_dma source(%dma_start3A_107 : memref<128x128xf32, #tpu.memory_space<vmem_shared>>) target(%dma_start3A_105 : memref<128x128xf32, #tpu.memory_space<hbm>>) target_semaphore(%run_scoped3A : memref<!tpu.dma_semaphore, #tpu.memory_space<semaphore_mem>>)
      %dma_wait3A = arith.constant 0 : i32
      %dma_wait3A_108 = tpu.memref_slice %arg5[%arg0, %add3A_70, %dma_wait3A] : memref<2x10240x128xf32, #tpu.memory_space<hbm>> -> memref<1x128x128xf32, #tpu.memory_space<hbm>>
      %dma_wait3A_109 = tpu.memref_squeeze %dma_wait3A_108 : memref<1x128x128xf32, #tpu.memory_space<hbm>> -> memref<128x128xf32, #tpu.memory_space<hbm>>
      %dma_wait3A_110 = arith.constant 0 : i32
      %dma_wait3A_111 = tpu.memref_slice %arg10[%add3A_66, %dma_wait3A_110] : memref<10240x128xf32, #tpu.memory_space<vmem_shared>> -> memref<128x128xf32, #tpu.memory_space<vmem_shared>>
      tpu.wait_dma2 semaphore(%run_scoped3A : memref<!tpu.dma_semaphore, #tpu.memory_space<semaphore_mem>>) src(%dma_wait3A_111 : memref<128x128xf32, #tpu.memory_space<vmem_shared>>) dst(%dma_wait3A_109 : memref<128x128xf32, #tpu.memory_space<hbm>>)
      tpu.yield
    }) : () -> ()
    %mul3A_71 = arith.constant 640 : i32
    %mul3A_72 = arith.muli %arg1, %mul3A_71 : i32
    %add3A_73 = arith.constant 128 : i32
    %add3A_74 = arith.addi %mul3A_72, %add3A_73 : i32
    %mul3A_75 = arith.constant 640 : i32
    %mul3A_76 = arith.muli %arg1, %mul3A_75 : i32
    %add3A_77 = arith.constant 128 : i32
    %add3A_78 = arith.addi %mul3A_76, %add3A_77 : i32
    "tpu.region"() ({
      %run_scoped3A = tpu.sem_alloc : memref<!tpu.dma_semaphore, #tpu.memory_space<semaphore_mem>>
      %dma_start3A_103 = arith.constant 0 : i32
      %dma_start3A_104 = tpu.memref_slice %arg5[%arg0, %add3A_78, %dma_start3A_103] : memref<2x10240x128xf32, #tpu.memory_space<hbm>> -> memref<1x128x128xf32, #tpu.memory_space<hbm>>
      %dma_start3A_105 = tpu.memref_squeeze %dma_start3A_104 : memref<1x128x128xf32, #tpu.memory_space<hbm>> -> memref<128x128xf32, #tpu.memory_space<hbm>>
      %dma_start3A_106 = arith.constant 0 : i32
      %dma_start3A_107 = tpu.memref_slice %arg10[%add3A_74, %dma_start3A_106] : memref<10240x128xf32, #tpu.memory_space<vmem_shared>> -> memref<128x128xf32, #tpu.memory_space<vmem_shared>>
      tpu.enqueue_dma source(%dma_start3A_107 : memref<128x128xf32, #tpu.memory_space<vmem_shared>>) target(%dma_start3A_105 : memref<128x128xf32, #tpu.memory_space<hbm>>) target_semaphore(%run_scoped3A : memref<!tpu.dma_semaphore, #tpu.memory_space<semaphore_mem>>)
      %dma_wait3A = arith.constant 0 : i32
      %dma_wait3A_108 = tpu.memref_slice %arg5[%arg0, %add3A_78, %dma_wait3A] : memref<2x10240x128xf32, #tpu.memory_space<hbm>> -> memref<1x128x128xf32, #tpu.memory_space<hbm>>
      %dma_wait3A_109 = tpu.memref_squeeze %dma_wait3A_108 : memref<1x128x128xf32, #tpu.memory_space<hbm>> -> memref<128x128xf32, #tpu.memory_space<hbm>>
      %dma_wait3A_110 = arith.constant 0 : i32
      %dma_wait3A_111 = tpu.memref_slice %arg10[%add3A_74, %dma_wait3A_110] : memref<10240x128xf32, #tpu.memory_space<vmem_shared>> -> memref<128x128xf32, #tpu.memory_space<vmem_shared>>
      tpu.wait_dma2 semaphore(%run_scoped3A : memref<!tpu.dma_semaphore, #tpu.memory_space<semaphore_mem>>) src(%dma_wait3A_111 : memref<128x128xf32, #tpu.memory_space<vmem_shared>>) dst(%dma_wait3A_109 : memref<128x128xf32, #tpu.memory_space<hbm>>)
      tpu.yield
    }) : () -> ()
    %mul3A_79 = arith.constant 640 : i32
    %mul3A_80 = arith.muli %arg1, %mul3A_79 : i32
    %add3A_81 = arith.constant 256 : i32
    %add3A_82 = arith.addi %mul3A_80, %add3A_81 : i32
    %mul3A_83 = arith.constant 640 : i32
    %mul3A_84 = arith.muli %arg1, %mul3A_83 : i32
    %add3A_85 = arith.constant 256 : i32
    %add3A_86 = arith.addi %mul3A_84, %add3A_85 : i32
    "tpu.region"() ({
      %run_scoped3A = tpu.sem_alloc : memref<!tpu.dma_semaphore, #tpu.memory_space<semaphore_mem>>
      %dma_start3A_103 = arith.constant 0 : i32
      %dma_start3A_104 = tpu.memref_slice %arg5[%arg0, %add3A_86, %dma_start3A_103] : memref<2x10240x128xf32, #tpu.memory_space<hbm>> -> memref<1x128x128xf32, #tpu.memory_space<hbm>>
      %dma_start3A_105 = tpu.memref_squeeze %dma_start3A_104 : memref<1x128x128xf32, #tpu.memory_space<hbm>> -> memref<128x128xf32, #tpu.memory_space<hbm>>
      %dma_start3A_106 = arith.constant 0 : i32
      %dma_start3A_107 = tpu.memref_slice %arg10[%add3A_82, %dma_start3A_106] : memref<10240x128xf32, #tpu.memory_space<vmem_shared>> -> memref<128x128xf32, #tpu.memory_space<vmem_shared>>
      tpu.enqueue_dma source(%dma_start3A_107 : memref<128x128xf32, #tpu.memory_space<vmem_shared>>) target(%dma_start3A_105 : memref<128x128xf32, #tpu.memory_space<hbm>>) target_semaphore(%run_scoped3A : memref<!tpu.dma_semaphore, #tpu.memory_space<semaphore_mem>>)
      %dma_wait3A = arith.constant 0 : i32
      %dma_wait3A_108 = tpu.memref_slice %arg5[%arg0, %add3A_86, %dma_wait3A] : memref<2x10240x128xf32, #tpu.memory_space<hbm>> -> memref<1x128x128xf32, #tpu.memory_space<hbm>>
      %dma_wait3A_109 = tpu.memref_squeeze %dma_wait3A_108 : memref<1x128x128xf32, #tpu.memory_space<hbm>> -> memref<128x128xf32, #tpu.memory_space<hbm>>
      %dma_wait3A_110 = arith.constant 0 : i32
      %dma_wait3A_111 = tpu.memref_slice %arg10[%add3A_82, %dma_wait3A_110] : memref<10240x128xf32, #tpu.memory_space<vmem_shared>> -> memref<128x128xf32, #tpu.memory_space<vmem_shared>>
      tpu.wait_dma2 semaphore(%run_scoped3A : memref<!tpu.dma_semaphore, #tpu.memory_space<semaphore_mem>>) src(%dma_wait3A_111 : memref<128x128xf32, #tpu.memory_space<vmem_shared>>) dst(%dma_wait3A_109 : memref<128x128xf32, #tpu.memory_space<hbm>>)
      tpu.yield
    }) : () -> ()
    %mul3A_87 = arith.constant 640 : i32
    %mul3A_88 = arith.muli %arg1, %mul3A_87 : i32
    %add3A_89 = arith.constant 384 : i32
    %add3A_90 = arith.addi %mul3A_88, %add3A_89 : i32
    %mul3A_91 = arith.constant 640 : i32
    %mul3A_92 = arith.muli %arg1, %mul3A_91 : i32
    %add3A_93 = arith.constant 384 : i32
    %add3A_94 = arith.addi %mul3A_92, %add3A_93 : i32
    "tpu.region"() ({
      %run_scoped3A = tpu.sem_alloc : memref<!tpu.dma_semaphore, #tpu.memory_space<semaphore_mem>>
      %dma_start3A_103 = arith.constant 0 : i32
      %dma_start3A_104 = tpu.memref_slice %arg5[%arg0, %add3A_94, %dma_start3A_103] : memref<2x10240x128xf32, #tpu.memory_space<hbm>> -> memref<1x128x128xf32, #tpu.memory_space<hbm>>
      %dma_start3A_105 = tpu.memref_squeeze %dma_start3A_104 : memref<1x128x128xf32, #tpu.memory_space<hbm>> -> memref<128x128xf32, #tpu.memory_space<hbm>>
      %dma_start3A_106 = arith.constant 0 : i32
      %dma_start3A_107 = tpu.memref_slice %arg10[%add3A_90, %dma_start3A_106] : memref<10240x128xf32, #tpu.memory_space<vmem_shared>> -> memref<128x128xf32, #tpu.memory_space<vmem_shared>>
      tpu.enqueue_dma source(%dma_start3A_107 : memref<128x128xf32, #tpu.memory_space<vmem_shared>>) target(%dma_start3A_105 : memref<128x128xf32, #tpu.memory_space<hbm>>) target_semaphore(%run_scoped3A : memref<!tpu.dma_semaphore, #tpu.memory_space<semaphore_mem>>)
      %dma_wait3A = arith.constant 0 : i32
      %dma_wait3A_108 = tpu.memref_slice %arg5[%arg0, %add3A_94, %dma_wait3A] : memref<2x10240x128xf32, #tpu.memory_space<hbm>> -> memref<1x128x128xf32, #tpu.memory_space<hbm>>
      %dma_wait3A_109 = tpu.memref_squeeze %dma_wait3A_108 : memref<1x128x128xf32, #tpu.memory_space<hbm>> -> memref<128x128xf32, #tpu.memory_space<hbm>>
      %dma_wait3A_110 = arith.constant 0 : i32
      %dma_wait3A_111 = tpu.memref_slice %arg10[%add3A_90, %dma_wait3A_110] : memref<10240x128xf32, #tpu.memory_space<vmem_shared>> -> memref<128x128xf32, #tpu.memory_space<vmem_shared>>
      tpu.wait_dma2 semaphore(%run_scoped3A : memref<!tpu.dma_semaphore, #tpu.memory_space<semaphore_mem>>) src(%dma_wait3A_111 : memref<128x128xf32, #tpu.memory_space<vmem_shared>>) dst(%dma_wait3A_109 : memref<128x128xf32, #tpu.memory_space<hbm>>)
      tpu.yield
    }) : () -> ()
    %mul3A_95 = arith.constant 640 : i32
    %mul3A_96 = arith.muli %arg1, %mul3A_95 : i32
    %add3A_97 = arith.constant 512 : i32
    %add3A_98 = arith.addi %mul3A_96, %add3A_97 : i32
    %mul3A_99 = arith.constant 640 : i32
    %mul3A_100 = arith.muli %arg1, %mul3A_99 : i32
    %add3A_101 = arith.constant 512 : i32
    %add3A_102 = arith.addi %mul3A_100, %add3A_101 : i32
    "tpu.region"() ({
      %run_scoped3A = tpu.sem_alloc : memref<!tpu.dma_semaphore, #tpu.memory_space<semaphore_mem>>
      %dma_start3A_103 = arith.constant 0 : i32
      %dma_start3A_104 = tpu.memref_slice %arg5[%arg0, %add3A_102, %dma_start3A_103] : memref<2x10240x128xf32, #tpu.memory_space<hbm>> -> memref<1x128x128xf32, #tpu.memory_space<hbm>>
      %dma_start3A_105 = tpu.memref_squeeze %dma_start3A_104 : memref<1x128x128xf32, #tpu.memory_space<hbm>> -> memref<128x128xf32, #tpu.memory_space<hbm>>
      %dma_start3A_106 = arith.constant 0 : i32
      %dma_start3A_107 = tpu.memref_slice %arg10[%add3A_98, %dma_start3A_106] : memref<10240x128xf32, #tpu.memory_space<vmem_shared>> -> memref<128x128xf32, #tpu.memory_space<vmem_shared>>
      tpu.enqueue_dma source(%dma_start3A_107 : memref<128x128xf32, #tpu.memory_space<vmem_shared>>) target(%dma_start3A_105 : memref<128x128xf32, #tpu.memory_space<hbm>>) target_semaphore(%run_scoped3A : memref<!tpu.dma_semaphore, #tpu.memory_space<semaphore_mem>>)
      %dma_wait3A = arith.constant 0 : i32
      %dma_wait3A_108 = tpu.memref_slice %arg5[%arg0, %add3A_102, %dma_wait3A] : memref<2x10240x128xf32, #tpu.memory_space<hbm>> -> memref<1x128x128xf32, #tpu.memory_space<hbm>>
      %dma_wait3A_109 = tpu.memref_squeeze %dma_wait3A_108 : memref<1x128x128xf32, #tpu.memory_space<hbm>> -> memref<128x128xf32, #tpu.memory_space<hbm>>
      %dma_wait3A_110 = arith.constant 0 : i32
      %dma_wait3A_111 = tpu.memref_slice %arg10[%add3A_98, %dma_wait3A_110] : memref<10240x128xf32, #tpu.memory_space<vmem_shared>> -> memref<128x128xf32, #tpu.memory_space<vmem_shared>>
      tpu.wait_dma2 semaphore(%run_scoped3A : memref<!tpu.dma_semaphore, #tpu.memory_space<semaphore_mem>>) src(%dma_wait3A_111 : memref<128x128xf32, #tpu.memory_space<vmem_shared>>) dst(%dma_wait3A_109 : memref<128x128xf32, #tpu.memory_space<hbm>>)
      tpu.yield
    }) : () -> ()
    return
  }
}

#map = affine_map<(d0, d1) -> (0, 0, 0)>
module attributes {stable_mosaic.version = 14 : i64} {
  func.func @k(%arg0: i32, %arg1: i32, %arg2: memref<32x80x128xi32, #tpu.memory_space<hbm>>, %arg3: memref<2x80x128xf32, #tpu.memory_space<hbm>>, %arg4: memref<40x128xi32, #tpu.memory_space<vmem>>, %arg5: memref<80x128xf32, #tpu.memory_space<vmem>>, %arg6: memref<80xi32, #tpu.memory_space<vmem>>, %arg7: memref<8x128xf32, #tpu.memory_space<vmem>>, %arg8: memref<80x128xf32, #tpu.memory_space<vmem_shared>>) attributes {dimension_semantics = [#tpu.dimension_semantics<core_parallel>, #tpu.dimension_semantics<subcore_parallel>], iteration_bounds = array<i64: 2, 16>, scalar_prefetch = 0 : i64, scratch_operands = 5 : i64, tpu.core_type = #tpu.core_type<sc_vector_subcore>, window_params = [{transform_indices = #map}, {transform_indices = #map}]} {
    %mul3A = arith.constant 16 : i32
    %mul3A_0 = arith.muli %arg0, %mul3A : i32
    %add3A = arith.addi %mul3A_0, %arg1 : i32
    %scan3A = arith.constant 0 : i32
    %scan3A_1 = arith.constant 80 : i32
    %scan3A_2 = arith.addi %scan3A, %scan3A_1 : i32
    %scan3A_3 = arith.constant 1 : i32
    scf.for %scan3A_436 = %scan3A to %scan3A_2 step %scan3A_3  : i32 {
      %mul3A_437 = arith.constant 1 : i32
      %mul3A_438 = arith.muli %scan3A_436, %mul3A_437 : i32
      %add3A_439 = arith.constant 0 : i32
      %add3A_440 = arith.addi %add3A_439, %mul3A_438 : i32
      %broadcast_in_dim3A_441 = arith.constant 0.000000e+00 : f32
      %broadcast_in_dim3A_442 = vector.broadcast %broadcast_in_dim3A_441 : f32 to vector<16xf32>
      %swap3A_443 = arith.index_cast %add3A_440 : i32 to index
      %swap3A_444 = arith.constant 0 : index
      %swap3A_445 = tpu.vector_load %arg5[%swap3A_443, %swap3A_444] {strides = array<i32>} : memref<80x128xf32, #tpu.memory_space<vmem>>, vector<16xf32>,
      tpu.vector_store %arg5[%swap3A_443, %swap3A_444], %broadcast_in_dim3A_442 {strides = array<i32>} : memref<80x128xf32, #tpu.memory_space<vmem>>, vector<16xf32>,
      %broadcast_in_dim3A_446 = arith.constant 0.000000e+00 : f32
      %broadcast_in_dim3A_447 = vector.broadcast %broadcast_in_dim3A_446 : f32 to vector<16xf32>
      %swap3A_448 = arith.index_cast %add3A_440 : i32 to index
      %swap3A_449 = arith.constant 16 : index
      %swap3A_450 = tpu.vector_load %arg5[%swap3A_448, %swap3A_449] {strides = array<i32>} : memref<80x128xf32, #tpu.memory_space<vmem>>, vector<16xf32>,
      tpu.vector_store %arg5[%swap3A_448, %swap3A_449], %broadcast_in_dim3A_447 {strides = array<i32>} : memref<80x128xf32, #tpu.memory_space<vmem>>, vector<16xf32>,
      %broadcast_in_dim3A_451 = arith.constant 0.000000e+00 : f32
      %broadcast_in_dim3A_452 = vector.broadcast %broadcast_in_dim3A_451 : f32 to vector<16xf32>
      %swap3A_453 = arith.index_cast %add3A_440 : i32 to index
      %swap3A_454 = arith.constant 32 : index
      %swap3A_455 = tpu.vector_load %arg5[%swap3A_453, %swap3A_454] {strides = array<i32>} : memref<80x128xf32, #tpu.memory_space<vmem>>, vector<16xf32>,
      tpu.vector_store %arg5[%swap3A_453, %swap3A_454], %broadcast_in_dim3A_452 {strides = array<i32>} : memref<80x128xf32, #tpu.memory_space<vmem>>, vector<16xf32>,
      %broadcast_in_dim3A_456 = arith.constant 0.000000e+00 : f32
      %broadcast_in_dim3A_457 = vector.broadcast %broadcast_in_dim3A_456 : f32 to vector<16xf32>
      %swap3A_458 = arith.index_cast %add3A_440 : i32 to index
      %swap3A_459 = arith.constant 48 : index
      %swap3A_460 = tpu.vector_load %arg5[%swap3A_458, %swap3A_459] {strides = array<i32>} : memref<80x128xf32, #tpu.memory_space<vmem>>, vector<16xf32>,
      tpu.vector_store %arg5[%swap3A_458, %swap3A_459], %broadcast_in_dim3A_457 {strides = array<i32>} : memref<80x128xf32, #tpu.memory_space<vmem>>, vector<16xf32>,
      %broadcast_in_dim3A_461 = arith.constant 0.000000e+00 : f32
      %broadcast_in_dim3A_462 = vector.broadcast %broadcast_in_dim3A_461 : f32 to vector<16xf32>
      %swap3A_463 = arith.index_cast %add3A_440 : i32 to index
      %swap3A_464 = arith.constant 64 : index
      %swap3A_465 = tpu.vector_load %arg5[%swap3A_463, %swap3A_464] {strides = array<i32>} : memref<80x128xf32, #tpu.memory_space<vmem>>, vector<16xf32>,
      tpu.vector_store %arg5[%swap3A_463, %swap3A_464], %broadcast_in_dim3A_462 {strides = array<i32>} : memref<80x128xf32, #tpu.memory_space<vmem>>, vector<16xf32>,
      %broadcast_in_dim3A_466 = arith.constant 0.000000e+00 : f32
      %broadcast_in_dim3A_467 = vector.broadcast %broadcast_in_dim3A_466 : f32 to vector<16xf32>
      %swap3A_468 = arith.index_cast %add3A_440 : i32 to index
      %swap3A_469 = arith.constant 80 : index
      %swap3A_470 = tpu.vector_load %arg5[%swap3A_468, %swap3A_469] {strides = array<i32>} : memref<80x128xf32, #tpu.memory_space<vmem>>, vector<16xf32>,
      tpu.vector_store %arg5[%swap3A_468, %swap3A_469], %broadcast_in_dim3A_467 {strides = array<i32>} : memref<80x128xf32, #tpu.memory_space<vmem>>, vector<16xf32>,
      %broadcast_in_dim3A_471 = arith.constant 0.000000e+00 : f32
      %broadcast_in_dim3A_472 = vector.broadcast %broadcast_in_dim3A_471 : f32 to vector<16xf32>
      %swap3A_473 = arith.index_cast %add3A_440 : i32 to index
      %swap3A_474 = arith.constant 96 : index
      %swap3A_475 = tpu.vector_load %arg5[%swap3A_473, %swap3A_474] {strides = array<i32>} : memref<80x128xf32, #tpu.memory_space<vmem>>, vector<16xf32>,
      tpu.vector_store %arg5[%swap3A_473, %swap3A_474], %broadcast_in_dim3A_472 {strides = array<i32>} : memref<80x128xf32, #tpu.memory_space<vmem>>, vector<16xf32>,
      %broadcast_in_dim3A_476 = arith.constant 0.000000e+00 : f32
      %broadcast_in_dim3A_477 = vector.broadcast %broadcast_in_dim3A_476 : f32 to vector<16xf32>
      %swap3A_478 = arith.index_cast %add3A_440 : i32 to index
      %swap3A_479 = arith.constant 112 : index
      %swap3A_480 = tpu.vector_load %arg5[%swap3A_478, %swap3A_479] {strides = array<i32>} : memref<80x128xf32, #tpu.memory_space<vmem>>, vector<16xf32>,
      tpu.vector_store %arg5[%swap3A_478, %swap3A_479], %broadcast_in_dim3A_477 {strides = array<i32>} : memref<80x128xf32, #tpu.memory_space<vmem>>, vector<16xf32>,
    }
    %scan3A_4 = arith.constant 80 : i32
    %broadcast_in_dim3A = arith.constant 0.000000e+00 : f32
    %broadcast_in_dim3A_5 = vector.broadcast %broadcast_in_dim3A : f32 to vector<16xf32>
    %swap3A = arith.constant 0 : i32
    %swap3A_6 = arith.index_cast %swap3A : i32 to index
    %swap3A_7 = arith.constant 0 : index
    %swap3A_8 = tpu.vector_load %arg7[%swap3A_6, %swap3A_7] {strides = array<i32>} : memref<8x128xf32, #tpu.memory_space<vmem>>, vector<16xf32>,
    tpu.vector_store %arg7[%swap3A_6, %swap3A_7], %broadcast_in_dim3A_5 {strides = array<i32>} : memref<8x128xf32, #tpu.memory_space<vmem>>, vector<16xf32>,
    %broadcast_in_dim3A_9 = arith.constant 0.000000e+00 : f32
    %broadcast_in_dim3A_10 = vector.broadcast %broadcast_in_dim3A_9 : f32 to vector<16xf32>
    %swap3A_11 = arith.constant 0 : i32
    %swap3A_12 = arith.index_cast %swap3A_11 : i32 to index
    %swap3A_13 = arith.constant 16 : index
    %swap3A_14 = tpu.vector_load %arg7[%swap3A_12, %swap3A_13] {strides = array<i32>} : memref<8x128xf32, #tpu.memory_space<vmem>>, vector<16xf32>,
    tpu.vector_store %arg7[%swap3A_12, %swap3A_13], %broadcast_in_dim3A_10 {strides = array<i32>} : memref<8x128xf32, #tpu.memory_space<vmem>>, vector<16xf32>,
    %broadcast_in_dim3A_15 = arith.constant 0.000000e+00 : f32
    %broadcast_in_dim3A_16 = vector.broadcast %broadcast_in_dim3A_15 : f32 to vector<16xf32>
    %swap3A_17 = arith.constant 0 : i32
    %swap3A_18 = arith.index_cast %swap3A_17 : i32 to index
    %swap3A_19 = arith.constant 32 : index
    %swap3A_20 = tpu.vector_load %arg7[%swap3A_18, %swap3A_19] {strides = array<i32>} : memref<8x128xf32, #tpu.memory_space<vmem>>, vector<16xf32>,
    tpu.vector_store %arg7[%swap3A_18, %swap3A_19], %broadcast_in_dim3A_16 {strides = array<i32>} : memref<8x128xf32, #tpu.memory_space<vmem>>, vector<16xf32>,
    %broadcast_in_dim3A_21 = arith.constant 0.000000e+00 : f32
    %broadcast_in_dim3A_22 = vector.broadcast %broadcast_in_dim3A_21 : f32 to vector<16xf32>
    %swap3A_23 = arith.constant 0 : i32
    %swap3A_24 = arith.index_cast %swap3A_23 : i32 to index
    %swap3A_25 = arith.constant 48 : index
    %swap3A_26 = tpu.vector_load %arg7[%swap3A_24, %swap3A_25] {strides = array<i32>} : memref<8x128xf32, #tpu.memory_space<vmem>>, vector<16xf32>,
    tpu.vector_store %arg7[%swap3A_24, %swap3A_25], %broadcast_in_dim3A_22 {strides = array<i32>} : memref<8x128xf32, #tpu.memory_space<vmem>>, vector<16xf32>,
    %broadcast_in_dim3A_27 = arith.constant 0.000000e+00 : f32
    %broadcast_in_dim3A_28 = vector.broadcast %broadcast_in_dim3A_27 : f32 to vector<16xf32>
    %swap3A_29 = arith.constant 0 : i32
    %swap3A_30 = arith.index_cast %swap3A_29 : i32 to index
    %swap3A_31 = arith.constant 64 : index
    %swap3A_32 = tpu.vector_load %arg7[%swap3A_30, %swap3A_31] {strides = array<i32>} : memref<8x128xf32, #tpu.memory_space<vmem>>, vector<16xf32>,
    tpu.vector_store %arg7[%swap3A_30, %swap3A_31], %broadcast_in_dim3A_28 {strides = array<i32>} : memref<8x128xf32, #tpu.memory_space<vmem>>, vector<16xf32>,
    %broadcast_in_dim3A_33 = arith.constant 0.000000e+00 : f32
    %broadcast_in_dim3A_34 = vector.broadcast %broadcast_in_dim3A_33 : f32 to vector<16xf32>
    %swap3A_35 = arith.constant 0 : i32
    %swap3A_36 = arith.index_cast %swap3A_35 : i32 to index
    %swap3A_37 = arith.constant 80 : index
    %swap3A_38 = tpu.vector_load %arg7[%swap3A_36, %swap3A_37] {strides = array<i32>} : memref<8x128xf32, #tpu.memory_space<vmem>>, vector<16xf32>,
    tpu.vector_store %arg7[%swap3A_36, %swap3A_37], %broadcast_in_dim3A_34 {strides = array<i32>} : memref<8x128xf32, #tpu.memory_space<vmem>>, vector<16xf32>,
    %broadcast_in_dim3A_39 = arith.constant 0.000000e+00 : f32
    %broadcast_in_dim3A_40 = vector.broadcast %broadcast_in_dim3A_39 : f32 to vector<16xf32>
    %swap3A_41 = arith.constant 0 : i32
    %swap3A_42 = arith.index_cast %swap3A_41 : i32 to index
    %swap3A_43 = arith.constant 96 : index
    %swap3A_44 = tpu.vector_load %arg7[%swap3A_42, %swap3A_43] {strides = array<i32>} : memref<8x128xf32, #tpu.memory_space<vmem>>, vector<16xf32>,
    tpu.vector_store %arg7[%swap3A_42, %swap3A_43], %broadcast_in_dim3A_40 {strides = array<i32>} : memref<8x128xf32, #tpu.memory_space<vmem>>, vector<16xf32>,
    %broadcast_in_dim3A_45 = arith.constant 0.000000e+00 : f32
    %broadcast_in_dim3A_46 = vector.broadcast %broadcast_in_dim3A_45 : f32 to vector<16xf32>
    %swap3A_47 = arith.constant 0 : i32
    %swap3A_48 = arith.index_cast %swap3A_47 : i32 to index
    %swap3A_49 = arith.constant 112 : index
    %swap3A_50 = tpu.vector_load %arg7[%swap3A_48, %swap3A_49] {strides = array<i32>} : memref<8x128xf32, #tpu.memory_space<vmem>>, vector<16xf32>,
    tpu.vector_store %arg7[%swap3A_48, %swap3A_49], %broadcast_in_dim3A_46 {strides = array<i32>} : memref<8x128xf32, #tpu.memory_space<vmem>>, vector<16xf32>,
    %broadcast_in_dim3A_51 = arith.constant 0.000000e+00 : f32
    %broadcast_in_dim3A_52 = vector.broadcast %broadcast_in_dim3A_51 : f32 to vector<16xf32>
    %swap3A_53 = arith.constant 1 : i32
    %swap3A_54 = arith.index_cast %swap3A_53 : i32 to index
    %swap3A_55 = arith.constant 0 : index
    %swap3A_56 = tpu.vector_load %arg7[%swap3A_54, %swap3A_55] {strides = array<i32>} : memref<8x128xf32, #tpu.memory_space<vmem>>, vector<16xf32>,
    tpu.vector_store %arg7[%swap3A_54, %swap3A_55], %broadcast_in_dim3A_52 {strides = array<i32>} : memref<8x128xf32, #tpu.memory_space<vmem>>, vector<16xf32>,
    %broadcast_in_dim3A_57 = arith.constant 0.000000e+00 : f32
    %broadcast_in_dim3A_58 = vector.broadcast %broadcast_in_dim3A_57 : f32 to vector<16xf32>
    %swap3A_59 = arith.constant 1 : i32
    %swap3A_60 = arith.index_cast %swap3A_59 : i32 to index
    %swap3A_61 = arith.constant 16 : index
    %swap3A_62 = tpu.vector_load %arg7[%swap3A_60, %swap3A_61] {strides = array<i32>} : memref<8x128xf32, #tpu.memory_space<vmem>>, vector<16xf32>,
    tpu.vector_store %arg7[%swap3A_60, %swap3A_61], %broadcast_in_dim3A_58 {strides = array<i32>} : memref<8x128xf32, #tpu.memory_space<vmem>>, vector<16xf32>,
    %broadcast_in_dim3A_63 = arith.constant 0.000000e+00 : f32
    %broadcast_in_dim3A_64 = vector.broadcast %broadcast_in_dim3A_63 : f32 to vector<16xf32>
    %swap3A_65 = arith.constant 1 : i32
    %swap3A_66 = arith.index_cast %swap3A_65 : i32 to index
    %swap3A_67 = arith.constant 32 : index
    %swap3A_68 = tpu.vector_load %arg7[%swap3A_66, %swap3A_67] {strides = array<i32>} : memref<8x128xf32, #tpu.memory_space<vmem>>, vector<16xf32>,
    tpu.vector_store %arg7[%swap3A_66, %swap3A_67], %broadcast_in_dim3A_64 {strides = array<i32>} : memref<8x128xf32, #tpu.memory_space<vmem>>, vector<16xf32>,
    %broadcast_in_dim3A_69 = arith.constant 0.000000e+00 : f32
    %broadcast_in_dim3A_70 = vector.broadcast %broadcast_in_dim3A_69 : f32 to vector<16xf32>
    %swap3A_71 = arith.constant 1 : i32
    %swap3A_72 = arith.index_cast %swap3A_71 : i32 to index
    %swap3A_73 = arith.constant 48 : index
    %swap3A_74 = tpu.vector_load %arg7[%swap3A_72, %swap3A_73] {strides = array<i32>} : memref<8x128xf32, #tpu.memory_space<vmem>>, vector<16xf32>,
    tpu.vector_store %arg7[%swap3A_72, %swap3A_73], %broadcast_in_dim3A_70 {strides = array<i32>} : memref<8x128xf32, #tpu.memory_space<vmem>>, vector<16xf32>,
    %broadcast_in_dim3A_75 = arith.constant 0.000000e+00 : f32
    %broadcast_in_dim3A_76 = vector.broadcast %broadcast_in_dim3A_75 : f32 to vector<16xf32>
    %swap3A_77 = arith.constant 1 : i32
    %swap3A_78 = arith.index_cast %swap3A_77 : i32 to index
    %swap3A_79 = arith.constant 64 : index
    %swap3A_80 = tpu.vector_load %arg7[%swap3A_78, %swap3A_79] {strides = array<i32>} : memref<8x128xf32, #tpu.memory_space<vmem>>, vector<16xf32>,
    tpu.vector_store %arg7[%swap3A_78, %swap3A_79], %broadcast_in_dim3A_76 {strides = array<i32>} : memref<8x128xf32, #tpu.memory_space<vmem>>, vector<16xf32>,
    %broadcast_in_dim3A_81 = arith.constant 0.000000e+00 : f32
    %broadcast_in_dim3A_82 = vector.broadcast %broadcast_in_dim3A_81 : f32 to vector<16xf32>
    %swap3A_83 = arith.constant 1 : i32
    %swap3A_84 = arith.index_cast %swap3A_83 : i32 to index
    %swap3A_85 = arith.constant 80 : index
    %swap3A_86 = tpu.vector_load %arg7[%swap3A_84, %swap3A_85] {strides = array<i32>} : memref<8x128xf32, #tpu.memory_space<vmem>>, vector<16xf32>,
    tpu.vector_store %arg7[%swap3A_84, %swap3A_85], %broadcast_in_dim3A_82 {strides = array<i32>} : memref<8x128xf32, #tpu.memory_space<vmem>>, vector<16xf32>,
    %broadcast_in_dim3A_87 = arith.constant 0.000000e+00 : f32
    %broadcast_in_dim3A_88 = vector.broadcast %broadcast_in_dim3A_87 : f32 to vector<16xf32>
    %swap3A_89 = arith.constant 1 : i32
    %swap3A_90 = arith.index_cast %swap3A_89 : i32 to index
    %swap3A_91 = arith.constant 96 : index
    %swap3A_92 = tpu.vector_load %arg7[%swap3A_90, %swap3A_91] {strides = array<i32>} : memref<8x128xf32, #tpu.memory_space<vmem>>, vector<16xf32>,
    tpu.vector_store %arg7[%swap3A_90, %swap3A_91], %broadcast_in_dim3A_88 {strides = array<i32>} : memref<8x128xf32, #tpu.memory_space<vmem>>, vector<16xf32>,
    %broadcast_in_dim3A_93 = arith.constant 0.000000e+00 : f32
    %broadcast_in_dim3A_94 = vector.broadcast %broadcast_in_dim3A_93 : f32 to vector<16xf32>
    %swap3A_95 = arith.constant 1 : i32
    %swap3A_96 = arith.index_cast %swap3A_95 : i32 to index
    %swap3A_97 = arith.constant 112 : index
    %swap3A_98 = tpu.vector_load %arg7[%swap3A_96, %swap3A_97] {strides = array<i32>} : memref<8x128xf32, #tpu.memory_space<vmem>>, vector<16xf32>,
    tpu.vector_store %arg7[%swap3A_96, %swap3A_97], %broadcast_in_dim3A_94 {strides = array<i32>} : memref<8x128xf32, #tpu.memory_space<vmem>>, vector<16xf32>,
    %broadcast_in_dim3A_99 = arith.constant 0.000000e+00 : f32
    %broadcast_in_dim3A_100 = vector.broadcast %broadcast_in_dim3A_99 : f32 to vector<16xf32>
    %swap3A_101 = arith.constant 2 : i32
    %swap3A_102 = arith.index_cast %swap3A_101 : i32 to index
    %swap3A_103 = arith.constant 0 : index
    %swap3A_104 = tpu.vector_load %arg7[%swap3A_102, %swap3A_103] {strides = array<i32>} : memref<8x128xf32, #tpu.memory_space<vmem>>, vector<16xf32>,
    tpu.vector_store %arg7[%swap3A_102, %swap3A_103], %broadcast_in_dim3A_100 {strides = array<i32>} : memref<8x128xf32, #tpu.memory_space<vmem>>, vector<16xf32>,
    %broadcast_in_dim3A_105 = arith.constant 0.000000e+00 : f32
    %broadcast_in_dim3A_106 = vector.broadcast %broadcast_in_dim3A_105 : f32 to vector<16xf32>
    %swap3A_107 = arith.constant 2 : i32
    %swap3A_108 = arith.index_cast %swap3A_107 : i32 to index
    %swap3A_109 = arith.constant 16 : index
    %swap3A_110 = tpu.vector_load %arg7[%swap3A_108, %swap3A_109] {strides = array<i32>} : memref<8x128xf32, #tpu.memory_space<vmem>>, vector<16xf32>,
    tpu.vector_store %arg7[%swap3A_108, %swap3A_109], %broadcast_in_dim3A_106 {strides = array<i32>} : memref<8x128xf32, #tpu.memory_space<vmem>>, vector<16xf32>,
    %broadcast_in_dim3A_111 = arith.constant 0.000000e+00 : f32
    %broadcast_in_dim3A_112 = vector.broadcast %broadcast_in_dim3A_111 : f32 to vector<16xf32>
    %swap3A_113 = arith.constant 2 : i32
    %swap3A_114 = arith.index_cast %swap3A_113 : i32 to index
    %swap3A_115 = arith.constant 32 : index
    %swap3A_116 = tpu.vector_load %arg7[%swap3A_114, %swap3A_115] {strides = array<i32>} : memref<8x128xf32, #tpu.memory_space<vmem>>, vector<16xf32>,
    tpu.vector_store %arg7[%swap3A_114, %swap3A_115], %broadcast_in_dim3A_112 {strides = array<i32>} : memref<8x128xf32, #tpu.memory_space<vmem>>, vector<16xf32>,
    %broadcast_in_dim3A_117 = arith.constant 0.000000e+00 : f32
    %broadcast_in_dim3A_118 = vector.broadcast %broadcast_in_dim3A_117 : f32 to vector<16xf32>
    %swap3A_119 = arith.constant 2 : i32
    %swap3A_120 = arith.index_cast %swap3A_119 : i32 to index
    %swap3A_121 = arith.constant 48 : index
    %swap3A_122 = tpu.vector_load %arg7[%swap3A_120, %swap3A_121] {strides = array<i32>} : memref<8x128xf32, #tpu.memory_space<vmem>>, vector<16xf32>,
    tpu.vector_store %arg7[%swap3A_120, %swap3A_121], %broadcast_in_dim3A_118 {strides = array<i32>} : memref<8x128xf32, #tpu.memory_space<vmem>>, vector<16xf32>,
    %broadcast_in_dim3A_123 = arith.constant 0.000000e+00 : f32
    %broadcast_in_dim3A_124 = vector.broadcast %broadcast_in_dim3A_123 : f32 to vector<16xf32>
    %swap3A_125 = arith.constant 2 : i32
    %swap3A_126 = arith.index_cast %swap3A_125 : i32 to index
    %swap3A_127 = arith.constant 64 : index
    %swap3A_128 = tpu.vector_load %arg7[%swap3A_126, %swap3A_127] {strides = array<i32>} : memref<8x128xf32, #tpu.memory_space<vmem>>, vector<16xf32>,
    tpu.vector_store %arg7[%swap3A_126, %swap3A_127], %broadcast_in_dim3A_124 {strides = array<i32>} : memref<8x128xf32, #tpu.memory_space<vmem>>, vector<16xf32>,
    %broadcast_in_dim3A_129 = arith.constant 0.000000e+00 : f32
    %broadcast_in_dim3A_130 = vector.broadcast %broadcast_in_dim3A_129 : f32 to vector<16xf32>
    %swap3A_131 = arith.constant 2 : i32
    %swap3A_132 = arith.index_cast %swap3A_131 : i32 to index
    %swap3A_133 = arith.constant 80 : index
    %swap3A_134 = tpu.vector_load %arg7[%swap3A_132, %swap3A_133] {strides = array<i32>} : memref<8x128xf32, #tpu.memory_space<vmem>>, vector<16xf32>,
    tpu.vector_store %arg7[%swap3A_132, %swap3A_133], %broadcast_in_dim3A_130 {strides = array<i32>} : memref<8x128xf32, #tpu.memory_space<vmem>>, vector<16xf32>,
    %broadcast_in_dim3A_135 = arith.constant 0.000000e+00 : f32
    %broadcast_in_dim3A_136 = vector.broadcast %broadcast_in_dim3A_135 : f32 to vector<16xf32>
    %swap3A_137 = arith.constant 2 : i32
    %swap3A_138 = arith.index_cast %swap3A_137 : i32 to index
    %swap3A_139 = arith.constant 96 : index
    %swap3A_140 = tpu.vector_load %arg7[%swap3A_138, %swap3A_139] {strides = array<i32>} : memref<8x128xf32, #tpu.memory_space<vmem>>, vector<16xf32>,
    tpu.vector_store %arg7[%swap3A_138, %swap3A_139], %broadcast_in_dim3A_136 {strides = array<i32>} : memref<8x128xf32, #tpu.memory_space<vmem>>, vector<16xf32>,
    %broadcast_in_dim3A_141 = arith.constant 0.000000e+00 : f32
    %broadcast_in_dim3A_142 = vector.broadcast %broadcast_in_dim3A_141 : f32 to vector<16xf32>
    %swap3A_143 = arith.constant 2 : i32
    %swap3A_144 = arith.index_cast %swap3A_143 : i32 to index
    %swap3A_145 = arith.constant 112 : index
    %swap3A_146 = tpu.vector_load %arg7[%swap3A_144, %swap3A_145] {strides = array<i32>} : memref<8x128xf32, #tpu.memory_space<vmem>>, vector<16xf32>,
    tpu.vector_store %arg7[%swap3A_144, %swap3A_145], %broadcast_in_dim3A_142 {strides = array<i32>} : memref<8x128xf32, #tpu.memory_space<vmem>>, vector<16xf32>,
    %broadcast_in_dim3A_147 = arith.constant 0.000000e+00 : f32
    %broadcast_in_dim3A_148 = vector.broadcast %broadcast_in_dim3A_147 : f32 to vector<16xf32>
    %swap3A_149 = arith.constant 3 : i32
    %swap3A_150 = arith.index_cast %swap3A_149 : i32 to index
    %swap3A_151 = arith.constant 0 : index
    %swap3A_152 = tpu.vector_load %arg7[%swap3A_150, %swap3A_151] {strides = array<i32>} : memref<8x128xf32, #tpu.memory_space<vmem>>, vector<16xf32>,
    tpu.vector_store %arg7[%swap3A_150, %swap3A_151], %broadcast_in_dim3A_148 {strides = array<i32>} : memref<8x128xf32, #tpu.memory_space<vmem>>, vector<16xf32>,
    %broadcast_in_dim3A_153 = arith.constant 0.000000e+00 : f32
    %broadcast_in_dim3A_154 = vector.broadcast %broadcast_in_dim3A_153 : f32 to vector<16xf32>
    %swap3A_155 = arith.constant 3 : i32
    %swap3A_156 = arith.index_cast %swap3A_155 : i32 to index
    %swap3A_157 = arith.constant 16 : index
    %swap3A_158 = tpu.vector_load %arg7[%swap3A_156, %swap3A_157] {strides = array<i32>} : memref<8x128xf32, #tpu.memory_space<vmem>>, vector<16xf32>,
    tpu.vector_store %arg7[%swap3A_156, %swap3A_157], %broadcast_in_dim3A_154 {strides = array<i32>} : memref<8x128xf32, #tpu.memory_space<vmem>>, vector<16xf32>,
    %broadcast_in_dim3A_159 = arith.constant 0.000000e+00 : f32
    %broadcast_in_dim3A_160 = vector.broadcast %broadcast_in_dim3A_159 : f32 to vector<16xf32>
    %swap3A_161 = arith.constant 3 : i32
    %swap3A_162 = arith.index_cast %swap3A_161 : i32 to index
    %swap3A_163 = arith.constant 32 : index
    %swap3A_164 = tpu.vector_load %arg7[%swap3A_162, %swap3A_163] {strides = array<i32>} : memref<8x128xf32, #tpu.memory_space<vmem>>, vector<16xf32>,
    tpu.vector_store %arg7[%swap3A_162, %swap3A_163], %broadcast_in_dim3A_160 {strides = array<i32>} : memref<8x128xf32, #tpu.memory_space<vmem>>, vector<16xf32>,
    %broadcast_in_dim3A_165 = arith.constant 0.000000e+00 : f32
    %broadcast_in_dim3A_166 = vector.broadcast %broadcast_in_dim3A_165 : f32 to vector<16xf32>
    %swap3A_167 = arith.constant 3 : i32
    %swap3A_168 = arith.index_cast %swap3A_167 : i32 to index
    %swap3A_169 = arith.constant 48 : index
    %swap3A_170 = tpu.vector_load %arg7[%swap3A_168, %swap3A_169] {strides = array<i32>} : memref<8x128xf32, #tpu.memory_space<vmem>>, vector<16xf32>,
    tpu.vector_store %arg7[%swap3A_168, %swap3A_169], %broadcast_in_dim3A_166 {strides = array<i32>} : memref<8x128xf32, #tpu.memory_space<vmem>>, vector<16xf32>,
    %broadcast_in_dim3A_171 = arith.constant 0.000000e+00 : f32
    %broadcast_in_dim3A_172 = vector.broadcast %broadcast_in_dim3A_171 : f32 to vector<16xf32>
    %swap3A_173 = arith.constant 3 : i32
    %swap3A_174 = arith.index_cast %swap3A_173 : i32 to index
    %swap3A_175 = arith.constant 64 : index
    %swap3A_176 = tpu.vector_load %arg7[%swap3A_174, %swap3A_175] {strides = array<i32>} : memref<8x128xf32, #tpu.memory_space<vmem>>, vector<16xf32>,
    tpu.vector_store %arg7[%swap3A_174, %swap3A_175], %broadcast_in_dim3A_172 {strides = array<i32>} : memref<8x128xf32, #tpu.memory_space<vmem>>, vector<16xf32>,
    %broadcast_in_dim3A_177 = arith.constant 0.000000e+00 : f32
    %broadcast_in_dim3A_178 = vector.broadcast %broadcast_in_dim3A_177 : f32 to vector<16xf32>
    %swap3A_179 = arith.constant 3 : i32
    %swap3A_180 = arith.index_cast %swap3A_179 : i32 to index
    %swap3A_181 = arith.constant 80 : index
    %swap3A_182 = tpu.vector_load %arg7[%swap3A_180, %swap3A_181] {strides = array<i32>} : memref<8x128xf32, #tpu.memory_space<vmem>>, vector<16xf32>,
    tpu.vector_store %arg7[%swap3A_180, %swap3A_181], %broadcast_in_dim3A_178 {strides = array<i32>} : memref<8x128xf32, #tpu.memory_space<vmem>>, vector<16xf32>,
    %broadcast_in_dim3A_183 = arith.constant 0.000000e+00 : f32
    %broadcast_in_dim3A_184 = vector.broadcast %broadcast_in_dim3A_183 : f32 to vector<16xf32>
    %swap3A_185 = arith.constant 3 : i32
    %swap3A_186 = arith.index_cast %swap3A_185 : i32 to index
    %swap3A_187 = arith.constant 96 : index
    %swap3A_188 = tpu.vector_load %arg7[%swap3A_186, %swap3A_187] {strides = array<i32>} : memref<8x128xf32, #tpu.memory_space<vmem>>, vector<16xf32>,
    tpu.vector_store %arg7[%swap3A_186, %swap3A_187], %broadcast_in_dim3A_184 {strides = array<i32>} : memref<8x128xf32, #tpu.memory_space<vmem>>, vector<16xf32>,
    %broadcast_in_dim3A_189 = arith.constant 0.000000e+00 : f32
    %broadcast_in_dim3A_190 = vector.broadcast %broadcast_in_dim3A_189 : f32 to vector<16xf32>
    %swap3A_191 = arith.constant 3 : i32
    %swap3A_192 = arith.index_cast %swap3A_191 : i32 to index
    %swap3A_193 = arith.constant 112 : index
    %swap3A_194 = tpu.vector_load %arg7[%swap3A_192, %swap3A_193] {strides = array<i32>} : memref<8x128xf32, #tpu.memory_space<vmem>>, vector<16xf32>,
    tpu.vector_store %arg7[%swap3A_192, %swap3A_193], %broadcast_in_dim3A_190 {strides = array<i32>} : memref<8x128xf32, #tpu.memory_space<vmem>>, vector<16xf32>,
    %broadcast_in_dim3A_195 = arith.constant 0.000000e+00 : f32
    %broadcast_in_dim3A_196 = vector.broadcast %broadcast_in_dim3A_195 : f32 to vector<16xf32>
    %swap3A_197 = arith.constant 4 : i32
    %swap3A_198 = arith.index_cast %swap3A_197 : i32 to index
    %swap3A_199 = arith.constant 0 : index
    %swap3A_200 = tpu.vector_load %arg7[%swap3A_198, %swap3A_199] {strides = array<i32>} : memref<8x128xf32, #tpu.memory_space<vmem>>, vector<16xf32>,
    tpu.vector_store %arg7[%swap3A_198, %swap3A_199], %broadcast_in_dim3A_196 {strides = array<i32>} : memref<8x128xf32, #tpu.memory_space<vmem>>, vector<16xf32>,
    %broadcast_in_dim3A_201 = arith.constant 0.000000e+00 : f32
    %broadcast_in_dim3A_202 = vector.broadcast %broadcast_in_dim3A_201 : f32 to vector<16xf32>
    %swap3A_203 = arith.constant 4 : i32
    %swap3A_204 = arith.index_cast %swap3A_203 : i32 to index
    %swap3A_205 = arith.constant 16 : index
    %swap3A_206 = tpu.vector_load %arg7[%swap3A_204, %swap3A_205] {strides = array<i32>} : memref<8x128xf32, #tpu.memory_space<vmem>>, vector<16xf32>,
    tpu.vector_store %arg7[%swap3A_204, %swap3A_205], %broadcast_in_dim3A_202 {strides = array<i32>} : memref<8x128xf32, #tpu.memory_space<vmem>>, vector<16xf32>,
    %broadcast_in_dim3A_207 = arith.constant 0.000000e+00 : f32
    %broadcast_in_dim3A_208 = vector.broadcast %broadcast_in_dim3A_207 : f32 to vector<16xf32>
    %swap3A_209 = arith.constant 4 : i32
    %swap3A_210 = arith.index_cast %swap3A_209 : i32 to index
    %swap3A_211 = arith.constant 32 : index
    %swap3A_212 = tpu.vector_load %arg7[%swap3A_210, %swap3A_211] {strides = array<i32>} : memref<8x128xf32, #tpu.memory_space<vmem>>, vector<16xf32>,
    tpu.vector_store %arg7[%swap3A_210, %swap3A_211], %broadcast_in_dim3A_208 {strides = array<i32>} : memref<8x128xf32, #tpu.memory_space<vmem>>, vector<16xf32>,
    %broadcast_in_dim3A_213 = arith.constant 0.000000e+00 : f32
    %broadcast_in_dim3A_214 = vector.broadcast %broadcast_in_dim3A_213 : f32 to vector<16xf32>
    %swap3A_215 = arith.constant 4 : i32
    %swap3A_216 = arith.index_cast %swap3A_215 : i32 to index
    %swap3A_217 = arith.constant 48 : index
    %swap3A_218 = tpu.vector_load %arg7[%swap3A_216, %swap3A_217] {strides = array<i32>} : memref<8x128xf32, #tpu.memory_space<vmem>>, vector<16xf32>,
    tpu.vector_store %arg7[%swap3A_216, %swap3A_217], %broadcast_in_dim3A_214 {strides = array<i32>} : memref<8x128xf32, #tpu.memory_space<vmem>>, vector<16xf32>,
    %broadcast_in_dim3A_219 = arith.constant 0.000000e+00 : f32
    %broadcast_in_dim3A_220 = vector.broadcast %broadcast_in_dim3A_219 : f32 to vector<16xf32>
    %swap3A_221 = arith.constant 4 : i32
    %swap3A_222 = arith.index_cast %swap3A_221 : i32 to index
    %swap3A_223 = arith.constant 64 : index
    %swap3A_224 = tpu.vector_load %arg7[%swap3A_222, %swap3A_223] {strides = array<i32>} : memref<8x128xf32, #tpu.memory_space<vmem>>, vector<16xf32>,
    tpu.vector_store %arg7[%swap3A_222, %swap3A_223], %broadcast_in_dim3A_220 {strides = array<i32>} : memref<8x128xf32, #tpu.memory_space<vmem>>, vector<16xf32>,
    %broadcast_in_dim3A_225 = arith.constant 0.000000e+00 : f32
    %broadcast_in_dim3A_226 = vector.broadcast %broadcast_in_dim3A_225 : f32 to vector<16xf32>
    %swap3A_227 = arith.constant 4 : i32
    %swap3A_228 = arith.index_cast %swap3A_227 : i32 to index
    %swap3A_229 = arith.constant 80 : index
    %swap3A_230 = tpu.vector_load %arg7[%swap3A_228, %swap3A_229] {strides = array<i32>} : memref<8x128xf32, #tpu.memory_space<vmem>>, vector<16xf32>,
    tpu.vector_store %arg7[%swap3A_228, %swap3A_229], %broadcast_in_dim3A_226 {strides = array<i32>} : memref<8x128xf32, #tpu.memory_space<vmem>>, vector<16xf32>,
    %broadcast_in_dim3A_231 = arith.constant 0.000000e+00 : f32
    %broadcast_in_dim3A_232 = vector.broadcast %broadcast_in_dim3A_231 : f32 to vector<16xf32>
    %swap3A_233 = arith.constant 4 : i32
    %swap3A_234 = arith.index_cast %swap3A_233 : i32 to index
    %swap3A_235 = arith.constant 96 : index
    %swap3A_236 = tpu.vector_load %arg7[%swap3A_234, %swap3A_235] {strides = array<i32>} : memref<8x128xf32, #tpu.memory_space<vmem>>, vector<16xf32>,
    tpu.vector_store %arg7[%swap3A_234, %swap3A_235], %broadcast_in_dim3A_232 {strides = array<i32>} : memref<8x128xf32, #tpu.memory_space<vmem>>, vector<16xf32>,
    %broadcast_in_dim3A_237 = arith.constant 0.000000e+00 : f32
    %broadcast_in_dim3A_238 = vector.broadcast %broadcast_in_dim3A_237 : f32 to vector<16xf32>
    %swap3A_239 = arith.constant 4 : i32
    %swap3A_240 = arith.index_cast %swap3A_239 : i32 to index
    %swap3A_241 = arith.constant 112 : index
    %swap3A_242 = tpu.vector_load %arg7[%swap3A_240, %swap3A_241] {strides = array<i32>} : memref<8x128xf32, #tpu.memory_space<vmem>>, vector<16xf32>,
    tpu.vector_store %arg7[%swap3A_240, %swap3A_241], %broadcast_in_dim3A_238 {strides = array<i32>} : memref<8x128xf32, #tpu.memory_space<vmem>>, vector<16xf32>,
    %broadcast_in_dim3A_243 = arith.constant 0.000000e+00 : f32
    %broadcast_in_dim3A_244 = vector.broadcast %broadcast_in_dim3A_243 : f32 to vector<16xf32>
    %swap3A_245 = arith.constant 5 : i32
    %swap3A_246 = arith.index_cast %swap3A_245 : i32 to index
    %swap3A_247 = arith.constant 0 : index
    %swap3A_248 = tpu.vector_load %arg7[%swap3A_246, %swap3A_247] {strides = array<i32>} : memref<8x128xf32, #tpu.memory_space<vmem>>, vector<16xf32>,
    tpu.vector_store %arg7[%swap3A_246, %swap3A_247], %broadcast_in_dim3A_244 {strides = array<i32>} : memref<8x128xf32, #tpu.memory_space<vmem>>, vector<16xf32>,
    %broadcast_in_dim3A_249 = arith.constant 0.000000e+00 : f32
    %broadcast_in_dim3A_250 = vector.broadcast %broadcast_in_dim3A_249 : f32 to vector<16xf32>
    %swap3A_251 = arith.constant 5 : i32
    %swap3A_252 = arith.index_cast %swap3A_251 : i32 to index
    %swap3A_253 = arith.constant 16 : index
    %swap3A_254 = tpu.vector_load %arg7[%swap3A_252, %swap3A_253] {strides = array<i32>} : memref<8x128xf32, #tpu.memory_space<vmem>>, vector<16xf32>,
    tpu.vector_store %arg7[%swap3A_252, %swap3A_253], %broadcast_in_dim3A_250 {strides = array<i32>} : memref<8x128xf32, #tpu.memory_space<vmem>>, vector<16xf32>,
    %broadcast_in_dim3A_255 = arith.constant 0.000000e+00 : f32
    %broadcast_in_dim3A_256 = vector.broadcast %broadcast_in_dim3A_255 : f32 to vector<16xf32>
    %swap3A_257 = arith.constant 5 : i32
    %swap3A_258 = arith.index_cast %swap3A_257 : i32 to index
    %swap3A_259 = arith.constant 32 : index
    %swap3A_260 = tpu.vector_load %arg7[%swap3A_258, %swap3A_259] {strides = array<i32>} : memref<8x128xf32, #tpu.memory_space<vmem>>, vector<16xf32>,
    tpu.vector_store %arg7[%swap3A_258, %swap3A_259], %broadcast_in_dim3A_256 {strides = array<i32>} : memref<8x128xf32, #tpu.memory_space<vmem>>, vector<16xf32>,
    %broadcast_in_dim3A_261 = arith.constant 0.000000e+00 : f32
    %broadcast_in_dim3A_262 = vector.broadcast %broadcast_in_dim3A_261 : f32 to vector<16xf32>
    %swap3A_263 = arith.constant 5 : i32
    %swap3A_264 = arith.index_cast %swap3A_263 : i32 to index
    %swap3A_265 = arith.constant 48 : index
    %swap3A_266 = tpu.vector_load %arg7[%swap3A_264, %swap3A_265] {strides = array<i32>} : memref<8x128xf32, #tpu.memory_space<vmem>>, vector<16xf32>,
    tpu.vector_store %arg7[%swap3A_264, %swap3A_265], %broadcast_in_dim3A_262 {strides = array<i32>} : memref<8x128xf32, #tpu.memory_space<vmem>>, vector<16xf32>,
    %broadcast_in_dim3A_267 = arith.constant 0.000000e+00 : f32
    %broadcast_in_dim3A_268 = vector.broadcast %broadcast_in_dim3A_267 : f32 to vector<16xf32>
    %swap3A_269 = arith.constant 5 : i32
    %swap3A_270 = arith.index_cast %swap3A_269 : i32 to index
    %swap3A_271 = arith.constant 64 : index
    %swap3A_272 = tpu.vector_load %arg7[%swap3A_270, %swap3A_271] {strides = array<i32>} : memref<8x128xf32, #tpu.memory_space<vmem>>, vector<16xf32>,
    tpu.vector_store %arg7[%swap3A_270, %swap3A_271], %broadcast_in_dim3A_268 {strides = array<i32>} : memref<8x128xf32, #tpu.memory_space<vmem>>, vector<16xf32>,
    %broadcast_in_dim3A_273 = arith.constant 0.000000e+00 : f32
    %broadcast_in_dim3A_274 = vector.broadcast %broadcast_in_dim3A_273 : f32 to vector<16xf32>
    %swap3A_275 = arith.constant 5 : i32
    %swap3A_276 = arith.index_cast %swap3A_275 : i32 to index
    %swap3A_277 = arith.constant 80 : index
    %swap3A_278 = tpu.vector_load %arg7[%swap3A_276, %swap3A_277] {strides = array<i32>} : memref<8x128xf32, #tpu.memory_space<vmem>>, vector<16xf32>,
    tpu.vector_store %arg7[%swap3A_276, %swap3A_277], %broadcast_in_dim3A_274 {strides = array<i32>} : memref<8x128xf32, #tpu.memory_space<vmem>>, vector<16xf32>,
    %broadcast_in_dim3A_279 = arith.constant 0.000000e+00 : f32
    %broadcast_in_dim3A_280 = vector.broadcast %broadcast_in_dim3A_279 : f32 to vector<16xf32>
    %swap3A_281 = arith.constant 5 : i32
    %swap3A_282 = arith.index_cast %swap3A_281 : i32 to index
    %swap3A_283 = arith.constant 96 : index
    %swap3A_284 = tpu.vector_load %arg7[%swap3A_282, %swap3A_283] {strides = array<i32>} : memref<8x128xf32, #tpu.memory_space<vmem>>, vector<16xf32>,
    tpu.vector_store %arg7[%swap3A_282, %swap3A_283], %broadcast_in_dim3A_280 {strides = array<i32>} : memref<8x128xf32, #tpu.memory_space<vmem>>, vector<16xf32>,
    %broadcast_in_dim3A_285 = arith.constant 0.000000e+00 : f32
    %broadcast_in_dim3A_286 = vector.broadcast %broadcast_in_dim3A_285 : f32 to vector<16xf32>
    %swap3A_287 = arith.constant 5 : i32
    %swap3A_288 = arith.index_cast %swap3A_287 : i32 to index
    %swap3A_289 = arith.constant 112 : index
    %swap3A_290 = tpu.vector_load %arg7[%swap3A_288, %swap3A_289] {strides = array<i32>} : memref<8x128xf32, #tpu.memory_space<vmem>>, vector<16xf32>,
    tpu.vector_store %arg7[%swap3A_288, %swap3A_289], %broadcast_in_dim3A_286 {strides = array<i32>} : memref<8x128xf32, #tpu.memory_space<vmem>>, vector<16xf32>,
    %broadcast_in_dim3A_291 = arith.constant 0.000000e+00 : f32
    %broadcast_in_dim3A_292 = vector.broadcast %broadcast_in_dim3A_291 : f32 to vector<16xf32>
    %swap3A_293 = arith.constant 6 : i32
    %swap3A_294 = arith.index_cast %swap3A_293 : i32 to index
    %swap3A_295 = arith.constant 0 : index
    %swap3A_296 = tpu.vector_load %arg7[%swap3A_294, %swap3A_295] {strides = array<i32>} : memref<8x128xf32, #tpu.memory_space<vmem>>, vector<16xf32>,
    tpu.vector_store %arg7[%swap3A_294, %swap3A_295], %broadcast_in_dim3A_292 {strides = array<i32>} : memref<8x128xf32, #tpu.memory_space<vmem>>, vector<16xf32>,
    %broadcast_in_dim3A_297 = arith.constant 0.000000e+00 : f32
    %broadcast_in_dim3A_298 = vector.broadcast %broadcast_in_dim3A_297 : f32 to vector<16xf32>
    %swap3A_299 = arith.constant 6 : i32
    %swap3A_300 = arith.index_cast %swap3A_299 : i32 to index
    %swap3A_301 = arith.constant 16 : index
    %swap3A_302 = tpu.vector_load %arg7[%swap3A_300, %swap3A_301] {strides = array<i32>} : memref<8x128xf32, #tpu.memory_space<vmem>>, vector<16xf32>,
    tpu.vector_store %arg7[%swap3A_300, %swap3A_301], %broadcast_in_dim3A_298 {strides = array<i32>} : memref<8x128xf32, #tpu.memory_space<vmem>>, vector<16xf32>,
    %broadcast_in_dim3A_303 = arith.constant 0.000000e+00 : f32
    %broadcast_in_dim3A_304 = vector.broadcast %broadcast_in_dim3A_303 : f32 to vector<16xf32>
    %swap3A_305 = arith.constant 6 : i32
    %swap3A_306 = arith.index_cast %swap3A_305 : i32 to index
    %swap3A_307 = arith.constant 32 : index
    %swap3A_308 = tpu.vector_load %arg7[%swap3A_306, %swap3A_307] {strides = array<i32>} : memref<8x128xf32, #tpu.memory_space<vmem>>, vector<16xf32>,
    tpu.vector_store %arg7[%swap3A_306, %swap3A_307], %broadcast_in_dim3A_304 {strides = array<i32>} : memref<8x128xf32, #tpu.memory_space<vmem>>, vector<16xf32>,
    %broadcast_in_dim3A_309 = arith.constant 0.000000e+00 : f32
    %broadcast_in_dim3A_310 = vector.broadcast %broadcast_in_dim3A_309 : f32 to vector<16xf32>
    %swap3A_311 = arith.constant 6 : i32
    %swap3A_312 = arith.index_cast %swap3A_311 : i32 to index
    %swap3A_313 = arith.constant 48 : index
    %swap3A_314 = tpu.vector_load %arg7[%swap3A_312, %swap3A_313] {strides = array<i32>} : memref<8x128xf32, #tpu.memory_space<vmem>>, vector<16xf32>,
    tpu.vector_store %arg7[%swap3A_312, %swap3A_313], %broadcast_in_dim3A_310 {strides = array<i32>} : memref<8x128xf32, #tpu.memory_space<vmem>>, vector<16xf32>,
    %broadcast_in_dim3A_315 = arith.constant 0.000000e+00 : f32
    %broadcast_in_dim3A_316 = vector.broadcast %broadcast_in_dim3A_315 : f32 to vector<16xf32>
    %swap3A_317 = arith.constant 6 : i32
    %swap3A_318 = arith.index_cast %swap3A_317 : i32 to index
    %swap3A_319 = arith.constant 64 : index
    %swap3A_320 = tpu.vector_load %arg7[%swap3A_318, %swap3A_319] {strides = array<i32>} : memref<8x128xf32, #tpu.memory_space<vmem>>, vector<16xf32>,
    tpu.vector_store %arg7[%swap3A_318, %swap3A_319], %broadcast_in_dim3A_316 {strides = array<i32>} : memref<8x128xf32, #tpu.memory_space<vmem>>, vector<16xf32>,
    %broadcast_in_dim3A_321 = arith.constant 0.000000e+00 : f32
    %broadcast_in_dim3A_322 = vector.broadcast %broadcast_in_dim3A_321 : f32 to vector<16xf32>
    %swap3A_323 = arith.constant 6 : i32
    %swap3A_324 = arith.index_cast %swap3A_323 : i32 to index
    %swap3A_325 = arith.constant 80 : index
    %swap3A_326 = tpu.vector_load %arg7[%swap3A_324, %swap3A_325] {strides = array<i32>} : memref<8x128xf32, #tpu.memory_space<vmem>>, vector<16xf32>,
    tpu.vector_store %arg7[%swap3A_324, %swap3A_325], %broadcast_in_dim3A_322 {strides = array<i32>} : memref<8x128xf32, #tpu.memory_space<vmem>>, vector<16xf32>,
    %broadcast_in_dim3A_327 = arith.constant 0.000000e+00 : f32
    %broadcast_in_dim3A_328 = vector.broadcast %broadcast_in_dim3A_327 : f32 to vector<16xf32>
    %swap3A_329 = arith.constant 6 : i32
    %swap3A_330 = arith.index_cast %swap3A_329 : i32 to index
    %swap3A_331 = arith.constant 96 : index
    %swap3A_332 = tpu.vector_load %arg7[%swap3A_330, %swap3A_331] {strides = array<i32>} : memref<8x128xf32, #tpu.memory_space<vmem>>, vector<16xf32>,
    tpu.vector_store %arg7[%swap3A_330, %swap3A_331], %broadcast_in_dim3A_328 {strides = array<i32>} : memref<8x128xf32, #tpu.memory_space<vmem>>, vector<16xf32>,
    %broadcast_in_dim3A_333 = arith.constant 0.000000e+00 : f32
    %broadcast_in_dim3A_334 = vector.broadcast %broadcast_in_dim3A_333 : f32 to vector<16xf32>
    %swap3A_335 = arith.constant 6 : i32
    %swap3A_336 = arith.index_cast %swap3A_335 : i32 to index
    %swap3A_337 = arith.constant 112 : index
    %swap3A_338 = tpu.vector_load %arg7[%swap3A_336, %swap3A_337] {strides = array<i32>} : memref<8x128xf32, #tpu.memory_space<vmem>>, vector<16xf32>,
    tpu.vector_store %arg7[%swap3A_336, %swap3A_337], %broadcast_in_dim3A_334 {strides = array<i32>} : memref<8x128xf32, #tpu.memory_space<vmem>>, vector<16xf32>,
    %broadcast_in_dim3A_339 = arith.constant 0.000000e+00 : f32
    %broadcast_in_dim3A_340 = vector.broadcast %broadcast_in_dim3A_339 : f32 to vector<16xf32>
    %swap3A_341 = arith.constant 7 : i32
    %swap3A_342 = arith.index_cast %swap3A_341 : i32 to index
    %swap3A_343 = arith.constant 0 : index
    %swap3A_344 = tpu.vector_load %arg7[%swap3A_342, %swap3A_343] {strides = array<i32>} : memref<8x128xf32, #tpu.memory_space<vmem>>, vector<16xf32>,
    tpu.vector_store %arg7[%swap3A_342, %swap3A_343], %broadcast_in_dim3A_340 {strides = array<i32>} : memref<8x128xf32, #tpu.memory_space<vmem>>, vector<16xf32>,
    %broadcast_in_dim3A_345 = arith.constant 0.000000e+00 : f32
    %broadcast_in_dim3A_346 = vector.broadcast %broadcast_in_dim3A_345 : f32 to vector<16xf32>
    %swap3A_347 = arith.constant 7 : i32
    %swap3A_348 = arith.index_cast %swap3A_347 : i32 to index
    %swap3A_349 = arith.constant 16 : index
    %swap3A_350 = tpu.vector_load %arg7[%swap3A_348, %swap3A_349] {strides = array<i32>} : memref<8x128xf32, #tpu.memory_space<vmem>>, vector<16xf32>,
    tpu.vector_store %arg7[%swap3A_348, %swap3A_349], %broadcast_in_dim3A_346 {strides = array<i32>} : memref<8x128xf32, #tpu.memory_space<vmem>>, vector<16xf32>,
    %broadcast_in_dim3A_351 = arith.constant 0.000000e+00 : f32
    %broadcast_in_dim3A_352 = vector.broadcast %broadcast_in_dim3A_351 : f32 to vector<16xf32>
    %swap3A_353 = arith.constant 7 : i32
    %swap3A_354 = arith.index_cast %swap3A_353 : i32 to index
    %swap3A_355 = arith.constant 32 : index
    %swap3A_356 = tpu.vector_load %arg7[%swap3A_354, %swap3A_355] {strides = array<i32>} : memref<8x128xf32, #tpu.memory_space<vmem>>, vector<16xf32>,
    tpu.vector_store %arg7[%swap3A_354, %swap3A_355], %broadcast_in_dim3A_352 {strides = array<i32>} : memref<8x128xf32, #tpu.memory_space<vmem>>, vector<16xf32>,
    %broadcast_in_dim3A_357 = arith.constant 0.000000e+00 : f32
    %broadcast_in_dim3A_358 = vector.broadcast %broadcast_in_dim3A_357 : f32 to vector<16xf32>
    %swap3A_359 = arith.constant 7 : i32
    %swap3A_360 = arith.index_cast %swap3A_359 : i32 to index
    %swap3A_361 = arith.constant 48 : index
    %swap3A_362 = tpu.vector_load %arg7[%swap3A_360, %swap3A_361] {strides = array<i32>} : memref<8x128xf32, #tpu.memory_space<vmem>>, vector<16xf32>,
    tpu.vector_store %arg7[%swap3A_360, %swap3A_361], %broadcast_in_dim3A_358 {strides = array<i32>} : memref<8x128xf32, #tpu.memory_space<vmem>>, vector<16xf32>,
    %broadcast_in_dim3A_363 = arith.constant 0.000000e+00 : f32
    %broadcast_in_dim3A_364 = vector.broadcast %broadcast_in_dim3A_363 : f32 to vector<16xf32>
    %swap3A_365 = arith.constant 7 : i32
    %swap3A_366 = arith.index_cast %swap3A_365 : i32 to index
    %swap3A_367 = arith.constant 64 : index
    %swap3A_368 = tpu.vector_load %arg7[%swap3A_366, %swap3A_367] {strides = array<i32>} : memref<8x128xf32, #tpu.memory_space<vmem>>, vector<16xf32>,
    tpu.vector_store %arg7[%swap3A_366, %swap3A_367], %broadcast_in_dim3A_364 {strides = array<i32>} : memref<8x128xf32, #tpu.memory_space<vmem>>, vector<16xf32>,
    %broadcast_in_dim3A_369 = arith.constant 0.000000e+00 : f32
    %broadcast_in_dim3A_370 = vector.broadcast %broadcast_in_dim3A_369 : f32 to vector<16xf32>
    %swap3A_371 = arith.constant 7 : i32
    %swap3A_372 = arith.index_cast %swap3A_371 : i32 to index
    %swap3A_373 = arith.constant 80 : index
    %swap3A_374 = tpu.vector_load %arg7[%swap3A_372, %swap3A_373] {strides = array<i32>} : memref<8x128xf32, #tpu.memory_space<vmem>>, vector<16xf32>,
    tpu.vector_store %arg7[%swap3A_372, %swap3A_373], %broadcast_in_dim3A_370 {strides = array<i32>} : memref<8x128xf32, #tpu.memory_space<vmem>>, vector<16xf32>,
    %broadcast_in_dim3A_375 = arith.constant 0.000000e+00 : f32
    %broadcast_in_dim3A_376 = vector.broadcast %broadcast_in_dim3A_375 : f32 to vector<16xf32>
    %swap3A_377 = arith.constant 7 : i32
    %swap3A_378 = arith.index_cast %swap3A_377 : i32 to index
    %swap3A_379 = arith.constant 96 : index
    %swap3A_380 = tpu.vector_load %arg7[%swap3A_378, %swap3A_379] {strides = array<i32>} : memref<8x128xf32, #tpu.memory_space<vmem>>, vector<16xf32>,
    tpu.vector_store %arg7[%swap3A_378, %swap3A_379], %broadcast_in_dim3A_376 {strides = array<i32>} : memref<8x128xf32, #tpu.memory_space<vmem>>, vector<16xf32>,
    %broadcast_in_dim3A_381 = arith.constant 0.000000e+00 : f32
    %broadcast_in_dim3A_382 = vector.broadcast %broadcast_in_dim3A_381 : f32 to vector<16xf32>
    %swap3A_383 = arith.constant 7 : i32
    %swap3A_384 = arith.index_cast %swap3A_383 : i32 to index
    %swap3A_385 = arith.constant 112 : index
    %swap3A_386 = tpu.vector_load %arg7[%swap3A_384, %swap3A_385] {strides = array<i32>} : memref<8x128xf32, #tpu.memory_space<vmem>>, vector<16xf32>,
    tpu.vector_store %arg7[%swap3A_384, %swap3A_385], %broadcast_in_dim3A_382 {strides = array<i32>} : memref<8x128xf32, #tpu.memory_space<vmem>>, vector<16xf32>,
    %iota3A = tpu.iota {dimensions = array<i32: 0>} : vector<16xi32>
    %add3A_387 = arith.constant 0 : i32
    %add3A_388 = vector.broadcast %add3A_387 : i32 to vector<16xi32>
    %add3A_389 = arith.addi %iota3A, %add3A_388 : vector<16xi32>
    %swap3A_390 = arith.constant 0 : index
    %swap3A_391 = tpu.vector_load %arg6[%swap3A_390] {strides = array<i32>} : memref<80xi32, #tpu.memory_space<vmem>>, vector<16xi32>,
    tpu.vector_store %arg6[%swap3A_390], %add3A_389 {strides = array<i32>} : memref<80xi32, #tpu.memory_space<vmem>>, vector<16xi32>,
    %iota3A_392 = tpu.iota {dimensions = array<i32: 0>} : vector<16xi32>
    %add3A_393 = arith.constant 16 : i32
    %add3A_394 = vector.broadcast %add3A_393 : i32 to vector<16xi32>
    %add3A_395 = arith.addi %iota3A_392, %add3A_394 : vector<16xi32>
    %swap3A_396 = arith.constant 16 : index
    %swap3A_397 = tpu.vector_load %arg6[%swap3A_396] {strides = array<i32>} : memref<80xi32, #tpu.memory_space<vmem>>, vector<16xi32>,
    tpu.vector_store %arg6[%swap3A_396], %add3A_395 {strides = array<i32>} : memref<80xi32, #tpu.memory_space<vmem>>, vector<16xi32>,
    %iota3A_398 = tpu.iota {dimensions = array<i32: 0>} : vector<16xi32>
    %add3A_399 = arith.constant 32 : i32
    %add3A_400 = vector.broadcast %add3A_399 : i32 to vector<16xi32>
    %add3A_401 = arith.addi %iota3A_398, %add3A_400 : vector<16xi32>
    %swap3A_402 = arith.constant 32 : index
    %swap3A_403 = tpu.vector_load %arg6[%swap3A_402] {strides = array<i32>} : memref<80xi32, #tpu.memory_space<vmem>>, vector<16xi32>,
    tpu.vector_store %arg6[%swap3A_402], %add3A_401 {strides = array<i32>} : memref<80xi32, #tpu.memory_space<vmem>>, vector<16xi32>,
    %iota3A_404 = tpu.iota {dimensions = array<i32: 0>} : vector<16xi32>
    %add3A_405 = arith.constant 48 : i32
    %add3A_406 = vector.broadcast %add3A_405 : i32 to vector<16xi32>
    %add3A_407 = arith.addi %iota3A_404, %add3A_406 : vector<16xi32>
    %swap3A_408 = arith.constant 48 : index
    %swap3A_409 = tpu.vector_load %arg6[%swap3A_408] {strides = array<i32>} : memref<80xi32, #tpu.memory_space<vmem>>, vector<16xi32>,
    tpu.vector_store %arg6[%swap3A_408], %add3A_407 {strides = array<i32>} : memref<80xi32, #tpu.memory_space<vmem>>, vector<16xi32>,
    %iota3A_410 = tpu.iota {dimensions = array<i32: 0>} : vector<16xi32>
    %add3A_411 = arith.constant 64 : i32
    %add3A_412 = vector.broadcast %add3A_411 : i32 to vector<16xi32>
    %add3A_413 = arith.addi %iota3A_410, %add3A_412 : vector<16xi32>
    %swap3A_414 = arith.constant 64 : index
    %swap3A_415 = tpu.vector_load %arg6[%swap3A_414] {strides = array<i32>} : memref<80xi32, #tpu.memory_space<vmem>>, vector<16xi32>,
    tpu.vector_store %arg6[%swap3A_414], %add3A_413 {strides = array<i32>} : memref<80xi32, #tpu.memory_space<vmem>>, vector<16xi32>,
    %lt3A = arith.constant 10 : i32
    %lt3A_416 = arith.cmpi slt, %arg1, %lt3A : i32
    %convert_element_type3A = arith.extui %lt3A_416 : i1 to i32
    %cond3A = arith.constant 0 : i32
    %cond3A_417 = arith.cmpi ne, %convert_element_type3A, %cond3A : i32
    scf.if %cond3A_417 {
      %mul3A_436 = arith.constant 8 : i32
      %mul3A_437 = arith.muli %arg1, %mul3A_436 : i32
      "tpu.region"() ({
        %run_scoped3A = tpu.sem_alloc : memref<!tpu.dma_semaphore, #tpu.memory_space<semaphore_mem>>
        %dma_start3A = arith.constant 0 : i32
        %dma_start3A_438 = tpu.memref_slice %arg8[%mul3A_437, %dma_start3A] : memref<80x128xf32, #tpu.memory_space<vmem_shared>> -> memref<8x128xf32, #tpu.memory_space<vmem_shared>>
        %dma_start3A_439 = arith.constant 0 : i32
        %dma_start3A_440 = tpu.memref_slice %arg8[%mul3A_437, %dma_start3A_439] : memref<80x128xf32, #tpu.memory_space<vmem_shared>> -> memref<8x128xf32, #tpu.memory_space<vmem_shared>>
        tpu.enqueue_dma source(%arg7 : memref<8x128xf32, #tpu.memory_space<vmem>>) target(%dma_start3A_440 : memref<8x128xf32, #tpu.memory_space<vmem_shared>>) target_semaphore(%run_scoped3A : memref<!tpu.dma_semaphore, #tpu.memory_space<semaphore_mem>>)
        %dma_wait3A = arith.constant 0 : i32
        %dma_wait3A_441 = tpu.memref_slice %arg8[%mul3A_437, %dma_wait3A] : memref<80x128xf32, #tpu.memory_space<vmem_shared>> -> memref<8x128xf32, #tpu.memory_space<vmem_shared>>
        %dma_wait3A_442 = arith.constant 0 : i32
        %dma_wait3A_443 = tpu.memref_slice %arg8[%mul3A_437, %dma_wait3A_442] : memref<80x128xf32, #tpu.memory_space<vmem_shared>> -> memref<8x128xf32, #tpu.memory_space<vmem_shared>>
        tpu.wait_dma2 semaphore(%run_scoped3A : memref<!tpu.dma_semaphore, #tpu.memory_space<semaphore_mem>>) src(%arg7 : memref<8x128xf32, #tpu.memory_space<vmem>>) dst(%dma_wait3A_443 : memref<8x128xf32, #tpu.memory_space<vmem_shared>>)
        tpu.yield
      }) : () -> ()
    } else {
    }
    %barrier3A = arith.constant 0 : index
    tpu.barrier barrier_id(%barrier3A)
    %broadcast_in_dim3A_418 = arith.constant 1.000000e+00 : f32
    %broadcast_in_dim3A_419 = vector.broadcast %broadcast_in_dim3A_418 : f32 to vector<16xf32>
    "tpu.region"() ({
      %run_scoped3A = tpu.sem_alloc : memref<!tpu.dma_semaphore, #tpu.memory_space<semaphore_mem>>
      %dma_start3A = arith.constant 0 : i32
      %dma_start3A_436 = arith.constant 0 : i32
      %dma_start3A_437 = tpu.memref_slice %arg2[%add3A, %dma_start3A, %dma_start3A_436] : memref<32x80x128xi32, #tpu.memory_space<hbm>> -> memref<1x40x128xi32, #tpu.memory_space<hbm>>
      %dma_start3A_438 = tpu.memref_squeeze %dma_start3A_437 : memref<1x40x128xi32, #tpu.memory_space<hbm>> -> memref<40x128xi32, #tpu.memory_space<hbm>>
      %dma_start3A_439 = arith.constant 0 : i32
      %dma_start3A_440 = arith.constant 0 : i32
      %dma_start3A_441 = tpu.memref_slice %arg2[%add3A, %dma_start3A_439, %dma_start3A_440] : memref<32x80x128xi32, #tpu.memory_space<hbm>> -> memref<1x40x128xi32, #tpu.memory_space<hbm>>
      %dma_start3A_442 = tpu.memref_squeeze %dma_start3A_441 : memref<1x40x128xi32, #tpu.memory_space<hbm>> -> memref<40x128xi32, #tpu.memory_space<hbm>>
      tpu.enqueue_dma source(%dma_start3A_442 : memref<40x128xi32, #tpu.memory_space<hbm>>) target(%arg4 : memref<40x128xi32, #tpu.memory_space<vmem>>) target_semaphore(%run_scoped3A : memref<!tpu.dma_semaphore, #tpu.memory_space<semaphore_mem>>)
      %dma_wait3A = arith.constant 0 : i32
      %dma_wait3A_443 = arith.constant 0 : i32
      %dma_wait3A_444 = tpu.memref_slice %arg2[%add3A, %dma_wait3A, %dma_wait3A_443] : memref<32x80x128xi32, #tpu.memory_space<hbm>> -> memref<1x40x128xi32, #tpu.memory_space<hbm>>
      %dma_wait3A_445 = tpu.memref_squeeze %dma_wait3A_444 : memref<1x40x128xi32, #tpu.memory_space<hbm>> -> memref<40x128xi32, #tpu.memory_space<hbm>>
      %dma_wait3A_446 = arith.constant 0 : i32
      %dma_wait3A_447 = arith.constant 0 : i32
      %dma_wait3A_448 = tpu.memref_slice %arg2[%add3A, %dma_wait3A_446, %dma_wait3A_447] : memref<32x80x128xi32, #tpu.memory_space<hbm>> -> memref<1x40x128xi32, #tpu.memory_space<hbm>>
      %dma_wait3A_449 = tpu.memref_squeeze %dma_wait3A_448 : memref<1x40x128xi32, #tpu.memory_space<hbm>> -> memref<40x128xi32, #tpu.memory_space<hbm>>
      tpu.wait_dma2 semaphore(%run_scoped3A : memref<!tpu.dma_semaphore, #tpu.memory_space<semaphore_mem>>) src(%dma_wait3A_449 : memref<40x128xi32, #tpu.memory_space<hbm>>) dst(%arg4 : memref<40x128xi32, #tpu.memory_space<vmem>>)
      tpu.yield
    }) : () -> ()
    %scan3A_420 = arith.constant 0 : i32
    %scan3A_421 = arith.constant 40 : i32
    %scan3A_422 = arith.addi %scan3A_420, %scan3A_421 : i32
    %scan3A_423 = arith.constant 1 : i32
    scf.for %scan3A_436 = %scan3A_420 to %scan3A_422 step %scan3A_423  : i32 {
      %mul3A_437 = arith.constant 1 : i32
      %mul3A_438 = arith.muli %scan3A_436, %mul3A_437 : i32
      %add3A_439 = arith.constant 0 : i32
      %add3A_440 = arith.addi %add3A_439, %mul3A_438 : i32
      %get3A = arith.index_cast %add3A_440 : i32 to index
      %get3A_441 = arith.constant 0 : index
      %get3A_442 = tpu.vector_load %arg4[%get3A, %get3A_441] {strides = array<i32>} : memref<40x128xi32, #tpu.memory_space<vmem>>, vector<16xi32>,
      %shift_right_arithmetic3A = arith.constant 7 : i32
      %shift_right_arithmetic3A_443 = vector.broadcast %shift_right_arithmetic3A : i32 to vector<16xi32>
      %shift_right_arithmetic3A_444 = arith.shrsi %get3A_442, %shift_right_arithmetic3A_443 : vector<16xi32>
      %and3A = arith.constant 127 : i32
      %and3A_445 = vector.broadcast %and3A : i32 to vector<16xi32>
      %and3A_446 = arith.andi %get3A_442, %and3A_445 : vector<16xi32>
      tpu.vector_store_idx %arg5[%shift_right_arithmetic3A_444, %and3A_446], %broadcast_in_dim3A_419 {add = true} : memref<80x128xf32, #tpu.memory_space<vmem>>[vector<16xi32>, vector<16xi32>], vector<16xf32>,
      %get3A_447 = arith.index_cast %add3A_440 : i32 to index
      %get3A_448 = arith.constant 16 : index
      %get3A_449 = tpu.vector_load %arg4[%get3A_447, %get3A_448] {strides = array<i32>} : memref<40x128xi32, #tpu.memory_space<vmem>>, vector<16xi32>,
      %shift_right_arithmetic3A_450 = arith.constant 7 : i32
      %shift_right_arithmetic3A_451 = vector.broadcast %shift_right_arithmetic3A_450 : i32 to vector<16xi32>
      %shift_right_arithmetic3A_452 = arith.shrsi %get3A_449, %shift_right_arithmetic3A_451 : vector<16xi32>
      %and3A_453 = arith.constant 127 : i32
      %and3A_454 = vector.broadcast %and3A_453 : i32 to vector<16xi32>
      %and3A_455 = arith.andi %get3A_449, %and3A_454 : vector<16xi32>
      tpu.vector_store_idx %arg5[%shift_right_arithmetic3A_452, %and3A_455], %broadcast_in_dim3A_419 {add = true} : memref<80x128xf32, #tpu.memory_space<vmem>>[vector<16xi32>, vector<16xi32>], vector<16xf32>,
      %get3A_456 = arith.index_cast %add3A_440 : i32 to index
      %get3A_457 = arith.constant 32 : index
      %get3A_458 = tpu.vector_load %arg4[%get3A_456, %get3A_457] {strides = array<i32>} : memref<40x128xi32, #tpu.memory_space<vmem>>, vector<16xi32>,
      %shift_right_arithmetic3A_459 = arith.constant 7 : i32
      %shift_right_arithmetic3A_460 = vector.broadcast %shift_right_arithmetic3A_459 : i32 to vector<16xi32>
      %shift_right_arithmetic3A_461 = arith.shrsi %get3A_458, %shift_right_arithmetic3A_460 : vector<16xi32>
      %and3A_462 = arith.constant 127 : i32
      %and3A_463 = vector.broadcast %and3A_462 : i32 to vector<16xi32>
      %and3A_464 = arith.andi %get3A_458, %and3A_463 : vector<16xi32>
      tpu.vector_store_idx %arg5[%shift_right_arithmetic3A_461, %and3A_464], %broadcast_in_dim3A_419 {add = true} : memref<80x128xf32, #tpu.memory_space<vmem>>[vector<16xi32>, vector<16xi32>], vector<16xf32>,
      %get3A_465 = arith.index_cast %add3A_440 : i32 to index
      %get3A_466 = arith.constant 48 : index
      %get3A_467 = tpu.vector_load %arg4[%get3A_465, %get3A_466] {strides = array<i32>} : memref<40x128xi32, #tpu.memory_space<vmem>>, vector<16xi32>,
      %shift_right_arithmetic3A_468 = arith.constant 7 : i32
      %shift_right_arithmetic3A_469 = vector.broadcast %shift_right_arithmetic3A_468 : i32 to vector<16xi32>
      %shift_right_arithmetic3A_470 = arith.shrsi %get3A_467, %shift_right_arithmetic3A_469 : vector<16xi32>
      %and3A_471 = arith.constant 127 : i32
      %and3A_472 = vector.broadcast %and3A_471 : i32 to vector<16xi32>
      %and3A_473 = arith.andi %get3A_467, %and3A_472 : vector<16xi32>
      tpu.vector_store_idx %arg5[%shift_right_arithmetic3A_470, %and3A_473], %broadcast_in_dim3A_419 {add = true} : memref<80x128xf32, #tpu.memory_space<vmem>>[vector<16xi32>, vector<16xi32>], vector<16xf32>,
      %get3A_474 = arith.index_cast %add3A_440 : i32 to index
      %get3A_475 = arith.constant 64 : index
      %get3A_476 = tpu.vector_load %arg4[%get3A_474, %get3A_475] {strides = array<i32>} : memref<40x128xi32, #tpu.memory_space<vmem>>, vector<16xi32>,
      %shift_right_arithmetic3A_477 = arith.constant 7 : i32
      %shift_right_arithmetic3A_478 = vector.broadcast %shift_right_arithmetic3A_477 : i32 to vector<16xi32>
      %shift_right_arithmetic3A_479 = arith.shrsi %get3A_476, %shift_right_arithmetic3A_478 : vector<16xi32>
      %and3A_480 = arith.constant 127 : i32
      %and3A_481 = vector.broadcast %and3A_480 : i32 to vector<16xi32>
      %and3A_482 = arith.andi %get3A_476, %and3A_481 : vector<16xi32>
      tpu.vector_store_idx %arg5[%shift_right_arithmetic3A_479, %and3A_482], %broadcast_in_dim3A_419 {add = true} : memref<80x128xf32, #tpu.memory_space<vmem>>[vector<16xi32>, vector<16xi32>], vector<16xf32>,
      %get3A_483 = arith.index_cast %add3A_440 : i32 to index
      %get3A_484 = arith.constant 80 : index
      %get3A_485 = tpu.vector_load %arg4[%get3A_483, %get3A_484] {strides = array<i32>} : memref<40x128xi32, #tpu.memory_space<vmem>>, vector<16xi32>,
      %shift_right_arithmetic3A_486 = arith.constant 7 : i32
      %shift_right_arithmetic3A_487 = vector.broadcast %shift_right_arithmetic3A_486 : i32 to vector<16xi32>
      %shift_right_arithmetic3A_488 = arith.shrsi %get3A_485, %shift_right_arithmetic3A_487 : vector<16xi32>
      %and3A_489 = arith.constant 127 : i32
      %and3A_490 = vector.broadcast %and3A_489 : i32 to vector<16xi32>
      %and3A_491 = arith.andi %get3A_485, %and3A_490 : vector<16xi32>
      tpu.vector_store_idx %arg5[%shift_right_arithmetic3A_488, %and3A_491], %broadcast_in_dim3A_419 {add = true} : memref<80x128xf32, #tpu.memory_space<vmem>>[vector<16xi32>, vector<16xi32>], vector<16xf32>,
      %get3A_492 = arith.index_cast %add3A_440 : i32 to index
      %get3A_493 = arith.constant 96 : index
      %get3A_494 = tpu.vector_load %arg4[%get3A_492, %get3A_493] {strides = array<i32>} : memref<40x128xi32, #tpu.memory_space<vmem>>, vector<16xi32>,
      %shift_right_arithmetic3A_495 = arith.constant 7 : i32
      %shift_right_arithmetic3A_496 = vector.broadcast %shift_right_arithmetic3A_495 : i32 to vector<16xi32>
      %shift_right_arithmetic3A_497 = arith.shrsi %get3A_494, %shift_right_arithmetic3A_496 : vector<16xi32>
      %and3A_498 = arith.constant 127 : i32
      %and3A_499 = vector.broadcast %and3A_498 : i32 to vector<16xi32>
      %and3A_500 = arith.andi %get3A_494, %and3A_499 : vector<16xi32>
      tpu.vector_store_idx %arg5[%shift_right_arithmetic3A_497, %and3A_500], %broadcast_in_dim3A_419 {add = true} : memref<80x128xf32, #tpu.memory_space<vmem>>[vector<16xi32>, vector<16xi32>], vector<16xf32>,
      %get3A_501 = arith.index_cast %add3A_440 : i32 to index
      %get3A_502 = arith.constant 112 : index
      %get3A_503 = tpu.vector_load %arg4[%get3A_501, %get3A_502] {strides = array<i32>} : memref<40x128xi32, #tpu.memory_space<vmem>>, vector<16xi32>,
      %shift_right_arithmetic3A_504 = arith.constant 7 : i32
      %shift_right_arithmetic3A_505 = vector.broadcast %shift_right_arithmetic3A_504 : i32 to vector<16xi32>
      %shift_right_arithmetic3A_506 = arith.shrsi %get3A_503, %shift_right_arithmetic3A_505 : vector<16xi32>
      %and3A_507 = arith.constant 127 : i32
      %and3A_508 = vector.broadcast %and3A_507 : i32 to vector<16xi32>
      %and3A_509 = arith.andi %get3A_503, %and3A_508 : vector<16xi32>
      tpu.vector_store_idx %arg5[%shift_right_arithmetic3A_506, %and3A_509], %broadcast_in_dim3A_419 {add = true} : memref<80x128xf32, #tpu.memory_space<vmem>>[vector<16xi32>, vector<16xi32>], vector<16xf32>,
    }
    %scan3A_424 = arith.constant 40 : i32
    "tpu.region"() ({
      %run_scoped3A = tpu.sem_alloc : memref<!tpu.dma_semaphore, #tpu.memory_space<semaphore_mem>>
      %dma_start3A = arith.constant 40 : i32
      %dma_start3A_436 = arith.constant 0 : i32
      %dma_start3A_437 = tpu.memref_slice %arg2[%add3A, %dma_start3A, %dma_start3A_436] : memref<32x80x128xi32, #tpu.memory_space<hbm>> -> memref<1x40x128xi32, #tpu.memory_space<hbm>>
      %dma_start3A_438 = tpu.memref_squeeze %dma_start3A_437 : memref<1x40x128xi32, #tpu.memory_space<hbm>> -> memref<40x128xi32, #tpu.memory_space<hbm>>
      %dma_start3A_439 = arith.constant 40 : i32
      %dma_start3A_440 = arith.constant 0 : i32
      %dma_start3A_441 = tpu.memref_slice %arg2[%add3A, %dma_start3A_439, %dma_start3A_440] : memref<32x80x128xi32, #tpu.memory_space<hbm>> -> memref<1x40x128xi32, #tpu.memory_space<hbm>>
      %dma_start3A_442 = tpu.memref_squeeze %dma_start3A_441 : memref<1x40x128xi32, #tpu.memory_space<hbm>> -> memref<40x128xi32, #tpu.memory_space<hbm>>
      tpu.enqueue_dma source(%dma_start3A_442 : memref<40x128xi32, #tpu.memory_space<hbm>>) target(%arg4 : memref<40x128xi32, #tpu.memory_space<vmem>>) target_semaphore(%run_scoped3A : memref<!tpu.dma_semaphore, #tpu.memory_space<semaphore_mem>>)
      %dma_wait3A = arith.constant 40 : i32
      %dma_wait3A_443 = arith.constant 0 : i32
      %dma_wait3A_444 = tpu.memref_slice %arg2[%add3A, %dma_wait3A, %dma_wait3A_443] : memref<32x80x128xi32, #tpu.memory_space<hbm>> -> memref<1x40x128xi32, #tpu.memory_space<hbm>>
      %dma_wait3A_445 = tpu.memref_squeeze %dma_wait3A_444 : memref<1x40x128xi32, #tpu.memory_space<hbm>> -> memref<40x128xi32, #tpu.memory_space<hbm>>
      %dma_wait3A_446 = arith.constant 40 : i32
      %dma_wait3A_447 = arith.constant 0 : i32
      %dma_wait3A_448 = tpu.memref_slice %arg2[%add3A, %dma_wait3A_446, %dma_wait3A_447] : memref<32x80x128xi32, #tpu.memory_space<hbm>> -> memref<1x40x128xi32, #tpu.memory_space<hbm>>
      %dma_wait3A_449 = tpu.memref_squeeze %dma_wait3A_448 : memref<1x40x128xi32, #tpu.memory_space<hbm>> -> memref<40x128xi32, #tpu.memory_space<hbm>>
      tpu.wait_dma2 semaphore(%run_scoped3A : memref<!tpu.dma_semaphore, #tpu.memory_space<semaphore_mem>>) src(%dma_wait3A_449 : memref<40x128xi32, #tpu.memory_space<hbm>>) dst(%arg4 : memref<40x128xi32, #tpu.memory_space<vmem>>)
      tpu.yield
    }) : () -> ()
    %scan3A_425 = arith.constant 0 : i32
    %scan3A_426 = arith.constant 40 : i32
    %scan3A_427 = arith.addi %scan3A_425, %scan3A_426 : i32
    %scan3A_428 = arith.constant 1 : i32
    scf.for %scan3A_436 = %scan3A_425 to %scan3A_427 step %scan3A_428  : i32 {
      %mul3A_437 = arith.constant 1 : i32
      %mul3A_438 = arith.muli %scan3A_436, %mul3A_437 : i32
      %add3A_439 = arith.constant 0 : i32
      %add3A_440 = arith.addi %add3A_439, %mul3A_438 : i32
      %get3A = arith.index_cast %add3A_440 : i32 to index
      %get3A_441 = arith.constant 0 : index
      %get3A_442 = tpu.vector_load %arg4[%get3A, %get3A_441] {strides = array<i32>} : memref<40x128xi32, #tpu.memory_space<vmem>>, vector<16xi32>,
      %shift_right_arithmetic3A = arith.constant 7 : i32
      %shift_right_arithmetic3A_443 = vector.broadcast %shift_right_arithmetic3A : i32 to vector<16xi32>
      %shift_right_arithmetic3A_444 = arith.shrsi %get3A_442, %shift_right_arithmetic3A_443 : vector<16xi32>
      %and3A = arith.constant 127 : i32
      %and3A_445 = vector.broadcast %and3A : i32 to vector<16xi32>
      %and3A_446 = arith.andi %get3A_442, %and3A_445 : vector<16xi32>
      tpu.vector_store_idx %arg5[%shift_right_arithmetic3A_444, %and3A_446], %broadcast_in_dim3A_419 {add = true} : memref<80x128xf32, #tpu.memory_space<vmem>>[vector<16xi32>, vector<16xi32>], vector<16xf32>,
      %get3A_447 = arith.index_cast %add3A_440 : i32 to index
      %get3A_448 = arith.constant 16 : index
      %get3A_449 = tpu.vector_load %arg4[%get3A_447, %get3A_448] {strides = array<i32>} : memref<40x128xi32, #tpu.memory_space<vmem>>, vector<16xi32>,
      %shift_right_arithmetic3A_450 = arith.constant 7 : i32
      %shift_right_arithmetic3A_451 = vector.broadcast %shift_right_arithmetic3A_450 : i32 to vector<16xi32>
      %shift_right_arithmetic3A_452 = arith.shrsi %get3A_449, %shift_right_arithmetic3A_451 : vector<16xi32>
      %and3A_453 = arith.constant 127 : i32
      %and3A_454 = vector.broadcast %and3A_453 : i32 to vector<16xi32>
      %and3A_455 = arith.andi %get3A_449, %and3A_454 : vector<16xi32>
      tpu.vector_store_idx %arg5[%shift_right_arithmetic3A_452, %and3A_455], %broadcast_in_dim3A_419 {add = true} : memref<80x128xf32, #tpu.memory_space<vmem>>[vector<16xi32>, vector<16xi32>], vector<16xf32>,
      %get3A_456 = arith.index_cast %add3A_440 : i32 to index
      %get3A_457 = arith.constant 32 : index
      %get3A_458 = tpu.vector_load %arg4[%get3A_456, %get3A_457] {strides = array<i32>} : memref<40x128xi32, #tpu.memory_space<vmem>>, vector<16xi32>,
      %shift_right_arithmetic3A_459 = arith.constant 7 : i32
      %shift_right_arithmetic3A_460 = vector.broadcast %shift_right_arithmetic3A_459 : i32 to vector<16xi32>
      %shift_right_arithmetic3A_461 = arith.shrsi %get3A_458, %shift_right_arithmetic3A_460 : vector<16xi32>
      %and3A_462 = arith.constant 127 : i32
      %and3A_463 = vector.broadcast %and3A_462 : i32 to vector<16xi32>
      %and3A_464 = arith.andi %get3A_458, %and3A_463 : vector<16xi32>
      tpu.vector_store_idx %arg5[%shift_right_arithmetic3A_461, %and3A_464], %broadcast_in_dim3A_419 {add = true} : memref<80x128xf32, #tpu.memory_space<vmem>>[vector<16xi32>, vector<16xi32>], vector<16xf32>,
      %get3A_465 = arith.index_cast %add3A_440 : i32 to index
      %get3A_466 = arith.constant 48 : index
      %get3A_467 = tpu.vector_load %arg4[%get3A_465, %get3A_466] {strides = array<i32>} : memref<40x128xi32, #tpu.memory_space<vmem>>, vector<16xi32>,
      %shift_right_arithmetic3A_468 = arith.constant 7 : i32
      %shift_right_arithmetic3A_469 = vector.broadcast %shift_right_arithmetic3A_468 : i32 to vector<16xi32>
      %shift_right_arithmetic3A_470 = arith.shrsi %get3A_467, %shift_right_arithmetic3A_469 : vector<16xi32>
      %and3A_471 = arith.constant 127 : i32
      %and3A_472 = vector.broadcast %and3A_471 : i32 to vector<16xi32>
      %and3A_473 = arith.andi %get3A_467, %and3A_472 : vector<16xi32>
      tpu.vector_store_idx %arg5[%shift_right_arithmetic3A_470, %and3A_473], %broadcast_in_dim3A_419 {add = true} : memref<80x128xf32, #tpu.memory_space<vmem>>[vector<16xi32>, vector<16xi32>], vector<16xf32>,
      %get3A_474 = arith.index_cast %add3A_440 : i32 to index
      %get3A_475 = arith.constant 64 : index
      %get3A_476 = tpu.vector_load %arg4[%get3A_474, %get3A_475] {strides = array<i32>} : memref<40x128xi32, #tpu.memory_space<vmem>>, vector<16xi32>,
      %shift_right_arithmetic3A_477 = arith.constant 7 : i32
      %shift_right_arithmetic3A_478 = vector.broadcast %shift_right_arithmetic3A_477 : i32 to vector<16xi32>
      %shift_right_arithmetic3A_479 = arith.shrsi %get3A_476, %shift_right_arithmetic3A_478 : vector<16xi32>
      %and3A_480 = arith.constant 127 : i32
      %and3A_481 = vector.broadcast %and3A_480 : i32 to vector<16xi32>
      %and3A_482 = arith.andi %get3A_476, %and3A_481 : vector<16xi32>
      tpu.vector_store_idx %arg5[%shift_right_arithmetic3A_479, %and3A_482], %broadcast_in_dim3A_419 {add = true} : memref<80x128xf32, #tpu.memory_space<vmem>>[vector<16xi32>, vector<16xi32>], vector<16xf32>,
      %get3A_483 = arith.index_cast %add3A_440 : i32 to index
      %get3A_484 = arith.constant 80 : index
      %get3A_485 = tpu.vector_load %arg4[%get3A_483, %get3A_484] {strides = array<i32>} : memref<40x128xi32, #tpu.memory_space<vmem>>, vector<16xi32>,
      %shift_right_arithmetic3A_486 = arith.constant 7 : i32
      %shift_right_arithmetic3A_487 = vector.broadcast %shift_right_arithmetic3A_486 : i32 to vector<16xi32>
      %shift_right_arithmetic3A_488 = arith.shrsi %get3A_485, %shift_right_arithmetic3A_487 : vector<16xi32>
      %and3A_489 = arith.constant 127 : i32
      %and3A_490 = vector.broadcast %and3A_489 : i32 to vector<16xi32>
      %and3A_491 = arith.andi %get3A_485, %and3A_490 : vector<16xi32>
      tpu.vector_store_idx %arg5[%shift_right_arithmetic3A_488, %and3A_491], %broadcast_in_dim3A_419 {add = true} : memref<80x128xf32, #tpu.memory_space<vmem>>[vector<16xi32>, vector<16xi32>], vector<16xf32>,
      %get3A_492 = arith.index_cast %add3A_440 : i32 to index
      %get3A_493 = arith.constant 96 : index
      %get3A_494 = tpu.vector_load %arg4[%get3A_492, %get3A_493] {strides = array<i32>} : memref<40x128xi32, #tpu.memory_space<vmem>>, vector<16xi32>,
      %shift_right_arithmetic3A_495 = arith.constant 7 : i32
      %shift_right_arithmetic3A_496 = vector.broadcast %shift_right_arithmetic3A_495 : i32 to vector<16xi32>
      %shift_right_arithmetic3A_497 = arith.shrsi %get3A_494, %shift_right_arithmetic3A_496 : vector<16xi32>
      %and3A_498 = arith.constant 127 : i32
      %and3A_499 = vector.broadcast %and3A_498 : i32 to vector<16xi32>
      %and3A_500 = arith.andi %get3A_494, %and3A_499 : vector<16xi32>
      tpu.vector_store_idx %arg5[%shift_right_arithmetic3A_497, %and3A_500], %broadcast_in_dim3A_419 {add = true} : memref<80x128xf32, #tpu.memory_space<vmem>>[vector<16xi32>, vector<16xi32>], vector<16xf32>,
      %get3A_501 = arith.index_cast %add3A_440 : i32 to index
      %get3A_502 = arith.constant 112 : index
      %get3A_503 = tpu.vector_load %arg4[%get3A_501, %get3A_502] {strides = array<i32>} : memref<40x128xi32, #tpu.memory_space<vmem>>, vector<16xi32>,
      %shift_right_arithmetic3A_504 = arith.constant 7 : i32
      %shift_right_arithmetic3A_505 = vector.broadcast %shift_right_arithmetic3A_504 : i32 to vector<16xi32>
      %shift_right_arithmetic3A_506 = arith.shrsi %get3A_503, %shift_right_arithmetic3A_505 : vector<16xi32>
      %and3A_507 = arith.constant 127 : i32
      %and3A_508 = vector.broadcast %and3A_507 : i32 to vector<16xi32>
      %and3A_509 = arith.andi %get3A_503, %and3A_508 : vector<16xi32>
      tpu.vector_store_idx %arg5[%shift_right_arithmetic3A_506, %and3A_509], %broadcast_in_dim3A_419 {add = true} : memref<80x128xf32, #tpu.memory_space<vmem>>[vector<16xi32>, vector<16xi32>], vector<16xf32>,
    }
    %scan3A_429 = arith.constant 40 : i32
    "tpu.region"() ({
      %run_scoped3A = tpu.sem_alloc : memref<!tpu.dma_semaphore, #tpu.memory_space<semaphore_mem>>
      %dma_start3A = arith.constant 0 : i32
      %dma_start3A_436 = arith.constant 0 : i32
      %dma_start3A_437 = tpu.memref_slice %arg8[%dma_start3A, %dma_start3A_436] : memref<80x128xf32, #tpu.memory_space<vmem_shared>> -> memref<80x128xf32, #tpu.memory_space<vmem_shared>>
      tpu.enqueue_indirect_dma source(%arg5 : memref<80x128xf32, #tpu.memory_space<vmem>>) target(%dma_start3A_437 : memref<80x128xf32, #tpu.memory_space<vmem_shared>>) offsets(%arg6 : memref<80xi32, #tpu.memory_space<vmem>>) semaphore(%run_scoped3A : memref<!tpu.dma_semaphore, #tpu.memory_space<semaphore_mem>>) {add = true}
      %dma_wait3A = arith.constant 0 : i32
      %dma_wait3A_438 = arith.constant 0 : i32
      %dma_wait3A_439 = tpu.memref_slice %arg8[%dma_wait3A, %dma_wait3A_438] : memref<80x128xf32, #tpu.memory_space<vmem_shared>> -> memref<80x128xf32, #tpu.memory_space<vmem_shared>>
      tpu.wait_indirect_dma semaphore(%run_scoped3A : memref<!tpu.dma_semaphore, #tpu.memory_space<semaphore_mem>>) src(%arg5 : memref<80x128xf32, #tpu.memory_space<vmem>>) dst(%dma_wait3A_439 : memref<80x128xf32, #tpu.memory_space<vmem_shared>>)
      tpu.yield
    }) : () -> ()
    %barrier3A_430 = arith.constant 0 : index
    tpu.barrier barrier_id(%barrier3A_430)
    %lt3A_431 = arith.constant 10 : i32
    %lt3A_432 = arith.cmpi slt, %arg1, %lt3A_431 : i32
    %convert_element_type3A_433 = arith.extui %lt3A_432 : i1 to i32
    %cond3A_434 = arith.constant 0 : i32
    %cond3A_435 = arith.cmpi ne, %convert_element_type3A_433, %cond3A_434 : i32
    scf.if %cond3A_435 {
      %mul3A_436 = arith.constant 8 : i32
      %mul3A_437 = arith.muli %arg1, %mul3A_436 : i32
      %mul3A_438 = arith.constant 8 : i32
      %mul3A_439 = arith.muli %arg1, %mul3A_438 : i32
      "tpu.region"() ({
        %run_scoped3A = tpu.sem_alloc : memref<!tpu.dma_semaphore, #tpu.memory_space<semaphore_mem>>
        %dma_start3A = arith.constant 0 : i32
        %dma_start3A_440 = tpu.memref_slice %arg3[%arg0, %mul3A_439, %dma_start3A] : memref<2x80x128xf32, #tpu.memory_space<hbm>> -> memref<1x8x128xf32, #tpu.memory_space<hbm>>
        %dma_start3A_441 = tpu.memref_squeeze %dma_start3A_440 : memref<1x8x128xf32, #tpu.memory_space<hbm>> -> memref<8x128xf32, #tpu.memory_space<hbm>>
        %dma_start3A_442 = arith.constant 0 : i32
        %dma_start3A_443 = tpu.memref_slice %arg8[%mul3A_437, %dma_start3A_442] : memref<80x128xf32, #tpu.memory_space<vmem_shared>> -> memref<8x128xf32, #tpu.memory_space<vmem_shared>>
        tpu.enqueue_dma source(%dma_start3A_443 : memref<8x128xf32, #tpu.memory_space<vmem_shared>>) target(%dma_start3A_441 : memref<8x128xf32, #tpu.memory_space<hbm>>) target_semaphore(%run_scoped3A : memref<!tpu.dma_semaphore, #tpu.memory_space<semaphore_mem>>)
        %dma_wait3A = arith.constant 0 : i32
        %dma_wait3A_444 = tpu.memref_slice %arg3[%arg0, %mul3A_439, %dma_wait3A] : memref<2x80x128xf32, #tpu.memory_space<hbm>> -> memref<1x8x128xf32, #tpu.memory_space<hbm>>
        %dma_wait3A_445 = tpu.memref_squeeze %dma_wait3A_444 : memref<1x8x128xf32, #tpu.memory_space<hbm>> -> memref<8x128xf32, #tpu.memory_space<hbm>>
        %dma_wait3A_446 = arith.constant 0 : i32
        %dma_wait3A_447 = tpu.memref_slice %arg8[%mul3A_437, %dma_wait3A_446] : memref<80x128xf32, #tpu.memory_space<vmem_shared>> -> memref<8x128xf32, #tpu.memory_space<vmem_shared>>
        tpu.wait_dma2 semaphore(%run_scoped3A : memref<!tpu.dma_semaphore, #tpu.memory_space<semaphore_mem>>) src(%dma_wait3A_447 : memref<8x128xf32, #tpu.memory_space<vmem_shared>>) dst(%dma_wait3A_445 : memref<8x128xf32, #tpu.memory_space<hbm>>)
        tpu.yield
      }) : () -> ()
    } else {
    }
    return
  }
}

#map = affine_map<(d0, d1) -> (0, 0)>
#map1 = affine_map<(d0, d1) -> (0, 0, 0)>
module attributes {stable_mosaic.version = 14 : i64} {
  func.func @k(%arg0: i32, %arg1: i32, %arg2: memref<10240x128xf32, #tpu.memory_space<hbm>>, %arg3: memref<32x80x128xi32, #tpu.memory_space<hbm>>, %arg4: memref<32x80x128xi32, #tpu.memory_space<hbm>>, %arg5: memref<2x10240x128xf32, #tpu.memory_space<hbm>>, %arg6: memref<40x128xi32, #tpu.memory_space<vmem>>, %arg7: memref<40x128xi32, #tpu.memory_space<vmem>>, %arg8: memref<128x128xf32, #tpu.memory_space<vmem>>, %arg9: memref<128x128xf32, #tpu.memory_space<vmem>>, %arg10: memref<10240x128xf32, #tpu.memory_space<vmem_shared>>, %arg11: memref<!tpu.dma_semaphore, #tpu.memory_space<semaphore_mem>>, %arg12: memref<!tpu.dma_semaphore, #tpu.memory_space<semaphore_mem>>) attributes {dimension_semantics = [#tpu.dimension_semantics<core_parallel>, #tpu.dimension_semantics<subcore_parallel>], iteration_bounds = array<i64: 2, 16>, scalar_prefetch = 0 : i64, scratch_operands = 7 : i64, tpu.core_type = #tpu.core_type<sc_vector_subcore>, window_params = [{transform_indices = #map}, {transform_indices = #map1}, {transform_indices = #map1}, {transform_indices = #map1}]} {
    %mul3A = arith.constant 16 : i32
    %mul3A_0 = arith.muli %arg0, %mul3A : i32
    %add3A = arith.addi %mul3A_0, %arg1 : i32
    %scan3A = arith.constant 0 : i32
    %scan3A_1 = arith.constant 128 : i32
    %scan3A_2 = arith.addi %scan3A, %scan3A_1 : i32
    %scan3A_3 = arith.constant 1 : i32
    scf.for %scan3A_103 = %scan3A to %scan3A_2 step %scan3A_3  : i32 {
      %mul3A_104 = arith.constant 1 : i32
      %mul3A_105 = arith.muli %scan3A_103, %mul3A_104 : i32
      %add3A_106 = arith.constant 0 : i32
      %add3A_107 = arith.addi %add3A_106, %mul3A_105 : i32
      %broadcast_in_dim3A = arith.constant 0.000000e+00 : f32
      %broadcast_in_dim3A_108 = vector.broadcast %broadcast_in_dim3A : f32 to vector<16xf32>
      %swap3A = arith.index_cast %add3A_107 : i32 to index
      %swap3A_109 = arith.constant 0 : index
      %swap3A_110 = tpu.vector_load %arg8[%swap3A, %swap3A_109] {strides = array<i32>} : memref<128x128xf32, #tpu.memory_space<vmem>>, vector<1x16xf32>,
      %swap3A_111 = vector.shape_cast %swap3A_110 : vector<1x16xf32> to vector<16xf32>
      %swap3A_112 = vector.shape_cast %broadcast_in_dim3A_108 : vector<16xf32> to vector<1x16xf32>
      tpu.vector_store %arg8[%swap3A, %swap3A_109], %swap3A_112 {strides = array<i32>} : memref<128x128xf32, #tpu.memory_space<vmem>>, vector<1x16xf32>,
      %broadcast_in_dim3A_113 = arith.constant 0.000000e+00 : f32
      %broadcast_in_dim3A_114 = vector.broadcast %broadcast_in_dim3A_113 : f32 to vector<16xf32>
      %swap3A_115 = arith.index_cast %add3A_107 : i32 to index
      %swap3A_116 = arith.constant 16 : index
      %swap3A_117 = tpu.vector_load %arg8[%swap3A_115, %swap3A_116] {strides = array<i32>} : memref<128x128xf32, #tpu.memory_space<vmem>>, vector<1x16xf32>,
      %swap3A_118 = vector.shape_cast %swap3A_117 : vector<1x16xf32> to vector<16xf32>
      %swap3A_119 = vector.shape_cast %broadcast_in_dim3A_114 : vector<16xf32> to vector<1x16xf32>
      tpu.vector_store %arg8[%swap3A_115, %swap3A_116], %swap3A_119 {strides = array<i32>} : memref<128x128xf32, #tpu.memory_space<vmem>>, vector<1x16xf32>,
      %broadcast_in_dim3A_120 = arith.constant 0.000000e+00 : f32
      %broadcast_in_dim3A_121 = vector.broadcast %broadcast_in_dim3A_120 : f32 to vector<16xf32>
      %swap3A_122 = arith.index_cast %add3A_107 : i32 to index
      %swap3A_123 = arith.constant 32 : index
      %swap3A_124 = tpu.vector_load %arg8[%swap3A_122, %swap3A_123] {strides = array<i32>} : memref<128x128xf32, #tpu.memory_space<vmem>>, vector<1x16xf32>,
      %swap3A_125 = vector.shape_cast %swap3A_124 : vector<1x16xf32> to vector<16xf32>
      %swap3A_126 = vector.shape_cast %broadcast_in_dim3A_121 : vector<16xf32> to vector<1x16xf32>
      tpu.vector_store %arg8[%swap3A_122, %swap3A_123], %swap3A_126 {strides = array<i32>} : memref<128x128xf32, #tpu.memory_space<vmem>>, vector<1x16xf32>,
      %broadcast_in_dim3A_127 = arith.constant 0.000000e+00 : f32
      %broadcast_in_dim3A_128 = vector.broadcast %broadcast_in_dim3A_127 : f32 to vector<16xf32>
      %swap3A_129 = arith.index_cast %add3A_107 : i32 to index
      %swap3A_130 = arith.constant 48 : index
      %swap3A_131 = tpu.vector_load %arg8[%swap3A_129, %swap3A_130] {strides = array<i32>} : memref<128x128xf32, #tpu.memory_space<vmem>>, vector<1x16xf32>,
      %swap3A_132 = vector.shape_cast %swap3A_131 : vector<1x16xf32> to vector<16xf32>
      %swap3A_133 = vector.shape_cast %broadcast_in_dim3A_128 : vector<16xf32> to vector<1x16xf32>
      tpu.vector_store %arg8[%swap3A_129, %swap3A_130], %swap3A_133 {strides = array<i32>} : memref<128x128xf32, #tpu.memory_space<vmem>>, vector<1x16xf32>,
      %broadcast_in_dim3A_134 = arith.constant 0.000000e+00 : f32
      %broadcast_in_dim3A_135 = vector.broadcast %broadcast_in_dim3A_134 : f32 to vector<16xf32>
      %swap3A_136 = arith.index_cast %add3A_107 : i32 to index
      %swap3A_137 = arith.constant 64 : index
      %swap3A_138 = tpu.vector_load %arg8[%swap3A_136, %swap3A_137] {strides = array<i32>} : memref<128x128xf32, #tpu.memory_space<vmem>>, vector<1x16xf32>,
      %swap3A_139 = vector.shape_cast %swap3A_138 : vector<1x16xf32> to vector<16xf32>
      %swap3A_140 = vector.shape_cast %broadcast_in_dim3A_135 : vector<16xf32> to vector<1x16xf32>
      tpu.vector_store %arg8[%swap3A_136, %swap3A_137], %swap3A_140 {strides = array<i32>} : memref<128x128xf32, #tpu.memory_space<vmem>>, vector<1x16xf32>,
      %broadcast_in_dim3A_141 = arith.constant 0.000000e+00 : f32
      %broadcast_in_dim3A_142 = vector.broadcast %broadcast_in_dim3A_141 : f32 to vector<16xf32>
      %swap3A_143 = arith.index_cast %add3A_107 : i32 to index
      %swap3A_144 = arith.constant 80 : index
      %swap3A_145 = tpu.vector_load %arg8[%swap3A_143, %swap3A_144] {strides = array<i32>} : memref<128x128xf32, #tpu.memory_space<vmem>>, vector<1x16xf32>,
      %swap3A_146 = vector.shape_cast %swap3A_145 : vector<1x16xf32> to vector<16xf32>
      %swap3A_147 = vector.shape_cast %broadcast_in_dim3A_142 : vector<16xf32> to vector<1x16xf32>
      tpu.vector_store %arg8[%swap3A_143, %swap3A_144], %swap3A_147 {strides = array<i32>} : memref<128x128xf32, #tpu.memory_space<vmem>>, vector<1x16xf32>,
      %broadcast_in_dim3A_148 = arith.constant 0.000000e+00 : f32
      %broadcast_in_dim3A_149 = vector.broadcast %broadcast_in_dim3A_148 : f32 to vector<16xf32>
      %swap3A_150 = arith.index_cast %add3A_107 : i32 to index
      %swap3A_151 = arith.constant 96 : index
      %swap3A_152 = tpu.vector_load %arg8[%swap3A_150, %swap3A_151] {strides = array<i32>} : memref<128x128xf32, #tpu.memory_space<vmem>>, vector<1x16xf32>,
      %swap3A_153 = vector.shape_cast %swap3A_152 : vector<1x16xf32> to vector<16xf32>
      %swap3A_154 = vector.shape_cast %broadcast_in_dim3A_149 : vector<16xf32> to vector<1x16xf32>
      tpu.vector_store %arg8[%swap3A_150, %swap3A_151], %swap3A_154 {strides = array<i32>} : memref<128x128xf32, #tpu.memory_space<vmem>>, vector<1x16xf32>,
      %broadcast_in_dim3A_155 = arith.constant 0.000000e+00 : f32
      %broadcast_in_dim3A_156 = vector.broadcast %broadcast_in_dim3A_155 : f32 to vector<16xf32>
      %swap3A_157 = arith.index_cast %add3A_107 : i32 to index
      %swap3A_158 = arith.constant 112 : index
      %swap3A_159 = tpu.vector_load %arg8[%swap3A_157, %swap3A_158] {strides = array<i32>} : memref<128x128xf32, #tpu.memory_space<vmem>>, vector<1x16xf32>,
      %swap3A_160 = vector.shape_cast %swap3A_159 : vector<1x16xf32> to vector<16xf32>
      %swap3A_161 = vector.shape_cast %broadcast_in_dim3A_156 : vector<16xf32> to vector<1x16xf32>
      tpu.vector_store %arg8[%swap3A_157, %swap3A_158], %swap3A_161 {strides = array<i32>} : memref<128x128xf32, #tpu.memory_space<vmem>>, vector<1x16xf32>,
    }
    %scan3A_4 = arith.constant 128 : i32
    %mul3A_5 = arith.constant 640 : i32
    %mul3A_6 = arith.muli %arg1, %mul3A_5 : i32
    %add3A_7 = arith.constant 0 : i32
    %add3A_8 = arith.addi %mul3A_6, %add3A_7 : i32
    "tpu.region"() ({
      %run_scoped3A = tpu.sem_alloc : memref<!tpu.dma_semaphore, #tpu.memory_space<semaphore_mem>>
      %dma_start3A_103 = arith.constant 0 : i32
      %dma_start3A_104 = tpu.memref_slice %arg10[%add3A_8, %dma_start3A_103] : memref<10240x128xf32, #tpu.memory_space<vmem_shared>> -> memref<128x128xf32, #tpu.memory_space<vmem_shared>>
      %dma_start3A_105 = arith.constant 0 : i32
      %dma_start3A_106 = tpu.memref_slice %arg10[%add3A_8, %dma_start3A_105] : memref<10240x128xf32, #tpu.memory_space<vmem_shared>> -> memref<128x128xf32, #tpu.memory_space<vmem_shared>>
      tpu.enqueue_dma source(%arg8 : memref<128x128xf32, #tpu.memory_space<vmem>>) target(%dma_start3A_106 : memref<128x128xf32, #tpu.memory_space<vmem_shared>>) target_semaphore(%run_scoped3A : memref<!tpu.dma_semaphore, #tpu.memory_space<semaphore_mem>>)
      %dma_wait3A = arith.constant 0 : i32
      %dma_wait3A_107 = tpu.memref_slice %arg10[%add3A_8, %dma_wait3A] : memref<10240x128xf32, #tpu.memory_space<vmem_shared>> -> memref<128x128xf32, #tpu.memory_space<vmem_shared>>
      %dma_wait3A_108 = arith.constant 0 : i32
      %dma_wait3A_109 = tpu.memref_slice %arg10[%add3A_8, %dma_wait3A_108] : memref<10240x128xf32, #tpu.memory_space<vmem_shared>> -> memref<128x128xf32, #tpu.memory_space<vmem_shared>>
      tpu.wait_dma2 semaphore(%run_scoped3A : memref<!tpu.dma_semaphore, #tpu.memory_space<semaphore_mem>>) src(%arg8 : memref<128x128xf32, #tpu.memory_space<vmem>>) dst(%dma_wait3A_109 : memref<128x128xf32, #tpu.memory_space<vmem_shared>>)
      tpu.yield
    }) : () -> ()
    %mul3A_9 = arith.constant 640 : i32
    %mul3A_10 = arith.muli %arg1, %mul3A_9 : i32
    %add3A_11 = arith.constant 128 : i32
    %add3A_12 = arith.addi %mul3A_10, %add3A_11 : i32
    "tpu.region"() ({
      %run_scoped3A = tpu.sem_alloc : memref<!tpu.dma_semaphore, #tpu.memory_space<semaphore_mem>>
      %dma_start3A_103 = arith.constant 0 : i32
      %dma_start3A_104 = tpu.memref_slice %arg10[%add3A_12, %dma_start3A_103] : memref<10240x128xf32, #tpu.memory_space<vmem_shared>> -> memref<128x128xf32, #tpu.memory_space<vmem_shared>>
      %dma_start3A_105 = arith.constant 0 : i32
      %dma_start3A_106 = tpu.memref_slice %arg10[%add3A_12, %dma_start3A_105] : memref<10240x128xf32, #tpu.memory_space<vmem_shared>> -> memref<128x128xf32, #tpu.memory_space<vmem_shared>>
      tpu.enqueue_dma source(%arg8 : memref<128x128xf32, #tpu.memory_space<vmem>>) target(%dma_start3A_106 : memref<128x128xf32, #tpu.memory_space<vmem_shared>>) target_semaphore(%run_scoped3A : memref<!tpu.dma_semaphore, #tpu.memory_space<semaphore_mem>>)
      %dma_wait3A = arith.constant 0 : i32
      %dma_wait3A_107 = tpu.memref_slice %arg10[%add3A_12, %dma_wait3A] : memref<10240x128xf32, #tpu.memory_space<vmem_shared>> -> memref<128x128xf32, #tpu.memory_space<vmem_shared>>
      %dma_wait3A_108 = arith.constant 0 : i32
      %dma_wait3A_109 = tpu.memref_slice %arg10[%add3A_12, %dma_wait3A_108] : memref<10240x128xf32, #tpu.memory_space<vmem_shared>> -> memref<128x128xf32, #tpu.memory_space<vmem_shared>>
      tpu.wait_dma2 semaphore(%run_scoped3A : memref<!tpu.dma_semaphore, #tpu.memory_space<semaphore_mem>>) src(%arg8 : memref<128x128xf32, #tpu.memory_space<vmem>>) dst(%dma_wait3A_109 : memref<128x128xf32, #tpu.memory_space<vmem_shared>>)
      tpu.yield
    }) : () -> ()
    %mul3A_13 = arith.constant 640 : i32
    %mul3A_14 = arith.muli %arg1, %mul3A_13 : i32
    %add3A_15 = arith.constant 256 : i32
    %add3A_16 = arith.addi %mul3A_14, %add3A_15 : i32
    "tpu.region"() ({
      %run_scoped3A = tpu.sem_alloc : memref<!tpu.dma_semaphore, #tpu.memory_space<semaphore_mem>>
      %dma_start3A_103 = arith.constant 0 : i32
      %dma_start3A_104 = tpu.memref_slice %arg10[%add3A_16, %dma_start3A_103] : memref<10240x128xf32, #tpu.memory_space<vmem_shared>> -> memref<128x128xf32, #tpu.memory_space<vmem_shared>>
      %dma_start3A_105 = arith.constant 0 : i32
      %dma_start3A_106 = tpu.memref_slice %arg10[%add3A_16, %dma_start3A_105] : memref<10240x128xf32, #tpu.memory_space<vmem_shared>> -> memref<128x128xf32, #tpu.memory_space<vmem_shared>>
      tpu.enqueue_dma source(%arg8 : memref<128x128xf32, #tpu.memory_space<vmem>>) target(%dma_start3A_106 : memref<128x128xf32, #tpu.memory_space<vmem_shared>>) target_semaphore(%run_scoped3A : memref<!tpu.dma_semaphore, #tpu.memory_space<semaphore_mem>>)
      %dma_wait3A = arith.constant 0 : i32
      %dma_wait3A_107 = tpu.memref_slice %arg10[%add3A_16, %dma_wait3A] : memref<10240x128xf32, #tpu.memory_space<vmem_shared>> -> memref<128x128xf32, #tpu.memory_space<vmem_shared>>
      %dma_wait3A_108 = arith.constant 0 : i32
      %dma_wait3A_109 = tpu.memref_slice %arg10[%add3A_16, %dma_wait3A_108] : memref<10240x128xf32, #tpu.memory_space<vmem_shared>> -> memref<128x128xf32, #tpu.memory_space<vmem_shared>>
      tpu.wait_dma2 semaphore(%run_scoped3A : memref<!tpu.dma_semaphore, #tpu.memory_space<semaphore_mem>>) src(%arg8 : memref<128x128xf32, #tpu.memory_space<vmem>>) dst(%dma_wait3A_109 : memref<128x128xf32, #tpu.memory_space<vmem_shared>>)
      tpu.yield
    }) : () -> ()
    %mul3A_17 = arith.constant 640 : i32
    %mul3A_18 = arith.muli %arg1, %mul3A_17 : i32
    %add3A_19 = arith.constant 384 : i32
    %add3A_20 = arith.addi %mul3A_18, %add3A_19 : i32
    "tpu.region"() ({
      %run_scoped3A = tpu.sem_alloc : memref<!tpu.dma_semaphore, #tpu.memory_space<semaphore_mem>>
      %dma_start3A_103 = arith.constant 0 : i32
      %dma_start3A_104 = tpu.memref_slice %arg10[%add3A_20, %dma_start3A_103] : memref<10240x128xf32, #tpu.memory_space<vmem_shared>> -> memref<128x128xf32, #tpu.memory_space<vmem_shared>>
      %dma_start3A_105 = arith.constant 0 : i32
      %dma_start3A_106 = tpu.memref_slice %arg10[%add3A_20, %dma_start3A_105] : memref<10240x128xf32, #tpu.memory_space<vmem_shared>> -> memref<128x128xf32, #tpu.memory_space<vmem_shared>>
      tpu.enqueue_dma source(%arg8 : memref<128x128xf32, #tpu.memory_space<vmem>>) target(%dma_start3A_106 : memref<128x128xf32, #tpu.memory_space<vmem_shared>>) target_semaphore(%run_scoped3A : memref<!tpu.dma_semaphore, #tpu.memory_space<semaphore_mem>>)
      %dma_wait3A = arith.constant 0 : i32
      %dma_wait3A_107 = tpu.memref_slice %arg10[%add3A_20, %dma_wait3A] : memref<10240x128xf32, #tpu.memory_space<vmem_shared>> -> memref<128x128xf32, #tpu.memory_space<vmem_shared>>
      %dma_wait3A_108 = arith.constant 0 : i32
      %dma_wait3A_109 = tpu.memref_slice %arg10[%add3A_20, %dma_wait3A_108] : memref<10240x128xf32, #tpu.memory_space<vmem_shared>> -> memref<128x128xf32, #tpu.memory_space<vmem_shared>>
      tpu.wait_dma2 semaphore(%run_scoped3A : memref<!tpu.dma_semaphore, #tpu.memory_space<semaphore_mem>>) src(%arg8 : memref<128x128xf32, #tpu.memory_space<vmem>>) dst(%dma_wait3A_109 : memref<128x128xf32, #tpu.memory_space<vmem_shared>>)
      tpu.yield
    }) : () -> ()
    %mul3A_21 = arith.constant 640 : i32
    %mul3A_22 = arith.muli %arg1, %mul3A_21 : i32
    %add3A_23 = arith.constant 512 : i32
    %add3A_24 = arith.addi %mul3A_22, %add3A_23 : i32
    "tpu.region"() ({
      %run_scoped3A = tpu.sem_alloc : memref<!tpu.dma_semaphore, #tpu.memory_space<semaphore_mem>>
      %dma_start3A_103 = arith.constant 0 : i32
      %dma_start3A_104 = tpu.memref_slice %arg10[%add3A_24, %dma_start3A_103] : memref<10240x128xf32, #tpu.memory_space<vmem_shared>> -> memref<128x128xf32, #tpu.memory_space<vmem_shared>>
      %dma_start3A_105 = arith.constant 0 : i32
      %dma_start3A_106 = tpu.memref_slice %arg10[%add3A_24, %dma_start3A_105] : memref<10240x128xf32, #tpu.memory_space<vmem_shared>> -> memref<128x128xf32, #tpu.memory_space<vmem_shared>>
      tpu.enqueue_dma source(%arg8 : memref<128x128xf32, #tpu.memory_space<vmem>>) target(%dma_start3A_106 : memref<128x128xf32, #tpu.memory_space<vmem_shared>>) target_semaphore(%run_scoped3A : memref<!tpu.dma_semaphore, #tpu.memory_space<semaphore_mem>>)
      %dma_wait3A = arith.constant 0 : i32
      %dma_wait3A_107 = tpu.memref_slice %arg10[%add3A_24, %dma_wait3A] : memref<10240x128xf32, #tpu.memory_space<vmem_shared>> -> memref<128x128xf32, #tpu.memory_space<vmem_shared>>
      %dma_wait3A_108 = arith.constant 0 : i32
      %dma_wait3A_109 = tpu.memref_slice %arg10[%add3A_24, %dma_wait3A_108] : memref<10240x128xf32, #tpu.memory_space<vmem_shared>> -> memref<128x128xf32, #tpu.memory_space<vmem_shared>>
      tpu.wait_dma2 semaphore(%run_scoped3A : memref<!tpu.dma_semaphore, #tpu.memory_space<semaphore_mem>>) src(%arg8 : memref<128x128xf32, #tpu.memory_space<vmem>>) dst(%dma_wait3A_109 : memref<128x128xf32, #tpu.memory_space<vmem_shared>>)
      tpu.yield
    }) : () -> ()
    %barrier3A = arith.constant 0 : index
    tpu.barrier barrier_id(%barrier3A)
    "tpu.region"() ({
      %run_scoped3A = tpu.sem_alloc : memref<!tpu.dma_semaphore, #tpu.memory_space<semaphore_mem>>
      %dma_start3A_103 = arith.constant 0 : i32
      %dma_start3A_104 = arith.constant 0 : i32
      %dma_start3A_105 = tpu.memref_slice %arg3[%add3A, %dma_start3A_103, %dma_start3A_104] : memref<32x80x128xi32, #tpu.memory_space<hbm>> -> memref<1x40x128xi32, #tpu.memory_space<hbm>>
      %dma_start3A_106 = tpu.memref_squeeze %dma_start3A_105 : memref<1x40x128xi32, #tpu.memory_space<hbm>> -> memref<40x128xi32, #tpu.memory_space<hbm>>
      %dma_start3A_107 = arith.constant 0 : i32
      %dma_start3A_108 = arith.constant 0 : i32
      %dma_start3A_109 = tpu.memref_slice %arg3[%add3A, %dma_start3A_107, %dma_start3A_108] : memref<32x80x128xi32, #tpu.memory_space<hbm>> -> memref<1x40x128xi32, #tpu.memory_space<hbm>>
      %dma_start3A_110 = tpu.memref_squeeze %dma_start3A_109 : memref<1x40x128xi32, #tpu.memory_space<hbm>> -> memref<40x128xi32, #tpu.memory_space<hbm>>
      tpu.enqueue_dma source(%dma_start3A_110 : memref<40x128xi32, #tpu.memory_space<hbm>>) target(%arg6 : memref<40x128xi32, #tpu.memory_space<vmem>>) target_semaphore(%run_scoped3A : memref<!tpu.dma_semaphore, #tpu.memory_space<semaphore_mem>>)
      %dma_wait3A = arith.constant 0 : i32
      %dma_wait3A_111 = arith.constant 0 : i32
      %dma_wait3A_112 = tpu.memref_slice %arg3[%add3A, %dma_wait3A, %dma_wait3A_111] : memref<32x80x128xi32, #tpu.memory_space<hbm>> -> memref<1x40x128xi32, #tpu.memory_space<hbm>>
      %dma_wait3A_113 = tpu.memref_squeeze %dma_wait3A_112 : memref<1x40x128xi32, #tpu.memory_space<hbm>> -> memref<40x128xi32, #tpu.memory_space<hbm>>
      %dma_wait3A_114 = arith.constant 0 : i32
      %dma_wait3A_115 = arith.constant 0 : i32
      %dma_wait3A_116 = tpu.memref_slice %arg3[%add3A, %dma_wait3A_114, %dma_wait3A_115] : memref<32x80x128xi32, #tpu.memory_space<hbm>> -> memref<1x40x128xi32, #tpu.memory_space<hbm>>
      %dma_wait3A_117 = tpu.memref_squeeze %dma_wait3A_116 : memref<1x40x128xi32, #tpu.memory_space<hbm>> -> memref<40x128xi32, #tpu.memory_space<hbm>>
      tpu.wait_dma2 semaphore(%run_scoped3A : memref<!tpu.dma_semaphore, #tpu.memory_space<semaphore_mem>>) src(%dma_wait3A_117 : memref<40x128xi32, #tpu.memory_space<hbm>>) dst(%arg6 : memref<40x128xi32, #tpu.memory_space<vmem>>)
      tpu.yield
    }) : () -> ()
    "tpu.region"() ({
      %run_scoped3A = tpu.sem_alloc : memref<!tpu.dma_semaphore, #tpu.memory_space<semaphore_mem>>
      %dma_start3A_103 = arith.constant 0 : i32
      %dma_start3A_104 = arith.constant 0 : i32
      %dma_start3A_105 = tpu.memref_slice %arg4[%add3A, %dma_start3A_103, %dma_start3A_104] : memref<32x80x128xi32, #tpu.memory_space<hbm>> -> memref<1x40x128xi32, #tpu.memory_space<hbm>>
      %dma_start3A_106 = tpu.memref_squeeze %dma_start3A_105 : memref<1x40x128xi32, #tpu.memory_space<hbm>> -> memref<40x128xi32, #tpu.memory_space<hbm>>
      %dma_start3A_107 = arith.constant 0 : i32
      %dma_start3A_108 = arith.constant 0 : i32
      %dma_start3A_109 = tpu.memref_slice %arg4[%add3A, %dma_start3A_107, %dma_start3A_108] : memref<32x80x128xi32, #tpu.memory_space<hbm>> -> memref<1x40x128xi32, #tpu.memory_space<hbm>>
      %dma_start3A_110 = tpu.memref_squeeze %dma_start3A_109 : memref<1x40x128xi32, #tpu.memory_space<hbm>> -> memref<40x128xi32, #tpu.memory_space<hbm>>
      tpu.enqueue_dma source(%dma_start3A_110 : memref<40x128xi32, #tpu.memory_space<hbm>>) target(%arg7 : memref<40x128xi32, #tpu.memory_space<vmem>>) target_semaphore(%run_scoped3A : memref<!tpu.dma_semaphore, #tpu.memory_space<semaphore_mem>>)
      %dma_wait3A = arith.constant 0 : i32
      %dma_wait3A_111 = arith.constant 0 : i32
      %dma_wait3A_112 = tpu.memref_slice %arg4[%add3A, %dma_wait3A, %dma_wait3A_111] : memref<32x80x128xi32, #tpu.memory_space<hbm>> -> memref<1x40x128xi32, #tpu.memory_space<hbm>>
      %dma_wait3A_113 = tpu.memref_squeeze %dma_wait3A_112 : memref<1x40x128xi32, #tpu.memory_space<hbm>> -> memref<40x128xi32, #tpu.memory_space<hbm>>
      %dma_wait3A_114 = arith.constant 0 : i32
      %dma_wait3A_115 = arith.constant 0 : i32
      %dma_wait3A_116 = tpu.memref_slice %arg4[%add3A, %dma_wait3A_114, %dma_wait3A_115] : memref<32x80x128xi32, #tpu.memory_space<hbm>> -> memref<1x40x128xi32, #tpu.memory_space<hbm>>
      %dma_wait3A_117 = tpu.memref_squeeze %dma_wait3A_116 : memref<1x40x128xi32, #tpu.memory_space<hbm>> -> memref<40x128xi32, #tpu.memory_space<hbm>>
      tpu.wait_dma2 semaphore(%run_scoped3A : memref<!tpu.dma_semaphore, #tpu.memory_space<semaphore_mem>>) src(%dma_wait3A_117 : memref<40x128xi32, #tpu.memory_space<hbm>>) dst(%arg7 : memref<40x128xi32, #tpu.memory_space<vmem>>)
      tpu.yield
    }) : () -> ()
    %dma_start3A = arith.constant 0 : i32
    %dma_start3A_25 = arith.constant 0 : i32
    %dma_start3A_26 = tpu.memref_slice %arg6[%dma_start3A, %dma_start3A_25] : memref<40x128xi32, #tpu.memory_space<vmem>> -> memref<1x128xi32, #tpu.memory_space<vmem>>
    %dma_start3A_27 = tpu.memref_squeeze %dma_start3A_26 : memref<1x128xi32, #tpu.memory_space<vmem>> -> memref<128xi32, #tpu.memory_space<vmem>>
    %dma_start3A_28 = arith.constant 0 : i32
    %dma_start3A_29 = arith.constant 0 : i32
    %dma_start3A_30 = tpu.memref_slice %arg2[%dma_start3A_28, %dma_start3A_29] : memref<10240x128xf32, #tpu.memory_space<hbm>> -> memref<10240x128xf32, #tpu.memory_space<hbm>>
    tpu.enqueue_indirect_dma source(%dma_start3A_30 : memref<10240x128xf32, #tpu.memory_space<hbm>>) target(%arg8 : memref<128x128xf32, #tpu.memory_space<vmem>>) offsets(%dma_start3A_27 : memref<128xi32, #tpu.memory_space<vmem>>) semaphore(%arg11 : memref<!tpu.dma_semaphore, #tpu.memory_space<semaphore_mem>>)
    %dma_start3A_31 = arith.constant 1 : i32
    %dma_start3A_32 = arith.constant 0 : i32
    %dma_start3A_33 = tpu.memref_slice %arg6[%dma_start3A_31, %dma_start3A_32] : memref<40x128xi32, #tpu.memory_space<vmem>> -> memref<1x128xi32, #tpu.memory_space<vmem>>
    %dma_start3A_34 = tpu.memref_squeeze %dma_start3A_33 : memref<1x128xi32, #tpu.memory_space<vmem>> -> memref<128xi32, #tpu.memory_space<vmem>>
    %dma_start3A_35 = arith.constant 0 : i32
    %dma_start3A_36 = arith.constant 0 : i32
    %dma_start3A_37 = tpu.memref_slice %arg2[%dma_start3A_35, %dma_start3A_36] : memref<10240x128xf32, #tpu.memory_space<hbm>> -> memref<10240x128xf32, #tpu.memory_space<hbm>>
    tpu.enqueue_indirect_dma source(%dma_start3A_37 : memref<10240x128xf32, #tpu.memory_space<hbm>>) target(%arg9 : memref<128x128xf32, #tpu.memory_space<vmem>>) offsets(%dma_start3A_34 : memref<128xi32, #tpu.memory_space<vmem>>) semaphore(%arg12 : memref<!tpu.dma_semaphore, #tpu.memory_space<semaphore_mem>>)
    %scan3A_38 = arith.constant 0 : i32
    %scan3A_39 = arith.constant 20 : i32
    %scan3A_40 = arith.addi %scan3A_38, %scan3A_39 : i32
    %scan3A_41 = arith.constant 1 : i32
    scf.for %scan3A_103 = %scan3A_38 to %scan3A_40 step %scan3A_41  : i32 {
      %mul3A_104 = arith.constant 1 : i32
      %mul3A_105 = arith.muli %scan3A_103, %mul3A_104 : i32
      %add3A_106 = arith.constant 0 : i32
      %add3A_107 = arith.addi %add3A_106, %mul3A_105 : i32
      %mul3A_108 = arith.constant 2 : i32
      %mul3A_109 = arith.muli %mul3A_108, %add3A_107 : i32
      %add3A_110 = arith.constant 1 : i32
      %add3A_111 = arith.addi %mul3A_109, %add3A_110 : i32
      %dma_wait3A = arith.constant 0 : i32
      %dma_wait3A_112 = tpu.memref_slice %arg6[%mul3A_109, %dma_wait3A] : memref<40x128xi32, #tpu.memory_space<vmem>> -> memref<1x128xi32, #tpu.memory_space<vmem>>
      %dma_wait3A_113 = tpu.memref_squeeze %dma_wait3A_112 : memref<1x128xi32, #tpu.memory_space<vmem>> -> memref<128xi32, #tpu.memory_space<vmem>>
      %dma_wait3A_114 = arith.constant 0 : i32
      %dma_wait3A_115 = arith.constant 0 : i32
      %dma_wait3A_116 = tpu.memref_slice %arg2[%dma_wait3A_114, %dma_wait3A_115] : memref<10240x128xf32, #tpu.memory_space<hbm>> -> memref<10240x128xf32, #tpu.memory_space<hbm>>
      tpu.wait_indirect_dma semaphore(%arg11 : memref<!tpu.dma_semaphore, #tpu.memory_space<semaphore_mem>>) src(%dma_wait3A_116 : memref<10240x128xf32, #tpu.memory_space<hbm>>) dst(%arg8 : memref<128x128xf32, #tpu.memory_space<vmem>>)
      "tpu.region"() ({
        %run_scoped3A = tpu.sem_alloc : memref<!tpu.dma_semaphore, #tpu.memory_space<semaphore_mem>>
        %dma_start3A_130 = arith.constant 0 : i32
        %dma_start3A_131 = tpu.memref_slice %arg7[%mul3A_109, %dma_start3A_130] : memref<40x128xi32, #tpu.memory_space<vmem>> -> memref<1x128xi32, #tpu.memory_space<vmem>>
        %dma_start3A_132 = tpu.memref_squeeze %dma_start3A_131 : memref<1x128xi32, #tpu.memory_space<vmem>> -> memref<128xi32, #tpu.memory_space<vmem>>
        %dma_start3A_133 = arith.constant 0 : i32
        %dma_start3A_134 = arith.constant 0 : i32
        %dma_start3A_135 = tpu.memref_slice %arg10[%dma_start3A_133, %dma_start3A_134] : memref<10240x128xf32, #tpu.memory_space<vmem_shared>> -> memref<10240x128xf32, #tpu.memory_space<vmem_shared>>
        tpu.enqueue_indirect_dma source(%arg8 : memref<128x128xf32, #tpu.memory_space<vmem>>) target(%dma_start3A_135 : memref<10240x128xf32, #tpu.memory_space<vmem_shared>>) offsets(%dma_start3A_132 : memref<128xi32, #tpu.memory_space<vmem>>) semaphore(%run_scoped3A : memref<!tpu.dma_semaphore, #tpu.memory_space<semaphore_mem>>) {add = true}
        %dma_wait3A_136 = arith.constant 0 : i32
        %dma_wait3A_137 = tpu.memref_slice %arg7[%mul3A_109, %dma_wait3A_136] : memref<40x128xi32, #tpu.memory_space<vmem>> -> memref<1x128xi32, #tpu.memory_space<vmem>>
        %dma_wait3A_138 = tpu.memref_squeeze %dma_wait3A_137 : memref<1x128xi32, #tpu.memory_space<vmem>> -> memref<128xi32, #tpu.memory_space<vmem>>
        %dma_wait3A_139 = arith.constant 0 : i32
        %dma_wait3A_140 = arith.constant 0 : i32
        %dma_wait3A_141 = tpu.memref_slice %arg10[%dma_wait3A_139, %dma_wait3A_140] : memref<10240x128xf32, #tpu.memory_space<vmem_shared>> -> memref<10240x128xf32, #tpu.memory_space<vmem_shared>>
        tpu.wait_indirect_dma semaphore(%run_scoped3A : memref<!tpu.dma_semaphore, #tpu.memory_space<semaphore_mem>>) src(%arg8 : memref<128x128xf32, #tpu.memory_space<vmem>>) dst(%dma_wait3A_141 : memref<10240x128xf32, #tpu.memory_space<vmem_shared>>)
        tpu.yield
      }) : () -> ()
      %lt3A = arith.constant 19 : i32
      %lt3A_117 = arith.cmpi slt, %add3A_107, %lt3A : i32
      %convert_element_type3A = arith.extui %lt3A_117 : i1 to i32
      %cond3A = arith.constant 0 : i32
      %cond3A_118 = arith.cmpi ne, %convert_element_type3A, %cond3A : i32
      scf.if %cond3A_118 {
        %add3A_130 = arith.constant 2 : i32
        %add3A_131 = arith.addi %mul3A_109, %add3A_130 : i32
        %dma_start3A_132 = arith.constant 0 : i32
        %dma_start3A_133 = tpu.memref_slice %arg6[%add3A_131, %dma_start3A_132] : memref<40x128xi32, #tpu.memory_space<vmem>> -> memref<1x128xi32, #tpu.memory_space<vmem>>
        %dma_start3A_134 = tpu.memref_squeeze %dma_start3A_133 : memref<1x128xi32, #tpu.memory_space<vmem>> -> memref<128xi32, #tpu.memory_space<vmem>>
        %dma_start3A_135 = arith.constant 0 : i32
        %dma_start3A_136 = arith.constant 0 : i32
        %dma_start3A_137 = tpu.memref_slice %arg2[%dma_start3A_135, %dma_start3A_136] : memref<10240x128xf32, #tpu.memory_space<hbm>> -> memref<10240x128xf32, #tpu.memory_space<hbm>>
        tpu.enqueue_indirect_dma source(%dma_start3A_137 : memref<10240x128xf32, #tpu.memory_space<hbm>>) target(%arg8 : memref<128x128xf32, #tpu.memory_space<vmem>>) offsets(%dma_start3A_134 : memref<128xi32, #tpu.memory_space<vmem>>) semaphore(%arg11 : memref<!tpu.dma_semaphore, #tpu.memory_space<semaphore_mem>>)
      } else {
      }
      %dma_wait3A_119 = arith.constant 0 : i32
      %dma_wait3A_120 = tpu.memref_slice %arg6[%add3A_111, %dma_wait3A_119] : memref<40x128xi32, #tpu.memory_space<vmem>> -> memref<1x128xi32, #tpu.memory_space<vmem>>
      %dma_wait3A_121 = tpu.memref_squeeze %dma_wait3A_120 : memref<1x128xi32, #tpu.memory_space<vmem>> -> memref<128xi32, #tpu.memory_space<vmem>>
      %dma_wait3A_122 = arith.constant 0 : i32
      %dma_wait3A_123 = arith.constant 0 : i32
      %dma_wait3A_124 = tpu.memref_slice %arg2[%dma_wait3A_122, %dma_wait3A_123] : memref<10240x128xf32, #tpu.memory_space<hbm>> -> memref<10240x128xf32, #tpu.memory_space<hbm>>
      tpu.wait_indirect_dma semaphore(%arg12 : memref<!tpu.dma_semaphore, #tpu.memory_space<semaphore_mem>>) src(%dma_wait3A_124 : memref<10240x128xf32, #tpu.memory_space<hbm>>) dst(%arg9 : memref<128x128xf32, #tpu.memory_space<vmem>>)
      "tpu.region"() ({
        %run_scoped3A = tpu.sem_alloc : memref<!tpu.dma_semaphore, #tpu.memory_space<semaphore_mem>>
        %dma_start3A_130 = arith.constant 0 : i32
        %dma_start3A_131 = tpu.memref_slice %arg7[%add3A_111, %dma_start3A_130] : memref<40x128xi32, #tpu.memory_space<vmem>> -> memref<1x128xi32, #tpu.memory_space<vmem>>
        %dma_start3A_132 = tpu.memref_squeeze %dma_start3A_131 : memref<1x128xi32, #tpu.memory_space<vmem>> -> memref<128xi32, #tpu.memory_space<vmem>>
        %dma_start3A_133 = arith.constant 0 : i32
        %dma_start3A_134 = arith.constant 0 : i32
        %dma_start3A_135 = tpu.memref_slice %arg10[%dma_start3A_133, %dma_start3A_134] : memref<10240x128xf32, #tpu.memory_space<vmem_shared>> -> memref<10240x128xf32, #tpu.memory_space<vmem_shared>>
        tpu.enqueue_indirect_dma source(%arg9 : memref<128x128xf32, #tpu.memory_space<vmem>>) target(%dma_start3A_135 : memref<10240x128xf32, #tpu.memory_space<vmem_shared>>) offsets(%dma_start3A_132 : memref<128xi32, #tpu.memory_space<vmem>>) semaphore(%run_scoped3A : memref<!tpu.dma_semaphore, #tpu.memory_space<semaphore_mem>>) {add = true}
        %dma_wait3A_136 = arith.constant 0 : i32
        %dma_wait3A_137 = tpu.memref_slice %arg7[%add3A_111, %dma_wait3A_136] : memref<40x128xi32, #tpu.memory_space<vmem>> -> memref<1x128xi32, #tpu.memory_space<vmem>>
        %dma_wait3A_138 = tpu.memref_squeeze %dma_wait3A_137 : memref<1x128xi32, #tpu.memory_space<vmem>> -> memref<128xi32, #tpu.memory_space<vmem>>
        %dma_wait3A_139 = arith.constant 0 : i32
        %dma_wait3A_140 = arith.constant 0 : i32
        %dma_wait3A_141 = tpu.memref_slice %arg10[%dma_wait3A_139, %dma_wait3A_140] : memref<10240x128xf32, #tpu.memory_space<vmem_shared>> -> memref<10240x128xf32, #tpu.memory_space<vmem_shared>>
        tpu.wait_indirect_dma semaphore(%run_scoped3A : memref<!tpu.dma_semaphore, #tpu.memory_space<semaphore_mem>>) src(%arg9 : memref<128x128xf32, #tpu.memory_space<vmem>>) dst(%dma_wait3A_141 : memref<10240x128xf32, #tpu.memory_space<vmem_shared>>)
        tpu.yield
      }) : () -> ()
      %lt3A_125 = arith.constant 19 : i32
      %lt3A_126 = arith.cmpi slt, %add3A_107, %lt3A_125 : i32
      %convert_element_type3A_127 = arith.extui %lt3A_126 : i1 to i32
      %cond3A_128 = arith.constant 0 : i32
      %cond3A_129 = arith.cmpi ne, %convert_element_type3A_127, %cond3A_128 : i32
      scf.if %cond3A_129 {
        %add3A_130 = arith.constant 2 : i32
        %add3A_131 = arith.addi %add3A_111, %add3A_130 : i32
        %dma_start3A_132 = arith.constant 0 : i32
        %dma_start3A_133 = tpu.memref_slice %arg6[%add3A_131, %dma_start3A_132] : memref<40x128xi32, #tpu.memory_space<vmem>> -> memref<1x128xi32, #tpu.memory_space<vmem>>
        %dma_start3A_134 = tpu.memref_squeeze %dma_start3A_133 : memref<1x128xi32, #tpu.memory_space<vmem>> -> memref<128xi32, #tpu.memory_space<vmem>>
        %dma_start3A_135 = arith.constant 0 : i32
        %dma_start3A_136 = arith.constant 0 : i32
        %dma_start3A_137 = tpu.memref_slice %arg2[%dma_start3A_135, %dma_start3A_136] : memref<10240x128xf32, #tpu.memory_space<hbm>> -> memref<10240x128xf32, #tpu.memory_space<hbm>>
        tpu.enqueue_indirect_dma source(%dma_start3A_137 : memref<10240x128xf32, #tpu.memory_space<hbm>>) target(%arg9 : memref<128x128xf32, #tpu.memory_space<vmem>>) offsets(%dma_start3A_134 : memref<128xi32, #tpu.memory_space<vmem>>) semaphore(%arg12 : memref<!tpu.dma_semaphore, #tpu.memory_space<semaphore_mem>>)
      } else {
      }
    }
    %scan3A_42 = arith.constant 20 : i32
    "tpu.region"() ({
      %run_scoped3A = tpu.sem_alloc : memref<!tpu.dma_semaphore, #tpu.memory_space<semaphore_mem>>
      %dma_start3A_103 = arith.constant 40 : i32
      %dma_start3A_104 = arith.constant 0 : i32
      %dma_start3A_105 = tpu.memref_slice %arg3[%add3A, %dma_start3A_103, %dma_start3A_104] : memref<32x80x128xi32, #tpu.memory_space<hbm>> -> memref<1x40x128xi32, #tpu.memory_space<hbm>>
      %dma_start3A_106 = tpu.memref_squeeze %dma_start3A_105 : memref<1x40x128xi32, #tpu.memory_space<hbm>> -> memref<40x128xi32, #tpu.memory_space<hbm>>
      %dma_start3A_107 = arith.constant 40 : i32
      %dma_start3A_108 = arith.constant 0 : i32
      %dma_start3A_109 = tpu.memref_slice %arg3[%add3A, %dma_start3A_107, %dma_start3A_108] : memref<32x80x128xi32, #tpu.memory_space<hbm>> -> memref<1x40x128xi32, #tpu.memory_space<hbm>>
      %dma_start3A_110 = tpu.memref_squeeze %dma_start3A_109 : memref<1x40x128xi32, #tpu.memory_space<hbm>> -> memref<40x128xi32, #tpu.memory_space<hbm>>
      tpu.enqueue_dma source(%dma_start3A_110 : memref<40x128xi32, #tpu.memory_space<hbm>>) target(%arg6 : memref<40x128xi32, #tpu.memory_space<vmem>>) target_semaphore(%run_scoped3A : memref<!tpu.dma_semaphore, #tpu.memory_space<semaphore_mem>>)
      %dma_wait3A = arith.constant 40 : i32
      %dma_wait3A_111 = arith.constant 0 : i32
      %dma_wait3A_112 = tpu.memref_slice %arg3[%add3A, %dma_wait3A, %dma_wait3A_111] : memref<32x80x128xi32, #tpu.memory_space<hbm>> -> memref<1x40x128xi32, #tpu.memory_space<hbm>>
      %dma_wait3A_113 = tpu.memref_squeeze %dma_wait3A_112 : memref<1x40x128xi32, #tpu.memory_space<hbm>> -> memref<40x128xi32, #tpu.memory_space<hbm>>
      %dma_wait3A_114 = arith.constant 40 : i32
      %dma_wait3A_115 = arith.constant 0 : i32
      %dma_wait3A_116 = tpu.memref_slice %arg3[%add3A, %dma_wait3A_114, %dma_wait3A_115] : memref<32x80x128xi32, #tpu.memory_space<hbm>> -> memref<1x40x128xi32, #tpu.memory_space<hbm>>
      %dma_wait3A_117 = tpu.memref_squeeze %dma_wait3A_116 : memref<1x40x128xi32, #tpu.memory_space<hbm>> -> memref<40x128xi32, #tpu.memory_space<hbm>>
      tpu.wait_dma2 semaphore(%run_scoped3A : memref<!tpu.dma_semaphore, #tpu.memory_space<semaphore_mem>>) src(%dma_wait3A_117 : memref<40x128xi32, #tpu.memory_space<hbm>>) dst(%arg6 : memref<40x128xi32, #tpu.memory_space<vmem>>)
      tpu.yield
    }) : () -> ()
    "tpu.region"() ({
      %run_scoped3A = tpu.sem_alloc : memref<!tpu.dma_semaphore, #tpu.memory_space<semaphore_mem>>
      %dma_start3A_103 = arith.constant 40 : i32
      %dma_start3A_104 = arith.constant 0 : i32
      %dma_start3A_105 = tpu.memref_slice %arg4[%add3A, %dma_start3A_103, %dma_start3A_104] : memref<32x80x128xi32, #tpu.memory_space<hbm>> -> memref<1x40x128xi32, #tpu.memory_space<hbm>>
      %dma_start3A_106 = tpu.memref_squeeze %dma_start3A_105 : memref<1x40x128xi32, #tpu.memory_space<hbm>> -> memref<40x128xi32, #tpu.memory_space<hbm>>
      %dma_start3A_107 = arith.constant 40 : i32
      %dma_start3A_108 = arith.constant 0 : i32
      %dma_start3A_109 = tpu.memref_slice %arg4[%add3A, %dma_start3A_107, %dma_start3A_108] : memref<32x80x128xi32, #tpu.memory_space<hbm>> -> memref<1x40x128xi32, #tpu.memory_space<hbm>>
      %dma_start3A_110 = tpu.memref_squeeze %dma_start3A_109 : memref<1x40x128xi32, #tpu.memory_space<hbm>> -> memref<40x128xi32, #tpu.memory_space<hbm>>
      tpu.enqueue_dma source(%dma_start3A_110 : memref<40x128xi32, #tpu.memory_space<hbm>>) target(%arg7 : memref<40x128xi32, #tpu.memory_space<vmem>>) target_semaphore(%run_scoped3A : memref<!tpu.dma_semaphore, #tpu.memory_space<semaphore_mem>>)
      %dma_wait3A = arith.constant 40 : i32
      %dma_wait3A_111 = arith.constant 0 : i32
      %dma_wait3A_112 = tpu.memref_slice %arg4[%add3A, %dma_wait3A, %dma_wait3A_111] : memref<32x80x128xi32, #tpu.memory_space<hbm>> -> memref<1x40x128xi32, #tpu.memory_space<hbm>>
      %dma_wait3A_113 = tpu.memref_squeeze %dma_wait3A_112 : memref<1x40x128xi32, #tpu.memory_space<hbm>> -> memref<40x128xi32, #tpu.memory_space<hbm>>
      %dma_wait3A_114 = arith.constant 40 : i32
      %dma_wait3A_115 = arith.constant 0 : i32
      %dma_wait3A_116 = tpu.memref_slice %arg4[%add3A, %dma_wait3A_114, %dma_wait3A_115] : memref<32x80x128xi32, #tpu.memory_space<hbm>> -> memref<1x40x128xi32, #tpu.memory_space<hbm>>
      %dma_wait3A_117 = tpu.memref_squeeze %dma_wait3A_116 : memref<1x40x128xi32, #tpu.memory_space<hbm>> -> memref<40x128xi32, #tpu.memory_space<hbm>>
      tpu.wait_dma2 semaphore(%run_scoped3A : memref<!tpu.dma_semaphore, #tpu.memory_space<semaphore_mem>>) src(%dma_wait3A_117 : memref<40x128xi32, #tpu.memory_space<hbm>>) dst(%arg7 : memref<40x128xi32, #tpu.memory_space<vmem>>)
      tpu.yield
    }) : () -> ()
    %dma_start3A_43 = arith.constant 0 : i32
    %dma_start3A_44 = arith.constant 0 : i32
    %dma_start3A_45 = tpu.memref_slice %arg6[%dma_start3A_43, %dma_start3A_44] : memref<40x128xi32, #tpu.memory_space<vmem>> -> memref<1x128xi32, #tpu.memory_space<vmem>>
    %dma_start3A_46 = tpu.memref_squeeze %dma_start3A_45 : memref<1x128xi32, #tpu.memory_space<vmem>> -> memref<128xi32, #tpu.memory_space<vmem>>
    %dma_start3A_47 = arith.constant 0 : i32
    %dma_start3A_48 = arith.constant 0 : i32
    %dma_start3A_49 = tpu.memref_slice %arg2[%dma_start3A_47, %dma_start3A_48] : memref<10240x128xf32, #tpu.memory_space<hbm>> -> memref<10240x128xf32, #tpu.memory_space<hbm>>
    tpu.enqueue_indirect_dma source(%dma_start3A_49 : memref<10240x128xf32, #tpu.memory_space<hbm>>) target(%arg8 : memref<128x128xf32, #tpu.memory_space<vmem>>) offsets(%dma_start3A_46 : memref<128xi32, #tpu.memory_space<vmem>>) semaphore(%arg11 : memref<!tpu.dma_semaphore, #tpu.memory_space<semaphore_mem>>)
    %dma_start3A_50 = arith.constant 1 : i32
    %dma_start3A_51 = arith.constant 0 : i32
    %dma_start3A_52 = tpu.memref_slice %arg6[%dma_start3A_50, %dma_start3A_51] : memref<40x128xi32, #tpu.memory_space<vmem>> -> memref<1x128xi32, #tpu.memory_space<vmem>>
    %dma_start3A_53 = tpu.memref_squeeze %dma_start3A_52 : memref<1x128xi32, #tpu.memory_space<vmem>> -> memref<128xi32, #tpu.memory_space<vmem>>
    %dma_start3A_54 = arith.constant 0 : i32
    %dma_start3A_55 = arith.constant 0 : i32
    %dma_start3A_56 = tpu.memref_slice %arg2[%dma_start3A_54, %dma_start3A_55] : memref<10240x128xf32, #tpu.memory_space<hbm>> -> memref<10240x128xf32, #tpu.memory_space<hbm>>
    tpu.enqueue_indirect_dma source(%dma_start3A_56 : memref<10240x128xf32, #tpu.memory_space<hbm>>) target(%arg9 : memref<128x128xf32, #tpu.memory_space<vmem>>) offsets(%dma_start3A_53 : memref<128xi32, #tpu.memory_space<vmem>>) semaphore(%arg12 : memref<!tpu.dma_semaphore, #tpu.memory_space<semaphore_mem>>)
    %scan3A_57 = arith.constant 0 : i32
    %scan3A_58 = arith.constant 20 : i32
    %scan3A_59 = arith.addi %scan3A_57, %scan3A_58 : i32
    %scan3A_60 = arith.constant 1 : i32
    scf.for %scan3A_103 = %scan3A_57 to %scan3A_59 step %scan3A_60  : i32 {
      %mul3A_104 = arith.constant 1 : i32
      %mul3A_105 = arith.muli %scan3A_103, %mul3A_104 : i32
      %add3A_106 = arith.constant 0 : i32
      %add3A_107 = arith.addi %add3A_106, %mul3A_105 : i32
      %mul3A_108 = arith.constant 2 : i32
      %mul3A_109 = arith.muli %mul3A_108, %add3A_107 : i32
      %add3A_110 = arith.constant 1 : i32
      %add3A_111 = arith.addi %mul3A_109, %add3A_110 : i32
      %dma_wait3A = arith.constant 0 : i32
      %dma_wait3A_112 = tpu.memref_slice %arg6[%mul3A_109, %dma_wait3A] : memref<40x128xi32, #tpu.memory_space<vmem>> -> memref<1x128xi32, #tpu.memory_space<vmem>>
      %dma_wait3A_113 = tpu.memref_squeeze %dma_wait3A_112 : memref<1x128xi32, #tpu.memory_space<vmem>> -> memref<128xi32, #tpu.memory_space<vmem>>
      %dma_wait3A_114 = arith.constant 0 : i32
      %dma_wait3A_115 = arith.constant 0 : i32
      %dma_wait3A_116 = tpu.memref_slice %arg2[%dma_wait3A_114, %dma_wait3A_115] : memref<10240x128xf32, #tpu.memory_space<hbm>> -> memref<10240x128xf32, #tpu.memory_space<hbm>>
      tpu.wait_indirect_dma semaphore(%arg11 : memref<!tpu.dma_semaphore, #tpu.memory_space<semaphore_mem>>) src(%dma_wait3A_116 : memref<10240x128xf32, #tpu.memory_space<hbm>>) dst(%arg8 : memref<128x128xf32, #tpu.memory_space<vmem>>)
      "tpu.region"() ({
        %run_scoped3A = tpu.sem_alloc : memref<!tpu.dma_semaphore, #tpu.memory_space<semaphore_mem>>
        %dma_start3A_130 = arith.constant 0 : i32
        %dma_start3A_131 = tpu.memref_slice %arg7[%mul3A_109, %dma_start3A_130] : memref<40x128xi32, #tpu.memory_space<vmem>> -> memref<1x128xi32, #tpu.memory_space<vmem>>
        %dma_start3A_132 = tpu.memref_squeeze %dma_start3A_131 : memref<1x128xi32, #tpu.memory_space<vmem>> -> memref<128xi32, #tpu.memory_space<vmem>>
        %dma_start3A_133 = arith.constant 0 : i32
        %dma_start3A_134 = arith.constant 0 : i32
        %dma_start3A_135 = tpu.memref_slice %arg10[%dma_start3A_133, %dma_start3A_134] : memref<10240x128xf32, #tpu.memory_space<vmem_shared>> -> memref<10240x128xf32, #tpu.memory_space<vmem_shared>>
        tpu.enqueue_indirect_dma source(%arg8 : memref<128x128xf32, #tpu.memory_space<vmem>>) target(%dma_start3A_135 : memref<10240x128xf32, #tpu.memory_space<vmem_shared>>) offsets(%dma_start3A_132 : memref<128xi32, #tpu.memory_space<vmem>>) semaphore(%run_scoped3A : memref<!tpu.dma_semaphore, #tpu.memory_space<semaphore_mem>>) {add = true}
        %dma_wait3A_136 = arith.constant 0 : i32
        %dma_wait3A_137 = tpu.memref_slice %arg7[%mul3A_109, %dma_wait3A_136] : memref<40x128xi32, #tpu.memory_space<vmem>> -> memref<1x128xi32, #tpu.memory_space<vmem>>
        %dma_wait3A_138 = tpu.memref_squeeze %dma_wait3A_137 : memref<1x128xi32, #tpu.memory_space<vmem>> -> memref<128xi32, #tpu.memory_space<vmem>>
        %dma_wait3A_139 = arith.constant 0 : i32
        %dma_wait3A_140 = arith.constant 0 : i32
        %dma_wait3A_141 = tpu.memref_slice %arg10[%dma_wait3A_139, %dma_wait3A_140] : memref<10240x128xf32, #tpu.memory_space<vmem_shared>> -> memref<10240x128xf32, #tpu.memory_space<vmem_shared>>
        tpu.wait_indirect_dma semaphore(%run_scoped3A : memref<!tpu.dma_semaphore, #tpu.memory_space<semaphore_mem>>) src(%arg8 : memref<128x128xf32, #tpu.memory_space<vmem>>) dst(%dma_wait3A_141 : memref<10240x128xf32, #tpu.memory_space<vmem_shared>>)
        tpu.yield
      }) : () -> ()
      %lt3A = arith.constant 19 : i32
      %lt3A_117 = arith.cmpi slt, %add3A_107, %lt3A : i32
      %convert_element_type3A = arith.extui %lt3A_117 : i1 to i32
      %cond3A = arith.constant 0 : i32
      %cond3A_118 = arith.cmpi ne, %convert_element_type3A, %cond3A : i32
      scf.if %cond3A_118 {
        %add3A_130 = arith.constant 2 : i32
        %add3A_131 = arith.addi %mul3A_109, %add3A_130 : i32
        %dma_start3A_132 = arith.constant 0 : i32
        %dma_start3A_133 = tpu.memref_slice %arg6[%add3A_131, %dma_start3A_132] : memref<40x128xi32, #tpu.memory_space<vmem>> -> memref<1x128xi32, #tpu.memory_space<vmem>>
        %dma_start3A_134 = tpu.memref_squeeze %dma_start3A_133 : memref<1x128xi32, #tpu.memory_space<vmem>> -> memref<128xi32, #tpu.memory_space<vmem>>
        %dma_start3A_135 = arith.constant 0 : i32
        %dma_start3A_136 = arith.constant 0 : i32
        %dma_start3A_137 = tpu.memref_slice %arg2[%dma_start3A_135, %dma_start3A_136] : memref<10240x128xf32, #tpu.memory_space<hbm>> -> memref<10240x128xf32, #tpu.memory_space<hbm>>
        tpu.enqueue_indirect_dma source(%dma_start3A_137 : memref<10240x128xf32, #tpu.memory_space<hbm>>) target(%arg8 : memref<128x128xf32, #tpu.memory_space<vmem>>) offsets(%dma_start3A_134 : memref<128xi32, #tpu.memory_space<vmem>>) semaphore(%arg11 : memref<!tpu.dma_semaphore, #tpu.memory_space<semaphore_mem>>)
      } else {
      }
      %dma_wait3A_119 = arith.constant 0 : i32
      %dma_wait3A_120 = tpu.memref_slice %arg6[%add3A_111, %dma_wait3A_119] : memref<40x128xi32, #tpu.memory_space<vmem>> -> memref<1x128xi32, #tpu.memory_space<vmem>>
      %dma_wait3A_121 = tpu.memref_squeeze %dma_wait3A_120 : memref<1x128xi32, #tpu.memory_space<vmem>> -> memref<128xi32, #tpu.memory_space<vmem>>
      %dma_wait3A_122 = arith.constant 0 : i32
      %dma_wait3A_123 = arith.constant 0 : i32
      %dma_wait3A_124 = tpu.memref_slice %arg2[%dma_wait3A_122, %dma_wait3A_123] : memref<10240x128xf32, #tpu.memory_space<hbm>> -> memref<10240x128xf32, #tpu.memory_space<hbm>>
      tpu.wait_indirect_dma semaphore(%arg12 : memref<!tpu.dma_semaphore, #tpu.memory_space<semaphore_mem>>) src(%dma_wait3A_124 : memref<10240x128xf32, #tpu.memory_space<hbm>>) dst(%arg9 : memref<128x128xf32, #tpu.memory_space<vmem>>)
      "tpu.region"() ({
        %run_scoped3A = tpu.sem_alloc : memref<!tpu.dma_semaphore, #tpu.memory_space<semaphore_mem>>
        %dma_start3A_130 = arith.constant 0 : i32
        %dma_start3A_131 = tpu.memref_slice %arg7[%add3A_111, %dma_start3A_130] : memref<40x128xi32, #tpu.memory_space<vmem>> -> memref<1x128xi32, #tpu.memory_space<vmem>>
        %dma_start3A_132 = tpu.memref_squeeze %dma_start3A_131 : memref<1x128xi32, #tpu.memory_space<vmem>> -> memref<128xi32, #tpu.memory_space<vmem>>
        %dma_start3A_133 = arith.constant 0 : i32
        %dma_start3A_134 = arith.constant 0 : i32
        %dma_start3A_135 = tpu.memref_slice %arg10[%dma_start3A_133, %dma_start3A_134] : memref<10240x128xf32, #tpu.memory_space<vmem_shared>> -> memref<10240x128xf32, #tpu.memory_space<vmem_shared>>
        tpu.enqueue_indirect_dma source(%arg9 : memref<128x128xf32, #tpu.memory_space<vmem>>) target(%dma_start3A_135 : memref<10240x128xf32, #tpu.memory_space<vmem_shared>>) offsets(%dma_start3A_132 : memref<128xi32, #tpu.memory_space<vmem>>) semaphore(%run_scoped3A : memref<!tpu.dma_semaphore, #tpu.memory_space<semaphore_mem>>) {add = true}
        %dma_wait3A_136 = arith.constant 0 : i32
        %dma_wait3A_137 = tpu.memref_slice %arg7[%add3A_111, %dma_wait3A_136] : memref<40x128xi32, #tpu.memory_space<vmem>> -> memref<1x128xi32, #tpu.memory_space<vmem>>
        %dma_wait3A_138 = tpu.memref_squeeze %dma_wait3A_137 : memref<1x128xi32, #tpu.memory_space<vmem>> -> memref<128xi32, #tpu.memory_space<vmem>>
        %dma_wait3A_139 = arith.constant 0 : i32
        %dma_wait3A_140 = arith.constant 0 : i32
        %dma_wait3A_141 = tpu.memref_slice %arg10[%dma_wait3A_139, %dma_wait3A_140] : memref<10240x128xf32, #tpu.memory_space<vmem_shared>> -> memref<10240x128xf32, #tpu.memory_space<vmem_shared>>
        tpu.wait_indirect_dma semaphore(%run_scoped3A : memref<!tpu.dma_semaphore, #tpu.memory_space<semaphore_mem>>) src(%arg9 : memref<128x128xf32, #tpu.memory_space<vmem>>) dst(%dma_wait3A_141 : memref<10240x128xf32, #tpu.memory_space<vmem_shared>>)
        tpu.yield
      }) : () -> ()
      %lt3A_125 = arith.constant 19 : i32
      %lt3A_126 = arith.cmpi slt, %add3A_107, %lt3A_125 : i32
      %convert_element_type3A_127 = arith.extui %lt3A_126 : i1 to i32
      %cond3A_128 = arith.constant 0 : i32
      %cond3A_129 = arith.cmpi ne, %convert_element_type3A_127, %cond3A_128 : i32
      scf.if %cond3A_129 {
        %add3A_130 = arith.constant 2 : i32
        %add3A_131 = arith.addi %add3A_111, %add3A_130 : i32
        %dma_start3A_132 = arith.constant 0 : i32
        %dma_start3A_133 = tpu.memref_slice %arg6[%add3A_131, %dma_start3A_132] : memref<40x128xi32, #tpu.memory_space<vmem>> -> memref<1x128xi32, #tpu.memory_space<vmem>>
        %dma_start3A_134 = tpu.memref_squeeze %dma_start3A_133 : memref<1x128xi32, #tpu.memory_space<vmem>> -> memref<128xi32, #tpu.memory_space<vmem>>
        %dma_start3A_135 = arith.constant 0 : i32
        %dma_start3A_136 = arith.constant 0 : i32
        %dma_start3A_137 = tpu.memref_slice %arg2[%dma_start3A_135, %dma_start3A_136] : memref<10240x128xf32, #tpu.memory_space<hbm>> -> memref<10240x128xf32, #tpu.memory_space<hbm>>
        tpu.enqueue_indirect_dma source(%dma_start3A_137 : memref<10240x128xf32, #tpu.memory_space<hbm>>) target(%arg9 : memref<128x128xf32, #tpu.memory_space<vmem>>) offsets(%dma_start3A_134 : memref<128xi32, #tpu.memory_space<vmem>>) semaphore(%arg12 : memref<!tpu.dma_semaphore, #tpu.memory_space<semaphore_mem>>)
      } else {
      }
    }
    %scan3A_61 = arith.constant 20 : i32
    %barrier3A_62 = arith.constant 0 : index
    tpu.barrier barrier_id(%barrier3A_62)
    %mul3A_63 = arith.constant 640 : i32
    %mul3A_64 = arith.muli %arg1, %mul3A_63 : i32
    %add3A_65 = arith.constant 0 : i32
    %add3A_66 = arith.addi %mul3A_64, %add3A_65 : i32
    %mul3A_67 = arith.constant 640 : i32
    %mul3A_68 = arith.muli %arg1, %mul3A_67 : i32
    %add3A_69 = arith.constant 0 : i32
    %add3A_70 = arith.addi %mul3A_68, %add3A_69 : i32
    "tpu.region"() ({
      %run_scoped3A = tpu.sem_alloc : memref<!tpu.dma_semaphore, #tpu.memory_space<semaphore_mem>>
      %dma_start3A_103 = arith.constant 0 : i32
      %dma_start3A_104 = tpu.memref_slice %arg5[%arg0, %add3A_70, %dma_start3A_103] : memref<2x10240x128xf32, #tpu.memory_space<hbm>> -> memref<1x128x128xf32, #tpu.memory_space<hbm>>
      %dma_start3A_105 = tpu.memref_squeeze %dma_start3A_104 : memref<1x128x128xf32, #tpu.memory_space<hbm>> -> memref<128x128xf32, #tpu.memory_space<hbm>>
      %dma_start3A_106 = arith.constant 0 : i32
      %dma_start3A_107 = tpu.memref_slice %arg10[%add3A_66, %dma_start3A_106] : memref<10240x128xf32, #tpu.memory_space<vmem_shared>> -> memref<128x128xf32, #tpu.memory_space<vmem_shared>>
      tpu.enqueue_dma source(%dma_start3A_107 : memref<128x128xf32, #tpu.memory_space<vmem_shared>>) target(%dma_start3A_105 : memref<128x128xf32, #tpu.memory_space<hbm>>) target_semaphore(%run_scoped3A : memref<!tpu.dma_semaphore, #tpu.memory_space<semaphore_mem>>)
      %dma_wait3A = arith.constant 0 : i32
      %dma_wait3A_108 = tpu.memref_slice %arg5[%arg0, %add3A_70, %dma_wait3A] : memref<2x10240x128xf32, #tpu.memory_space<hbm>> -> memref<1x128x128xf32, #tpu.memory_space<hbm>>
      %dma_wait3A_109 = tpu.memref_squeeze %dma_wait3A_108 : memref<1x128x128xf32, #tpu.memory_space<hbm>> -> memref<128x128xf32, #tpu.memory_space<hbm>>
      %dma_wait3A_110 = arith.constant 0 : i32
      %dma_wait3A_111 = tpu.memref_slice %arg10[%add3A_66, %dma_wait3A_110] : memref<10240x128xf32, #tpu.memory_space<vmem_shared>> -> memref<128x128xf32, #tpu.memory_space<vmem_shared>>
      tpu.wait_dma2 semaphore(%run_scoped3A : memref<!tpu.dma_semaphore, #tpu.memory_space<semaphore_mem>>) src(%dma_wait3A_111 : memref<128x128xf32, #tpu.memory_space<vmem_shared>>) dst(%dma_wait3A_109 : memref<128x128xf32, #tpu.memory_space<hbm>>)
      tpu.yield
    }) : () -> ()
    %mul3A_71 = arith.constant 640 : i32
    %mul3A_72 = arith.muli %arg1, %mul3A_71 : i32
    %add3A_73 = arith.constant 128 : i32
    %add3A_74 = arith.addi %mul3A_72, %add3A_73 : i32
    %mul3A_75 = arith.constant 640 : i32
    %mul3A_76 = arith.muli %arg1, %mul3A_75 : i32
    %add3A_77 = arith.constant 128 : i32
    %add3A_78 = arith.addi %mul3A_76, %add3A_77 : i32
    "tpu.region"() ({
      %run_scoped3A = tpu.sem_alloc : memref<!tpu.dma_semaphore, #tpu.memory_space<semaphore_mem>>
      %dma_start3A_103 = arith.constant 0 : i32
      %dma_start3A_104 = tpu.memref_slice %arg5[%arg0, %add3A_78, %dma_start3A_103] : memref<2x10240x128xf32, #tpu.memory_space<hbm>> -> memref<1x128x128xf32, #tpu.memory_space<hbm>>
      %dma_start3A_105 = tpu.memref_squeeze %dma_start3A_104 : memref<1x128x128xf32, #tpu.memory_space<hbm>> -> memref<128x128xf32, #tpu.memory_space<hbm>>
      %dma_start3A_106 = arith.constant 0 : i32
      %dma_start3A_107 = tpu.memref_slice %arg10[%add3A_74, %dma_start3A_106] : memref<10240x128xf32, #tpu.memory_space<vmem_shared>> -> memref<128x128xf32, #tpu.memory_space<vmem_shared>>
      tpu.enqueue_dma source(%dma_start3A_107 : memref<128x128xf32, #tpu.memory_space<vmem_shared>>) target(%dma_start3A_105 : memref<128x128xf32, #tpu.memory_space<hbm>>) target_semaphore(%run_scoped3A : memref<!tpu.dma_semaphore, #tpu.memory_space<semaphore_mem>>)
      %dma_wait3A = arith.constant 0 : i32
      %dma_wait3A_108 = tpu.memref_slice %arg5[%arg0, %add3A_78, %dma_wait3A] : memref<2x10240x128xf32, #tpu.memory_space<hbm>> -> memref<1x128x128xf32, #tpu.memory_space<hbm>>
      %dma_wait3A_109 = tpu.memref_squeeze %dma_wait3A_108 : memref<1x128x128xf32, #tpu.memory_space<hbm>> -> memref<128x128xf32, #tpu.memory_space<hbm>>
      %dma_wait3A_110 = arith.constant 0 : i32
      %dma_wait3A_111 = tpu.memref_slice %arg10[%add3A_74, %dma_wait3A_110] : memref<10240x128xf32, #tpu.memory_space<vmem_shared>> -> memref<128x128xf32, #tpu.memory_space<vmem_shared>>
      tpu.wait_dma2 semaphore(%run_scoped3A : memref<!tpu.dma_semaphore, #tpu.memory_space<semaphore_mem>>) src(%dma_wait3A_111 : memref<128x128xf32, #tpu.memory_space<vmem_shared>>) dst(%dma_wait3A_109 : memref<128x128xf32, #tpu.memory_space<hbm>>)
      tpu.yield
    }) : () -> ()
    %mul3A_79 = arith.constant 640 : i32
    %mul3A_80 = arith.muli %arg1, %mul3A_79 : i32
    %add3A_81 = arith.constant 256 : i32
    %add3A_82 = arith.addi %mul3A_80, %add3A_81 : i32
    %mul3A_83 = arith.constant 640 : i32
    %mul3A_84 = arith.muli %arg1, %mul3A_83 : i32
    %add3A_85 = arith.constant 256 : i32
    %add3A_86 = arith.addi %mul3A_84, %add3A_85 : i32
    "tpu.region"() ({
      %run_scoped3A = tpu.sem_alloc : memref<!tpu.dma_semaphore, #tpu.memory_space<semaphore_mem>>
      %dma_start3A_103 = arith.constant 0 : i32
      %dma_start3A_104 = tpu.memref_slice %arg5[%arg0, %add3A_86, %dma_start3A_103] : memref<2x10240x128xf32, #tpu.memory_space<hbm>> -> memref<1x128x128xf32, #tpu.memory_space<hbm>>
      %dma_start3A_105 = tpu.memref_squeeze %dma_start3A_104 : memref<1x128x128xf32, #tpu.memory_space<hbm>> -> memref<128x128xf32, #tpu.memory_space<hbm>>
      %dma_start3A_106 = arith.constant 0 : i32
      %dma_start3A_107 = tpu.memref_slice %arg10[%add3A_82, %dma_start3A_106] : memref<10240x128xf32, #tpu.memory_space<vmem_shared>> -> memref<128x128xf32, #tpu.memory_space<vmem_shared>>
      tpu.enqueue_dma source(%dma_start3A_107 : memref<128x128xf32, #tpu.memory_space<vmem_shared>>) target(%dma_start3A_105 : memref<128x128xf32, #tpu.memory_space<hbm>>) target_semaphore(%run_scoped3A : memref<!tpu.dma_semaphore, #tpu.memory_space<semaphore_mem>>)
      %dma_wait3A = arith.constant 0 : i32
      %dma_wait3A_108 = tpu.memref_slice %arg5[%arg0, %add3A_86, %dma_wait3A] : memref<2x10240x128xf32, #tpu.memory_space<hbm>> -> memref<1x128x128xf32, #tpu.memory_space<hbm>>
      %dma_wait3A_109 = tpu.memref_squeeze %dma_wait3A_108 : memref<1x128x128xf32, #tpu.memory_space<hbm>> -> memref<128x128xf32, #tpu.memory_space<hbm>>
      %dma_wait3A_110 = arith.constant 0 : i32
      %dma_wait3A_111 = tpu.memref_slice %arg10[%add3A_82, %dma_wait3A_110] : memref<10240x128xf32, #tpu.memory_space<vmem_shared>> -> memref<128x128xf32, #tpu.memory_space<vmem_shared>>
      tpu.wait_dma2 semaphore(%run_scoped3A : memref<!tpu.dma_semaphore, #tpu.memory_space<semaphore_mem>>) src(%dma_wait3A_111 : memref<128x128xf32, #tpu.memory_space<vmem_shared>>) dst(%dma_wait3A_109 : memref<128x128xf32, #tpu.memory_space<hbm>>)
      tpu.yield
    }) : () -> ()
    %mul3A_87 = arith.constant 640 : i32
    %mul3A_88 = arith.muli %arg1, %mul3A_87 : i32
    %add3A_89 = arith.constant 384 : i32
    %add3A_90 = arith.addi %mul3A_88, %add3A_89 : i32
    %mul3A_91 = arith.constant 640 : i32
    %mul3A_92 = arith.muli %arg1, %mul3A_91 : i32
    %add3A_93 = arith.constant 384 : i32
    %add3A_94 = arith.addi %mul3A_92, %add3A_93 : i32
    "tpu.region"() ({
      %run_scoped3A = tpu.sem_alloc : memref<!tpu.dma_semaphore, #tpu.memory_space<semaphore_mem>>
      %dma_start3A_103 = arith.constant 0 : i32
      %dma_start3A_104 = tpu.memref_slice %arg5[%arg0, %add3A_94, %dma_start3A_103] : memref<2x10240x128xf32, #tpu.memory_space<hbm>> -> memref<1x128x128xf32, #tpu.memory_space<hbm>>
      %dma_start3A_105 = tpu.memref_squeeze %dma_start3A_104 : memref<1x128x128xf32, #tpu.memory_space<hbm>> -> memref<128x128xf32, #tpu.memory_space<hbm>>
      %dma_start3A_106 = arith.constant 0 : i32
      %dma_start3A_107 = tpu.memref_slice %arg10[%add3A_90, %dma_start3A_106] : memref<10240x128xf32, #tpu.memory_space<vmem_shared>> -> memref<128x128xf32, #tpu.memory_space<vmem_shared>>
      tpu.enqueue_dma source(%dma_start3A_107 : memref<128x128xf32, #tpu.memory_space<vmem_shared>>) target(%dma_start3A_105 : memref<128x128xf32, #tpu.memory_space<hbm>>) target_semaphore(%run_scoped3A : memref<!tpu.dma_semaphore, #tpu.memory_space<semaphore_mem>>)
      %dma_wait3A = arith.constant 0 : i32
      %dma_wait3A_108 = tpu.memref_slice %arg5[%arg0, %add3A_94, %dma_wait3A] : memref<2x10240x128xf32, #tpu.memory_space<hbm>> -> memref<1x128x128xf32, #tpu.memory_space<hbm>>
      %dma_wait3A_109 = tpu.memref_squeeze %dma_wait3A_108 : memref<1x128x128xf32, #tpu.memory_space<hbm>> -> memref<128x128xf32, #tpu.memory_space<hbm>>
      %dma_wait3A_110 = arith.constant 0 : i32
      %dma_wait3A_111 = tpu.memref_slice %arg10[%add3A_90, %dma_wait3A_110] : memref<10240x128xf32, #tpu.memory_space<vmem_shared>> -> memref<128x128xf32, #tpu.memory_space<vmem_shared>>
      tpu.wait_dma2 semaphore(%run_scoped3A : memref<!tpu.dma_semaphore, #tpu.memory_space<semaphore_mem>>) src(%dma_wait3A_111 : memref<128x128xf32, #tpu.memory_space<vmem_shared>>) dst(%dma_wait3A_109 : memref<128x128xf32, #tpu.memory_space<hbm>>)
      tpu.yield
    }) : () -> ()
    %mul3A_95 = arith.constant 640 : i32
    %mul3A_96 = arith.muli %arg1, %mul3A_95 : i32
    %add3A_97 = arith.constant 512 : i32
    %add3A_98 = arith.addi %mul3A_96, %add3A_97 : i32
    %mul3A_99 = arith.constant 640 : i32
    %mul3A_100 = arith.muli %arg1, %mul3A_99 : i32
    %add3A_101 = arith.constant 512 : i32
    %add3A_102 = arith.addi %mul3A_100, %add3A_101 : i32
    "tpu.region"() ({
      %run_scoped3A = tpu.sem_alloc : memref<!tpu.dma_semaphore, #tpu.memory_space<semaphore_mem>>
      %dma_start3A_103 = arith.constant 0 : i32
      %dma_start3A_104 = tpu.memref_slice %arg5[%arg0, %add3A_102, %dma_start3A_103] : memref<2x10240x128xf32, #tpu.memory_space<hbm>> -> memref<1x128x128xf32, #tpu.memory_space<hbm>>
      %dma_start3A_105 = tpu.memref_squeeze %dma_start3A_104 : memref<1x128x128xf32, #tpu.memory_space<hbm>> -> memref<128x128xf32, #tpu.memory_space<hbm>>
      %dma_start3A_106 = arith.constant 0 : i32
      %dma_start3A_107 = tpu.memref_slice %arg10[%add3A_98, %dma_start3A_106] : memref<10240x128xf32, #tpu.memory_space<vmem_shared>> -> memref<128x128xf32, #tpu.memory_space<vmem_shared>>
      tpu.enqueue_dma source(%dma_start3A_107 : memref<128x128xf32, #tpu.memory_space<vmem_shared>>) target(%dma_start3A_105 : memref<128x128xf32, #tpu.memory_space<hbm>>) target_semaphore(%run_scoped3A : memref<!tpu.dma_semaphore, #tpu.memory_space<semaphore_mem>>)
      %dma_wait3A = arith.constant 0 : i32
      %dma_wait3A_108 = tpu.memref_slice %arg5[%arg0, %add3A_102, %dma_wait3A] : memref<2x10240x128xf32, #tpu.memory_space<hbm>> -> memref<1x128x128xf32, #tpu.memory_space<hbm>>
      %dma_wait3A_109 = tpu.memref_squeeze %dma_wait3A_108 : memref<1x128x128xf32, #tpu.memory_space<hbm>> -> memref<128x128xf32, #tpu.memory_space<hbm>>
      %dma_wait3A_110 = arith.constant 0 : i32
      %dma_wait3A_111 = tpu.memref_slice %arg10[%add3A_98, %dma_wait3A_110] : memref<10240x128xf32, #tpu.memory_space<vmem_shared>> -> memref<128x128xf32, #tpu.memory_space<vmem_shared>>
      tpu.wait_dma2 semaphore(%run_scoped3A : memref<!tpu.dma_semaphore, #tpu.memory_space<semaphore_mem>>) src(%dma_wait3A_111 : memref<128x128xf32, #tpu.memory_space<vmem_shared>>) dst(%dma_wait3A_109 : memref<128x128xf32, #tpu.memory_space<hbm>>)
      tpu.yield
    }) : () -> ()
    return
  }
}

#map = affine_map<(d0, d1) -> (0, 0)>
#map1 = affine_map<(d0, d1) -> (0, 0, 0)>
module attributes {stable_mosaic.version = 14 : i64} {
  func.func @k(%arg0: i32, %arg1: i32, %arg2: memref<10240x128xf32, #tpu.memory_space<hbm>>, %arg3: memref<32x80x128xi32, #tpu.memory_space<hbm>>, %arg4: memref<32x80x128xi32, #tpu.memory_space<hbm>>, %arg5: memref<2x10240x128xf32, #tpu.memory_space<hbm>>, %arg6: memref<40x128xi32, #tpu.memory_space<vmem>>, %arg7: memref<40x128xi32, #tpu.memory_space<vmem>>, %arg8: memref<128x128xf32, #tpu.memory_space<vmem>>, %arg9: memref<128x128xf32, #tpu.memory_space<vmem>>, %arg10: memref<10240x128xf32, #tpu.memory_space<vmem_shared>>, %arg11: memref<!tpu.dma_semaphore, #tpu.memory_space<semaphore_mem>>, %arg12: memref<!tpu.dma_semaphore, #tpu.memory_space<semaphore_mem>>) attributes {dimension_semantics = [#tpu.dimension_semantics<core_parallel>, #tpu.dimension_semantics<subcore_parallel>], iteration_bounds = array<i64: 2, 16>, scalar_prefetch = 0 : i64, scratch_operands = 7 : i64, tpu.core_type = #tpu.core_type<sc_vector_subcore>, window_params = [{transform_indices = #map}, {transform_indices = #map1}, {transform_indices = #map1}, {transform_indices = #map1}]} {
    %mul3A = arith.constant 16 : i32
    %mul3A_0 = arith.muli %arg0, %mul3A : i32
    %add3A = arith.addi %mul3A_0, %arg1 : i32
    %scan3A = arith.constant 0 : i32
    %scan3A_1 = arith.constant 128 : i32
    %scan3A_2 = arith.addi %scan3A, %scan3A_1 : i32
    %scan3A_3 = arith.constant 1 : i32
    scf.for %scan3A_103 = %scan3A to %scan3A_2 step %scan3A_3  : i32 {
      %mul3A_104 = arith.constant 1 : i32
      %mul3A_105 = arith.muli %scan3A_103, %mul3A_104 : i32
      %add3A_106 = arith.constant 0 : i32
      %add3A_107 = arith.addi %add3A_106, %mul3A_105 : i32
      %broadcast_in_dim3A = arith.constant 0.000000e+00 : f32
      %broadcast_in_dim3A_108 = vector.broadcast %broadcast_in_dim3A : f32 to vector<16xf32>
      %swap3A = arith.index_cast %add3A_107 : i32 to index
      %swap3A_109 = arith.constant 0 : index
      %swap3A_110 = tpu.vector_load %arg8[%swap3A, %swap3A_109] {strides = array<i32>} : memref<128x128xf32, #tpu.memory_space<vmem>>, vector<1x16xf32>,
      %swap3A_111 = vector.shape_cast %swap3A_110 : vector<1x16xf32> to vector<16xf32>
      %swap3A_112 = vector.shape_cast %broadcast_in_dim3A_108 : vector<16xf32> to vector<1x16xf32>
      tpu.vector_store %arg8[%swap3A, %swap3A_109], %swap3A_112 {strides = array<i32>} : memref<128x128xf32, #tpu.memory_space<vmem>>, vector<1x16xf32>,
      %broadcast_in_dim3A_113 = arith.constant 0.000000e+00 : f32
      %broadcast_in_dim3A_114 = vector.broadcast %broadcast_in_dim3A_113 : f32 to vector<16xf32>
      %swap3A_115 = arith.index_cast %add3A_107 : i32 to index
      %swap3A_116 = arith.constant 16 : index
      %swap3A_117 = tpu.vector_load %arg8[%swap3A_115, %swap3A_116] {strides = array<i32>} : memref<128x128xf32, #tpu.memory_space<vmem>>, vector<1x16xf32>,
      %swap3A_118 = vector.shape_cast %swap3A_117 : vector<1x16xf32> to vector<16xf32>
      %swap3A_119 = vector.shape_cast %broadcast_in_dim3A_114 : vector<16xf32> to vector<1x16xf32>
      tpu.vector_store %arg8[%swap3A_115, %swap3A_116], %swap3A_119 {strides = array<i32>} : memref<128x128xf32, #tpu.memory_space<vmem>>, vector<1x16xf32>,
      %broadcast_in_dim3A_120 = arith.constant 0.000000e+00 : f32
      %broadcast_in_dim3A_121 = vector.broadcast %broadcast_in_dim3A_120 : f32 to vector<16xf32>
      %swap3A_122 = arith.index_cast %add3A_107 : i32 to index
      %swap3A_123 = arith.constant 32 : index
      %swap3A_124 = tpu.vector_load %arg8[%swap3A_122, %swap3A_123] {strides = array<i32>} : memref<128x128xf32, #tpu.memory_space<vmem>>, vector<1x16xf32>,
      %swap3A_125 = vector.shape_cast %swap3A_124 : vector<1x16xf32> to vector<16xf32>
      %swap3A_126 = vector.shape_cast %broadcast_in_dim3A_121 : vector<16xf32> to vector<1x16xf32>
      tpu.vector_store %arg8[%swap3A_122, %swap3A_123], %swap3A_126 {strides = array<i32>} : memref<128x128xf32, #tpu.memory_space<vmem>>, vector<1x16xf32>,
      %broadcast_in_dim3A_127 = arith.constant 0.000000e+00 : f32
      %broadcast_in_dim3A_128 = vector.broadcast %broadcast_in_dim3A_127 : f32 to vector<16xf32>
      %swap3A_129 = arith.index_cast %add3A_107 : i32 to index
      %swap3A_130 = arith.constant 48 : index
      %swap3A_131 = tpu.vector_load %arg8[%swap3A_129, %swap3A_130] {strides = array<i32>} : memref<128x128xf32, #tpu.memory_space<vmem>>, vector<1x16xf32>,
      %swap3A_132 = vector.shape_cast %swap3A_131 : vector<1x16xf32> to vector<16xf32>
      %swap3A_133 = vector.shape_cast %broadcast_in_dim3A_128 : vector<16xf32> to vector<1x16xf32>
      tpu.vector_store %arg8[%swap3A_129, %swap3A_130], %swap3A_133 {strides = array<i32>} : memref<128x128xf32, #tpu.memory_space<vmem>>, vector<1x16xf32>,
      %broadcast_in_dim3A_134 = arith.constant 0.000000e+00 : f32
      %broadcast_in_dim3A_135 = vector.broadcast %broadcast_in_dim3A_134 : f32 to vector<16xf32>
      %swap3A_136 = arith.index_cast %add3A_107 : i32 to index
      %swap3A_137 = arith.constant 64 : index
      %swap3A_138 = tpu.vector_load %arg8[%swap3A_136, %swap3A_137] {strides = array<i32>} : memref<128x128xf32, #tpu.memory_space<vmem>>, vector<1x16xf32>,
      %swap3A_139 = vector.shape_cast %swap3A_138 : vector<1x16xf32> to vector<16xf32>
      %swap3A_140 = vector.shape_cast %broadcast_in_dim3A_135 : vector<16xf32> to vector<1x16xf32>
      tpu.vector_store %arg8[%swap3A_136, %swap3A_137], %swap3A_140 {strides = array<i32>} : memref<128x128xf32, #tpu.memory_space<vmem>>, vector<1x16xf32>,
      %broadcast_in_dim3A_141 = arith.constant 0.000000e+00 : f32
      %broadcast_in_dim3A_142 = vector.broadcast %broadcast_in_dim3A_141 : f32 to vector<16xf32>
      %swap3A_143 = arith.index_cast %add3A_107 : i32 to index
      %swap3A_144 = arith.constant 80 : index
      %swap3A_145 = tpu.vector_load %arg8[%swap3A_143, %swap3A_144] {strides = array<i32>} : memref<128x128xf32, #tpu.memory_space<vmem>>, vector<1x16xf32>,
      %swap3A_146 = vector.shape_cast %swap3A_145 : vector<1x16xf32> to vector<16xf32>
      %swap3A_147 = vector.shape_cast %broadcast_in_dim3A_142 : vector<16xf32> to vector<1x16xf32>
      tpu.vector_store %arg8[%swap3A_143, %swap3A_144], %swap3A_147 {strides = array<i32>} : memref<128x128xf32, #tpu.memory_space<vmem>>, vector<1x16xf32>,
      %broadcast_in_dim3A_148 = arith.constant 0.000000e+00 : f32
      %broadcast_in_dim3A_149 = vector.broadcast %broadcast_in_dim3A_148 : f32 to vector<16xf32>
      %swap3A_150 = arith.index_cast %add3A_107 : i32 to index
      %swap3A_151 = arith.constant 96 : index
      %swap3A_152 = tpu.vector_load %arg8[%swap3A_150, %swap3A_151] {strides = array<i32>} : memref<128x128xf32, #tpu.memory_space<vmem>>, vector<1x16xf32>,
      %swap3A_153 = vector.shape_cast %swap3A_152 : vector<1x16xf32> to vector<16xf32>
      %swap3A_154 = vector.shape_cast %broadcast_in_dim3A_149 : vector<16xf32> to vector<1x16xf32>
      tpu.vector_store %arg8[%swap3A_150, %swap3A_151], %swap3A_154 {strides = array<i32>} : memref<128x128xf32, #tpu.memory_space<vmem>>, vector<1x16xf32>,
      %broadcast_in_dim3A_155 = arith.constant 0.000000e+00 : f32
      %broadcast_in_dim3A_156 = vector.broadcast %broadcast_in_dim3A_155 : f32 to vector<16xf32>
      %swap3A_157 = arith.index_cast %add3A_107 : i32 to index
      %swap3A_158 = arith.constant 112 : index
      %swap3A_159 = tpu.vector_load %arg8[%swap3A_157, %swap3A_158] {strides = array<i32>} : memref<128x128xf32, #tpu.memory_space<vmem>>, vector<1x16xf32>,
      %swap3A_160 = vector.shape_cast %swap3A_159 : vector<1x16xf32> to vector<16xf32>
      %swap3A_161 = vector.shape_cast %broadcast_in_dim3A_156 : vector<16xf32> to vector<1x16xf32>
      tpu.vector_store %arg8[%swap3A_157, %swap3A_158], %swap3A_161 {strides = array<i32>} : memref<128x128xf32, #tpu.memory_space<vmem>>, vector<1x16xf32>,
    }
    %scan3A_4 = arith.constant 128 : i32
    %mul3A_5 = arith.constant 640 : i32
    %mul3A_6 = arith.muli %arg1, %mul3A_5 : i32
    %add3A_7 = arith.constant 0 : i32
    %add3A_8 = arith.addi %mul3A_6, %add3A_7 : i32
    "tpu.region"() ({
      %run_scoped3A = tpu.sem_alloc : memref<!tpu.dma_semaphore, #tpu.memory_space<semaphore_mem>>
      %dma_start3A_103 = arith.constant 0 : i32
      %dma_start3A_104 = tpu.memref_slice %arg10[%add3A_8, %dma_start3A_103] : memref<10240x128xf32, #tpu.memory_space<vmem_shared>> -> memref<128x128xf32, #tpu.memory_space<vmem_shared>>
      %dma_start3A_105 = arith.constant 0 : i32
      %dma_start3A_106 = tpu.memref_slice %arg10[%add3A_8, %dma_start3A_105] : memref<10240x128xf32, #tpu.memory_space<vmem_shared>> -> memref<128x128xf32, #tpu.memory_space<vmem_shared>>
      tpu.enqueue_dma source(%arg8 : memref<128x128xf32, #tpu.memory_space<vmem>>) target(%dma_start3A_106 : memref<128x128xf32, #tpu.memory_space<vmem_shared>>) target_semaphore(%run_scoped3A : memref<!tpu.dma_semaphore, #tpu.memory_space<semaphore_mem>>)
      %dma_wait3A = arith.constant 0 : i32
      %dma_wait3A_107 = tpu.memref_slice %arg10[%add3A_8, %dma_wait3A] : memref<10240x128xf32, #tpu.memory_space<vmem_shared>> -> memref<128x128xf32, #tpu.memory_space<vmem_shared>>
      %dma_wait3A_108 = arith.constant 0 : i32
      %dma_wait3A_109 = tpu.memref_slice %arg10[%add3A_8, %dma_wait3A_108] : memref<10240x128xf32, #tpu.memory_space<vmem_shared>> -> memref<128x128xf32, #tpu.memory_space<vmem_shared>>
      tpu.wait_dma2 semaphore(%run_scoped3A : memref<!tpu.dma_semaphore, #tpu.memory_space<semaphore_mem>>) src(%arg8 : memref<128x128xf32, #tpu.memory_space<vmem>>) dst(%dma_wait3A_109 : memref<128x128xf32, #tpu.memory_space<vmem_shared>>)
      tpu.yield
    }) : () -> ()
    %mul3A_9 = arith.constant 640 : i32
    %mul3A_10 = arith.muli %arg1, %mul3A_9 : i32
    %add3A_11 = arith.constant 128 : i32
    %add3A_12 = arith.addi %mul3A_10, %add3A_11 : i32
    "tpu.region"() ({
      %run_scoped3A = tpu.sem_alloc : memref<!tpu.dma_semaphore, #tpu.memory_space<semaphore_mem>>
      %dma_start3A_103 = arith.constant 0 : i32
      %dma_start3A_104 = tpu.memref_slice %arg10[%add3A_12, %dma_start3A_103] : memref<10240x128xf32, #tpu.memory_space<vmem_shared>> -> memref<128x128xf32, #tpu.memory_space<vmem_shared>>
      %dma_start3A_105 = arith.constant 0 : i32
      %dma_start3A_106 = tpu.memref_slice %arg10[%add3A_12, %dma_start3A_105] : memref<10240x128xf32, #tpu.memory_space<vmem_shared>> -> memref<128x128xf32, #tpu.memory_space<vmem_shared>>
      tpu.enqueue_dma source(%arg8 : memref<128x128xf32, #tpu.memory_space<vmem>>) target(%dma_start3A_106 : memref<128x128xf32, #tpu.memory_space<vmem_shared>>) target_semaphore(%run_scoped3A : memref<!tpu.dma_semaphore, #tpu.memory_space<semaphore_mem>>)
      %dma_wait3A = arith.constant 0 : i32
      %dma_wait3A_107 = tpu.memref_slice %arg10[%add3A_12, %dma_wait3A] : memref<10240x128xf32, #tpu.memory_space<vmem_shared>> -> memref<128x128xf32, #tpu.memory_space<vmem_shared>>
      %dma_wait3A_108 = arith.constant 0 : i32
      %dma_wait3A_109 = tpu.memref_slice %arg10[%add3A_12, %dma_wait3A_108] : memref<10240x128xf32, #tpu.memory_space<vmem_shared>> -> memref<128x128xf32, #tpu.memory_space<vmem_shared>>
      tpu.wait_dma2 semaphore(%run_scoped3A : memref<!tpu.dma_semaphore, #tpu.memory_space<semaphore_mem>>) src(%arg8 : memref<128x128xf32, #tpu.memory_space<vmem>>) dst(%dma_wait3A_109 : memref<128x128xf32, #tpu.memory_space<vmem_shared>>)
      tpu.yield
    }) : () -> ()
    %mul3A_13 = arith.constant 640 : i32
    %mul3A_14 = arith.muli %arg1, %mul3A_13 : i32
    %add3A_15 = arith.constant 256 : i32
    %add3A_16 = arith.addi %mul3A_14, %add3A_15 : i32
    "tpu.region"() ({
      %run_scoped3A = tpu.sem_alloc : memref<!tpu.dma_semaphore, #tpu.memory_space<semaphore_mem>>
      %dma_start3A_103 = arith.constant 0 : i32
      %dma_start3A_104 = tpu.memref_slice %arg10[%add3A_16, %dma_start3A_103] : memref<10240x128xf32, #tpu.memory_space<vmem_shared>> -> memref<128x128xf32, #tpu.memory_space<vmem_shared>>
      %dma_start3A_105 = arith.constant 0 : i32
      %dma_start3A_106 = tpu.memref_slice %arg10[%add3A_16, %dma_start3A_105] : memref<10240x128xf32, #tpu.memory_space<vmem_shared>> -> memref<128x128xf32, #tpu.memory_space<vmem_shared>>
      tpu.enqueue_dma source(%arg8 : memref<128x128xf32, #tpu.memory_space<vmem>>) target(%dma_start3A_106 : memref<128x128xf32, #tpu.memory_space<vmem_shared>>) target_semaphore(%run_scoped3A : memref<!tpu.dma_semaphore, #tpu.memory_space<semaphore_mem>>)
      %dma_wait3A = arith.constant 0 : i32
      %dma_wait3A_107 = tpu.memref_slice %arg10[%add3A_16, %dma_wait3A] : memref<10240x128xf32, #tpu.memory_space<vmem_shared>> -> memref<128x128xf32, #tpu.memory_space<vmem_shared>>
      %dma_wait3A_108 = arith.constant 0 : i32
      %dma_wait3A_109 = tpu.memref_slice %arg10[%add3A_16, %dma_wait3A_108] : memref<10240x128xf32, #tpu.memory_space<vmem_shared>> -> memref<128x128xf32, #tpu.memory_space<vmem_shared>>
      tpu.wait_dma2 semaphore(%run_scoped3A : memref<!tpu.dma_semaphore, #tpu.memory_space<semaphore_mem>>) src(%arg8 : memref<128x128xf32, #tpu.memory_space<vmem>>) dst(%dma_wait3A_109 : memref<128x128xf32, #tpu.memory_space<vmem_shared>>)
      tpu.yield
    }) : () -> ()
    %mul3A_17 = arith.constant 640 : i32
    %mul3A_18 = arith.muli %arg1, %mul3A_17 : i32
    %add3A_19 = arith.constant 384 : i32
    %add3A_20 = arith.addi %mul3A_18, %add3A_19 : i32
    "tpu.region"() ({
      %run_scoped3A = tpu.sem_alloc : memref<!tpu.dma_semaphore, #tpu.memory_space<semaphore_mem>>
      %dma_start3A_103 = arith.constant 0 : i32
      %dma_start3A_104 = tpu.memref_slice %arg10[%add3A_20, %dma_start3A_103] : memref<10240x128xf32, #tpu.memory_space<vmem_shared>> -> memref<128x128xf32, #tpu.memory_space<vmem_shared>>
      %dma_start3A_105 = arith.constant 0 : i32
      %dma_start3A_106 = tpu.memref_slice %arg10[%add3A_20, %dma_start3A_105] : memref<10240x128xf32, #tpu.memory_space<vmem_shared>> -> memref<128x128xf32, #tpu.memory_space<vmem_shared>>
      tpu.enqueue_dma source(%arg8 : memref<128x128xf32, #tpu.memory_space<vmem>>) target(%dma_start3A_106 : memref<128x128xf32, #tpu.memory_space<vmem_shared>>) target_semaphore(%run_scoped3A : memref<!tpu.dma_semaphore, #tpu.memory_space<semaphore_mem>>)
      %dma_wait3A = arith.constant 0 : i32
      %dma_wait3A_107 = tpu.memref_slice %arg10[%add3A_20, %dma_wait3A] : memref<10240x128xf32, #tpu.memory_space<vmem_shared>> -> memref<128x128xf32, #tpu.memory_space<vmem_shared>>
      %dma_wait3A_108 = arith.constant 0 : i32
      %dma_wait3A_109 = tpu.memref_slice %arg10[%add3A_20, %dma_wait3A_108] : memref<10240x128xf32, #tpu.memory_space<vmem_shared>> -> memref<128x128xf32, #tpu.memory_space<vmem_shared>>
      tpu.wait_dma2 semaphore(%run_scoped3A : memref<!tpu.dma_semaphore, #tpu.memory_space<semaphore_mem>>) src(%arg8 : memref<128x128xf32, #tpu.memory_space<vmem>>) dst(%dma_wait3A_109 : memref<128x128xf32, #tpu.memory_space<vmem_shared>>)
      tpu.yield
    }) : () -> ()
    %mul3A_21 = arith.constant 640 : i32
    %mul3A_22 = arith.muli %arg1, %mul3A_21 : i32
    %add3A_23 = arith.constant 512 : i32
    %add3A_24 = arith.addi %mul3A_22, %add3A_23 : i32
    "tpu.region"() ({
      %run_scoped3A = tpu.sem_alloc : memref<!tpu.dma_semaphore, #tpu.memory_space<semaphore_mem>>
      %dma_start3A_103 = arith.constant 0 : i32
      %dma_start3A_104 = tpu.memref_slice %arg10[%add3A_24, %dma_start3A_103] : memref<10240x128xf32, #tpu.memory_space<vmem_shared>> -> memref<128x128xf32, #tpu.memory_space<vmem_shared>>
      %dma_start3A_105 = arith.constant 0 : i32
      %dma_start3A_106 = tpu.memref_slice %arg10[%add3A_24, %dma_start3A_105] : memref<10240x128xf32, #tpu.memory_space<vmem_shared>> -> memref<128x128xf32, #tpu.memory_space<vmem_shared>>
      tpu.enqueue_dma source(%arg8 : memref<128x128xf32, #tpu.memory_space<vmem>>) target(%dma_start3A_106 : memref<128x128xf32, #tpu.memory_space<vmem_shared>>) target_semaphore(%run_scoped3A : memref<!tpu.dma_semaphore, #tpu.memory_space<semaphore_mem>>)
      %dma_wait3A = arith.constant 0 : i32
      %dma_wait3A_107 = tpu.memref_slice %arg10[%add3A_24, %dma_wait3A] : memref<10240x128xf32, #tpu.memory_space<vmem_shared>> -> memref<128x128xf32, #tpu.memory_space<vmem_shared>>
      %dma_wait3A_108 = arith.constant 0 : i32
      %dma_wait3A_109 = tpu.memref_slice %arg10[%add3A_24, %dma_wait3A_108] : memref<10240x128xf32, #tpu.memory_space<vmem_shared>> -> memref<128x128xf32, #tpu.memory_space<vmem_shared>>
      tpu.wait_dma2 semaphore(%run_scoped3A : memref<!tpu.dma_semaphore, #tpu.memory_space<semaphore_mem>>) src(%arg8 : memref<128x128xf32, #tpu.memory_space<vmem>>) dst(%dma_wait3A_109 : memref<128x128xf32, #tpu.memory_space<vmem_shared>>)
      tpu.yield
    }) : () -> ()
    %barrier3A = arith.constant 0 : index
    tpu.barrier barrier_id(%barrier3A)
    "tpu.region"() ({
      %run_scoped3A = tpu.sem_alloc : memref<!tpu.dma_semaphore, #tpu.memory_space<semaphore_mem>>
      %dma_start3A_103 = arith.constant 0 : i32
      %dma_start3A_104 = arith.constant 0 : i32
      %dma_start3A_105 = tpu.memref_slice %arg3[%add3A, %dma_start3A_103, %dma_start3A_104] : memref<32x80x128xi32, #tpu.memory_space<hbm>> -> memref<1x40x128xi32, #tpu.memory_space<hbm>>
      %dma_start3A_106 = tpu.memref_squeeze %dma_start3A_105 : memref<1x40x128xi32, #tpu.memory_space<hbm>> -> memref<40x128xi32, #tpu.memory_space<hbm>>
      %dma_start3A_107 = arith.constant 0 : i32
      %dma_start3A_108 = arith.constant 0 : i32
      %dma_start3A_109 = tpu.memref_slice %arg3[%add3A, %dma_start3A_107, %dma_start3A_108] : memref<32x80x128xi32, #tpu.memory_space<hbm>> -> memref<1x40x128xi32, #tpu.memory_space<hbm>>
      %dma_start3A_110 = tpu.memref_squeeze %dma_start3A_109 : memref<1x40x128xi32, #tpu.memory_space<hbm>> -> memref<40x128xi32, #tpu.memory_space<hbm>>
      tpu.enqueue_dma source(%dma_start3A_110 : memref<40x128xi32, #tpu.memory_space<hbm>>) target(%arg6 : memref<40x128xi32, #tpu.memory_space<vmem>>) target_semaphore(%run_scoped3A : memref<!tpu.dma_semaphore, #tpu.memory_space<semaphore_mem>>)
      %dma_wait3A = arith.constant 0 : i32
      %dma_wait3A_111 = arith.constant 0 : i32
      %dma_wait3A_112 = tpu.memref_slice %arg3[%add3A, %dma_wait3A, %dma_wait3A_111] : memref<32x80x128xi32, #tpu.memory_space<hbm>> -> memref<1x40x128xi32, #tpu.memory_space<hbm>>
      %dma_wait3A_113 = tpu.memref_squeeze %dma_wait3A_112 : memref<1x40x128xi32, #tpu.memory_space<hbm>> -> memref<40x128xi32, #tpu.memory_space<hbm>>
      %dma_wait3A_114 = arith.constant 0 : i32
      %dma_wait3A_115 = arith.constant 0 : i32
      %dma_wait3A_116 = tpu.memref_slice %arg3[%add3A, %dma_wait3A_114, %dma_wait3A_115] : memref<32x80x128xi32, #tpu.memory_space<hbm>> -> memref<1x40x128xi32, #tpu.memory_space<hbm>>
      %dma_wait3A_117 = tpu.memref_squeeze %dma_wait3A_116 : memref<1x40x128xi32, #tpu.memory_space<hbm>> -> memref<40x128xi32, #tpu.memory_space<hbm>>
      tpu.wait_dma2 semaphore(%run_scoped3A : memref<!tpu.dma_semaphore, #tpu.memory_space<semaphore_mem>>) src(%dma_wait3A_117 : memref<40x128xi32, #tpu.memory_space<hbm>>) dst(%arg6 : memref<40x128xi32, #tpu.memory_space<vmem>>)
      tpu.yield
    }) : () -> ()
    "tpu.region"() ({
      %run_scoped3A = tpu.sem_alloc : memref<!tpu.dma_semaphore, #tpu.memory_space<semaphore_mem>>
      %dma_start3A_103 = arith.constant 0 : i32
      %dma_start3A_104 = arith.constant 0 : i32
      %dma_start3A_105 = tpu.memref_slice %arg4[%add3A, %dma_start3A_103, %dma_start3A_104] : memref<32x80x128xi32, #tpu.memory_space<hbm>> -> memref<1x40x128xi32, #tpu.memory_space<hbm>>
      %dma_start3A_106 = tpu.memref_squeeze %dma_start3A_105 : memref<1x40x128xi32, #tpu.memory_space<hbm>> -> memref<40x128xi32, #tpu.memory_space<hbm>>
      %dma_start3A_107 = arith.constant 0 : i32
      %dma_start3A_108 = arith.constant 0 : i32
      %dma_start3A_109 = tpu.memref_slice %arg4[%add3A, %dma_start3A_107, %dma_start3A_108] : memref<32x80x128xi32, #tpu.memory_space<hbm>> -> memref<1x40x128xi32, #tpu.memory_space<hbm>>
      %dma_start3A_110 = tpu.memref_squeeze %dma_start3A_109 : memref<1x40x128xi32, #tpu.memory_space<hbm>> -> memref<40x128xi32, #tpu.memory_space<hbm>>
      tpu.enqueue_dma source(%dma_start3A_110 : memref<40x128xi32, #tpu.memory_space<hbm>>) target(%arg7 : memref<40x128xi32, #tpu.memory_space<vmem>>) target_semaphore(%run_scoped3A : memref<!tpu.dma_semaphore, #tpu.memory_space<semaphore_mem>>)
      %dma_wait3A = arith.constant 0 : i32
      %dma_wait3A_111 = arith.constant 0 : i32
      %dma_wait3A_112 = tpu.memref_slice %arg4[%add3A, %dma_wait3A, %dma_wait3A_111] : memref<32x80x128xi32, #tpu.memory_space<hbm>> -> memref<1x40x128xi32, #tpu.memory_space<hbm>>
      %dma_wait3A_113 = tpu.memref_squeeze %dma_wait3A_112 : memref<1x40x128xi32, #tpu.memory_space<hbm>> -> memref<40x128xi32, #tpu.memory_space<hbm>>
      %dma_wait3A_114 = arith.constant 0 : i32
      %dma_wait3A_115 = arith.constant 0 : i32
      %dma_wait3A_116 = tpu.memref_slice %arg4[%add3A, %dma_wait3A_114, %dma_wait3A_115] : memref<32x80x128xi32, #tpu.memory_space<hbm>> -> memref<1x40x128xi32, #tpu.memory_space<hbm>>
      %dma_wait3A_117 = tpu.memref_squeeze %dma_wait3A_116 : memref<1x40x128xi32, #tpu.memory_space<hbm>> -> memref<40x128xi32, #tpu.memory_space<hbm>>
      tpu.wait_dma2 semaphore(%run_scoped3A : memref<!tpu.dma_semaphore, #tpu.memory_space<semaphore_mem>>) src(%dma_wait3A_117 : memref<40x128xi32, #tpu.memory_space<hbm>>) dst(%arg7 : memref<40x128xi32, #tpu.memory_space<vmem>>)
      tpu.yield
    }) : () -> ()
    %dma_start3A = arith.constant 0 : i32
    %dma_start3A_25 = arith.constant 0 : i32
    %dma_start3A_26 = tpu.memref_slice %arg6[%dma_start3A, %dma_start3A_25] : memref<40x128xi32, #tpu.memory_space<vmem>> -> memref<1x128xi32, #tpu.memory_space<vmem>>
    %dma_start3A_27 = tpu.memref_squeeze %dma_start3A_26 : memref<1x128xi32, #tpu.memory_space<vmem>> -> memref<128xi32, #tpu.memory_space<vmem>>
    %dma_start3A_28 = arith.constant 0 : i32
    %dma_start3A_29 = arith.constant 0 : i32
    %dma_start3A_30 = tpu.memref_slice %arg2[%dma_start3A_28, %dma_start3A_29] : memref<10240x128xf32, #tpu.memory_space<hbm>> -> memref<10240x128xf32, #tpu.memory_space<hbm>>
    tpu.enqueue_indirect_dma source(%dma_start3A_30 : memref<10240x128xf32, #tpu.memory_space<hbm>>) target(%arg8 : memref<128x128xf32, #tpu.memory_space<vmem>>) offsets(%dma_start3A_27 : memref<128xi32, #tpu.memory_space<vmem>>) semaphore(%arg11 : memref<!tpu.dma_semaphore, #tpu.memory_space<semaphore_mem>>)
    %dma_start3A_31 = arith.constant 1 : i32
    %dma_start3A_32 = arith.constant 0 : i32
    %dma_start3A_33 = tpu.memref_slice %arg6[%dma_start3A_31, %dma_start3A_32] : memref<40x128xi32, #tpu.memory_space<vmem>> -> memref<1x128xi32, #tpu.memory_space<vmem>>
    %dma_start3A_34 = tpu.memref_squeeze %dma_start3A_33 : memref<1x128xi32, #tpu.memory_space<vmem>> -> memref<128xi32, #tpu.memory_space<vmem>>
    %dma_start3A_35 = arith.constant 0 : i32
    %dma_start3A_36 = arith.constant 0 : i32
    %dma_start3A_37 = tpu.memref_slice %arg2[%dma_start3A_35, %dma_start3A_36] : memref<10240x128xf32, #tpu.memory_space<hbm>> -> memref<10240x128xf32, #tpu.memory_space<hbm>>
    tpu.enqueue_indirect_dma source(%dma_start3A_37 : memref<10240x128xf32, #tpu.memory_space<hbm>>) target(%arg9 : memref<128x128xf32, #tpu.memory_space<vmem>>) offsets(%dma_start3A_34 : memref<128xi32, #tpu.memory_space<vmem>>) semaphore(%arg12 : memref<!tpu.dma_semaphore, #tpu.memory_space<semaphore_mem>>)
    %scan3A_38 = arith.constant 0 : i32
    %scan3A_39 = arith.constant 20 : i32
    %scan3A_40 = arith.addi %scan3A_38, %scan3A_39 : i32
    %scan3A_41 = arith.constant 1 : i32
    scf.for %scan3A_103 = %scan3A_38 to %scan3A_40 step %scan3A_41  : i32 {
      %mul3A_104 = arith.constant 1 : i32
      %mul3A_105 = arith.muli %scan3A_103, %mul3A_104 : i32
      %add3A_106 = arith.constant 0 : i32
      %add3A_107 = arith.addi %add3A_106, %mul3A_105 : i32
      %mul3A_108 = arith.constant 2 : i32
      %mul3A_109 = arith.muli %mul3A_108, %add3A_107 : i32
      %add3A_110 = arith.constant 1 : i32
      %add3A_111 = arith.addi %mul3A_109, %add3A_110 : i32
      %dma_wait3A = arith.constant 0 : i32
      %dma_wait3A_112 = tpu.memref_slice %arg6[%mul3A_109, %dma_wait3A] : memref<40x128xi32, #tpu.memory_space<vmem>> -> memref<1x128xi32, #tpu.memory_space<vmem>>
      %dma_wait3A_113 = tpu.memref_squeeze %dma_wait3A_112 : memref<1x128xi32, #tpu.memory_space<vmem>> -> memref<128xi32, #tpu.memory_space<vmem>>
      %dma_wait3A_114 = arith.constant 0 : i32
      %dma_wait3A_115 = arith.constant 0 : i32
      %dma_wait3A_116 = tpu.memref_slice %arg2[%dma_wait3A_114, %dma_wait3A_115] : memref<10240x128xf32, #tpu.memory_space<hbm>> -> memref<10240x128xf32, #tpu.memory_space<hbm>>
      tpu.wait_indirect_dma semaphore(%arg11 : memref<!tpu.dma_semaphore, #tpu.memory_space<semaphore_mem>>) src(%dma_wait3A_116 : memref<10240x128xf32, #tpu.memory_space<hbm>>) dst(%arg8 : memref<128x128xf32, #tpu.memory_space<vmem>>)
      "tpu.region"() ({
        %run_scoped3A = tpu.sem_alloc : memref<!tpu.dma_semaphore, #tpu.memory_space<semaphore_mem>>
        %dma_start3A_130 = arith.constant 0 : i32
        %dma_start3A_131 = tpu.memref_slice %arg7[%mul3A_109, %dma_start3A_130] : memref<40x128xi32, #tpu.memory_space<vmem>> -> memref<1x128xi32, #tpu.memory_space<vmem>>
        %dma_start3A_132 = tpu.memref_squeeze %dma_start3A_131 : memref<1x128xi32, #tpu.memory_space<vmem>> -> memref<128xi32, #tpu.memory_space<vmem>>
        %dma_start3A_133 = arith.constant 0 : i32
        %dma_start3A_134 = arith.constant 0 : i32
        %dma_start3A_135 = tpu.memref_slice %arg10[%dma_start3A_133, %dma_start3A_134] : memref<10240x128xf32, #tpu.memory_space<vmem_shared>> -> memref<10240x128xf32, #tpu.memory_space<vmem_shared>>
        tpu.enqueue_indirect_dma source(%arg8 : memref<128x128xf32, #tpu.memory_space<vmem>>) target(%dma_start3A_135 : memref<10240x128xf32, #tpu.memory_space<vmem_shared>>) offsets(%dma_start3A_132 : memref<128xi32, #tpu.memory_space<vmem>>) semaphore(%run_scoped3A : memref<!tpu.dma_semaphore, #tpu.memory_space<semaphore_mem>>) {add = true}
        %dma_wait3A_136 = arith.constant 0 : i32
        %dma_wait3A_137 = tpu.memref_slice %arg7[%mul3A_109, %dma_wait3A_136] : memref<40x128xi32, #tpu.memory_space<vmem>> -> memref<1x128xi32, #tpu.memory_space<vmem>>
        %dma_wait3A_138 = tpu.memref_squeeze %dma_wait3A_137 : memref<1x128xi32, #tpu.memory_space<vmem>> -> memref<128xi32, #tpu.memory_space<vmem>>
        %dma_wait3A_139 = arith.constant 0 : i32
        %dma_wait3A_140 = arith.constant 0 : i32
        %dma_wait3A_141 = tpu.memref_slice %arg10[%dma_wait3A_139, %dma_wait3A_140] : memref<10240x128xf32, #tpu.memory_space<vmem_shared>> -> memref<10240x128xf32, #tpu.memory_space<vmem_shared>>
        tpu.wait_indirect_dma semaphore(%run_scoped3A : memref<!tpu.dma_semaphore, #tpu.memory_space<semaphore_mem>>) src(%arg8 : memref<128x128xf32, #tpu.memory_space<vmem>>) dst(%dma_wait3A_141 : memref<10240x128xf32, #tpu.memory_space<vmem_shared>>)
        tpu.yield
      }) : () -> ()
      %lt3A = arith.constant 19 : i32
      %lt3A_117 = arith.cmpi slt, %add3A_107, %lt3A : i32
      %convert_element_type3A = arith.extui %lt3A_117 : i1 to i32
      %cond3A = arith.constant 0 : i32
      %cond3A_118 = arith.cmpi ne, %convert_element_type3A, %cond3A : i32
      scf.if %cond3A_118 {
        %add3A_130 = arith.constant 2 : i32
        %add3A_131 = arith.addi %mul3A_109, %add3A_130 : i32
        %dma_start3A_132 = arith.constant 0 : i32
        %dma_start3A_133 = tpu.memref_slice %arg6[%add3A_131, %dma_start3A_132] : memref<40x128xi32, #tpu.memory_space<vmem>> -> memref<1x128xi32, #tpu.memory_space<vmem>>
        %dma_start3A_134 = tpu.memref_squeeze %dma_start3A_133 : memref<1x128xi32, #tpu.memory_space<vmem>> -> memref<128xi32, #tpu.memory_space<vmem>>
        %dma_start3A_135 = arith.constant 0 : i32
        %dma_start3A_136 = arith.constant 0 : i32
        %dma_start3A_137 = tpu.memref_slice %arg2[%dma_start3A_135, %dma_start3A_136] : memref<10240x128xf32, #tpu.memory_space<hbm>> -> memref<10240x128xf32, #tpu.memory_space<hbm>>
        tpu.enqueue_indirect_dma source(%dma_start3A_137 : memref<10240x128xf32, #tpu.memory_space<hbm>>) target(%arg8 : memref<128x128xf32, #tpu.memory_space<vmem>>) offsets(%dma_start3A_134 : memref<128xi32, #tpu.memory_space<vmem>>) semaphore(%arg11 : memref<!tpu.dma_semaphore, #tpu.memory_space<semaphore_mem>>)
      } else {
      }
      %dma_wait3A_119 = arith.constant 0 : i32
      %dma_wait3A_120 = tpu.memref_slice %arg6[%add3A_111, %dma_wait3A_119] : memref<40x128xi32, #tpu.memory_space<vmem>> -> memref<1x128xi32, #tpu.memory_space<vmem>>
      %dma_wait3A_121 = tpu.memref_squeeze %dma_wait3A_120 : memref<1x128xi32, #tpu.memory_space<vmem>> -> memref<128xi32, #tpu.memory_space<vmem>>
      %dma_wait3A_122 = arith.constant 0 : i32
      %dma_wait3A_123 = arith.constant 0 : i32
      %dma_wait3A_124 = tpu.memref_slice %arg2[%dma_wait3A_122, %dma_wait3A_123] : memref<10240x128xf32, #tpu.memory_space<hbm>> -> memref<10240x128xf32, #tpu.memory_space<hbm>>
      tpu.wait_indirect_dma semaphore(%arg12 : memref<!tpu.dma_semaphore, #tpu.memory_space<semaphore_mem>>) src(%dma_wait3A_124 : memref<10240x128xf32, #tpu.memory_space<hbm>>) dst(%arg9 : memref<128x128xf32, #tpu.memory_space<vmem>>)
      "tpu.region"() ({
        %run_scoped3A = tpu.sem_alloc : memref<!tpu.dma_semaphore, #tpu.memory_space<semaphore_mem>>
        %dma_start3A_130 = arith.constant 0 : i32
        %dma_start3A_131 = tpu.memref_slice %arg7[%add3A_111, %dma_start3A_130] : memref<40x128xi32, #tpu.memory_space<vmem>> -> memref<1x128xi32, #tpu.memory_space<vmem>>
        %dma_start3A_132 = tpu.memref_squeeze %dma_start3A_131 : memref<1x128xi32, #tpu.memory_space<vmem>> -> memref<128xi32, #tpu.memory_space<vmem>>
        %dma_start3A_133 = arith.constant 0 : i32
        %dma_start3A_134 = arith.constant 0 : i32
        %dma_start3A_135 = tpu.memref_slice %arg10[%dma_start3A_133, %dma_start3A_134] : memref<10240x128xf32, #tpu.memory_space<vmem_shared>> -> memref<10240x128xf32, #tpu.memory_space<vmem_shared>>
        tpu.enqueue_indirect_dma source(%arg9 : memref<128x128xf32, #tpu.memory_space<vmem>>) target(%dma_start3A_135 : memref<10240x128xf32, #tpu.memory_space<vmem_shared>>) offsets(%dma_start3A_132 : memref<128xi32, #tpu.memory_space<vmem>>) semaphore(%run_scoped3A : memref<!tpu.dma_semaphore, #tpu.memory_space<semaphore_mem>>) {add = true}
        %dma_wait3A_136 = arith.constant 0 : i32
        %dma_wait3A_137 = tpu.memref_slice %arg7[%add3A_111, %dma_wait3A_136] : memref<40x128xi32, #tpu.memory_space<vmem>> -> memref<1x128xi32, #tpu.memory_space<vmem>>
        %dma_wait3A_138 = tpu.memref_squeeze %dma_wait3A_137 : memref<1x128xi32, #tpu.memory_space<vmem>> -> memref<128xi32, #tpu.memory_space<vmem>>
        %dma_wait3A_139 = arith.constant 0 : i32
        %dma_wait3A_140 = arith.constant 0 : i32
        %dma_wait3A_141 = tpu.memref_slice %arg10[%dma_wait3A_139, %dma_wait3A_140] : memref<10240x128xf32, #tpu.memory_space<vmem_shared>> -> memref<10240x128xf32, #tpu.memory_space<vmem_shared>>
        tpu.wait_indirect_dma semaphore(%run_scoped3A : memref<!tpu.dma_semaphore, #tpu.memory_space<semaphore_mem>>) src(%arg9 : memref<128x128xf32, #tpu.memory_space<vmem>>) dst(%dma_wait3A_141 : memref<10240x128xf32, #tpu.memory_space<vmem_shared>>)
        tpu.yield
      }) : () -> ()
      %lt3A_125 = arith.constant 19 : i32
      %lt3A_126 = arith.cmpi slt, %add3A_107, %lt3A_125 : i32
      %convert_element_type3A_127 = arith.extui %lt3A_126 : i1 to i32
      %cond3A_128 = arith.constant 0 : i32
      %cond3A_129 = arith.cmpi ne, %convert_element_type3A_127, %cond3A_128 : i32
      scf.if %cond3A_129 {
        %add3A_130 = arith.constant 2 : i32
        %add3A_131 = arith.addi %add3A_111, %add3A_130 : i32
        %dma_start3A_132 = arith.constant 0 : i32
        %dma_start3A_133 = tpu.memref_slice %arg6[%add3A_131, %dma_start3A_132] : memref<40x128xi32, #tpu.memory_space<vmem>> -> memref<1x128xi32, #tpu.memory_space<vmem>>
        %dma_start3A_134 = tpu.memref_squeeze %dma_start3A_133 : memref<1x128xi32, #tpu.memory_space<vmem>> -> memref<128xi32, #tpu.memory_space<vmem>>
        %dma_start3A_135 = arith.constant 0 : i32
        %dma_start3A_136 = arith.constant 0 : i32
        %dma_start3A_137 = tpu.memref_slice %arg2[%dma_start3A_135, %dma_start3A_136] : memref<10240x128xf32, #tpu.memory_space<hbm>> -> memref<10240x128xf32, #tpu.memory_space<hbm>>
        tpu.enqueue_indirect_dma source(%dma_start3A_137 : memref<10240x128xf32, #tpu.memory_space<hbm>>) target(%arg9 : memref<128x128xf32, #tpu.memory_space<vmem>>) offsets(%dma_start3A_134 : memref<128xi32, #tpu.memory_space<vmem>>) semaphore(%arg12 : memref<!tpu.dma_semaphore, #tpu.memory_space<semaphore_mem>>)
      } else {
      }
    }
    %scan3A_42 = arith.constant 20 : i32
    "tpu.region"() ({
      %run_scoped3A = tpu.sem_alloc : memref<!tpu.dma_semaphore, #tpu.memory_space<semaphore_mem>>
      %dma_start3A_103 = arith.constant 40 : i32
      %dma_start3A_104 = arith.constant 0 : i32
      %dma_start3A_105 = tpu.memref_slice %arg3[%add3A, %dma_start3A_103, %dma_start3A_104] : memref<32x80x128xi32, #tpu.memory_space<hbm>> -> memref<1x40x128xi32, #tpu.memory_space<hbm>>
      %dma_start3A_106 = tpu.memref_squeeze %dma_start3A_105 : memref<1x40x128xi32, #tpu.memory_space<hbm>> -> memref<40x128xi32, #tpu.memory_space<hbm>>
      %dma_start3A_107 = arith.constant 40 : i32
      %dma_start3A_108 = arith.constant 0 : i32
      %dma_start3A_109 = tpu.memref_slice %arg3[%add3A, %dma_start3A_107, %dma_start3A_108] : memref<32x80x128xi32, #tpu.memory_space<hbm>> -> memref<1x40x128xi32, #tpu.memory_space<hbm>>
      %dma_start3A_110 = tpu.memref_squeeze %dma_start3A_109 : memref<1x40x128xi32, #tpu.memory_space<hbm>> -> memref<40x128xi32, #tpu.memory_space<hbm>>
      tpu.enqueue_dma source(%dma_start3A_110 : memref<40x128xi32, #tpu.memory_space<hbm>>) target(%arg6 : memref<40x128xi32, #tpu.memory_space<vmem>>) target_semaphore(%run_scoped3A : memref<!tpu.dma_semaphore, #tpu.memory_space<semaphore_mem>>)
      %dma_wait3A = arith.constant 40 : i32
      %dma_wait3A_111 = arith.constant 0 : i32
      %dma_wait3A_112 = tpu.memref_slice %arg3[%add3A, %dma_wait3A, %dma_wait3A_111] : memref<32x80x128xi32, #tpu.memory_space<hbm>> -> memref<1x40x128xi32, #tpu.memory_space<hbm>>
      %dma_wait3A_113 = tpu.memref_squeeze %dma_wait3A_112 : memref<1x40x128xi32, #tpu.memory_space<hbm>> -> memref<40x128xi32, #tpu.memory_space<hbm>>
      %dma_wait3A_114 = arith.constant 40 : i32
      %dma_wait3A_115 = arith.constant 0 : i32
      %dma_wait3A_116 = tpu.memref_slice %arg3[%add3A, %dma_wait3A_114, %dma_wait3A_115] : memref<32x80x128xi32, #tpu.memory_space<hbm>> -> memref<1x40x128xi32, #tpu.memory_space<hbm>>
      %dma_wait3A_117 = tpu.memref_squeeze %dma_wait3A_116 : memref<1x40x128xi32, #tpu.memory_space<hbm>> -> memref<40x128xi32, #tpu.memory_space<hbm>>
      tpu.wait_dma2 semaphore(%run_scoped3A : memref<!tpu.dma_semaphore, #tpu.memory_space<semaphore_mem>>) src(%dma_wait3A_117 : memref<40x128xi32, #tpu.memory_space<hbm>>) dst(%arg6 : memref<40x128xi32, #tpu.memory_space<vmem>>)
      tpu.yield
    }) : () -> ()
    "tpu.region"() ({
      %run_scoped3A = tpu.sem_alloc : memref<!tpu.dma_semaphore, #tpu.memory_space<semaphore_mem>>
      %dma_start3A_103 = arith.constant 40 : i32
      %dma_start3A_104 = arith.constant 0 : i32
      %dma_start3A_105 = tpu.memref_slice %arg4[%add3A, %dma_start3A_103, %dma_start3A_104] : memref<32x80x128xi32, #tpu.memory_space<hbm>> -> memref<1x40x128xi32, #tpu.memory_space<hbm>>
      %dma_start3A_106 = tpu.memref_squeeze %dma_start3A_105 : memref<1x40x128xi32, #tpu.memory_space<hbm>> -> memref<40x128xi32, #tpu.memory_space<hbm>>
      %dma_start3A_107 = arith.constant 40 : i32
      %dma_start3A_108 = arith.constant 0 : i32
      %dma_start3A_109 = tpu.memref_slice %arg4[%add3A, %dma_start3A_107, %dma_start3A_108] : memref<32x80x128xi32, #tpu.memory_space<hbm>> -> memref<1x40x128xi32, #tpu.memory_space<hbm>>
      %dma_start3A_110 = tpu.memref_squeeze %dma_start3A_109 : memref<1x40x128xi32, #tpu.memory_space<hbm>> -> memref<40x128xi32, #tpu.memory_space<hbm>>
      tpu.enqueue_dma source(%dma_start3A_110 : memref<40x128xi32, #tpu.memory_space<hbm>>) target(%arg7 : memref<40x128xi32, #tpu.memory_space<vmem>>) target_semaphore(%run_scoped3A : memref<!tpu.dma_semaphore, #tpu.memory_space<semaphore_mem>>)
      %dma_wait3A = arith.constant 40 : i32
      %dma_wait3A_111 = arith.constant 0 : i32
      %dma_wait3A_112 = tpu.memref_slice %arg4[%add3A, %dma_wait3A, %dma_wait3A_111] : memref<32x80x128xi32, #tpu.memory_space<hbm>> -> memref<1x40x128xi32, #tpu.memory_space<hbm>>
      %dma_wait3A_113 = tpu.memref_squeeze %dma_wait3A_112 : memref<1x40x128xi32, #tpu.memory_space<hbm>> -> memref<40x128xi32, #tpu.memory_space<hbm>>
      %dma_wait3A_114 = arith.constant 40 : i32
      %dma_wait3A_115 = arith.constant 0 : i32
      %dma_wait3A_116 = tpu.memref_slice %arg4[%add3A, %dma_wait3A_114, %dma_wait3A_115] : memref<32x80x128xi32, #tpu.memory_space<hbm>> -> memref<1x40x128xi32, #tpu.memory_space<hbm>>
      %dma_wait3A_117 = tpu.memref_squeeze %dma_wait3A_116 : memref<1x40x128xi32, #tpu.memory_space<hbm>> -> memref<40x128xi32, #tpu.memory_space<hbm>>
      tpu.wait_dma2 semaphore(%run_scoped3A : memref<!tpu.dma_semaphore, #tpu.memory_space<semaphore_mem>>) src(%dma_wait3A_117 : memref<40x128xi32, #tpu.memory_space<hbm>>) dst(%arg7 : memref<40x128xi32, #tpu.memory_space<vmem>>)
      tpu.yield
    }) : () -> ()
    %dma_start3A_43 = arith.constant 0 : i32
    %dma_start3A_44 = arith.constant 0 : i32
    %dma_start3A_45 = tpu.memref_slice %arg6[%dma_start3A_43, %dma_start3A_44] : memref<40x128xi32, #tpu.memory_space<vmem>> -> memref<1x128xi32, #tpu.memory_space<vmem>>
    %dma_start3A_46 = tpu.memref_squeeze %dma_start3A_45 : memref<1x128xi32, #tpu.memory_space<vmem>> -> memref<128xi32, #tpu.memory_space<vmem>>
    %dma_start3A_47 = arith.constant 0 : i32
    %dma_start3A_48 = arith.constant 0 : i32
    %dma_start3A_49 = tpu.memref_slice %arg2[%dma_start3A_47, %dma_start3A_48] : memref<10240x128xf32, #tpu.memory_space<hbm>> -> memref<10240x128xf32, #tpu.memory_space<hbm>>
    tpu.enqueue_indirect_dma source(%dma_start3A_49 : memref<10240x128xf32, #tpu.memory_space<hbm>>) target(%arg8 : memref<128x128xf32, #tpu.memory_space<vmem>>) offsets(%dma_start3A_46 : memref<128xi32, #tpu.memory_space<vmem>>) semaphore(%arg11 : memref<!tpu.dma_semaphore, #tpu.memory_space<semaphore_mem>>)
    %dma_start3A_50 = arith.constant 1 : i32
    %dma_start3A_51 = arith.constant 0 : i32
    %dma_start3A_52 = tpu.memref_slice %arg6[%dma_start3A_50, %dma_start3A_51] : memref<40x128xi32, #tpu.memory_space<vmem>> -> memref<1x128xi32, #tpu.memory_space<vmem>>
    %dma_start3A_53 = tpu.memref_squeeze %dma_start3A_52 : memref<1x128xi32, #tpu.memory_space<vmem>> -> memref<128xi32, #tpu.memory_space<vmem>>
    %dma_start3A_54 = arith.constant 0 : i32
    %dma_start3A_55 = arith.constant 0 : i32
    %dma_start3A_56 = tpu.memref_slice %arg2[%dma_start3A_54, %dma_start3A_55] : memref<10240x128xf32, #tpu.memory_space<hbm>> -> memref<10240x128xf32, #tpu.memory_space<hbm>>
    tpu.enqueue_indirect_dma source(%dma_start3A_56 : memref<10240x128xf32, #tpu.memory_space<hbm>>) target(%arg9 : memref<128x128xf32, #tpu.memory_space<vmem>>) offsets(%dma_start3A_53 : memref<128xi32, #tpu.memory_space<vmem>>) semaphore(%arg12 : memref<!tpu.dma_semaphore, #tpu.memory_space<semaphore_mem>>)
    %scan3A_57 = arith.constant 0 : i32
    %scan3A_58 = arith.constant 20 : i32
    %scan3A_59 = arith.addi %scan3A_57, %scan3A_58 : i32
    %scan3A_60 = arith.constant 1 : i32
    scf.for %scan3A_103 = %scan3A_57 to %scan3A_59 step %scan3A_60  : i32 {
      %mul3A_104 = arith.constant 1 : i32
      %mul3A_105 = arith.muli %scan3A_103, %mul3A_104 : i32
      %add3A_106 = arith.constant 0 : i32
      %add3A_107 = arith.addi %add3A_106, %mul3A_105 : i32
      %mul3A_108 = arith.constant 2 : i32
      %mul3A_109 = arith.muli %mul3A_108, %add3A_107 : i32
      %add3A_110 = arith.constant 1 : i32
      %add3A_111 = arith.addi %mul3A_109, %add3A_110 : i32
      %dma_wait3A = arith.constant 0 : i32
      %dma_wait3A_112 = tpu.memref_slice %arg6[%mul3A_109, %dma_wait3A] : memref<40x128xi32, #tpu.memory_space<vmem>> -> memref<1x128xi32, #tpu.memory_space<vmem>>
      %dma_wait3A_113 = tpu.memref_squeeze %dma_wait3A_112 : memref<1x128xi32, #tpu.memory_space<vmem>> -> memref<128xi32, #tpu.memory_space<vmem>>
      %dma_wait3A_114 = arith.constant 0 : i32
      %dma_wait3A_115 = arith.constant 0 : i32
      %dma_wait3A_116 = tpu.memref_slice %arg2[%dma_wait3A_114, %dma_wait3A_115] : memref<10240x128xf32, #tpu.memory_space<hbm>> -> memref<10240x128xf32, #tpu.memory_space<hbm>>
      tpu.wait_indirect_dma semaphore(%arg11 : memref<!tpu.dma_semaphore, #tpu.memory_space<semaphore_mem>>) src(%dma_wait3A_116 : memref<10240x128xf32, #tpu.memory_space<hbm>>) dst(%arg8 : memref<128x128xf32, #tpu.memory_space<vmem>>)
      "tpu.region"() ({
        %run_scoped3A = tpu.sem_alloc : memref<!tpu.dma_semaphore, #tpu.memory_space<semaphore_mem>>
        %dma_start3A_130 = arith.constant 0 : i32
        %dma_start3A_131 = tpu.memref_slice %arg7[%mul3A_109, %dma_start3A_130] : memref<40x128xi32, #tpu.memory_space<vmem>> -> memref<1x128xi32, #tpu.memory_space<vmem>>
        %dma_start3A_132 = tpu.memref_squeeze %dma_start3A_131 : memref<1x128xi32, #tpu.memory_space<vmem>> -> memref<128xi32, #tpu.memory_space<vmem>>
        %dma_start3A_133 = arith.constant 0 : i32
        %dma_start3A_134 = arith.constant 0 : i32
        %dma_start3A_135 = tpu.memref_slice %arg10[%dma_start3A_133, %dma_start3A_134] : memref<10240x128xf32, #tpu.memory_space<vmem_shared>> -> memref<10240x128xf32, #tpu.memory_space<vmem_shared>>
        tpu.enqueue_indirect_dma source(%arg8 : memref<128x128xf32, #tpu.memory_space<vmem>>) target(%dma_start3A_135 : memref<10240x128xf32, #tpu.memory_space<vmem_shared>>) offsets(%dma_start3A_132 : memref<128xi32, #tpu.memory_space<vmem>>) semaphore(%run_scoped3A : memref<!tpu.dma_semaphore, #tpu.memory_space<semaphore_mem>>) {add = true}
        %dma_wait3A_136 = arith.constant 0 : i32
        %dma_wait3A_137 = tpu.memref_slice %arg7[%mul3A_109, %dma_wait3A_136] : memref<40x128xi32, #tpu.memory_space<vmem>> -> memref<1x128xi32, #tpu.memory_space<vmem>>
        %dma_wait3A_138 = tpu.memref_squeeze %dma_wait3A_137 : memref<1x128xi32, #tpu.memory_space<vmem>> -> memref<128xi32, #tpu.memory_space<vmem>>
        %dma_wait3A_139 = arith.constant 0 : i32
        %dma_wait3A_140 = arith.constant 0 : i32
        %dma_wait3A_141 = tpu.memref_slice %arg10[%dma_wait3A_139, %dma_wait3A_140] : memref<10240x128xf32, #tpu.memory_space<vmem_shared>> -> memref<10240x128xf32, #tpu.memory_space<vmem_shared>>
        tpu.wait_indirect_dma semaphore(%run_scoped3A : memref<!tpu.dma_semaphore, #tpu.memory_space<semaphore_mem>>) src(%arg8 : memref<128x128xf32, #tpu.memory_space<vmem>>) dst(%dma_wait3A_141 : memref<10240x128xf32, #tpu.memory_space<vmem_shared>>)
        tpu.yield
      }) : () -> ()
      %lt3A = arith.constant 19 : i32
      %lt3A_117 = arith.cmpi slt, %add3A_107, %lt3A : i32
      %convert_element_type3A = arith.extui %lt3A_117 : i1 to i32
      %cond3A = arith.constant 0 : i32
      %cond3A_118 = arith.cmpi ne, %convert_element_type3A, %cond3A : i32
      scf.if %cond3A_118 {
        %add3A_130 = arith.constant 2 : i32
        %add3A_131 = arith.addi %mul3A_109, %add3A_130 : i32
        %dma_start3A_132 = arith.constant 0 : i32
        %dma_start3A_133 = tpu.memref_slice %arg6[%add3A_131, %dma_start3A_132] : memref<40x128xi32, #tpu.memory_space<vmem>> -> memref<1x128xi32, #tpu.memory_space<vmem>>
        %dma_start3A_134 = tpu.memref_squeeze %dma_start3A_133 : memref<1x128xi32, #tpu.memory_space<vmem>> -> memref<128xi32, #tpu.memory_space<vmem>>
        %dma_start3A_135 = arith.constant 0 : i32
        %dma_start3A_136 = arith.constant 0 : i32
        %dma_start3A_137 = tpu.memref_slice %arg2[%dma_start3A_135, %dma_start3A_136] : memref<10240x128xf32, #tpu.memory_space<hbm>> -> memref<10240x128xf32, #tpu.memory_space<hbm>>
        tpu.enqueue_indirect_dma source(%dma_start3A_137 : memref<10240x128xf32, #tpu.memory_space<hbm>>) target(%arg8 : memref<128x128xf32, #tpu.memory_space<vmem>>) offsets(%dma_start3A_134 : memref<128xi32, #tpu.memory_space<vmem>>) semaphore(%arg11 : memref<!tpu.dma_semaphore, #tpu.memory_space<semaphore_mem>>)
      } else {
      }
      %dma_wait3A_119 = arith.constant 0 : i32
      %dma_wait3A_120 = tpu.memref_slice %arg6[%add3A_111, %dma_wait3A_119] : memref<40x128xi32, #tpu.memory_space<vmem>> -> memref<1x128xi32, #tpu.memory_space<vmem>>
      %dma_wait3A_121 = tpu.memref_squeeze %dma_wait3A_120 : memref<1x128xi32, #tpu.memory_space<vmem>> -> memref<128xi32, #tpu.memory_space<vmem>>
      %dma_wait3A_122 = arith.constant 0 : i32
      %dma_wait3A_123 = arith.constant 0 : i32
      %dma_wait3A_124 = tpu.memref_slice %arg2[%dma_wait3A_122, %dma_wait3A_123] : memref<10240x128xf32, #tpu.memory_space<hbm>> -> memref<10240x128xf32, #tpu.memory_space<hbm>>
      tpu.wait_indirect_dma semaphore(%arg12 : memref<!tpu.dma_semaphore, #tpu.memory_space<semaphore_mem>>) src(%dma_wait3A_124 : memref<10240x128xf32, #tpu.memory_space<hbm>>) dst(%arg9 : memref<128x128xf32, #tpu.memory_space<vmem>>)
      "tpu.region"() ({
        %run_scoped3A = tpu.sem_alloc : memref<!tpu.dma_semaphore, #tpu.memory_space<semaphore_mem>>
        %dma_start3A_130 = arith.constant 0 : i32
        %dma_start3A_131 = tpu.memref_slice %arg7[%add3A_111, %dma_start3A_130] : memref<40x128xi32, #tpu.memory_space<vmem>> -> memref<1x128xi32, #tpu.memory_space<vmem>>
        %dma_start3A_132 = tpu.memref_squeeze %dma_start3A_131 : memref<1x128xi32, #tpu.memory_space<vmem>> -> memref<128xi32, #tpu.memory_space<vmem>>
        %dma_start3A_133 = arith.constant 0 : i32
        %dma_start3A_134 = arith.constant 0 : i32
        %dma_start3A_135 = tpu.memref_slice %arg10[%dma_start3A_133, %dma_start3A_134] : memref<10240x128xf32, #tpu.memory_space<vmem_shared>> -> memref<10240x128xf32, #tpu.memory_space<vmem_shared>>
        tpu.enqueue_indirect_dma source(%arg9 : memref<128x128xf32, #tpu.memory_space<vmem>>) target(%dma_start3A_135 : memref<10240x128xf32, #tpu.memory_space<vmem_shared>>) offsets(%dma_start3A_132 : memref<128xi32, #tpu.memory_space<vmem>>) semaphore(%run_scoped3A : memref<!tpu.dma_semaphore, #tpu.memory_space<semaphore_mem>>) {add = true}
        %dma_wait3A_136 = arith.constant 0 : i32
        %dma_wait3A_137 = tpu.memref_slice %arg7[%add3A_111, %dma_wait3A_136] : memref<40x128xi32, #tpu.memory_space<vmem>> -> memref<1x128xi32, #tpu.memory_space<vmem>>
        %dma_wait3A_138 = tpu.memref_squeeze %dma_wait3A_137 : memref<1x128xi32, #tpu.memory_space<vmem>> -> memref<128xi32, #tpu.memory_space<vmem>>
        %dma_wait3A_139 = arith.constant 0 : i32
        %dma_wait3A_140 = arith.constant 0 : i32
        %dma_wait3A_141 = tpu.memref_slice %arg10[%dma_wait3A_139, %dma_wait3A_140] : memref<10240x128xf32, #tpu.memory_space<vmem_shared>> -> memref<10240x128xf32, #tpu.memory_space<vmem_shared>>
        tpu.wait_indirect_dma semaphore(%run_scoped3A : memref<!tpu.dma_semaphore, #tpu.memory_space<semaphore_mem>>) src(%arg9 : memref<128x128xf32, #tpu.memory_space<vmem>>) dst(%dma_wait3A_141 : memref<10240x128xf32, #tpu.memory_space<vmem_shared>>)
        tpu.yield
      }) : () -> ()
      %lt3A_125 = arith.constant 19 : i32
      %lt3A_126 = arith.cmpi slt, %add3A_107, %lt3A_125 : i32
      %convert_element_type3A_127 = arith.extui %lt3A_126 : i1 to i32
      %cond3A_128 = arith.constant 0 : i32
      %cond3A_129 = arith.cmpi ne, %convert_element_type3A_127, %cond3A_128 : i32
      scf.if %cond3A_129 {
        %add3A_130 = arith.constant 2 : i32
        %add3A_131 = arith.addi %add3A_111, %add3A_130 : i32
        %dma_start3A_132 = arith.constant 0 : i32
        %dma_start3A_133 = tpu.memref_slice %arg6[%add3A_131, %dma_start3A_132] : memref<40x128xi32, #tpu.memory_space<vmem>> -> memref<1x128xi32, #tpu.memory_space<vmem>>
        %dma_start3A_134 = tpu.memref_squeeze %dma_start3A_133 : memref<1x128xi32, #tpu.memory_space<vmem>> -> memref<128xi32, #tpu.memory_space<vmem>>
        %dma_start3A_135 = arith.constant 0 : i32
        %dma_start3A_136 = arith.constant 0 : i32
        %dma_start3A_137 = tpu.memref_slice %arg2[%dma_start3A_135, %dma_start3A_136] : memref<10240x128xf32, #tpu.memory_space<hbm>> -> memref<10240x128xf32, #tpu.memory_space<hbm>>
        tpu.enqueue_indirect_dma source(%dma_start3A_137 : memref<10240x128xf32, #tpu.memory_space<hbm>>) target(%arg9 : memref<128x128xf32, #tpu.memory_space<vmem>>) offsets(%dma_start3A_134 : memref<128xi32, #tpu.memory_space<vmem>>) semaphore(%arg12 : memref<!tpu.dma_semaphore, #tpu.memory_space<semaphore_mem>>)
      } else {
      }
    }
    %scan3A_61 = arith.constant 20 : i32
    %barrier3A_62 = arith.constant 0 : index
    tpu.barrier barrier_id(%barrier3A_62)
    %mul3A_63 = arith.constant 640 : i32
    %mul3A_64 = arith.muli %arg1, %mul3A_63 : i32
    %add3A_65 = arith.constant 0 : i32
    %add3A_66 = arith.addi %mul3A_64, %add3A_65 : i32
    %mul3A_67 = arith.constant 640 : i32
    %mul3A_68 = arith.muli %arg1, %mul3A_67 : i32
    %add3A_69 = arith.constant 0 : i32
    %add3A_70 = arith.addi %mul3A_68, %add3A_69 : i32
    "tpu.region"() ({
      %run_scoped3A = tpu.sem_alloc : memref<!tpu.dma_semaphore, #tpu.memory_space<semaphore_mem>>
      %dma_start3A_103 = arith.constant 0 : i32
      %dma_start3A_104 = tpu.memref_slice %arg5[%arg0, %add3A_70, %dma_start3A_103] : memref<2x10240x128xf32, #tpu.memory_space<hbm>> -> memref<1x128x128xf32, #tpu.memory_space<hbm>>
      %dma_start3A_105 = tpu.memref_squeeze %dma_start3A_104 : memref<1x128x128xf32, #tpu.memory_space<hbm>> -> memref<128x128xf32, #tpu.memory_space<hbm>>
      %dma_start3A_106 = arith.constant 0 : i32
      %dma_start3A_107 = tpu.memref_slice %arg10[%add3A_66, %dma_start3A_106] : memref<10240x128xf32, #tpu.memory_space<vmem_shared>> -> memref<128x128xf32, #tpu.memory_space<vmem_shared>>
      tpu.enqueue_dma source(%dma_start3A_107 : memref<128x128xf32, #tpu.memory_space<vmem_shared>>) target(%dma_start3A_105 : memref<128x128xf32, #tpu.memory_space<hbm>>) target_semaphore(%run_scoped3A : memref<!tpu.dma_semaphore, #tpu.memory_space<semaphore_mem>>)
      %dma_wait3A = arith.constant 0 : i32
      %dma_wait3A_108 = tpu.memref_slice %arg5[%arg0, %add3A_70, %dma_wait3A] : memref<2x10240x128xf32, #tpu.memory_space<hbm>> -> memref<1x128x128xf32, #tpu.memory_space<hbm>>
      %dma_wait3A_109 = tpu.memref_squeeze %dma_wait3A_108 : memref<1x128x128xf32, #tpu.memory_space<hbm>> -> memref<128x128xf32, #tpu.memory_space<hbm>>
      %dma_wait3A_110 = arith.constant 0 : i32
      %dma_wait3A_111 = tpu.memref_slice %arg10[%add3A_66, %dma_wait3A_110] : memref<10240x128xf32, #tpu.memory_space<vmem_shared>> -> memref<128x128xf32, #tpu.memory_space<vmem_shared>>
      tpu.wait_dma2 semaphore(%run_scoped3A : memref<!tpu.dma_semaphore, #tpu.memory_space<semaphore_mem>>) src(%dma_wait3A_111 : memref<128x128xf32, #tpu.memory_space<vmem_shared>>) dst(%dma_wait3A_109 : memref<128x128xf32, #tpu.memory_space<hbm>>)
      tpu.yield
    }) : () -> ()
    %mul3A_71 = arith.constant 640 : i32
    %mul3A_72 = arith.muli %arg1, %mul3A_71 : i32
    %add3A_73 = arith.constant 128 : i32
    %add3A_74 = arith.addi %mul3A_72, %add3A_73 : i32
    %mul3A_75 = arith.constant 640 : i32
    %mul3A_76 = arith.muli %arg1, %mul3A_75 : i32
    %add3A_77 = arith.constant 128 : i32
    %add3A_78 = arith.addi %mul3A_76, %add3A_77 : i32
    "tpu.region"() ({
      %run_scoped3A = tpu.sem_alloc : memref<!tpu.dma_semaphore, #tpu.memory_space<semaphore_mem>>
      %dma_start3A_103 = arith.constant 0 : i32
      %dma_start3A_104 = tpu.memref_slice %arg5[%arg0, %add3A_78, %dma_start3A_103] : memref<2x10240x128xf32, #tpu.memory_space<hbm>> -> memref<1x128x128xf32, #tpu.memory_space<hbm>>
      %dma_start3A_105 = tpu.memref_squeeze %dma_start3A_104 : memref<1x128x128xf32, #tpu.memory_space<hbm>> -> memref<128x128xf32, #tpu.memory_space<hbm>>
      %dma_start3A_106 = arith.constant 0 : i32
      %dma_start3A_107 = tpu.memref_slice %arg10[%add3A_74, %dma_start3A_106] : memref<10240x128xf32, #tpu.memory_space<vmem_shared>> -> memref<128x128xf32, #tpu.memory_space<vmem_shared>>
      tpu.enqueue_dma source(%dma_start3A_107 : memref<128x128xf32, #tpu.memory_space<vmem_shared>>) target(%dma_start3A_105 : memref<128x128xf32, #tpu.memory_space<hbm>>) target_semaphore(%run_scoped3A : memref<!tpu.dma_semaphore, #tpu.memory_space<semaphore_mem>>)
      %dma_wait3A = arith.constant 0 : i32
      %dma_wait3A_108 = tpu.memref_slice %arg5[%arg0, %add3A_78, %dma_wait3A] : memref<2x10240x128xf32, #tpu.memory_space<hbm>> -> memref<1x128x128xf32, #tpu.memory_space<hbm>>
      %dma_wait3A_109 = tpu.memref_squeeze %dma_wait3A_108 : memref<1x128x128xf32, #tpu.memory_space<hbm>> -> memref<128x128xf32, #tpu.memory_space<hbm>>
      %dma_wait3A_110 = arith.constant 0 : i32
      %dma_wait3A_111 = tpu.memref_slice %arg10[%add3A_74, %dma_wait3A_110] : memref<10240x128xf32, #tpu.memory_space<vmem_shared>> -> memref<128x128xf32, #tpu.memory_space<vmem_shared>>
      tpu.wait_dma2 semaphore(%run_scoped3A : memref<!tpu.dma_semaphore, #tpu.memory_space<semaphore_mem>>) src(%dma_wait3A_111 : memref<128x128xf32, #tpu.memory_space<vmem_shared>>) dst(%dma_wait3A_109 : memref<128x128xf32, #tpu.memory_space<hbm>>)
      tpu.yield
    }) : () -> ()
    %mul3A_79 = arith.constant 640 : i32
    %mul3A_80 = arith.muli %arg1, %mul3A_79 : i32
    %add3A_81 = arith.constant 256 : i32
    %add3A_82 = arith.addi %mul3A_80, %add3A_81 : i32
    %mul3A_83 = arith.constant 640 : i32
    %mul3A_84 = arith.muli %arg1, %mul3A_83 : i32
    %add3A_85 = arith.constant 256 : i32
    %add3A_86 = arith.addi %mul3A_84, %add3A_85 : i32
    "tpu.region"() ({
      %run_scoped3A = tpu.sem_alloc : memref<!tpu.dma_semaphore, #tpu.memory_space<semaphore_mem>>
      %dma_start3A_103 = arith.constant 0 : i32
      %dma_start3A_104 = tpu.memref_slice %arg5[%arg0, %add3A_86, %dma_start3A_103] : memref<2x10240x128xf32, #tpu.memory_space<hbm>> -> memref<1x128x128xf32, #tpu.memory_space<hbm>>
      %dma_start3A_105 = tpu.memref_squeeze %dma_start3A_104 : memref<1x128x128xf32, #tpu.memory_space<hbm>> -> memref<128x128xf32, #tpu.memory_space<hbm>>
      %dma_start3A_106 = arith.constant 0 : i32
      %dma_start3A_107 = tpu.memref_slice %arg10[%add3A_82, %dma_start3A_106] : memref<10240x128xf32, #tpu.memory_space<vmem_shared>> -> memref<128x128xf32, #tpu.memory_space<vmem_shared>>
      tpu.enqueue_dma source(%dma_start3A_107 : memref<128x128xf32, #tpu.memory_space<vmem_shared>>) target(%dma_start3A_105 : memref<128x128xf32, #tpu.memory_space<hbm>>) target_semaphore(%run_scoped3A : memref<!tpu.dma_semaphore, #tpu.memory_space<semaphore_mem>>)
      %dma_wait3A = arith.constant 0 : i32
      %dma_wait3A_108 = tpu.memref_slice %arg5[%arg0, %add3A_86, %dma_wait3A] : memref<2x10240x128xf32, #tpu.memory_space<hbm>> -> memref<1x128x128xf32, #tpu.memory_space<hbm>>
      %dma_wait3A_109 = tpu.memref_squeeze %dma_wait3A_108 : memref<1x128x128xf32, #tpu.memory_space<hbm>> -> memref<128x128xf32, #tpu.memory_space<hbm>>
      %dma_wait3A_110 = arith.constant 0 : i32
      %dma_wait3A_111 = tpu.memref_slice %arg10[%add3A_82, %dma_wait3A_110] : memref<10240x128xf32, #tpu.memory_space<vmem_shared>> -> memref<128x128xf32, #tpu.memory_space<vmem_shared>>
      tpu.wait_dma2 semaphore(%run_scoped3A : memref<!tpu.dma_semaphore, #tpu.memory_space<semaphore_mem>>) src(%dma_wait3A_111 : memref<128x128xf32, #tpu.memory_space<vmem_shared>>) dst(%dma_wait3A_109 : memref<128x128xf32, #tpu.memory_space<hbm>>)
      tpu.yield
    }) : () -> ()
    %mul3A_87 = arith.constant 640 : i32
    %mul3A_88 = arith.muli %arg1, %mul3A_87 : i32
    %add3A_89 = arith.constant 384 : i32
    %add3A_90 = arith.addi %mul3A_88, %add3A_89 : i32
    %mul3A_91 = arith.constant 640 : i32
    %mul3A_92 = arith.muli %arg1, %mul3A_91 : i32
    %add3A_93 = arith.constant 384 : i32
    %add3A_94 = arith.addi %mul3A_92, %add3A_93 : i32
    "tpu.region"() ({
      %run_scoped3A = tpu.sem_alloc : memref<!tpu.dma_semaphore, #tpu.memory_space<semaphore_mem>>
      %dma_start3A_103 = arith.constant 0 : i32
      %dma_start3A_104 = tpu.memref_slice %arg5[%arg0, %add3A_94, %dma_start3A_103] : memref<2x10240x128xf32, #tpu.memory_space<hbm>> -> memref<1x128x128xf32, #tpu.memory_space<hbm>>
      %dma_start3A_105 = tpu.memref_squeeze %dma_start3A_104 : memref<1x128x128xf32, #tpu.memory_space<hbm>> -> memref<128x128xf32, #tpu.memory_space<hbm>>
      %dma_start3A_106 = arith.constant 0 : i32
      %dma_start3A_107 = tpu.memref_slice %arg10[%add3A_90, %dma_start3A_106] : memref<10240x128xf32, #tpu.memory_space<vmem_shared>> -> memref<128x128xf32, #tpu.memory_space<vmem_shared>>
      tpu.enqueue_dma source(%dma_start3A_107 : memref<128x128xf32, #tpu.memory_space<vmem_shared>>) target(%dma_start3A_105 : memref<128x128xf32, #tpu.memory_space<hbm>>) target_semaphore(%run_scoped3A : memref<!tpu.dma_semaphore, #tpu.memory_space<semaphore_mem>>)
      %dma_wait3A = arith.constant 0 : i32
      %dma_wait3A_108 = tpu.memref_slice %arg5[%arg0, %add3A_94, %dma_wait3A] : memref<2x10240x128xf32, #tpu.memory_space<hbm>> -> memref<1x128x128xf32, #tpu.memory_space<hbm>>
      %dma_wait3A_109 = tpu.memref_squeeze %dma_wait3A_108 : memref<1x128x128xf32, #tpu.memory_space<hbm>> -> memref<128x128xf32, #tpu.memory_space<hbm>>
      %dma_wait3A_110 = arith.constant 0 : i32
      %dma_wait3A_111 = tpu.memref_slice %arg10[%add3A_90, %dma_wait3A_110] : memref<10240x128xf32, #tpu.memory_space<vmem_shared>> -> memref<128x128xf32, #tpu.memory_space<vmem_shared>>
      tpu.wait_dma2 semaphore(%run_scoped3A : memref<!tpu.dma_semaphore, #tpu.memory_space<semaphore_mem>>) src(%dma_wait3A_111 : memref<128x128xf32, #tpu.memory_space<vmem_shared>>) dst(%dma_wait3A_109 : memref<128x128xf32, #tpu.memory_space<hbm>>)
      tpu.yield
    }) : () -> ()
    %mul3A_95 = arith.constant 640 : i32
    %mul3A_96 = arith.muli %arg1, %mul3A_95 : i32
    %add3A_97 = arith.constant 512 : i32
    %add3A_98 = arith.addi %mul3A_96, %add3A_97 : i32
    %mul3A_99 = arith.constant 640 : i32
    %mul3A_100 = arith.muli %arg1, %mul3A_99 : i32
    %add3A_101 = arith.constant 512 : i32
    %add3A_102 = arith.addi %mul3A_100, %add3A_101 : i32
    "tpu.region"() ({
      %run_scoped3A = tpu.sem_alloc : memref<!tpu.dma_semaphore, #tpu.memory_space<semaphore_mem>>
      %dma_start3A_103 = arith.constant 0 : i32
      %dma_start3A_104 = tpu.memref_slice %arg5[%arg0, %add3A_102, %dma_start3A_103] : memref<2x10240x128xf32, #tpu.memory_space<hbm>> -> memref<1x128x128xf32, #tpu.memory_space<hbm>>
      %dma_start3A_105 = tpu.memref_squeeze %dma_start3A_104 : memref<1x128x128xf32, #tpu.memory_space<hbm>> -> memref<128x128xf32, #tpu.memory_space<hbm>>
      %dma_start3A_106 = arith.constant 0 : i32
      %dma_start3A_107 = tpu.memref_slice %arg10[%add3A_98, %dma_start3A_106] : memref<10240x128xf32, #tpu.memory_space<vmem_shared>> -> memref<128x128xf32, #tpu.memory_space<vmem_shared>>
      tpu.enqueue_dma source(%dma_start3A_107 : memref<128x128xf32, #tpu.memory_space<vmem_shared>>) target(%dma_start3A_105 : memref<128x128xf32, #tpu.memory_space<hbm>>) target_semaphore(%run_scoped3A : memref<!tpu.dma_semaphore, #tpu.memory_space<semaphore_mem>>)
      %dma_wait3A = arith.constant 0 : i32
      %dma_wait3A_108 = tpu.memref_slice %arg5[%arg0, %add3A_102, %dma_wait3A] : memref<2x10240x128xf32, #tpu.memory_space<hbm>> -> memref<1x128x128xf32, #tpu.memory_space<hbm>>
      %dma_wait3A_109 = tpu.memref_squeeze %dma_wait3A_108 : memref<1x128x128xf32, #tpu.memory_space<hbm>> -> memref<128x128xf32, #tpu.memory_space<hbm>>
      %dma_wait3A_110 = arith.constant 0 : i32
      %dma_wait3A_111 = tpu.memref_slice %arg10[%add3A_98, %dma_wait3A_110] : memref<10240x128xf32, #tpu.memory_space<vmem_shared>> -> memref<128x128xf32, #tpu.memory_space<vmem_shared>>
      tpu.wait_dma2 semaphore(%run_scoped3A : memref<!tpu.dma_semaphore, #tpu.memory_space<semaphore_mem>>) src(%dma_wait3A_111 : memref<128x128xf32, #tpu.memory_space<vmem_shared>>) dst(%dma_wait3A_109 : memref<128x128xf32, #tpu.memory_space<hbm>>)
      tpu.yield
    }) : () -> ()
    return
  }
}

module attributes {stable_mosaic.version = 14 : i64} {
  func.func @body(%arg0: i32, %arg1: memref<1024x128xf32, #tpu.memory_space<vmem>>, %arg2: memref<128x128xf32, #tpu.memory_space<vmem>>, %arg3: memref<1024x1xf32, #tpu.memory_space<vmem>>, %arg4: memref<1024x128xf32, #tpu.memory_space<vmem>>, %arg5: memref<1024x1xf32, #tpu.memory_space<vmem>>) attributes {dimension_semantics = [#tpu.dimension_semantics<arbitrary>], iteration_bounds = array<i64: 10>, scalar_prefetch = 0 : i64, scratch_operands = 0 : i64, tpu.core_type = #tpu.core_type<tc>, window_params = [{transform_indices = @transform_0, window_bounds = array<i64: 1024, 128>}, {pipeline_mode = #tpu.pipeline_mode<synchronous>, transform_indices = @transform_1, window_bounds = array<i64: 128, 128>}, {transform_indices = @transform_2, window_bounds = array<i64: 1024, 1>}, {transform_indices = @transform_3, window_bounds = array<i64: 1024, 128>}, {transform_indices = @transform_4, window_bounds = array<i64: 1024, 1>}]} {
    %get3A = arith.constant 0 : index
    %get3A_0 = arith.constant 0 : index
    %get3A_1 = vector.load %arg3[%get3A, %get3A_0] : memref<1024x1xf32, #tpu.memory_space<vmem>>, vector<1024x1xf32>
    %add3A = arith.constant 1.000000e+00 : f32
    %add3A_2 = vector.broadcast %add3A : f32 to vector<1024x1xf32>
    %add3A_3 = arith.addf %get3A_1, %add3A_2 : vector<1024x1xf32>
    %rsqrt3A = math.rsqrt %add3A_3 : vector<1024x1xf32>
    %get3A_4 = arith.constant 0 : index
    %get3A_5 = arith.constant 0 : index
    %get3A_6 = vector.load %arg1[%get3A_4, %get3A_5] : memref<1024x128xf32, #tpu.memory_space<vmem>>, vector<1024x128xf32>
    %get3A_7 = arith.constant 0 : index
    %get3A_8 = arith.constant 0 : index
    %get3A_9 = vector.load %arg2[%get3A_7, %get3A_8] : memref<128x128xf32, #tpu.memory_space<vmem>>, vector<128x128xf32>
    %dot_general3A = arith.constant dense<0.000000e+00> : vector<1024x128xf32>
    %dot_general3A_10 = tpu.matmul %get3A_6, %get3A_9, %dot_general3A {dimension_numbers = #tpu.dot_dimension_numbers<[1], [0], [0], [1], [0, 0, 1, 1], [], []>, transpose_lhs_hint = false} : vector<1024x128xf32>, vector<128x128xf32>, vector<1024x128xf32> -> vector<1024x128xf32>
    %mul3A = vector.broadcast %rsqrt3A : vector<1024x1xf32> to vector<1024x128xf32>
    %mul3A_11 = arith.mulf %dot_general3A_10, %mul3A : vector<1024x128xf32>
    %swap3A = arith.constant 0 : index
    %swap3A_12 = arith.constant 0 : index
    %swap3A_13 = vector.load %arg4[%swap3A, %swap3A_12] : memref<1024x128xf32, #tpu.memory_space<vmem>>, vector<1024x128xf32>
    tpu.vector_store %arg4[%swap3A, %swap3A_12], %mul3A_11 {strides = array<i32>} : memref<1024x128xf32, #tpu.memory_space<vmem>>, vector<1024x128xf32>,
    %swap3A_14 = arith.constant 0 : index
    %swap3A_15 = arith.constant 0 : index
    %swap3A_16 = vector.load %arg5[%swap3A_14, %swap3A_15] : memref<1024x1xf32, #tpu.memory_space<vmem>>, vector<1024x1xf32>
    tpu.vector_store %arg5[%swap3A_14, %swap3A_15], %rsqrt3A {strides = array<i32>} : memref<1024x1xf32, #tpu.memory_space<vmem>>, vector<1024x1xf32>,
    return
  }
  func.func @transform_0(%arg0: i32) -> (i32, i32) {
    %c0_i32 = arith.constant 0 : i32
    %c0_i32_0 = arith.constant 0 : i32
    return %arg0, %c0_i32 : i32, i32
  }
  func.func @transform_1(%arg0: i32) -> (i32, i32) {
    %c0_i32 = arith.constant 0 : i32
    %c0_i32_0 = arith.constant 0 : i32
    %c0_i32_1 = arith.constant 0 : i32
    return %c0_i32, %c0_i32_0 : i32, i32
  }
  func.func @transform_2(%arg0: i32) -> (i32, i32) {
    %c0_i32 = arith.constant 0 : i32
    %c0_i32_0 = arith.constant 0 : i32
    return %arg0, %c0_i32 : i32, i32
  }
  func.func @transform_3(%arg0: i32) -> (i32, i32) {
    %c0_i32 = arith.constant 0 : i32
    %c0_i32_0 = arith.constant 0 : i32
    return %arg0, %c0_i32 : i32, i32
  }
  func.func @transform_4(%arg0: i32) -> (i32, i32) {
    %c0_i32 = arith.constant 0 : i32
    %c0_i32_0 = arith.constant 0 : i32
    return %arg0, %c0_i32 : i32, i32
  }
}

module attributes {stable_mosaic.version = 14 : i64} {
  func.func @body(%arg0: i32, %arg1: memref<1024x128xf32, #tpu.memory_space<vmem>>, %arg2: memref<1024x128xf32, #tpu.memory_space<vmem>>, %arg3: memref<1024x128xf32, #tpu.memory_space<vmem>>, %arg4: memref<1024x1xf32, #tpu.memory_space<vmem>>, %arg5: memref<128xf32, #tpu.memory_space<vmem>>, %arg6: memref<128x128xf32, #tpu.memory_space<vmem>>, %arg7: memref<1024x128xf32, #tpu.memory_space<vmem>>) attributes {dimension_semantics = [#tpu.dimension_semantics<arbitrary>], iteration_bounds = array<i64: 10>, scalar_prefetch = 0 : i64, scratch_operands = 0 : i64, tpu.core_type = #tpu.core_type<tc>, window_params = [{transform_indices = @transform_0, window_bounds = array<i64: 1024, 128>}, {transform_indices = @transform_1, window_bounds = array<i64: 1024, 128>}, {transform_indices = @transform_2, window_bounds = array<i64: 1024, 128>}, {transform_indices = @transform_3, window_bounds = array<i64: 1024, 1>}, {pipeline_mode = #tpu.pipeline_mode<synchronous>, transform_indices = @transform_4, window_bounds = array<i64: 128>}, {pipeline_mode = #tpu.pipeline_mode<synchronous>, transform_indices = @transform_5, window_bounds = array<i64: 128, 128>}, {transform_indices = @transform_6, window_bounds = array<i64: 1024, 128>}]} {
    %get3A = arith.constant 0 : index
    %get3A_0 = arith.constant 0 : index
    %get3A_1 = vector.load %arg4[%get3A, %get3A_0] : memref<1024x1xf32, #tpu.memory_space<vmem>>, vector<1024x1xf32>
    %get3A_2 = arith.constant 0 : index
    %get3A_3 = arith.constant 0 : index
    %get3A_4 = vector.load %arg1[%get3A_2, %get3A_3] : memref<1024x128xf32, #tpu.memory_space<vmem>>, vector<1024x128xf32>
    %get3A_5 = arith.constant 0 : index
    %get3A_6 = arith.constant 0 : index
    %get3A_7 = vector.load %arg2[%get3A_5, %get3A_6] : memref<1024x128xf32, #tpu.memory_space<vmem>>, vector<1024x128xf32>
    %add3A = arith.addf %get3A_4, %get3A_7 : vector<1024x128xf32>
    %get3A_8 = arith.constant 0 : index
    %get3A_9 = arith.constant 0 : index
    %get3A_10 = vector.load %arg3[%get3A_8, %get3A_9] : memref<1024x128xf32, #tpu.memory_space<vmem>>, vector<1024x128xf32>
    %add3A_11 = arith.addf %add3A, %get3A_10 : vector<1024x128xf32>
    %mul3A = vector.broadcast %get3A_1 : vector<1024x1xf32> to vector<1024x128xf32>
    %mul3A_12 = arith.mulf %add3A_11, %mul3A : vector<1024x128xf32>
    %get3A_13 = arith.constant 0 : index
    %get3A_14 = vector.load %arg5[%get3A_13] : memref<128xf32, #tpu.memory_space<vmem>>, vector<128xf32>
    %broadcast_in_dim3A = vector.shape_cast %get3A_14 : vector<128xf32> to vector<1x128xf32>
    %add3A_15 = vector.broadcast %broadcast_in_dim3A : vector<1x128xf32> to vector<1024x128xf32>
    %add3A_16 = arith.addf %mul3A_12, %add3A_15 : vector<1024x128xf32>
    %max3A = arith.constant 0.000000e+00 : f32
    %max3A_17 = vector.broadcast %max3A : f32 to vector<1024x128xf32>
    %max3A_18 = arith.maximumf %add3A_16, %max3A_17 : vector<1024x128xf32>
    %get3A_19 = arith.constant 0 : index
    %get3A_20 = arith.constant 0 : index
    %get3A_21 = vector.load %arg6[%get3A_19, %get3A_20] : memref<128x128xf32, #tpu.memory_space<vmem>>, vector<128x128xf32>
    %dot_general3A = arith.constant dense<0.000000e+00> : vector<1024x128xf32>
    %dot_general3A_22 = tpu.matmul %max3A_18, %get3A_21, %dot_general3A {dimension_numbers = #tpu.dot_dimension_numbers<[1], [0], [0], [1], [0, 0, 1, 1], [], []>, transpose_lhs_hint = false} : vector<1024x128xf32>, vector<128x128xf32>, vector<1024x128xf32> -> vector<1024x128xf32>
    %mul3A_23 = vector.broadcast %get3A_1 : vector<1024x1xf32> to vector<1024x128xf32>
    %mul3A_24 = arith.mulf %dot_general3A_22, %mul3A_23 : vector<1024x128xf32>
    %swap3A = arith.constant 0 : index
    %swap3A_25 = arith.constant 0 : index
    %swap3A_26 = vector.load %arg7[%swap3A, %swap3A_25] : memref<1024x128xf32, #tpu.memory_space<vmem>>, vector<1024x128xf32>
    tpu.vector_store %arg7[%swap3A, %swap3A_25], %mul3A_24 {strides = array<i32>} : memref<1024x128xf32, #tpu.memory_space<vmem>>, vector<1024x128xf32>,
    return
  }
  func.func @transform_0(%arg0: i32) -> (i32, i32) {
    %c0_i32 = arith.constant 0 : i32
    %c0_i32_0 = arith.constant 0 : i32
    return %arg0, %c0_i32 : i32, i32
  }
  func.func @transform_1(%arg0: i32) -> (i32, i32) {
    %c0_i32 = arith.constant 0 : i32
    %c0_i32_0 = arith.constant 0 : i32
    return %arg0, %c0_i32 : i32, i32
  }
  func.func @transform_2(%arg0: i32) -> (i32, i32) {
    %c0_i32 = arith.constant 0 : i32
    %c0_i32_0 = arith.constant 0 : i32
    return %arg0, %c0_i32 : i32, i32
  }
  func.func @transform_3(%arg0: i32) -> (i32, i32) {
    %c0_i32 = arith.constant 0 : i32
    %c0_i32_0 = arith.constant 0 : i32
    return %arg0, %c0_i32 : i32, i32
  }
  func.func @transform_4(%arg0: i32) -> i32 {
    %c0_i32 = arith.constant 0 : i32
    %c0_i32_0 = arith.constant 0 : i32
    return %c0_i32 : i32
  }
  func.func @transform_5(%arg0: i32) -> (i32, i32) {
    %c0_i32 = arith.constant 0 : i32
    %c0_i32_0 = arith.constant 0 : i32
    %c0_i32_1 = arith.constant 0 : i32
    return %c0_i32, %c0_i32_0 : i32, i32
  }
  func.func @transform_6(%arg0: i32) -> (i32, i32) {
    %c0_i32 = arith.constant 0 : i32
    %c0_i32_0 = arith.constant 0 : i32
    return %arg0, %c0_i32 : i32, i32
  }
}

module attributes {stable_mosaic.version = 14 : i64} {
  func.func @body(%arg0: i32, %arg1: memref<1024x128xf32, #tpu.memory_space<vmem>>, %arg2: memref<1024x128xf32, #tpu.memory_space<vmem>>, %arg3: memref<1024x128xf32, #tpu.memory_space<vmem>>, %arg4: memref<1024x1xf32, #tpu.memory_space<vmem>>, %arg5: memref<128xf32, #tpu.memory_space<vmem>>, %arg6: memref<1024x128xf32, #tpu.memory_space<vmem>>) attributes {dimension_semantics = [#tpu.dimension_semantics<arbitrary>], iteration_bounds = array<i64: 10>, scalar_prefetch = 0 : i64, scratch_operands = 0 : i64, tpu.core_type = #tpu.core_type<tc>, window_params = [{transform_indices = @transform_0, window_bounds = array<i64: 1024, 128>}, {transform_indices = @transform_1, window_bounds = array<i64: 1024, 128>}, {transform_indices = @transform_2, window_bounds = array<i64: 1024, 128>}, {transform_indices = @transform_3, window_bounds = array<i64: 1024, 1>}, {pipeline_mode = #tpu.pipeline_mode<synchronous>, transform_indices = @transform_4, window_bounds = array<i64: 128>}, {transform_indices = @transform_5, window_bounds = array<i64: 1024, 128>}]} {
    %get3A = arith.constant 0 : index
    %get3A_0 = arith.constant 0 : index
    %get3A_1 = vector.load %arg1[%get3A, %get3A_0] : memref<1024x128xf32, #tpu.memory_space<vmem>>, vector<1024x128xf32>
    %get3A_2 = arith.constant 0 : index
    %get3A_3 = arith.constant 0 : index
    %get3A_4 = vector.load %arg2[%get3A_2, %get3A_3] : memref<1024x128xf32, #tpu.memory_space<vmem>>, vector<1024x128xf32>
    %add3A = arith.addf %get3A_1, %get3A_4 : vector<1024x128xf32>
    %get3A_5 = arith.constant 0 : index
    %get3A_6 = arith.constant 0 : index
    %get3A_7 = vector.load %arg3[%get3A_5, %get3A_6] : memref<1024x128xf32, #tpu.memory_space<vmem>>, vector<1024x128xf32>
    %add3A_8 = arith.addf %add3A, %get3A_7 : vector<1024x128xf32>
    %get3A_9 = arith.constant 0 : index
    %get3A_10 = arith.constant 0 : index
    %get3A_11 = vector.load %arg4[%get3A_9, %get3A_10] : memref<1024x1xf32, #tpu.memory_space<vmem>>, vector<1024x1xf32>
    %mul3A = vector.broadcast %get3A_11 : vector<1024x1xf32> to vector<1024x128xf32>
    %mul3A_12 = arith.mulf %add3A_8, %mul3A : vector<1024x128xf32>
    %get3A_13 = arith.constant 0 : index
    %get3A_14 = vector.load %arg5[%get3A_13] : memref<128xf32, #tpu.memory_space<vmem>>, vector<128xf32>
    %broadcast_in_dim3A = vector.shape_cast %get3A_14 : vector<128xf32> to vector<1x128xf32>
    %add3A_15 = vector.broadcast %broadcast_in_dim3A : vector<1x128xf32> to vector<1024x128xf32>
    %add3A_16 = arith.addf %mul3A_12, %add3A_15 : vector<1024x128xf32>
    %swap3A = arith.constant 0 : index
    %swap3A_17 = arith.constant 0 : index
    %swap3A_18 = vector.load %arg6[%swap3A, %swap3A_17] : memref<1024x128xf32, #tpu.memory_space<vmem>>, vector<1024x128xf32>
    tpu.vector_store %arg6[%swap3A, %swap3A_17], %add3A_16 {strides = array<i32>} : memref<1024x128xf32, #tpu.memory_space<vmem>>, vector<1024x128xf32>,
    return
  }
  func.func @transform_0(%arg0: i32) -> (i32, i32) {
    %c0_i32 = arith.constant 0 : i32
    %c0_i32_0 = arith.constant 0 : i32
    return %arg0, %c0_i32 : i32, i32
  }
  func.func @transform_1(%arg0: i32) -> (i32, i32) {
    %c0_i32 = arith.constant 0 : i32
    %c0_i32_0 = arith.constant 0 : i32
    return %arg0, %c0_i32 : i32, i32
  }
  func.func @transform_2(%arg0: i32) -> (i32, i32) {
    %c0_i32 = arith.constant 0 : i32
    %c0_i32_0 = arith.constant 0 : i32
    return %arg0, %c0_i32 : i32, i32
  }
  func.func @transform_3(%arg0: i32) -> (i32, i32) {
    %c0_i32 = arith.constant 0 : i32
    %c0_i32_0 = arith.constant 0 : i32
    return %arg0, %c0_i32 : i32, i32
  }
  func.func @transform_4(%arg0: i32) -> i32 {
    %c0_i32 = arith.constant 0 : i32
    %c0_i32_0 = arith.constant 0 : i32
    return %c0_i32 : i32
  }
  func.func @transform_5(%arg0: i32) -> (i32, i32) {
    %c0_i32 = arith.constant 0 : i32
    %c0_i32_0 = arith.constant 0 : i32
    return %arg0, %c0_i32 : i32, i32
  }
}

</mosaic_0001>

<sc_bundles>
// kernel: kernel.10.cloned.1.call-start
scs
__scs_entry_jumppad:
0x0: {  	(pc) =	sbr.rel $0x88, $3  }
0x1: {  	(tag) =	ssettag $0x0;
	lr =	simm.s32 $0x1  }
0x2: {  	[smem:$0x3F99] =	sst lr;
	_ =	strace $0xD0000000  }
0x3: {  	_ = 	snop  }
0x4: {  	_ = 	snop  }
0x5: {  	_ = 	snop  }
0x6: {  	_ = 	snop  }
0x7: {  	_ = 	snop  }
__scs_overlays_trampoline_lowered:
0x8: {  	[smem:$0x3FA8] =	sst s0  }
0x9: {  	[smem:$0x3FA9] =	sst s1  }
0xa: {  	[smem:$0x3FAA] =	sst s2  }
0xb: {  	[smem:$0x3FAB] =	sst s3  }
0xc: {  	[smem:$0x3FAC] =	sst s4  }
0xd: {  	[smem:$0x3FAD] =	sst s5  }
0xe: {  	[smem:$0x3FAE] =	sst s6  }
0xf: {  	[smem:$0x3FAF] =	sst s7  }
0x10: {  	[smem:$0x3FB0] =	sst s8  }
0x11: {  	[smem:$0x3FB1] =	sst s9;
	s0 =	simm.s32 @!p0 $0x0  }
0x12: {  	s1 =	sld [smem:$0x3F97];
	s0 =	simm.s32 @p0 $0x1  }
0x13: {  	[smem:$0x3FB2] =	sst s0;
	s0 =	simm.s32 @!p1 $0x0  }
0x14: {  	s2 =	sld [smem:$0x3F96];
	s0 =	simm.s32 @p1 $0x1  }
0x15: {  	[smem:$0x3FB3] =	sst s0;
	s0 =	simm.s32 @!p2 $0x0  }
0x16: {  	s3 =	sld [smem:$0x3FDB];
	s0 =	simm.s32 @p2 $0x1  }
0x17: {  	s4 =	simm.s32 $0x1BF5;
	[smem:$0x3FB5] =	sst s0  }
0x18: {  	s0 =	sld [smem:$0x3F98];
	_ =	swait.ge [sflag:s4], $0x0  }
0x19: {  	s7 =	sld [smem:$0x3F99]  }
0x1a: {  	s8 =	sadd.s32 $0xFFFFE003, lr  }
0x1b: {  	s9 =	sadd.s32 $0xFFFFFEF7, lr;
	s5 =	simm.s32 $0xFFFFFFFF;
	p2 =	slt.u32 s8, $0xFFFFF086  }
0x1c: {  	p1 =	slt.u32 s9, $0xF7A;
	s5 =	simm.s32 @!p2 $0x0  }
0x1d: {  	s5 =	simm.s32 @p1 $0x1;
	p0 =	seq.s32 s7, s2  }
0x1e: {  	s7 =	smul.u32 @!p0 $0xF7A, s2;
	p2 =	seq.s32 @!p0 s5, $0x0  }
0x1f: {  	s9 =	smul.u32 $0xF7A, s1;
	s8 =	simm.s32 @!p0 $0x1BF5;
	p2 =	por !p2, p0  }
0x20: {  	[sflag:s8] =	ssyncset.s32 @!p0 $0xFFFFF086;
	s6 =	sadd.s32 @!p0 s3, s7;
	s7 =	simm.s32 @!p0 $0x108  }
0x21: {  	s3 =	sadd.s32 s3, s9;
	s6 =	sadd.s32 @!p0 $0x88, s6;
	s7 =	simm.s32 @p2 $0x1082  }
0x22: {  	[simem:s7], [sflag:s8] =	dma.local @!p0 [hbm:s6], $0xF7A  }
0x23: {  	s9 =	sor.u32 $0xD0000000, s2;
	s6 =	simm.s32 $0x108;
	_ =	swait.ge @!p0 [sflag:s8], $0x0  }
0x24: {  	s3 =	sadd.s32 $0x88, s3;
	s6 =	simm.s32 @!p1 $0x1082;
	[sflag:s4] =	ssyncset.s32 $0xFFFFF086  }
0x25: {  	[simem:s6], [sflag:s4] =	dma.local [hbm:s3], $0xF7A  }
0x26: {  	[smem:$0x3F99] =	sst s1;
	(tag) =	ssettag s2;
	_ =	strace s9  }
0x27: {  	s1 =	sld [smem:$0x3FA9]  }
0x28: {  	s2 =	sld [smem:$0x3FAA]  }
0x29: {  	s4 =	sld [smem:$0x3FAC]  }
0x2a: {  	p0 =	seq.s32 s5, $0x0;
	s5 =	sld [smem:$0x3FAD]  }
0x2b: {  	s6 =	sld [smem:$0x3FAE]  }
0x2c: {  	s7 =	sld [smem:$0x3FAF]  }
0x2d: {  	s3 =	simm.s32 $0x108;
	s8 =	sld [smem:$0x3FB0]  }
0x2e: {  	s3 =	simm.s32 @!p0 $0x1082;
	s9 =	sld [smem:$0x3FB1]  }
0x2f: {  	lr =	sadd.s32 s0, s3;
	s0 =	sld [smem:$0x3FA8]  }
0x30: {  	s3 =	sld [smem:$0x3FAB]  }
0x31: {  	[smem:$0x3FB4] =	sst s10  }
0x32: {  	s10 =	sld [smem:$0x3FB2];
	_ =	sdelay $0x3  }
0x33: {  	p0 =	seq.s32 s10, $0x1;
	s10 =	sld [smem:$0x3FB4];
	_ =	sdelay $0x3  }
0x34: {  	[smem:$0x3FB4] =	sst s10  }
0x35: {  	s10 =	sld [smem:$0x3FB3];
	_ =	sdelay $0x3  }
0x36: {  	p1 =	seq.s32 s10, $0x1;
	s10 =	sld [smem:$0x3FB4];
	_ =	sdelay $0x3  }
0x37: {  	[smem:$0x3FB4] =	sst s10  }
0x38: {  	s10 =	sld [smem:$0x3FB5]  }
0x39: {  	_ = 	snop;
	(pc) =	sbr.ind lr, $3  }
0x3a: {  	_ = 	snop  }
0x3b: {  	_ = 	snop  }
0x3c: {  	p2 =	seq.s32 s10, $0x1;
	s10 =	sld [smem:$0x3FB4]  }
0x3d: {  	_ =	shalt  }
0x3e: {  	_ =	shalt  }
0x3f: {  	_ =	shalt  }
0x40: {  	_ =	shalt  }
0x41: {  	_ =	shalt  }
0x42: {  	_ =	shalt  }
0x43: {  	_ =	shalt  }
0x44: {  	_ =	shalt  }
0x45: {  	_ =	shalt  }
0x46: {  	_ =	shalt  }
0x47: {  	_ =	shalt  }
0x48: {  	_ =	shalt  }
0x49: {  	_ =	shalt  }
0x4a: {  	_ =	shalt  }
0x4b: {  	_ =	shalt  }
0x4c: {  	_ =	shalt  }
0x4d: {  	_ =	shalt  }
0x4e: {  	_ =	shalt  }
0x4f: {  	_ =	shalt  }
0x50: {  	_ =	shalt  }
0x51: {  	_ =	shalt  }
0x52: {  	_ =	shalt  }
0x53: {  	_ =	shalt  }
0x54: {  	_ =	shalt  }
0x55: {  	_ =	shalt  }
0x56: {  	_ =	shalt  }
0x57: {  	_ =	shalt  }
0x58: {  	_ =	shalt  }
0x59: {  	_ =	shalt  }
0x5a: {  	_ =	shalt  }
0x5b: {  	_ =	shalt  }
0x5c: {  	_ =	shalt  }
0x5d: {  	_ =	shalt  }
0x5e: {  	_ =	shalt  }
0x5f: {  	_ =	shalt  }
0x60: {  	_ =	shalt  }
0x61: {  	_ =	shalt  }
0x62: {  	_ =	shalt  }
0x63: {  	_ =	shalt  }
0x64: {  	_ =	shalt  }
0x65: {  	_ =	shalt  }
0x66: {  	_ =	shalt  }
0x67: {  	_ =	shalt  }
0x68: {  	_ =	shalt  }
0x69: {  	_ =	shalt  }
0x6a: {  	_ =	shalt  }
0x6b: {  	_ =	shalt  }
0x6c: {  	_ =	shalt  }
0x6d: {  	_ =	shalt  }
0x6e: {  	_ =	shalt  }
0x6f: {  	_ =	shalt  }
0x70: {  	_ =	shalt  }
0x71: {  	_ =	shalt  }
0x72: {  	_ =	shalt  }
0x73: {  	_ =	shalt  }
0x74: {  	_ =	shalt  }
0x75: {  	_ =	shalt  }
0x76: {  	_ =	shalt  }
0x77: {  	_ =	shalt  }
0x78: {  	_ =	shalt  }
0x79: {  	_ =	shalt  }
0x7a: {  	_ =	shalt  }
0x7b: {  	_ =	shalt  }
0x7c: {  	_ =	shalt  }
0x7d: {  	_ =	shalt  }
0x7e: {  	_ =	shalt  }
0x7f: {  	_ =	shalt  }
0x80: {  	_ =	shalt  }
0x81: {  	_ =	shalt  }
0x82: {  	_ =	shalt  }
0x83: {  	_ =	shalt  }
0x84: {  	_ =	shalt  }
0x85: {  	_ =	shalt  }
0x86: {  	_ =	shalt  }
0x87: {  	_ =	shalt  }
.Lfunc_end0:
.L_simem_size_0:
called_computation_lowered:
.L_overlay_start_0:
0x88: {  	s2 =	sld [smem:$0x3FD9]  }
0x89: {  	s3 =	sld [smem:$0x3FFE];
	_ =	sdelay $0x1  }
0x8a: {  	s1 =	srdreg.scid  }
0x8b: {  	s0 =	sand.u32 $0x1, s1  }
0x8c: {  	s17 =	sshll.u32 s0, $0xA;
	s2 =	sadd.s32 s3, s2  }
0x8d: {  	s2 =	sadd.s32 s2, s17  }
0x8e: {  	[smem:$0x3FC0] =	sst s2  }
0x8f: {  	_ = 	snop  }
0x90: {  	s2 =	sld [smem:$0x3FD0];
	(tm) =	ssettm $0x1  }
0x91: {  	s18 =	sld [smem:$0x3FFB];
	_ =	sdelay $0x3  }
0x92: {  	_ =	strace s18  }
0x93: {  	s3 =	sld [smem:$0x3FFC];
	_ =	sdelay $0x3  }
0x94: {  	_ =	strace s3  }
0x95: {  	s3 =	sld [smem:$0x3FFD];
	_ =	sdelay $0x3  }
0x96: {  	_ =	strace s3  }
0x97: {  	_ =	strace $0x8FFFFFFF  }
0x98: {  	s19 =	sld [smem:$0x3FDB];
	_ =	sdelay $0x1  }
0x99: {  	s4 =	simm.s32 $_scs_section_size  }
0x9a: {  	s5 =	simm.s32 $_size__tile_overlayer_lowered;
	s6 =	simm.s32 $_tile_overlayer_lowered  }
0x9b: {  	s22 =	simm.s32 $0x1BFF;
	s21 =	sshll.u32 s6, $0x1;
	s3 =	sadd.s32 s4, s19  }
0x9c: {  	s7 =	simm.s32 $0x0;
	s20 =	sshll.u32 s5, $0x1;
	s5 =	sadd.s32 s21, s3  }
0x9d: {  	[timem:s7], [sflag:s22] =	dma.local [hbm:s5], s20  }
0x9e: {  	_ =	swait.ge [sflag:s22], s20  }
0x9f: {  	s4 =	ssub.s32 $0x0, s20;
	[sflag:s22] =	ssyncset.done $0x0  }
0xa0: {  	[sflag:s22] =	ssyncadd.s32 s4;
	_ =	sdelay $0x1  }
0xa1: {  	s23 =	simm.s32 $0x1B8B  }
0xa2: {  	_ =	swait.ge [sflag:s23], $0x1  }
0xa3: {  	[sflag:s23] =	ssyncset.done $0x0  }
0xa4: {  	s25 =	simm.s32 $0x1B8E;
	s24 =	sld [smem:$0x3FFE];
	[sflag:s23] =	ssyncadd.s32 $0xFFFFFFFF  }
0xa5: {  	s26 =	simm.s32 $execute0_lowered;
	[smem:$0x3FD2] =	sst s25  }
0xa6: {  	s5 =	sshll.u32 s26, $0x1;
	_ =	strace $0x80000046;
	[dreg:$0x1] =	wrdreg $0xFFFFFFFF  }
0xa7: {  	s28 =	simm.s32 $_size_execute0_lowered;
	s3 =	sadd.s32 s3, s5;
	[dreg:$0x0] =	wrdreg $0x0  }
0xa8: {  	s5 =	sshll.u32 s28, $0x1;
	[dreg:$0x2] =	wrdreg s3  }
0xa9: {  	[dreg:$0x3] =	wrdreg s5  }
0xaa: {  	[dreg:$0x4] =	wrdreg $0xC0  }
0xab: {  	_ =	task [dreg:s7], $0x5FFFF  }
0xac: {  	[dreg:$0x1] =	wrdreg $0xFFFFFFFF  }
0xad: {  	[dreg:$0x0] =	wrdreg $0x60  }
0xae: {  	[dreg:$0x2] =	wrdreg s2  }
0xaf: {  	[dreg:$0x3] =	wrdreg s24  }
0xb0: {  	[dreg:$0x4] =	wrdreg $0x40800  }
0xb1: {  	[dreg:$0x5] =	wrdreg $0x9  }
0xb2: {  	_ =	task.clear_ibuf [dreg:s7], $0x6FFFF;
	_ =	strace $0x90000046  }
0xb3: {  	s29 =	simm.s32 $0x9;
	_ =	strace $0x80000048  }
0xb4: {  	_ =	swait.ge [sflag:s29], $0x1  }
0xb5: {  	[sflag:s29] =	ssyncadd.s32 $0xFFFFFFFF  }
0xb6: {  	_ =	strace $0x90000048  }
0xb7: {  	_ =	sfence  }
0xb8: {  	s30 =	sld [smem:$0x0];
	_ =	sdelay $0x2  }
0xb9: {  	s31 =	sshll.u32 s1, $0xD;
	s1 =	sshrl.u32 s1, $0x2  }
0xba: {  	s3 =	sand.u32 $0x4000, s31;
	s1 =	sadd.s32 s1, s30  }
0xbb: {  	s0 =	sor.u32 s3, s0;
	s1 =	sshll.u32 s1, $0x11  }
0xbc: {  	s0 =	sor.u32 s1, s0  }
0xbd: {  	s0 =	sadd.s32 $0x8F2B, s0  }
0xbe: {  	[sflag:s0] =	ssyncadd.remote.s32 $0x1  }
0xbf: {  	_ =	sfence.sel $0xFFFF  }
0xc0: {  	[dreg:$0x0] =	wrdreg $0xFFFFFFFF;
	(pc) =	sbr.abs _section_cstart, $3  }
0xc1: {  	[dreg:$0x1] =	wrdreg $0xFFFFFFFF  }
0xc2: {  	_ =	task.clear_ibuf [dreg:s7], $0x2FFFF;
	_ =	strace $0x9FFFFFFF  }
0xc3: {  	(tm) =	ssettm $0x7FFFFFFF  }
tec
execute0_lowered:
.L_overlay_start_1:
0x0: {  	(tag) =	ssettag $0x1  }
0x1: {  	s4 =	rddreg [dreg:$0x0]  }
0x2: {  	s5 =	rddreg [dreg:$0x1];
	s0 =	srdreg.scid  }
0x3: {  	s2 =	rddreg [dreg:$0x2];
	s1 =	stileid.u32  }
0x4: {  	s3 =	simm.s32 $0x0;
	s6 =	sand.u32 $0x1, s0;
	s0 =	rddreg [dreg:$0x3]  }
0x5: {  	s11 =	simm.s32 $0x50;
	s12 =	simm.s32 $0x3C00;
	[smem:$0x7FF] =	sst s3  }
0x6: {  	s9 =	sshll.u32 s1, $0xA;
	p0 =	sgt.u32 s1, $0x9;
	s7 =	sshll.u32 s6, $0x4  }
0x7: {  	s8 =	smul.u32 $0x2800, s6;
	_ =	strace $0x80000047;
	s7 =	sor.u32 s1, s7  }
0x8: {  	s6 =	ssub.s32 $0x2, s6;
	s13 =	sshll.u32 @!p0 s1, $0x6;
	s7 =	smul.u32 $0x2800, s7  }
0x9: {  	s10 =	sshrl.u32 s6, $0x1;
	s13 =	sor.u32 @!p0 $0x1C01, s13;
	s8 =	sadd.s32 s9, s8  }
0xa: {  	s10 =	ssub.s32 s6, s10;
	s8 =	sshrl.u32 s8, $0x3;
	s7 =	sshrl.u32 s7, $0x3  }
0xb: {  	v0 =	vlaneseq.u32;
	s8 =	sadd.s32 s8, s5;
	s5 =	sadd.s32 s9, s2;
	s9 =	simm.s32 $0x1  }
0xc: {  	v1 =	vimm.f32 $0.0e+00;
	v6 =	vimm.f32 $1.000000000e+00;
	v2 =	vor.u32 $0x10, v0;
	s4 =	sadd.s32 s4, s7;
	s7 =	sadd.s32 $0x3E00, s8;
	s8 =	smax.u32 s10, $0x1  }
0xd: {  	v3 =	vor.u32 $0x20, v0;
	v4 =	vor.u32 $0x30, v0;
	v5 =	vor.u32 $0x40, v0;
	s10 =	simm.s32 $0x1400;
	s14 =	sshrl.u32 @!p0 s5, $0x3;
	s6 =	sadd.s32 $0x280, s4  }
.LBB2_1:
0xe: {  	s15 =	simm.s32 $0x0;
	s16 =	simm.s32 $0x200  }
.LBB2_2:
0xf: {  	p1 =	sne.s32 s16, $0x9E00;
	[tilespmem:s15+$0x1470] =	vst v1  }
0x10: {  	[tilespmem:s15+$0x1400] =	vst v1  }
0x11: {  	[tilespmem:s15+$0x1410] =	vst v1  }
.Ltmp0:
0x12: {  	[tilespmem:s15+$0x1420] =	vst v1;
	(pc) =	sbr.rel @p1 .LBB2_2-.Ltmp0, $4  }
0x13: {  	[tilespmem:s15+$0x1430] =	vst v1  }
0x14: {  	[tilespmem:s15+$0x1440] =	vst v1  }
0x15: {  	[tilespmem:s15+$0x1450] =	vst v1  }
0x16: {  	[tilespmem:s15+$0x1460] =	vst v1;
	s15 =	sshra.s32 s16, $0x2;
	s16 =	sadd.s32 $0x200, s16  }
0x17: {  	[tilespmem:s15+$0x1470] =	vst v1  }
0x18: {  	[tilespmem:s15+$0x1400] =	vst v1  }
0x19: {  	[tilespmem:s15+$0x1410] =	vst v1  }
0x1a: {  	[tilespmem:s15+$0x1420] =	vst v1  }
0x1b: {  	[tilespmem:s15+$0x1430] =	vst v1  }
0x1c: {  	[tilespmem:s15+$0x1440] =	vst v1  }
0x1d: {  	[tilespmem:s15+$0x1450] =	vst v1  }
0x1e: {  	[tilespmem:s15+$0x1460] =	vst v1  }
0x1f: {  	[tilespmem:$0x3C80] =	vst v1  }
0x20: {  	[tilespmem:$0x3C90] =	vst v1  }
0x21: {  	[tilespmem:$0x3CA0] =	vst v1  }
0x22: {  	[tilespmem:$0x3CB0] =	vst v1  }
0x23: {  	[tilespmem:$0x3CC0] =	vst v1  }
0x24: {  	[tilespmem:$0x3CD0] =	vst v1  }
0x25: {  	[tilespmem:$0x3CE0] =	vst v1  }
0x26: {  	[tilespmem:$0x3CF0] =	vst v1  }
0x27: {  	[tilespmem:$0x3D00] =	vst v1  }
0x28: {  	[tilespmem:$0x3D10] =	vst v1  }
0x29: {  	[tilespmem:$0x3D20] =	vst v1  }
0x2a: {  	[tilespmem:$0x3D30] =	vst v1  }
0x2b: {  	[tilespmem:$0x3D40] =	vst v1  }
0x2c: {  	[tilespmem:$0x3D50] =	vst v1  }
0x2d: {  	[tilespmem:$0x3D60] =	vst v1  }
0x2e: {  	[tilespmem:$0x3D70] =	vst v1  }
0x2f: {  	[tilespmem:$0x3D80] =	vst v1  }
0x30: {  	[tilespmem:$0x3D90] =	vst v1  }
0x31: {  	[tilespmem:$0x3DA0] =	vst v1  }
0x32: {  	[tilespmem:$0x3DB0] =	vst v1  }
0x33: {  	[tilespmem:$0x3DC0] =	vst v1  }
0x34: {  	[tilespmem:$0x3DD0] =	vst v1  }
0x35: {  	[tilespmem:$0x3DE0] =	vst v1  }
0x36: {  	[tilespmem:$0x3DF0] =	vst v1  }
0x37: {  	[tilespmem:$0x3E00] =	vst v1  }
0x38: {  	[tilespmem:$0x3E10] =	vst v1  }
0x39: {  	[tilespmem:$0x3E20] =	vst v1  }
0x3a: {  	[tilespmem:$0x3E30] =	vst v1  }
0x3b: {  	[tilespmem:$0x3E40] =	vst v1  }
0x3c: {  	[tilespmem:$0x3E50] =	vst v1  }
0x3d: {  	[tilespmem:$0x3E60] =	vst v1  }
0x3e: {  	[tilespmem:$0x3E70] =	vst v1  }
0x3f: {  	[tilespmem:$0x3E80] =	vst v1  }
0x40: {  	[tilespmem:$0x3E90] =	vst v1  }
0x41: {  	[tilespmem:$0x3EA0] =	vst v1  }
0x42: {  	[tilespmem:$0x3EB0] =	vst v1  }
0x43: {  	[tilespmem:$0x3EC0] =	vst v1  }
0x44: {  	[tilespmem:$0x3ED0] =	vst v1  }
0x45: {  	[tilespmem:$0x3EE0] =	vst v1  }
0x46: {  	[tilespmem:$0x3EF0] =	vst v1  }
0x47: {  	[tilespmem:$0x3F00] =	vst v1  }
0x48: {  	[tilespmem:$0x3F10] =	vst v1  }
0x49: {  	[tilespmem:$0x3F20] =	vst v1  }
0x4a: {  	[tilespmem:$0x3F30] =	vst v1  }
0x4b: {  	[tilespmem:$0x3F40] =	vst v1  }
0x4c: {  	[tilespmem:$0x3F50] =	vst v1  }
0x4d: {  	[tilespmem:$0x3F60] =	vst v1  }
0x4e: {  	[tilespmem:$0x3F70] =	vst v1  }
0x4f: {  	[tilespmem:$0x3F80] =	vst v1  }
0x50: {  	[tilespmem:$0x3F90] =	vst v1  }
0x51: {  	[tilespmem:$0x3FA0] =	vst v1  }
0x52: {  	[tilespmem:$0x3FB0] =	vst v1  }
0x53: {  	[tilespmem:$0x3FC0] =	vst v1  }
0x54: {  	[tilespmem:$0x3FD0] =	vst v1  }
0x55: {  	[tilespmem:$0x3FE0] =	vst v1  }
0x56: {  	[tilespmem:$0x3FF0] =	vst v1  }
0x57: {  	[tilespmem:$0x4000] =	vst v1  }
0x58: {  	[tilespmem:$0x4010] =	vst v1  }
0x59: {  	[tilespmem:$0x4020] =	vst v1  }
0x5a: {  	[tilespmem:$0x4030] =	vst v1  }
0x5b: {  	[tilespmem:$0x4040] =	vst v1  }
0x5c: {  	[tilespmem:$0x4050] =	vst v1  }
0x5d: {  	[tilespmem:$0x4060] =	vst v1  }
0x5e: {  	[tilespmem:$0x4070] =	vst v1  }
0x5f: {  	[tilespmem:$0x3C00] =	vst v0  }
0x60: {  	[tilespmem:$0x3C10] =	vst v2  }
0x61: {  	[tilespmem:$0x3C20] =	vst v3  }
0x62: {  	[tilespmem:$0x3C30] =	vst v4  }
0x63: {  	s15 =	simm.s32 @!p0 $0x3C80;
	[tilespmem:$0x3C40] =	vst v5  }
0x64: {  	[spmem:s5] =	stream.linear.scatter @!p0 [tilespmem:s15], [sflag:$0x1], $0x400, $0x38;
	[tilespmem:$0x4300] =	vst v63  }
0x65: {  	s15 =	simm.s32 @!p0 $0x1  }
0x66: {  	_ =	swait.ge @!p0 [sflag:s15], $0x400  }
0x67: {  	[sflag:s15] =	ssyncset.done @!p0 $0x0  }
0x68: {  	[sflag:s15] =	ssyncadd.s32 @!p0 $0xFFFFFC00  }
0x69: {  	s15 =	simm.s32 $0x0;
	[bflag:$0x0] =	sbarrier.arrive $0xFFFF  }
0x6a: {  	[tilespmem:s15], [sflag:$0x1] =	stream.linear.gather [hbm4b:s4+s15], $0x1400, $0x38;
	[tilespmem:$0x4300] =	vst v63  }
0x6b: {  	_ =	swait.ge [sflag:s9], $0x1400  }
0x6c: {  	[sflag:s9] =	ssyncset.done $0x0  }
0x6d: {  	[sflag:s9] =	ssyncadd.s32 $0xFFFFEC00  }
.LBB2_4:
0x6e: {  	s16 =	sshra.s32 s15, $0x2  }
0x6f: {  	v7 =	vld [tilespmem:s16+$0x0];
	_ =	sdelay $0x7  }
0x70: {  	[tilespmem:v7+s10+$0x0] =	vst.idx.add.f32.msk $0xffff, v6  }
0x71: {  	v7 =	vld [tilespmem:s16+$0x10];
	_ =	sdelay $0x7  }
0x72: {  	[tilespmem:v7+s10+$0x0] =	vst.idx.add.f32.msk $0xffff, v6  }
0x73: {  	v7 =	vld [tilespmem:s16+$0x20];
	_ =	sdelay $0x7  }
0x74: {  	[tilespmem:v7+s10+$0x0] =	vst.idx.add.f32.msk $0xffff, v6  }
0x75: {  	v7 =	vld [tilespmem:s16+$0x30];
	_ =	sdelay $0x7  }
0x76: {  	[tilespmem:v7+s10+$0x0] =	vst.idx.add.f32.msk $0xffff, v6  }
0x77: {  	v7 =	vld [tilespmem:s16+$0x40];
	_ =	sdelay $0x7  }
0x78: {  	[tilespmem:v7+s10+$0x0] =	vst.idx.add.f32.msk $0xffff, v6  }
0x79: {  	v7 =	vld [tilespmem:s16+$0x50];
	_ =	sdelay $0x7  }
0x7a: {  	[tilespmem:v7+s10+$0x0] =	vst.idx.add.f32.msk $0xffff, v6  }
0x7b: {  	v7 =	vld [tilespmem:s16+$0x60];
	_ =	sdelay $0x7  }
0x7c: {  	[tilespmem:v7+s10+$0x0] =	vst.idx.add.f32.msk $0xffff, v6  }
0x7d: {  	v7 =	vld [tilespmem:s16+$0x70];
	_ =	sdelay $0x2  }
0x7e: {  	p1 =	sne.s32 s15, $0x4E00  }
.Ltmp1:
0x7f: {  	_ = 	snop;
	(pc) =	sbr.rel @p1 .LBB2_4-.Ltmp1, $2  }
0x80: {  	_ =	sdelay $0x2  }
0x81: {  	s15 =	sadd.s32 $0x200, s15;
	[tilespmem:v7+s10+$0x0] =	vst.idx.add.f32.msk $0xffff, v6  }
0x82: {  	s15 =	simm.s32 $0x0  }
0x83: {  	[tilespmem:s15], [sflag:$0x1] =	stream.linear.gather [hbm4b:s6+s15], $0x1400, $0x38;
	[tilespmem:$0x4300] =	vst v63  }
0x84: {  	_ =	swait.ge [sflag:s9], $0x1400  }
0x85: {  	[sflag:s9] =	ssyncset.done $0x0  }
0x86: {  	[sflag:s9] =	ssyncadd.s32 $0xFFFFEC00  }
.LBB2_6:
0x87: {  	s16 =	sshra.s32 s15, $0x2  }
0x88: {  	v7 =	vld [tilespmem:s16+$0x0];
	_ =	sdelay $0x7  }
0x89: {  	[tilespmem:v7+s10+$0x0] =	vst.idx.add.f32.msk $0xffff, v6  }
0x8a: {  	v7 =	vld [tilespmem:s16+$0x10];
	_ =	sdelay $0x7  }
0x8b: {  	[tilespmem:v7+s10+$0x0] =	vst.idx.add.f32.msk $0xffff, v6  }
0x8c: {  	v7 =	vld [tilespmem:s16+$0x20];
	_ =	sdelay $0x7  }
0x8d: {  	[tilespmem:v7+s10+$0x0] =	vst.idx.add.f32.msk $0xffff, v6  }
0x8e: {  	v7 =	vld [tilespmem:s16+$0x30];
	_ =	sdelay $0x7  }
0x8f: {  	[tilespmem:v7+s10+$0x0] =	vst.idx.add.f32.msk $0xffff, v6  }
0x90: {  	v7 =	vld [tilespmem:s16+$0x40];
	_ =	sdelay $0x7  }
0x91: {  	[tilespmem:v7+s10+$0x0] =	vst.idx.add.f32.msk $0xffff, v6  }
0x92: {  	v7 =	vld [tilespmem:s16+$0x50];
	_ =	sdelay $0x7  }
0x93: {  	[tilespmem:v7+s10+$0x0] =	vst.idx.add.f32.msk $0xffff, v6  }
0x94: {  	v7 =	vld [tilespmem:s16+$0x60];
	_ =	sdelay $0x7  }
0x95: {  	[tilespmem:v7+s10+$0x0] =	vst.idx.add.f32.msk $0xffff, v6  }
0x96: {  	v7 =	vld [tilespmem:s16+$0x70];
	_ =	sdelay $0x2  }
0x97: {  	p1 =	sne.s32 s15, $0x4E00  }
.Ltmp2:
0x98: {  	_ = 	snop;
	(pc) =	sbr.rel @p1 .LBB2_6-.Ltmp2, $2  }
0x99: {  	_ =	sdelay $0x2  }
0x9a: {  	s15 =	sadd.s32 $0x200, s15;
	[tilespmem:v7+s10+$0x0] =	vst.idx.add.f32.msk $0xffff, v6  }
0x9b: {  	[spmem:s2] =	stream.indirect.scatter.add.f32 [tilespmem:s10], [sflag:$0x1], $0x80, s12, s11, $0xb8;
	[tilespmem:$0x4300] =	vst v63  }
0x9c: {  	_ =	swait.ge [sflag:s9], $0x2800  }
0x9d: {  	s3 =	sadd.s32 $0x1, s3;
	[sflag:s9] =	ssyncset.done $0x0  }
0x9e: {  	p1 =	sne.s32 s3, s8;
	[sflag:s9] =	ssyncadd.s32 $0xFFFFD800  }
.Ltmp3:
0x9f: {  	s15 =	simm.s32 @!p0 $0x1;
	[bflag:$0x0] =	sbarrier.arrive $0xFFFF;
	(pc) =	sbr.rel @p1 .LBB2_1-.Ltmp3, $4  }
0xa0: {  	[hbm:s7], [sflag:s13] =	dma.local @!p0 [spmem:s14], $0x80  }
0xa1: {  	_ =	swait.ge @!p0 [sflag:s15], $0x80  }
0xa2: {  	[sflag:s15] =	ssyncset.done @!p0 $0x0  }
0xa3: {  	[sflag:s15] =	ssyncadd.s32 @!p0 $0xFFFFFF80  }
0xa4: {  	_ =	sfence.sel $0x180000  }
0xa5: {  	[bflag:$0x0] =	sbarrier.arrive $0xFFFF  }
0xa6: {  	p0 =	sne.s32 s1, $0x0;
	_ =	strace $0x90000047  }
0xa7: {  	s0 =	sadd.s32 @!p0 $0x100000, s0;
	[bflag:$0x2] =	sbarrier.arrive $0xFFFF  }
0xa8: {  	[sflag:s0] =	ssyncadd.tile.s32 @!p0 $0x1;
	_ =	shalt  }
.Lfunc_end2:
_tile_overlayer_lowered:
.L_overlay_start_2:
0xa9: {  	(tag) =	ssettag $0x2  }
0xaa: {  	s0 =	rddreg [dreg:$0x0];
	s2 =	stileid.u32  }
0xab: {  	s1 =	rddreg [dreg:$0x1];
	p0 =	sne.s32 s2, $0x0  }
0xac: {  	s3 =	rddreg [dreg:$0x2];
	[bflag:$0x3] =	sbarrier.arrive $0xFFFF;
	s2 =	simm.s32 @!p0 $0x1C01  }
0xad: {  	[timem:s3], [sflag:s2] =	dma.local @!p0 [hbm:s0], s1  }
0xae: {  	s0 =	simm.s32 @!p0 $0x1  }
0xaf: {  	_ =	swait.ge @!p0 [sflag:s0], s1  }
0xb0: {  	s1 =	ssub.s32 @!p0 $0x0, s1;
	[sflag:s0] =	ssyncset.done @!p0 $0x0  }
0xb1: {  	[sflag:s0] =	ssyncadd.s32 @!p0 s1  }
0xb2: {  	[bflag:$0x3] =	sbarrier.arrive $0xFFFF  }
0xb3: {  	_ =	shalt  }

// kernel: kernel.13.cloned.1.call-start
scs
__scs_entry_jumppad:
0x0: {  	(pc) =	sbr.rel $0x88, $3  }
0x1: {  	(tag) =	ssettag $0x0;
	lr =	simm.s32 $0x1  }
0x2: {  	[smem:$0x3F99] =	sst lr;
	_ =	strace $0xD0000000  }
0x3: {  	_ = 	snop  }
0x4: {  	_ = 	snop  }
0x5: {  	_ = 	snop  }
0x6: {  	_ = 	snop  }
0x7: {  	_ = 	snop  }
__scs_overlays_trampoline_lowered:
0x8: {  	[smem:$0x3FA8] =	sst s0  }
0x9: {  	[smem:$0x3FA9] =	sst s1  }
0xa: {  	[smem:$0x3FAA] =	sst s2  }
0xb: {  	[smem:$0x3FAB] =	sst s3  }
0xc: {  	[smem:$0x3FAC] =	sst s4  }
0xd: {  	[smem:$0x3FAD] =	sst s5  }
0xe: {  	[smem:$0x3FAE] =	sst s6  }
0xf: {  	[smem:$0x3FAF] =	sst s7  }
0x10: {  	[smem:$0x3FB0] =	sst s8  }
0x11: {  	[smem:$0x3FB1] =	sst s9;
	s0 =	simm.s32 @!p0 $0x0  }
0x12: {  	s1 =	sld [smem:$0x3F97];
	s0 =	simm.s32 @p0 $0x1  }
0x13: {  	[smem:$0x3FB2] =	sst s0;
	s0 =	simm.s32 @!p1 $0x0  }
0x14: {  	s2 =	sld [smem:$0x3F96];
	s0 =	simm.s32 @p1 $0x1  }
0x15: {  	[smem:$0x3FB3] =	sst s0;
	s0 =	simm.s32 @!p2 $0x0  }
0x16: {  	s3 =	sld [smem:$0x3FDB];
	s0 =	simm.s32 @p2 $0x1  }
0x17: {  	s4 =	simm.s32 $0x1BF5;
	[smem:$0x3FB5] =	sst s0  }
0x18: {  	s0 =	sld [smem:$0x3F98];
	_ =	swait.ge [sflag:s4], $0x0  }
0x19: {  	s7 =	sld [smem:$0x3F99]  }
0x1a: {  	s8 =	sadd.s32 $0xFFFFE003, lr  }
0x1b: {  	s9 =	sadd.s32 $0xFFFFFEF7, lr;
	s5 =	simm.s32 $0xFFFFFFFF;
	p2 =	slt.u32 s8, $0xFFFFF086  }
0x1c: {  	p1 =	slt.u32 s9, $0xF7A;
	s5 =	simm.s32 @!p2 $0x0  }
0x1d: {  	s5 =	simm.s32 @p1 $0x1;
	p0 =	seq.s32 s7, s2  }
0x1e: {  	s7 =	smul.u32 @!p0 $0xF7A, s2;
	p2 =	seq.s32 @!p0 s5, $0x0  }
0x1f: {  	s9 =	smul.u32 $0xF7A, s1;
	s8 =	simm.s32 @!p0 $0x1BF5;
	p2 =	por !p2, p0  }
0x20: {  	[sflag:s8] =	ssyncset.s32 @!p0 $0xFFFFF086;
	s6 =	sadd.s32 @!p0 s3, s7;
	s7 =	simm.s32 @!p0 $0x108  }
0x21: {  	s3 =	sadd.s32 s3, s9;
	s6 =	sadd.s32 @!p0 $0x88, s6;
	s7 =	simm.s32 @p2 $0x1082  }
0x22: {  	[simem:s7], [sflag:s8] =	dma.local @!p0 [hbm:s6], $0xF7A  }
0x23: {  	s9 =	sor.u32 $0xD0000000, s2;
	s6 =	simm.s32 $0x108;
	_ =	swait.ge @!p0 [sflag:s8], $0x0  }
0x24: {  	s3 =	sadd.s32 $0x88, s3;
	s6 =	simm.s32 @!p1 $0x1082;
	[sflag:s4] =	ssyncset.s32 $0xFFFFF086  }
0x25: {  	[simem:s6], [sflag:s4] =	dma.local [hbm:s3], $0xF7A  }
0x26: {  	[smem:$0x3F99] =	sst s1;
	(tag) =	ssettag s2;
	_ =	strace s9  }
0x27: {  	s1 =	sld [smem:$0x3FA9]  }
0x28: {  	s2 =	sld [smem:$0x3FAA]  }
0x29: {  	s4 =	sld [smem:$0x3FAC]  }
0x2a: {  	p0 =	seq.s32 s5, $0x0;
	s5 =	sld [smem:$0x3FAD]  }
0x2b: {  	s6 =	sld [smem:$0x3FAE]  }
0x2c: {  	s7 =	sld [smem:$0x3FAF]  }
0x2d: {  	s3 =	simm.s32 $0x108;
	s8 =	sld [smem:$0x3FB0]  }
0x2e: {  	s3 =	simm.s32 @!p0 $0x1082;
	s9 =	sld [smem:$0x3FB1]  }
0x2f: {  	lr =	sadd.s32 s0, s3;
	s0 =	sld [smem:$0x3FA8]  }
0x30: {  	s3 =	sld [smem:$0x3FAB]  }
0x31: {  	[smem:$0x3FB4] =	sst s10  }
0x32: {  	s10 =	sld [smem:$0x3FB2];
	_ =	sdelay $0x3  }
0x33: {  	p0 =	seq.s32 s10, $0x1;
	s10 =	sld [smem:$0x3FB4];
	_ =	sdelay $0x3  }
0x34: {  	[smem:$0x3FB4] =	sst s10  }
0x35: {  	s10 =	sld [smem:$0x3FB3];
	_ =	sdelay $0x3  }
0x36: {  	p1 =	seq.s32 s10, $0x1;
	s10 =	sld [smem:$0x3FB4];
	_ =	sdelay $0x3  }
0x37: {  	[smem:$0x3FB4] =	sst s10  }
0x38: {  	s10 =	sld [smem:$0x3FB5]  }
0x39: {  	_ = 	snop;
	(pc) =	sbr.ind lr, $3  }
0x3a: {  	_ = 	snop  }
0x3b: {  	_ = 	snop  }
0x3c: {  	p2 =	seq.s32 s10, $0x1;
	s10 =	sld [smem:$0x3FB4]  }
0x3d: {  	_ =	shalt  }
0x3e: {  	_ =	shalt  }
0x3f: {  	_ =	shalt  }
0x40: {  	_ =	shalt  }
0x41: {  	_ =	shalt  }
0x42: {  	_ =	shalt  }
0x43: {  	_ =	shalt  }
0x44: {  	_ =	shalt  }
0x45: {  	_ =	shalt  }
0x46: {  	_ =	shalt  }
0x47: {  	_ =	shalt  }
0x48: {  	_ =	shalt  }
0x49: {  	_ =	shalt  }
0x4a: {  	_ =	shalt  }
0x4b: {  	_ =	shalt  }
0x4c: {  	_ =	shalt  }
0x4d: {  	_ =	shalt  }
0x4e: {  	_ =	shalt  }
0x4f: {  	_ =	shalt  }
0x50: {  	_ =	shalt  }
0x51: {  	_ =	shalt  }
0x52: {  	_ =	shalt  }
0x53: {  	_ =	shalt  }
0x54: {  	_ =	shalt  }
0x55: {  	_ =	shalt  }
0x56: {  	_ =	shalt  }
0x57: {  	_ =	shalt  }
0x58: {  	_ =	shalt  }
0x59: {  	_ =	shalt  }
0x5a: {  	_ =	shalt  }
0x5b: {  	_ =	shalt  }
0x5c: {  	_ =	shalt  }
0x5d: {  	_ =	shalt  }
0x5e: {  	_ =	shalt  }
0x5f: {  	_ =	shalt  }
0x60: {  	_ =	shalt  }
0x61: {  	_ =	shalt  }
0x62: {  	_ =	shalt  }
0x63: {  	_ =	shalt  }
0x64: {  	_ =	shalt  }
0x65: {  	_ =	shalt  }
0x66: {  	_ =	shalt  }
0x67: {  	_ =	shalt  }
0x68: {  	_ =	shalt  }
0x69: {  	_ =	shalt  }
0x6a: {  	_ =	shalt  }
0x6b: {  	_ =	shalt  }
0x6c: {  	_ =	shalt  }
0x6d: {  	_ =	shalt  }
0x6e: {  	_ =	shalt  }
0x6f: {  	_ =	shalt  }
0x70: {  	_ =	shalt  }
0x71: {  	_ =	shalt  }
0x72: {  	_ =	shalt  }
0x73: {  	_ =	shalt  }
0x74: {  	_ =	shalt  }
0x75: {  	_ =	shalt  }
0x76: {  	_ =	shalt  }
0x77: {  	_ =	shalt  }
0x78: {  	_ =	shalt  }
0x79: {  	_ =	shalt  }
0x7a: {  	_ =	shalt  }
0x7b: {  	_ =	shalt  }
0x7c: {  	_ =	shalt  }
0x7d: {  	_ =	shalt  }
0x7e: {  	_ =	shalt  }
0x7f: {  	_ =	shalt  }
0x80: {  	_ =	shalt  }
0x81: {  	_ =	shalt  }
0x82: {  	_ =	shalt  }
0x83: {  	_ =	shalt  }
0x84: {  	_ =	shalt  }
0x85: {  	_ =	shalt  }
0x86: {  	_ =	shalt  }
0x87: {  	_ =	shalt  }
.Lfunc_end0:
.L_simem_size_0:
called_computation.1_lowered:
.L_overlay_start_0:
0x88: {  	s2 =	sld [smem:$0x3FD9]  }
0x89: {  	s3 =	sld [smem:$0x3FFE];
	_ =	sdelay $0x1  }
0x8a: {  	s1 =	srdreg.scid  }
0x8b: {  	s0 =	sand.u32 $0x1, s1  }
0x8c: {  	s17 =	sshll.u32 s0, $0xA;
	s2 =	sadd.s32 s3, s2  }
0x8d: {  	s2 =	sadd.s32 s2, s17  }
0x8e: {  	[smem:$0x3FC0] =	sst s2  }
0x8f: {  	_ = 	snop  }
0x90: {  	s2 =	sld [smem:$0x3FD0];
	(tm) =	ssettm $0x1  }
0x91: {  	s18 =	sld [smem:$0x3FFB];
	_ =	sdelay $0x3  }
0x92: {  	_ =	strace s18  }
0x93: {  	s3 =	sld [smem:$0x3FFC];
	_ =	sdelay $0x3  }
0x94: {  	_ =	strace s3  }
0x95: {  	s3 =	sld [smem:$0x3FFD];
	_ =	sdelay $0x3  }
0x96: {  	_ =	strace s3  }
0x97: {  	_ =	strace $0x8FFFFFFF  }
0x98: {  	s19 =	sld [smem:$0x3FDB];
	_ =	sdelay $0x1  }
0x99: {  	s4 =	simm.s32 $_scs_section_size  }
0x9a: {  	s5 =	simm.s32 $_size__tile_overlayer_lowered;
	s6 =	simm.s32 $_tile_overlayer_lowered  }
0x9b: {  	s22 =	simm.s32 $0x1BFF;
	s21 =	sshll.u32 s6, $0x1;
	s3 =	sadd.s32 s4, s19  }
0x9c: {  	s7 =	simm.s32 $0x0;
	s20 =	sshll.u32 s5, $0x1;
	s5 =	sadd.s32 s21, s3  }
0x9d: {  	[timem:s7], [sflag:s22] =	dma.local [hbm:s5], s20  }
0x9e: {  	_ =	swait.ge [sflag:s22], s20  }
0x9f: {  	s4 =	ssub.s32 $0x0, s20;
	[sflag:s22] =	ssyncset.done $0x0  }
0xa0: {  	[sflag:s22] =	ssyncadd.s32 s4;
	_ =	sdelay $0x1  }
0xa1: {  	s23 =	simm.s32 $0x1B8B  }
0xa2: {  	_ =	swait.ge [sflag:s23], $0x1  }
0xa3: {  	[sflag:s23] =	ssyncset.done $0x0  }
0xa4: {  	s25 =	simm.s32 $0x1B8E;
	s24 =	sld [smem:$0x3FFE];
	[sflag:s23] =	ssyncadd.s32 $0xFFFFFFFF  }
0xa5: {  	s26 =	simm.s32 $execute0_lowered;
	[smem:$0x3FD2] =	sst s25  }
0xa6: {  	s5 =	sshll.u32 s26, $0x1;
	_ =	strace $0x80000049;
	[dreg:$0x1] =	wrdreg $0xFFFFFFFF  }
0xa7: {  	s28 =	simm.s32 $_size_execute0_lowered;
	s3 =	sadd.s32 s3, s5;
	[dreg:$0x0] =	wrdreg $0x0  }
0xa8: {  	s5 =	sshll.u32 s28, $0x1;
	[dreg:$0x2] =	wrdreg s3  }
0xa9: {  	[dreg:$0x3] =	wrdreg s5  }
0xaa: {  	[dreg:$0x4] =	wrdreg $0xC0  }
0xab: {  	_ =	task [dreg:s7], $0x5FFFF  }
0xac: {  	[dreg:$0x1] =	wrdreg $0xFFFFFFFF  }
0xad: {  	[dreg:$0x0] =	wrdreg $0x60  }
0xae: {  	[dreg:$0x2] =	wrdreg s24  }
0xaf: {  	[dreg:$0x3] =	wrdreg s2  }
0xb0: {  	[dreg:$0x4] =	wrdreg $0xA8000  }
0xb1: {  	[dreg:$0x5] =	wrdreg $0x9  }
0xb2: {  	_ =	task.clear_ibuf [dreg:s7], $0x6FFFF;
	_ =	strace $0x90000049  }
0xb3: {  	s29 =	simm.s32 $0x9;
	_ =	strace $0x8000004B  }
0xb4: {  	_ =	swait.ge [sflag:s29], $0x1  }
0xb5: {  	[sflag:s29] =	ssyncadd.s32 $0xFFFFFFFF  }
0xb6: {  	_ =	strace $0x9000004B  }
0xb7: {  	_ =	sfence  }
0xb8: {  	s30 =	sld [smem:$0x0];
	_ =	sdelay $0x2  }
0xb9: {  	s31 =	sshll.u32 s1, $0xD;
	s1 =	sshrl.u32 s1, $0x2  }
0xba: {  	s3 =	sand.u32 $0x4000, s31;
	s1 =	sadd.s32 s1, s30  }
0xbb: {  	s0 =	sor.u32 s3, s0;
	s1 =	sshll.u32 s1, $0x11  }
0xbc: {  	s0 =	sor.u32 s1, s0  }
0xbd: {  	s0 =	sadd.s32 $0x8F2B, s0  }
0xbe: {  	[sflag:s0] =	ssyncadd.remote.s32 $0x1  }
0xbf: {  	_ =	sfence.sel $0xFFFF  }
0xc0: {  	[dreg:$0x0] =	wrdreg $0xFFFFFFFF;
	(pc) =	sbr.abs _section_cstart, $3  }
0xc1: {  	[dreg:$0x1] =	wrdreg $0xFFFFFFFF  }
0xc2: {  	_ =	task.clear_ibuf [dreg:s7], $0x2FFFF;
	_ =	strace $0x9FFFFFFF  }
0xc3: {  	(tm) =	ssettm $0x7FFFFFFF  }
tec
execute0_lowered:
.L_overlay_start_1:
0x0: {  	(tag) =	ssettag $0x1  }
0x1: {  	s5 =	rddreg [dreg:$0x0]  }
0x2: {  	s13 =	rddreg [dreg:$0x1]  }
0x3: {  	s1 =	rddreg [dreg:$0x2];
	s3 =	simm.s32 $0x0;
	s4 =	srdreg.scid  }
0x4: {  	s2 =	stileid.u32;
	s23 =	simm.s32 $0x80;
	s24 =	simm.s32 $0x6800  }
0x5: {  	s25 =	simm.s32 $0x1;
	s28 =	simm.s32 $0x2700;
	s29 =	simm.s32 $0x2780  }
0x6: {  	[smem:$0x7FF] =	sst s3;
	s10 =	sand.u32 $0x1, s4;
	s7 =	smul.u32 $0x50000, s2  }
0x7: {  	s4 =	sadd.s32 $0xE800, s5;
	s14 =	smul.u32 $0x14000, s2;
	s12 =	sadd.s32 $0x4800, s5  }
0x8: {  	s18 =	sadd.s32 $0x5E800, s5;
	_ =	strace $0x8000004A;
	s6 =	ssub.s32 $0x2, s10  }
0x9: {  	s26 =	sshll.u32 s10, $0x4;
	s22 =	smul.u32 $0x140000, s10;
	s8 =	sshrl.u32 s6, $0x1  }
0xa: {  	s30 =	sshrl.u32 s7, $0x2;
	s15 =	sadd.s32 $0x4000, s14;
	s31 =	sor.u32 s2, s26  }
0xb: {  	s16 =	sadd.s32 $0x8000, s14;
	s17 =	sadd.s32 $0xC000, s14;
	s20 =	sadd.s32 $0x10000, s14  }
0xc: {  	s26 =	simm.s32 $0x2;
	s19 =	ssub.s32 s6, s8;
	s5 =	sadd.s32 s30, s1  }
0xd: {  	s6 =	sadd.s32 s15, s1;
	s11 =	smul.u32 $0x2800, s31;
	s7 =	sadd.s32 s16, s1  }
0xe: {  	s8 =	sadd.s32 s17, s1;
	s9 =	sadd.s32 s20, s1;
	s14 =	sadd.s32 s14, s22  }
0xf: {  	s15 =	sadd.s32 s22, s15;
	s16 =	sadd.s32 s22, s16;
	s17 =	sadd.s32 s22, s17  }
0x10: {  	s20 =	sadd.s32 s22, s20;
	s22 =	simm.s32 $0x1400;
	s14 =	sshrl.u32 s14, $0x3  }
0x11: {  	s15 =	sshrl.u32 s15, $0x3;
	s16 =	sshrl.u32 s16, $0x3;
	s17 =	sshrl.u32 s17, $0x3  }
0x12: {  	s20 =	sshrl.u32 s20, $0x3;
	s19 =	smax.u32 s19, $0x1;
	s21 =	sshrl.u32 s11, $0x3  }
0x13: {  	s14 =	sadd.s32 s18, s14;
	s15 =	sadd.s32 s18, s15;
	s16 =	sadd.s32 s18, s16  }
0x14: {  	s17 =	sadd.s32 s18, s17;
	s18 =	sadd.s32 s18, s20;
	s20 =	simm.s32 $0x2800  }
0x15: {  	s10 =	sadd.s32 s12, s21;
	s11 =	sadd.s32 s13, s21;
	s21 =	sadd.s32 $0x280, s21  }
0x16: {  	v0 =	vimm.f32 $0.0e+00;
	s12 =	sadd.s32 s12, s21;
	s13 =	sadd.s32 s13, s21;
	s21 =	simm.s32 $0x3  }
.LBB2_1:
0x17: {  	s30 =	simm.s32 $0x0;
	s31 =	simm.s32 $0x200  }
.LBB2_2:
0x18: {  	p0 =	sne.s32 s31, $0xFE00;
	[tilespmem:s30+$0x2870] =	vst v0  }
0x19: {  	[tilespmem:s30+$0x2800] =	vst v0  }
0x1a: {  	[tilespmem:s30+$0x2810] =	vst v0  }
.Ltmp0:
0x1b: {  	[tilespmem:s30+$0x2820] =	vst v0;
	(pc) =	sbr.rel @p0 .LBB2_2-.Ltmp0, $4  }
0x1c: {  	[tilespmem:s30+$0x2830] =	vst v0  }
0x1d: {  	[tilespmem:s30+$0x2840] =	vst v0  }
0x1e: {  	[tilespmem:s30+$0x2850] =	vst v0  }
0x1f: {  	[tilespmem:s30+$0x2860] =	vst v0;
	s30 =	sshra.s32 s31, $0x2;
	s31 =	sadd.s32 $0x200, s31  }
0x20: {  	[tilespmem:s30+$0x2870] =	vst v0  }
0x21: {  	[tilespmem:s30+$0x2800] =	vst v0  }
0x22: {  	[tilespmem:s30+$0x2810] =	vst v0  }
0x23: {  	[tilespmem:s30+$0x2820] =	vst v0  }
0x24: {  	[tilespmem:s30+$0x2830] =	vst v0  }
0x25: {  	[tilespmem:s30+$0x2840] =	vst v0  }
0x26: {  	[tilespmem:s30+$0x2850] =	vst v0  }
0x27: {  	[tilespmem:s30+$0x2860] =	vst v0  }
0x28: {  	[spmem:s5] =	stream.linear.scatter [tilespmem:s20], [sflag:$0x3], $0x4000, $0x38;
	[tilespmem:$0x1E800] =	vst v63  }
0x29: {  	_ =	swait.ge [sflag:s21], $0x4000  }
0x2a: {  	[sflag:s21] =	ssyncset.done $0x0  }
0x2b: {  	[sflag:s21] =	ssyncadd.s32 $0xFFFFC000  }
0x2c: {  	[spmem:s6] =	stream.linear.scatter [tilespmem:s20], [sflag:$0x3], $0x4000, $0x38;
	[tilespmem:$0x1E800] =	vst v63  }
0x2d: {  	_ =	swait.ge [sflag:s21], $0x4000  }
0x2e: {  	[sflag:s21] =	ssyncset.done $0x0  }
0x2f: {  	[sflag:s21] =	ssyncadd.s32 $0xFFFFC000  }
0x30: {  	[spmem:s7] =	stream.linear.scatter [tilespmem:s20], [sflag:$0x3], $0x4000, $0x38;
	[tilespmem:$0x1E800] =	vst v63  }
0x31: {  	_ =	swait.ge [sflag:s21], $0x4000  }
0x32: {  	[sflag:s21] =	ssyncset.done $0x0  }
0x33: {  	[sflag:s21] =	ssyncadd.s32 $0xFFFFC000  }
0x34: {  	[spmem:s8] =	stream.linear.scatter [tilespmem:s20], [sflag:$0x3], $0x4000, $0x38;
	[tilespmem:$0x1E800] =	vst v63  }
0x35: {  	_ =	swait.ge [sflag:s21], $0x4000  }
0x36: {  	[sflag:s21] =	ssyncset.done $0x0  }
0x37: {  	[sflag:s21] =	ssyncadd.s32 $0xFFFFC000  }
0x38: {  	[spmem:s9] =	stream.linear.scatter [tilespmem:s20], [sflag:$0x3], $0x4000, $0x38;
	[tilespmem:$0x1E800] =	vst v63  }
0x39: {  	_ =	swait.ge [sflag:s21], $0x4000  }
0x3a: {  	[sflag:s21] =	ssyncset.done $0x0  }
0x3b: {  	[sflag:s21] =	ssyncadd.s32 $0xFFFFC000  }
0x3c: {  	s30 =	simm.s32 $0x0;
	[bflag:$0x0] =	sbarrier.arrive $0xFFFF  }
0x3d: {  	[tilespmem:s30], [sflag:$0x3] =	stream.linear.gather [hbm4b:s10+s30], $0x1400, $0x38;
	[tilespmem:$0x1E800] =	vst v63  }
0x3e: {  	_ =	swait.ge [sflag:s21], $0x1400  }
0x3f: {  	[sflag:s21] =	ssyncset.done $0x0  }
0x40: {  	[sflag:s21] =	ssyncadd.s32 $0xFFFFEC00  }
0x41: {  	[tilespmem:s22], [sflag:$0x3] =	stream.linear.gather [hbm4b:s11+s30], $0x1400, $0x38;
	[tilespmem:$0x1E800] =	vst v63  }
0x42: {  	_ =	swait.ge [sflag:s21], $0x1400  }
0x43: {  	[sflag:s21] =	ssyncset.done $0x0  }
0x44: {  	[sflag:s21] =	ssyncadd.s32 $0xFFFFEC00  }
0x45: {  	[tilespmem:s20], [sflag:$0x1] =	stream.indirect.gather [hbm4b:s4+s23], $0x80, s30, s23, $0xb8;
	[tilespmem:$0x1E800] =	vst v63  }
0x46: {  	_ = 	snop  }
0x47: {  	[tilespmem:s24], [sflag:$0x2] =	stream.indirect.gather [hbm4b:s4+s23], $0x80, s23, s23, $0xb8;
	[tilespmem:$0x1E800] =	vst v63  }
0x48: {  	_ =	swait.ge [sflag:s25], $0x4000  }
0x49: {  	[sflag:s25] =	ssyncset.done $0x0  }
0x4a: {  	s30 =	simm.s32 $0x1400;
	[sflag:s25] =	ssyncadd.s32 $0xFFFFC000  }
0x4b: {  	[spmem:s1] =	stream.indirect.scatter.add.f32 [tilespmem:s20], [sflag:$0x3], $0x80, s30, s23, $0xb8;
	[tilespmem:$0x1E800] =	vst v63  }
0x4c: {  	_ =	swait.ge [sflag:s21], $0x4000  }
0x4d: {  	[sflag:s21] =	ssyncset.done $0x0  }
0x4e: {  	s30 =	simm.s32 $0x100;
	[sflag:s21] =	ssyncadd.s32 $0xFFFFC000  }
0x4f: {  	[tilespmem:s20], [sflag:$0x1] =	stream.indirect.gather [hbm4b:s4+s23], $0x80, s30, s23, $0xb8;
	[tilespmem:$0x1E800] =	vst v63  }
0x50: {  	_ =	swait.ge [sflag:s26], $0x4000  }
0x51: {  	[sflag:s26] =	ssyncset.done $0x0  }
0x52: {  	s30 =	simm.s32 $0x1480;
	[sflag:s26] =	ssyncadd.s32 $0xFFFFC000  }
0x53: {  	[spmem:s1] =	stream.indirect.scatter.add.f32 [tilespmem:s24], [sflag:$0x3], $0x80, s30, s23, $0xb8;
	[tilespmem:$0x1E800] =	vst v63  }
0x54: {  	_ =	swait.ge [sflag:s21], $0x4000  }
0x55: {  	[sflag:s21] =	ssyncset.done $0x0  }
0x56: {  	s31 =	simm.s32 $0x180;
	s30 =	simm.s32 $0x400;
	[sflag:s21] =	ssyncadd.s32 $0xFFFFC000  }
.LBB2_4:
0x57: {  	[tilespmem:s24], [sflag:$0x2] =	stream.indirect.gather [hbm4b:s4+s23], $0x80, s31, s23, $0xb8;
	[tilespmem:$0x1E800] =	vst v63  }
0x58: {  	s31 =	smov.u32 s30  }
0x59: {  	p0 =	sne.s32 s30, $0x4800;
	s30 =	sadd.s32 $0x400, s30;
	_ =	swait.ge [sflag:s25], $0x4000  }
0x5a: {  	s31 =	sshra.s32 s31, $0x2;
	[sflag:s25] =	ssyncset.done $0x0  }
0x5b: {  	s0 =	sadd.s32 $0x1400, s31;
	[sflag:s25] =	ssyncadd.s32 $0xFFFFC000  }
0x5c: {  	[spmem:s1] =	stream.indirect.scatter.add.f32 [tilespmem:s20], [sflag:$0x3], $0x80, s0, s23, $0xb8;
	[tilespmem:$0x1E800] =	vst v63  }
0x5d: {  	_ =	swait.ge [sflag:s21], $0x4000  }
0x5e: {  	[sflag:s21] =	ssyncset.done $0x0  }
0x5f: {  	s0 =	sadd.s32 $0x100, s31;
	[sflag:s21] =	ssyncadd.s32 $0xFFFFC000  }
0x60: {  	[tilespmem:s20], [sflag:$0x1] =	stream.indirect.gather [hbm4b:s4+s23], $0x80, s0, s23, $0xb8;
	[tilespmem:$0x1E800] =	vst v63  }
0x61: {  	_ =	swait.ge [sflag:s26], $0x4000  }
0x62: {  	[sflag:s26] =	ssyncset.done $0x0  }
.Ltmp1:
0x63: {  	s0 =	sadd.s32 $0x1480, s31;
	[sflag:s26] =	ssyncadd.s32 $0xFFFFC000;
	(pc) =	sbr.rel @p0 .LBB2_4-.Ltmp1, $4  }
0x64: {  	[spmem:s1] =	stream.indirect.scatter.add.f32 [tilespmem:s24], [sflag:$0x3], $0x80, s0, s23, $0xb8;
	[tilespmem:$0x1E800] =	vst v63  }
0x65: {  	_ =	swait.ge [sflag:s21], $0x4000  }
0x66: {  	[sflag:s21] =	ssyncset.done $0x0  }
0x67: {  	s31 =	sadd.s32 $0x180, s31;
	[sflag:s21] =	ssyncadd.s32 $0xFFFFC000  }
0x68: {  	[tilespmem:s24], [sflag:$0x2] =	stream.indirect.gather [hbm4b:s4+s23], $0x80, s31, s23, $0xb8;
	[tilespmem:$0x1E800] =	vst v63  }
0x69: {  	_ =	swait.ge [sflag:s25], $0x4000  }
0x6a: {  	[sflag:s25] =	ssyncset.done $0x0  }
0x6b: {  	[sflag:s25] =	ssyncadd.s32 $0xFFFFC000  }
0x6c: {  	[spmem:s1] =	stream.indirect.scatter.add.f32 [tilespmem:s20], [sflag:$0x3], $0x80, s28, s23, $0xb8;
	[tilespmem:$0x1E800] =	vst v63  }
0x6d: {  	_ =	swait.ge [sflag:s21], $0x4000  }
0x6e: {  	[sflag:s21] =	ssyncset.done $0x0  }
0x6f: {  	[sflag:s21] =	ssyncadd.s32 $0xFFFFC000  }
0x70: {  	_ =	swait.ge [sflag:s26], $0x4000  }
0x71: {  	[sflag:s26] =	ssyncset.done $0x0  }
0x72: {  	[sflag:s26] =	ssyncadd.s32 $0xFFFFC000  }
0x73: {  	[spmem:s1] =	stream.indirect.scatter.add.f32 [tilespmem:s24], [sflag:$0x3], $0x80, s29, s23, $0xb8;
	[tilespmem:$0x1E800] =	vst v63  }
0x74: {  	_ =	swait.ge [sflag:s21], $0x4000  }
0x75: {  	[sflag:s21] =	ssyncset.done $0x0  }
0x76: {  	s0 =	simm.s32 $0x0;
	[sflag:s21] =	ssyncadd.s32 $0xFFFFC000  }
0x77: {  	[tilespmem:s0], [sflag:$0x3] =	stream.linear.gather [hbm4b:s12+s0], $0x1400, $0x38;
	[tilespmem:$0x1E800] =	vst v63  }
0x78: {  	_ =	swait.ge [sflag:s21], $0x1400  }
0x79: {  	[sflag:s21] =	ssyncset.done $0x0  }
0x7a: {  	[sflag:s21] =	ssyncadd.s32 $0xFFFFEC00  }
0x7b: {  	[tilespmem:s22], [sflag:$0x3] =	stream.linear.gather [hbm4b:s13+s0], $0x1400, $0x38;
	[tilespmem:$0x1E800] =	vst v63  }
0x7c: {  	_ =	swait.ge [sflag:s21], $0x1400  }
0x7d: {  	[sflag:s21] =	ssyncset.done $0x0  }
0x7e: {  	[sflag:s21] =	ssyncadd.s32 $0xFFFFEC00  }
0x7f: {  	[tilespmem:s20], [sflag:$0x1] =	stream.indirect.gather [hbm4b:s4+s23], $0x80, s0, s23, $0xb8;
	[tilespmem:$0x1E800] =	vst v63  }
0x80: {  	_ = 	snop  }
0x81: {  	[tilespmem:s24], [sflag:$0x2] =	stream.indirect.gather [hbm4b:s4+s23], $0x80, s23, s23, $0xb8;
	[tilespmem:$0x1E800] =	vst v63  }
0x82: {  	_ =	swait.ge [sflag:s25], $0x4000  }
0x83: {  	[sflag:s25] =	ssyncset.done $0x0  }
0x84: {  	s0 =	simm.s32 $0x1400;
	[sflag:s25] =	ssyncadd.s32 $0xFFFFC000  }
0x85: {  	[spmem:s1] =	stream.indirect.scatter.add.f32 [tilespmem:s20], [sflag:$0x3], $0x80, s0, s23, $0xb8;
	[tilespmem:$0x1E800] =	vst v63  }
0x86: {  	_ =	swait.ge [sflag:s21], $0x4000  }
0x87: {  	[sflag:s21] =	ssyncset.done $0x0  }
0x88: {  	s0 =	simm.s32 $0x100;
	[sflag:s21] =	ssyncadd.s32 $0xFFFFC000  }
0x89: {  	[tilespmem:s20], [sflag:$0x1] =	stream.indirect.gather [hbm4b:s4+s23], $0x80, s0, s23, $0xb8;
	[tilespmem:$0x1E800] =	vst v63  }
0x8a: {  	_ =	swait.ge [sflag:s26], $0x4000  }
0x8b: {  	[sflag:s26] =	ssyncset.done $0x0  }
0x8c: {  	s0 =	simm.s32 $0x1480;
	[sflag:s26] =	ssyncadd.s32 $0xFFFFC000  }
0x8d: {  	[spmem:s1] =	stream.indirect.scatter.add.f32 [tilespmem:s24], [sflag:$0x3], $0x80, s0, s23, $0xb8;
	[tilespmem:$0x1E800] =	vst v63  }
0x8e: {  	_ =	swait.ge [sflag:s21], $0x4000  }
0x8f: {  	[sflag:s21] =	ssyncset.done $0x0  }
0x90: {  	s30 =	simm.s32 $0x400;
	s31 =	simm.s32 $0x180;
	[sflag:s21] =	ssyncadd.s32 $0xFFFFC000  }
.LBB2_6:
0x91: {  	[tilespmem:s24], [sflag:$0x2] =	stream.indirect.gather [hbm4b:s4+s23], $0x80, s31, s23, $0xb8;
	[tilespmem:$0x1E800] =	vst v63  }
0x92: {  	s0 =	smov.u32 s30  }
0x93: {  	p0 =	sne.s32 s30, $0x4800;
	s30 =	sadd.s32 $0x400, s30;
	_ =	swait.ge [sflag:s25], $0x4000  }
0x94: {  	s0 =	sshra.s32 s0, $0x2;
	[sflag:s25] =	ssyncset.done $0x0  }
0x95: {  	s31 =	sadd.s32 $0x1400, s0;
	[sflag:s25] =	ssyncadd.s32 $0xFFFFC000  }
0x96: {  	[spmem:s1] =	stream.indirect.scatter.add.f32 [tilespmem:s20], [sflag:$0x3], $0x80, s31, s23, $0xb8;
	[tilespmem:$0x1E800] =	vst v63  }
0x97: {  	_ =	swait.ge [sflag:s21], $0x4000  }
0x98: {  	[sflag:s21] =	ssyncset.done $0x0  }
0x99: {  	s31 =	sadd.s32 $0x100, s0;
	[sflag:s21] =	ssyncadd.s32 $0xFFFFC000  }
0x9a: {  	[tilespmem:s20], [sflag:$0x1] =	stream.indirect.gather [hbm4b:s4+s23], $0x80, s31, s23, $0xb8;
	[tilespmem:$0x1E800] =	vst v63  }
0x9b: {  	_ =	swait.ge [sflag:s26], $0x4000  }
0x9c: {  	[sflag:s26] =	ssyncset.done $0x0  }
.Ltmp2:
0x9d: {  	s31 =	sadd.s32 $0x1480, s0;
	[sflag:s26] =	ssyncadd.s32 $0xFFFFC000;
	(pc) =	sbr.rel @p0 .LBB2_6-.Ltmp2, $4  }
0x9e: {  	[spmem:s1] =	stream.indirect.scatter.add.f32 [tilespmem:s24], [sflag:$0x3], $0x80, s31, s23, $0xb8;
	[tilespmem:$0x1E800] =	vst v63  }
0x9f: {  	_ =	swait.ge [sflag:s21], $0x4000  }
0xa0: {  	[sflag:s21] =	ssyncset.done $0x0  }
0xa1: {  	s31 =	sadd.s32 $0x180, s0;
	[sflag:s21] =	ssyncadd.s32 $0xFFFFC000  }
0xa2: {  	[tilespmem:s24], [sflag:$0x2] =	stream.indirect.gather [hbm4b:s4+s23], $0x80, s31, s23, $0xb8;
	[tilespmem:$0x1E800] =	vst v63  }
0xa3: {  	_ =	swait.ge [sflag:s25], $0x4000  }
0xa4: {  	[sflag:s25] =	ssyncset.done $0x0  }
0xa5: {  	[sflag:s25] =	ssyncadd.s32 $0xFFFFC000  }
0xa6: {  	[spmem:s1] =	stream.indirect.scatter.add.f32 [tilespmem:s20], [sflag:$0x3], $0x80, s28, s23, $0xb8;
	[tilespmem:$0x1E800] =	vst v63  }
0xa7: {  	_ =	swait.ge [sflag:s21], $0x4000  }
0xa8: {  	[sflag:s21] =	ssyncset.done $0x0  }
0xa9: {  	[sflag:s21] =	ssyncadd.s32 $0xFFFFC000  }
0xaa: {  	_ =	swait.ge [sflag:s26], $0x4000  }
0xab: {  	[sflag:s26] =	ssyncset.done $0x0  }
0xac: {  	[sflag:s26] =	ssyncadd.s32 $0xFFFFC000  }
0xad: {  	[spmem:s1] =	stream.indirect.scatter.add.f32 [tilespmem:s24], [sflag:$0x3], $0x80, s29, s23, $0xb8;
	[tilespmem:$0x1E800] =	vst v63  }
0xae: {  	_ =	swait.ge [sflag:s21], $0x4000  }
0xaf: {  	[sflag:s21] =	ssyncset.done $0x0  }
0xb0: {  	s0 =	sshll.u32 s2, $0x6;
	[sflag:s21] =	ssyncadd.s32 $0xFFFFC000  }
0xb1: {  	s30 =	sshrl.u32 s5, $0x3;
	s0 =	sor.u32 $0x1C03, s0;
	[bflag:$0x0] =	sbarrier.arrive $0xFFFF  }
0xb2: {  	[hbm:s14], [sflag:s0] =	dma.local [spmem:s30], $0x800  }
0xb3: {  	_ =	swait.ge [sflag:s21], $0x800  }
0xb4: {  	[sflag:s21] =	ssyncset.done $0x0  }
0xb5: {  	s31 =	sshrl.u32 s6, $0x3;
	[sflag:s21] =	ssyncadd.s32 $0xFFFFF800  }
0xb6: {  	[hbm:s15], [sflag:s0] =	dma.local [spmem:s31], $0x800  }
0xb7: {  	_ =	swait.ge [sflag:s21], $0x800  }
0xb8: {  	[sflag:s21] =	ssyncset.done $0x0  }
0xb9: {  	s31 =	sshrl.u32 s7, $0x3;
	[sflag:s21] =	ssyncadd.s32 $0xFFFFF800  }
0xba: {  	[hbm:s16], [sflag:s0] =	dma.local [spmem:s31], $0x800  }
0xbb: {  	_ =	swait.ge [sflag:s21], $0x800  }
0xbc: {  	[sflag:s21] =	ssyncset.done $0x0  }
0xbd: {  	s31 =	sshrl.u32 s8, $0x3;
	[sflag:s21] =	ssyncadd.s32 $0xFFFFF800  }
0xbe: {  	[hbm:s17], [sflag:s0] =	dma.local [spmem:s31], $0x800  }
0xbf: {  	s3 =	sadd.s32 $0x1, s3;
	_ =	swait.ge [sflag:s21], $0x800  }
0xc0: {  	p0 =	sne.s32 s3, s19;
	[sflag:s21] =	ssyncset.done $0x0  }
.Ltmp3:
0xc1: {  	s31 =	sshrl.u32 s9, $0x3;
	[sflag:s21] =	ssyncadd.s32 $0xFFFFF800;
	(pc) =	sbr.rel @p0 .LBB2_1-.Ltmp3, $4  }
0xc2: {  	[hbm:s18], [sflag:s0] =	dma.local [spmem:s31], $0x800  }
0xc3: {  	_ =	swait.ge [sflag:s21], $0x800  }
0xc4: {  	[sflag:s21] =	ssyncset.done $0x0  }
0xc5: {  	[sflag:s21] =	ssyncadd.s32 $0xFFFFF800  }
0xc6: {  	_ =	sfence.sel $0x180000  }
0xc7: {  	[bflag:$0x0] =	sbarrier.arrive $0xFFFF  }
0xc8: {  	_ =	strace $0x9000004A  }
0xc9: {  	[bflag:$0x2] =	sbarrier.arrive $0xFFFF  }
0xca: {  	p0 =	sne.s32 s2, $0x0;
	s0 =	rddreg [dreg:$0x3]  }
0xcb: {  	s0 =	sadd.s32 @!p0 $0x100000, s0  }
0xcc: {  	[sflag:s0] =	ssyncadd.tile.s32 @!p0 $0x1;
	_ =	shalt  }
.Lfunc_end2:
_tile_overlayer_lowered:
.L_overlay_start_2:
0xcd: {  	(tag) =	ssettag $0x2  }
0xce: {  	s0 =	rddreg [dreg:$0x0];
	s2 =	stileid.u32  }
0xcf: {  	s1 =	rddreg [dreg:$0x1];
	p0 =	sne.s32 s2, $0x0  }
0xd0: {  	s3 =	rddreg [dreg:$0x2];
	[bflag:$0x3] =	sbarrier.arrive $0xFFFF;
	s2 =	simm.s32 @!p0 $0x1C03  }
0xd1: {  	[timem:s3], [sflag:s2] =	dma.local @!p0 [hbm:s0], s1  }
0xd2: {  	s0 =	simm.s32 @!p0 $0x3  }
0xd3: {  	_ =	swait.ge @!p0 [sflag:s0], s1  }
0xd4: {  	s1 =	ssub.s32 @!p0 $0x0, s1;
	[sflag:s0] =	ssyncset.done @!p0 $0x0  }
0xd5: {  	[sflag:s0] =	ssyncadd.s32 @!p0 s1  }
0xd6: {  	[bflag:$0x3] =	sbarrier.arrive $0xFFFF  }
0xd7: {  	_ =	shalt  }

// kernel: kernel.16.cloned.1.call-start
scs
__scs_entry_jumppad:
0x0: {  	(pc) =	sbr.rel $0x88, $3  }
0x1: {  	(tag) =	ssettag $0x0;
	lr =	simm.s32 $0x1  }
0x2: {  	[smem:$0x3F99] =	sst lr;
	_ =	strace $0xD0000000  }
0x3: {  	_ = 	snop  }
0x4: {  	_ = 	snop  }
0x5: {  	_ = 	snop  }
0x6: {  	_ = 	snop  }
0x7: {  	_ = 	snop  }
__scs_overlays_trampoline_lowered:
0x8: {  	[smem:$0x3FA8] =	sst s0  }
0x9: {  	[smem:$0x3FA9] =	sst s1  }
0xa: {  	[smem:$0x3FAA] =	sst s2  }
0xb: {  	[smem:$0x3FAB] =	sst s3  }
0xc: {  	[smem:$0x3FAC] =	sst s4  }
0xd: {  	[smem:$0x3FAD] =	sst s5  }
0xe: {  	[smem:$0x3FAE] =	sst s6  }
0xf: {  	[smem:$0x3FAF] =	sst s7  }
0x10: {  	[smem:$0x3FB0] =	sst s8  }
0x11: {  	[smem:$0x3FB1] =	sst s9;
	s0 =	simm.s32 @!p0 $0x0  }
0x12: {  	s1 =	sld [smem:$0x3F97];
	s0 =	simm.s32 @p0 $0x1  }
0x13: {  	[smem:$0x3FB2] =	sst s0;
	s0 =	simm.s32 @!p1 $0x0  }
0x14: {  	s2 =	sld [smem:$0x3F96];
	s0 =	simm.s32 @p1 $0x1  }
0x15: {  	[smem:$0x3FB3] =	sst s0;
	s0 =	simm.s32 @!p2 $0x0  }
0x16: {  	s3 =	sld [smem:$0x3FDB];
	s0 =	simm.s32 @p2 $0x1  }
0x17: {  	s4 =	simm.s32 $0x1BF5;
	[smem:$0x3FB5] =	sst s0  }
0x18: {  	s0 =	sld [smem:$0x3F98];
	_ =	swait.ge [sflag:s4], $0x0  }
0x19: {  	s7 =	sld [smem:$0x3F99]  }
0x1a: {  	s8 =	sadd.s32 $0xFFFFE003, lr  }
0x1b: {  	s9 =	sadd.s32 $0xFFFFFEF7, lr;
	s5 =	simm.s32 $0xFFFFFFFF;
	p2 =	slt.u32 s8, $0xFFFFF086  }
0x1c: {  	p1 =	slt.u32 s9, $0xF7A;
	s5 =	simm.s32 @!p2 $0x0  }
0x1d: {  	s5 =	simm.s32 @p1 $0x1;
	p0 =	seq.s32 s7, s2  }
0x1e: {  	s7 =	smul.u32 @!p0 $0xF7A, s2;
	p2 =	seq.s32 @!p0 s5, $0x0  }
0x1f: {  	s9 =	smul.u32 $0xF7A, s1;
	s8 =	simm.s32 @!p0 $0x1BF5;
	p2 =	por !p2, p0  }
0x20: {  	[sflag:s8] =	ssyncset.s32 @!p0 $0xFFFFF086;
	s6 =	sadd.s32 @!p0 s3, s7;
	s7 =	simm.s32 @!p0 $0x108  }
0x21: {  	s3 =	sadd.s32 s3, s9;
	s6 =	sadd.s32 @!p0 $0x88, s6;
	s7 =	simm.s32 @p2 $0x1082  }
0x22: {  	[simem:s7], [sflag:s8] =	dma.local @!p0 [hbm:s6], $0xF7A  }
0x23: {  	s9 =	sor.u32 $0xD0000000, s2;
	s6 =	simm.s32 $0x108;
	_ =	swait.ge @!p0 [sflag:s8], $0x0  }
0x24: {  	s3 =	sadd.s32 $0x88, s3;
	s6 =	simm.s32 @!p1 $0x1082;
	[sflag:s4] =	ssyncset.s32 $0xFFFFF086  }
0x25: {  	[simem:s6], [sflag:s4] =	dma.local [hbm:s3], $0xF7A  }
0x26: {  	[smem:$0x3F99] =	sst s1;
	(tag) =	ssettag s2;
	_ =	strace s9  }
0x27: {  	s1 =	sld [smem:$0x3FA9]  }
0x28: {  	s2 =	sld [smem:$0x3FAA]  }
0x29: {  	s4 =	sld [smem:$0x3FAC]  }
0x2a: {  	p0 =	seq.s32 s5, $0x0;
	s5 =	sld [smem:$0x3FAD]  }
0x2b: {  	s6 =	sld [smem:$0x3FAE]  }
0x2c: {  	s7 =	sld [smem:$0x3FAF]  }
0x2d: {  	s3 =	simm.s32 $0x108;
	s8 =	sld [smem:$0x3FB0]  }
0x2e: {  	s3 =	simm.s32 @!p0 $0x1082;
	s9 =	sld [smem:$0x3FB1]  }
0x2f: {  	lr =	sadd.s32 s0, s3;
	s0 =	sld [smem:$0x3FA8]  }
0x30: {  	s3 =	sld [smem:$0x3FAB]  }
0x31: {  	[smem:$0x3FB4] =	sst s10  }
0x32: {  	s10 =	sld [smem:$0x3FB2];
	_ =	sdelay $0x3  }
0x33: {  	p0 =	seq.s32 s10, $0x1;
	s10 =	sld [smem:$0x3FB4];
	_ =	sdelay $0x3  }
0x34: {  	[smem:$0x3FB4] =	sst s10  }
0x35: {  	s10 =	sld [smem:$0x3FB3];
	_ =	sdelay $0x3  }
0x36: {  	p1 =	seq.s32 s10, $0x1;
	s10 =	sld [smem:$0x3FB4];
	_ =	sdelay $0x3  }
0x37: {  	[smem:$0x3FB4] =	sst s10  }
0x38: {  	s10 =	sld [smem:$0x3FB5]  }
0x39: {  	_ = 	snop;
	(pc) =	sbr.ind lr, $3  }
0x3a: {  	_ = 	snop  }
0x3b: {  	_ = 	snop  }
0x3c: {  	p2 =	seq.s32 s10, $0x1;
	s10 =	sld [smem:$0x3FB4]  }
0x3d: {  	_ =	shalt  }
0x3e: {  	_ =	shalt  }
0x3f: {  	_ =	shalt  }
0x40: {  	_ =	shalt  }
0x41: {  	_ =	shalt  }
0x42: {  	_ =	shalt  }
0x43: {  	_ =	shalt  }
0x44: {  	_ =	shalt  }
0x45: {  	_ =	shalt  }
0x46: {  	_ =	shalt  }
0x47: {  	_ =	shalt  }
0x48: {  	_ =	shalt  }
0x49: {  	_ =	shalt  }
0x4a: {  	_ =	shalt  }
0x4b: {  	_ =	shalt  }
0x4c: {  	_ =	shalt  }
0x4d: {  	_ =	shalt  }
0x4e: {  	_ =	shalt  }
0x4f: {  	_ =	shalt  }
0x50: {  	_ =	shalt  }
0x51: {  	_ =	shalt  }
0x52: {  	_ =	shalt  }
0x53: {  	_ =	shalt  }
0x54: {  	_ =	shalt  }
0x55: {  	_ =	shalt  }
0x56: {  	_ =	shalt  }
0x57: {  	_ =	shalt  }
0x58: {  	_ =	shalt  }
0x59: {  	_ =	shalt  }
0x5a: {  	_ =	shalt  }
0x5b: {  	_ =	shalt  }
0x5c: {  	_ =	shalt  }
0x5d: {  	_ =	shalt  }
0x5e: {  	_ =	shalt  }
0x5f: {  	_ =	shalt  }
0x60: {  	_ =	shalt  }
0x61: {  	_ =	shalt  }
0x62: {  	_ =	shalt  }
0x63: {  	_ =	shalt  }
0x64: {  	_ =	shalt  }
0x65: {  	_ =	shalt  }
0x66: {  	_ =	shalt  }
0x67: {  	_ =	shalt  }
0x68: {  	_ =	shalt  }
0x69: {  	_ =	shalt  }
0x6a: {  	_ =	shalt  }
0x6b: {  	_ =	shalt  }
0x6c: {  	_ =	shalt  }
0x6d: {  	_ =	shalt  }
0x6e: {  	_ =	shalt  }
0x6f: {  	_ =	shalt  }
0x70: {  	_ =	shalt  }
0x71: {  	_ =	shalt  }
0x72: {  	_ =	shalt  }
0x73: {  	_ =	shalt  }
0x74: {  	_ =	shalt  }
0x75: {  	_ =	shalt  }
0x76: {  	_ =	shalt  }
0x77: {  	_ =	shalt  }
0x78: {  	_ =	shalt  }
0x79: {  	_ =	shalt  }
0x7a: {  	_ =	shalt  }
0x7b: {  	_ =	shalt  }
0x7c: {  	_ =	shalt  }
0x7d: {  	_ =	shalt  }
0x7e: {  	_ =	shalt  }
0x7f: {  	_ =	shalt  }
0x80: {  	_ =	shalt  }
0x81: {  	_ =	shalt  }
0x82: {  	_ =	shalt  }
0x83: {  	_ =	shalt  }
0x84: {  	_ =	shalt  }
0x85: {  	_ =	shalt  }
0x86: {  	_ =	shalt  }
0x87: {  	_ =	shalt  }
.Lfunc_end0:
.L_simem_size_0:
called_computation.2_lowered:
.L_overlay_start_0:
0x88: {  	s2 =	sld [smem:$0x3FD9]  }
0x89: {  	s3 =	sld [smem:$0x3FFE];
	_ =	sdelay $0x1  }
0x8a: {  	s1 =	srdreg.scid  }
0x8b: {  	s0 =	sand.u32 $0x1, s1  }
0x8c: {  	s17 =	sshll.u32 s0, $0xA;
	s2 =	sadd.s32 s3, s2  }
0x8d: {  	s2 =	sadd.s32 s2, s17  }
0x8e: {  	[smem:$0x3FC0] =	sst s2  }
0x8f: {  	_ = 	snop  }
0x90: {  	s2 =	sld [smem:$0x3FD0];
	(tm) =	ssettm $0x1  }
0x91: {  	s18 =	sld [smem:$0x3FFB];
	_ =	sdelay $0x3  }
0x92: {  	_ =	strace s18  }
0x93: {  	s3 =	sld [smem:$0x3FFC];
	_ =	sdelay $0x3  }
0x94: {  	_ =	strace s3  }
0x95: {  	s3 =	sld [smem:$0x3FFD];
	_ =	sdelay $0x3  }
0x96: {  	_ =	strace s3  }
0x97: {  	_ =	strace $0x8FFFFFFF  }
0x98: {  	s19 =	sld [smem:$0x3FDB];
	_ =	sdelay $0x1  }
0x99: {  	s4 =	simm.s32 $_scs_section_size  }
0x9a: {  	s5 =	simm.s32 $_size__tile_overlayer_lowered;
	s6 =	simm.s32 $_tile_overlayer_lowered  }
0x9b: {  	s22 =	simm.s32 $0x1BFF;
	s21 =	sshll.u32 s6, $0x1;
	s3 =	sadd.s32 s4, s19  }
0x9c: {  	s7 =	simm.s32 $0x0;
	s20 =	sshll.u32 s5, $0x1;
	s5 =	sadd.s32 s21, s3  }
0x9d: {  	[timem:s7], [sflag:s22] =	dma.local [hbm:s5], s20  }
0x9e: {  	_ =	swait.ge [sflag:s22], s20  }
0x9f: {  	s4 =	ssub.s32 $0x0, s20;
	[sflag:s22] =	ssyncset.done $0x0  }
0xa0: {  	[sflag:s22] =	ssyncadd.s32 s4;
	_ =	sdelay $0x1  }
0xa1: {  	s23 =	simm.s32 $0x1B8B  }
0xa2: {  	_ =	swait.ge [sflag:s23], $0x1  }
0xa3: {  	[sflag:s23] =	ssyncset.done $0x0  }
0xa4: {  	s25 =	simm.s32 $0x1B8E;
	s24 =	sld [smem:$0x3FFE];
	[sflag:s23] =	ssyncadd.s32 $0xFFFFFFFF  }
0xa5: {  	s26 =	simm.s32 $execute0_lowered;
	[smem:$0x3FD2] =	sst s25  }
0xa6: {  	s5 =	sshll.u32 s26, $0x1;
	_ =	strace $0x8000004C;
	[dreg:$0x1] =	wrdreg $0xFFFFFFFF  }
0xa7: {  	s28 =	simm.s32 $_size_execute0_lowered;
	s3 =	sadd.s32 s3, s5;
	[dreg:$0x0] =	wrdreg $0x0  }
0xa8: {  	s5 =	sshll.u32 s28, $0x1;
	[dreg:$0x2] =	wrdreg s3  }
0xa9: {  	[dreg:$0x3] =	wrdreg s5  }
0xaa: {  	[dreg:$0x4] =	wrdreg $0xC0  }
0xab: {  	_ =	task [dreg:s7], $0x5FFFF  }
0xac: {  	[dreg:$0x1] =	wrdreg $0xFFFFFFFF  }
0xad: {  	[dreg:$0x0] =	wrdreg $0x60  }
0xae: {  	[dreg:$0x2] =	wrdreg s24  }
0xaf: {  	[dreg:$0x3] =	wrdreg s2  }
0xb0: {  	[dreg:$0x4] =	wrdreg $0xA8000  }
0xb1: {  	[dreg:$0x5] =	wrdreg $0x9  }
0xb2: {  	_ =	task.clear_ibuf [dreg:s7], $0x6FFFF;
	_ =	strace $0x9000004C  }
0xb3: {  	s29 =	simm.s32 $0x9;
	_ =	strace $0x8000004E  }
0xb4: {  	_ =	swait.ge [sflag:s29], $0x1  }
0xb5: {  	[sflag:s29] =	ssyncadd.s32 $0xFFFFFFFF  }
0xb6: {  	_ =	strace $0x9000004E  }
0xb7: {  	_ =	sfence  }
0xb8: {  	s30 =	sld [smem:$0x0];
	_ =	sdelay $0x2  }
0xb9: {  	s31 =	sshll.u32 s1, $0xD;
	s1 =	sshrl.u32 s1, $0x2  }
0xba: {  	s3 =	sand.u32 $0x4000, s31;
	s1 =	sadd.s32 s1, s30  }
0xbb: {  	s0 =	sor.u32 s3, s0;
	s1 =	sshll.u32 s1, $0x11  }
0xbc: {  	s0 =	sor.u32 s1, s0  }
0xbd: {  	s0 =	sadd.s32 $0x8F2B, s0  }
0xbe: {  	[sflag:s0] =	ssyncadd.remote.s32 $0x1  }
0xbf: {  	_ =	sfence.sel $0xFFFF  }
0xc0: {  	[dreg:$0x0] =	wrdreg $0xFFFFFFFF;
	(pc) =	sbr.abs _section_cstart, $3  }
0xc1: {  	[dreg:$0x1] =	wrdreg $0xFFFFFFFF  }
0xc2: {  	_ =	task.clear_ibuf [dreg:s7], $0x2FFFF;
	_ =	strace $0x9FFFFFFF  }
0xc3: {  	(tm) =	ssettm $0x7FFFFFFF  }
tec
execute0_lowered:
.L_overlay_start_1:
0x0: {  	(tag) =	ssettag $0x1  }
0x1: {  	s5 =	rddreg [dreg:$0x0]  }
0x2: {  	s13 =	rddreg [dreg:$0x1]  }
0x3: {  	s1 =	rddreg [dreg:$0x2];
	s3 =	simm.s32 $0x0;
	s4 =	srdreg.scid  }
0x4: {  	s2 =	stileid.u32;
	s23 =	simm.s32 $0x80;
	s24 =	simm.s32 $0x6800  }
0x5: {  	s25 =	simm.s32 $0x1;
	s28 =	simm.s32 $0x2700;
	s29 =	simm.s32 $0x2780  }
0x6: {  	[smem:$0x7FF] =	sst s3;
	s10 =	sand.u32 $0x1, s4;
	s7 =	smul.u32 $0x50000, s2  }
0x7: {  	s4 =	sadd.s32 $0xE800, s5;
	s14 =	smul.u32 $0x14000, s2;
	s12 =	sadd.s32 $0x4800, s5  }
0x8: {  	s18 =	sadd.s32 $0x5E800, s5;
	_ =	strace $0x8000004D;
	s6 =	ssub.s32 $0x2, s10  }
0x9: {  	s26 =	sshll.u32 s10, $0x4;
	s22 =	smul.u32 $0x140000, s10;
	s8 =	sshrl.u32 s6, $0x1  }
0xa: {  	s30 =	sshrl.u32 s7, $0x2;
	s15 =	sadd.s32 $0x4000, s14;
	s31 =	sor.u32 s2, s26  }
0xb: {  	s16 =	sadd.s32 $0x8000, s14;
	s17 =	sadd.s32 $0xC000, s14;
	s20 =	sadd.s32 $0x10000, s14  }
0xc: {  	s26 =	simm.s32 $0x2;
	s19 =	ssub.s32 s6, s8;
	s5 =	sadd.s32 s30, s1  }
0xd: {  	s6 =	sadd.s32 s15, s1;
	s11 =	smul.u32 $0x2800, s31;
	s7 =	sadd.s32 s16, s1  }
0xe: {  	s8 =	sadd.s32 s17, s1;
	s9 =	sadd.s32 s20, s1;
	s14 =	sadd.s32 s14, s22  }
0xf: {  	s15 =	sadd.s32 s22, s15;
	s16 =	sadd.s32 s22, s16;
	s17 =	sadd.s32 s22, s17  }
0x10: {  	s20 =	sadd.s32 s22, s20;
	s22 =	simm.s32 $0x1400;
	s14 =	sshrl.u32 s14, $0x3  }
0x11: {  	s15 =	sshrl.u32 s15, $0x3;
	s16 =	sshrl.u32 s16, $0x3;
	s17 =	sshrl.u32 s17, $0x3  }
0x12: {  	s20 =	sshrl.u32 s20, $0x3;
	s19 =	smax.u32 s19, $0x1;
	s21 =	sshrl.u32 s11, $0x3  }
0x13: {  	s14 =	sadd.s32 s18, s14;
	s15 =	sadd.s32 s18, s15;
	s16 =	sadd.s32 s18, s16  }
0x14: {  	s17 =	sadd.s32 s18, s17;
	s18 =	sadd.s32 s18, s20;
	s20 =	simm.s32 $0x2800  }
0x15: {  	s10 =	sadd.s32 s12, s21;
	s11 =	sadd.s32 s13, s21;
	s21 =	sadd.s32 $0x280, s21  }
0x16: {  	v0 =	vimm.f32 $0.0e+00;
	s12 =	sadd.s32 s12, s21;
	s13 =	sadd.s32 s13, s21;
	s21 =	simm.s32 $0x3  }
.LBB2_1:
0x17: {  	s30 =	simm.s32 $0x0;
	s31 =	simm.s32 $0x200  }
.LBB2_2:
0x18: {  	p0 =	sne.s32 s31, $0xFE00;
	[tilespmem:s30+$0x2870] =	vst v0  }
0x19: {  	[tilespmem:s30+$0x2800] =	vst v0  }
0x1a: {  	[tilespmem:s30+$0x2810] =	vst v0  }
.Ltmp0:
0x1b: {  	[tilespmem:s30+$0x2820] =	vst v0;
	(pc) =	sbr.rel @p0 .LBB2_2-.Ltmp0, $4  }
0x1c: {  	[tilespmem:s30+$0x2830] =	vst v0  }
0x1d: {  	[tilespmem:s30+$0x2840] =	vst v0  }
0x1e: {  	[tilespmem:s30+$0x2850] =	vst v0  }
0x1f: {  	[tilespmem:s30+$0x2860] =	vst v0;
	s30 =	sshra.s32 s31, $0x2;
	s31 =	sadd.s32 $0x200, s31  }
0x20: {  	[tilespmem:s30+$0x2870] =	vst v0  }
0x21: {  	[tilespmem:s30+$0x2800] =	vst v0  }
0x22: {  	[tilespmem:s30+$0x2810] =	vst v0  }
0x23: {  	[tilespmem:s30+$0x2820] =	vst v0  }
0x24: {  	[tilespmem:s30+$0x2830] =	vst v0  }
0x25: {  	[tilespmem:s30+$0x2840] =	vst v0  }
0x26: {  	[tilespmem:s30+$0x2850] =	vst v0  }
0x27: {  	[tilespmem:s30+$0x2860] =	vst v0  }
0x28: {  	[spmem:s5] =	stream.linear.scatter [tilespmem:s20], [sflag:$0x3], $0x4000, $0x38;
	[tilespmem:$0x1E800] =	vst v63  }
0x29: {  	_ =	swait.ge [sflag:s21], $0x4000  }
0x2a: {  	[sflag:s21] =	ssyncset.done $0x0  }
0x2b: {  	[sflag:s21] =	ssyncadd.s32 $0xFFFFC000  }
0x2c: {  	[spmem:s6] =	stream.linear.scatter [tilespmem:s20], [sflag:$0x3], $0x4000, $0x38;
	[tilespmem:$0x1E800] =	vst v63  }
0x2d: {  	_ =	swait.ge [sflag:s21], $0x4000  }
0x2e: {  	[sflag:s21] =	ssyncset.done $0x0  }
0x2f: {  	[sflag:s21] =	ssyncadd.s32 $0xFFFFC000  }
0x30: {  	[spmem:s7] =	stream.linear.scatter [tilespmem:s20], [sflag:$0x3], $0x4000, $0x38;
	[tilespmem:$0x1E800] =	vst v63  }
0x31: {  	_ =	swait.ge [sflag:s21], $0x4000  }
0x32: {  	[sflag:s21] =	ssyncset.done $0x0  }
0x33: {  	[sflag:s21] =	ssyncadd.s32 $0xFFFFC000  }
0x34: {  	[spmem:s8] =	stream.linear.scatter [tilespmem:s20], [sflag:$0x3], $0x4000, $0x38;
	[tilespmem:$0x1E800] =	vst v63  }
0x35: {  	_ =	swait.ge [sflag:s21], $0x4000  }
0x36: {  	[sflag:s21] =	ssyncset.done $0x0  }
0x37: {  	[sflag:s21] =	ssyncadd.s32 $0xFFFFC000  }
0x38: {  	[spmem:s9] =	stream.linear.scatter [tilespmem:s20], [sflag:$0x3], $0x4000, $0x38;
	[tilespmem:$0x1E800] =	vst v63  }
0x39: {  	_ =	swait.ge [sflag:s21], $0x4000  }
0x3a: {  	[sflag:s21] =	ssyncset.done $0x0  }
0x3b: {  	[sflag:s21] =	ssyncadd.s32 $0xFFFFC000  }
0x3c: {  	s30 =	simm.s32 $0x0;
	[bflag:$0x0] =	sbarrier.arrive $0xFFFF  }
0x3d: {  	[tilespmem:s30], [sflag:$0x3] =	stream.linear.gather [hbm4b:s10+s30], $0x1400, $0x38;
	[tilespmem:$0x1E800] =	vst v63  }
0x3e: {  	_ =	swait.ge [sflag:s21], $0x1400  }
0x3f: {  	[sflag:s21] =	ssyncset.done $0x0  }
0x40: {  	[sflag:s21] =	ssyncadd.s32 $0xFFFFEC00  }
0x41: {  	[tilespmem:s22], [sflag:$0x3] =	stream.linear.gather [hbm4b:s11+s30], $0x1400, $0x38;
	[tilespmem:$0x1E800] =	vst v63  }
0x42: {  	_ =	swait.ge [sflag:s21], $0x1400  }
0x43: {  	[sflag:s21] =	ssyncset.done $0x0  }
0x44: {  	[sflag:s21] =	ssyncadd.s32 $0xFFFFEC00  }
0x45: {  	[tilespmem:s20], [sflag:$0x1] =	stream.indirect.gather [hbm4b:s4+s23], $0x80, s30, s23, $0xb8;
	[tilespmem:$0x1E800] =	vst v63  }
0x46: {  	_ = 	snop  }
0x47: {  	[tilespmem:s24], [sflag:$0x2] =	stream.indirect.gather [hbm4b:s4+s23], $0x80, s23, s23, $0xb8;
	[tilespmem:$0x1E800] =	vst v63  }
0x48: {  	_ =	swait.ge [sflag:s25], $0x4000  }
0x49: {  	[sflag:s25] =	ssyncset.done $0x0  }
0x4a: {  	s30 =	simm.s32 $0x1400;
	[sflag:s25] =	ssyncadd.s32 $0xFFFFC000  }
0x4b: {  	[spmem:s1] =	stream.indirect.scatter.add.f32 [tilespmem:s20], [sflag:$0x3], $0x80, s30, s23, $0xb8;
	[tilespmem:$0x1E800] =	vst v63  }
0x4c: {  	_ =	swait.ge [sflag:s21], $0x4000  }
0x4d: {  	[sflag:s21] =	ssyncset.done $0x0  }
0x4e: {  	s30 =	simm.s32 $0x100;
	[sflag:s21] =	ssyncadd.s32 $0xFFFFC000  }
0x4f: {  	[tilespmem:s20], [sflag:$0x1] =	stream.indirect.gather [hbm4b:s4+s23], $0x80, s30, s23, $0xb8;
	[tilespmem:$0x1E800] =	vst v63  }
0x50: {  	_ =	swait.ge [sflag:s26], $0x4000  }
0x51: {  	[sflag:s26] =	ssyncset.done $0x0  }
0x52: {  	s30 =	simm.s32 $0x1480;
	[sflag:s26] =	ssyncadd.s32 $0xFFFFC000  }
0x53: {  	[spmem:s1] =	stream.indirect.scatter.add.f32 [tilespmem:s24], [sflag:$0x3], $0x80, s30, s23, $0xb8;
	[tilespmem:$0x1E800] =	vst v63  }
0x54: {  	_ =	swait.ge [sflag:s21], $0x4000  }
0x55: {  	[sflag:s21] =	ssyncset.done $0x0  }
0x56: {  	s31 =	simm.s32 $0x180;
	s30 =	simm.s32 $0x400;
	[sflag:s21] =	ssyncadd.s32 $0xFFFFC000  }
.LBB2_4:
0x57: {  	[tilespmem:s24], [sflag:$0x2] =	stream.indirect.gather [hbm4b:s4+s23], $0x80, s31, s23, $0xb8;
	[tilespmem:$0x1E800] =	vst v63  }
0x58: {  	s31 =	smov.u32 s30  }
0x59: {  	p0 =	sne.s32 s30, $0x4800;
	s30 =	sadd.s32 $0x400, s30;
	_ =	swait.ge [sflag:s25], $0x4000  }
0x5a: {  	s31 =	sshra.s32 s31, $0x2;
	[sflag:s25] =	ssyncset.done $0x0  }
0x5b: {  	s0 =	sadd.s32 $0x1400, s31;
	[sflag:s25] =	ssyncadd.s32 $0xFFFFC000  }
0x5c: {  	[spmem:s1] =	stream.indirect.scatter.add.f32 [tilespmem:s20], [sflag:$0x3], $0x80, s0, s23, $0xb8;
	[tilespmem:$0x1E800] =	vst v63  }
0x5d: {  	_ =	swait.ge [sflag:s21], $0x4000  }
0x5e: {  	[sflag:s21] =	ssyncset.done $0x0  }
0x5f: {  	s0 =	sadd.s32 $0x100, s31;
	[sflag:s21] =	ssyncadd.s32 $0xFFFFC000  }
0x60: {  	[tilespmem:s20], [sflag:$0x1] =	stream.indirect.gather [hbm4b:s4+s23], $0x80, s0, s23, $0xb8;
	[tilespmem:$0x1E800] =	vst v63  }
0x61: {  	_ =	swait.ge [sflag:s26], $0x4000  }
0x62: {  	[sflag:s26] =	ssyncset.done $0x0  }
.Ltmp1:
0x63: {  	s0 =	sadd.s32 $0x1480, s31;
	[sflag:s26] =	ssyncadd.s32 $0xFFFFC000;
	(pc) =	sbr.rel @p0 .LBB2_4-.Ltmp1, $4  }
0x64: {  	[spmem:s1] =	stream.indirect.scatter.add.f32 [tilespmem:s24], [sflag:$0x3], $0x80, s0, s23, $0xb8;
	[tilespmem:$0x1E800] =	vst v63  }
0x65: {  	_ =	swait.ge [sflag:s21], $0x4000  }
0x66: {  	[sflag:s21] =	ssyncset.done $0x0  }
0x67: {  	s31 =	sadd.s32 $0x180, s31;
	[sflag:s21] =	ssyncadd.s32 $0xFFFFC000  }
0x68: {  	[tilespmem:s24], [sflag:$0x2] =	stream.indirect.gather [hbm4b:s4+s23], $0x80, s31, s23, $0xb8;
	[tilespmem:$0x1E800] =	vst v63  }
0x69: {  	_ =	swait.ge [sflag:s25], $0x4000  }
0x6a: {  	[sflag:s25] =	ssyncset.done $0x0  }
0x6b: {  	[sflag:s25] =	ssyncadd.s32 $0xFFFFC000  }
0x6c: {  	[spmem:s1] =	stream.indirect.scatter.add.f32 [tilespmem:s20], [sflag:$0x3], $0x80, s28, s23, $0xb8;
	[tilespmem:$0x1E800] =	vst v63  }
0x6d: {  	_ =	swait.ge [sflag:s21], $0x4000  }
0x6e: {  	[sflag:s21] =	ssyncset.done $0x0  }
0x6f: {  	[sflag:s21] =	ssyncadd.s32 $0xFFFFC000  }
0x70: {  	_ =	swait.ge [sflag:s26], $0x4000  }
0x71: {  	[sflag:s26] =	ssyncset.done $0x0  }
0x72: {  	[sflag:s26] =	ssyncadd.s32 $0xFFFFC000  }
0x73: {  	[spmem:s1] =	stream.indirect.scatter.add.f32 [tilespmem:s24], [sflag:$0x3], $0x80, s29, s23, $0xb8;
	[tilespmem:$0x1E800] =	vst v63  }
0x74: {  	_ =	swait.ge [sflag:s21], $0x4000  }
0x75: {  	[sflag:s21] =	ssyncset.done $0x0  }
0x76: {  	s0 =	simm.s32 $0x0;
	[sflag:s21] =	ssyncadd.s32 $0xFFFFC000  }
0x77: {  	[tilespmem:s0], [sflag:$0x3] =	stream.linear.gather [hbm4b:s12+s0], $0x1400, $0x38;
	[tilespmem:$0x1E800] =	vst v63  }
0x78: {  	_ =	swait.ge [sflag:s21], $0x1400  }
0x79: {  	[sflag:s21] =	ssyncset.done $0x0  }
0x7a: {  	[sflag:s21] =	ssyncadd.s32 $0xFFFFEC00  }
0x7b: {  	[tilespmem:s22], [sflag:$0x3] =	stream.linear.gather [hbm4b:s13+s0], $0x1400, $0x38;
	[tilespmem:$0x1E800] =	vst v63  }
0x7c: {  	_ =	swait.ge [sflag:s21], $0x1400  }
0x7d: {  	[sflag:s21] =	ssyncset.done $0x0  }
0x7e: {  	[sflag:s21] =	ssyncadd.s32 $0xFFFFEC00  }
0x7f: {  	[tilespmem:s20], [sflag:$0x1] =	stream.indirect.gather [hbm4b:s4+s23], $0x80, s0, s23, $0xb8;
	[tilespmem:$0x1E800] =	vst v63  }
0x80: {  	_ = 	snop  }
0x81: {  	[tilespmem:s24], [sflag:$0x2] =	stream.indirect.gather [hbm4b:s4+s23], $0x80, s23, s23, $0xb8;
	[tilespmem:$0x1E800] =	vst v63  }
0x82: {  	_ =	swait.ge [sflag:s25], $0x4000  }
0x83: {  	[sflag:s25] =	ssyncset.done $0x0  }
0x84: {  	s0 =	simm.s32 $0x1400;
	[sflag:s25] =	ssyncadd.s32 $0xFFFFC000  }
0x85: {  	[spmem:s1] =	stream.indirect.scatter.add.f32 [tilespmem:s20], [sflag:$0x3], $0x80, s0, s23, $0xb8;
	[tilespmem:$0x1E800] =	vst v63  }
0x86: {  	_ =	swait.ge [sflag:s21], $0x4000  }
0x87: {  	[sflag:s21] =	ssyncset.done $0x0  }
0x88: {  	s0 =	simm.s32 $0x100;
	[sflag:s21] =	ssyncadd.s32 $0xFFFFC000  }
0x89: {  	[tilespmem:s20], [sflag:$0x1] =	stream.indirect.gather [hbm4b:s4+s23], $0x80, s0, s23, $0xb8;
	[tilespmem:$0x1E800] =	vst v63  }
0x8a: {  	_ =	swait.ge [sflag:s26], $0x4000  }
0x8b: {  	[sflag:s26] =	ssyncset.done $0x0  }
0x8c: {  	s0 =	simm.s32 $0x1480;
	[sflag:s26] =	ssyncadd.s32 $0xFFFFC000  }
0x8d: {  	[spmem:s1] =	stream.indirect.scatter.add.f32 [tilespmem:s24], [sflag:$0x3], $0x80, s0, s23, $0xb8;
	[tilespmem:$0x1E800] =	vst v63  }
0x8e: {  	_ =	swait.ge [sflag:s21], $0x4000  }
0x8f: {  	[sflag:s21] =	ssyncset.done $0x0  }
0x90: {  	s30 =	simm.s32 $0x400;
	s31 =	simm.s32 $0x180;
	[sflag:s21] =	ssyncadd.s32 $0xFFFFC000  }
.LBB2_6:
0x91: {  	[tilespmem:s24], [sflag:$0x2] =	stream.indirect.gather [hbm4b:s4+s23], $0x80, s31, s23, $0xb8;
	[tilespmem:$0x1E800] =	vst v63  }
0x92: {  	s0 =	smov.u32 s30  }
0x93: {  	p0 =	sne.s32 s30, $0x4800;
	s30 =	sadd.s32 $0x400, s30;
	_ =	swait.ge [sflag:s25], $0x4000  }
0x94: {  	s0 =	sshra.s32 s0, $0x2;
	[sflag:s25] =	ssyncset.done $0x0  }
0x95: {  	s31 =	sadd.s32 $0x1400, s0;
	[sflag:s25] =	ssyncadd.s32 $0xFFFFC000  }
0x96: {  	[spmem:s1] =	stream.indirect.scatter.add.f32 [tilespmem:s20], [sflag:$0x3], $0x80, s31, s23, $0xb8;
	[tilespmem:$0x1E800] =	vst v63  }
0x97: {  	_ =	swait.ge [sflag:s21], $0x4000  }
0x98: {  	[sflag:s21] =	ssyncset.done $0x0  }
0x99: {  	s31 =	sadd.s32 $0x100, s0;
	[sflag:s21] =	ssyncadd.s32 $0xFFFFC000  }
0x9a: {  	[tilespmem:s20], [sflag:$0x1] =	stream.indirect.gather [hbm4b:s4+s23], $0x80, s31, s23, $0xb8;
	[tilespmem:$0x1E800] =	vst v63  }
0x9b: {  	_ =	swait.ge [sflag:s26], $0x4000  }
0x9c: {  	[sflag:s26] =	ssyncset.done $0x0  }
.Ltmp2:
0x9d: {  	s31 =	sadd.s32 $0x1480, s0;
	[sflag:s26] =	ssyncadd.s32 $0xFFFFC000;
	(pc) =	sbr.rel @p0 .LBB2_6-.Ltmp2, $4  }
0x9e: {  	[spmem:s1] =	stream.indirect.scatter.add.f32 [tilespmem:s24], [sflag:$0x3], $0x80, s31, s23, $0xb8;
	[tilespmem:$0x1E800] =	vst v63  }
0x9f: {  	_ =	swait.ge [sflag:s21], $0x4000  }
0xa0: {  	[sflag:s21] =	ssyncset.done $0x0  }
0xa1: {  	s31 =	sadd.s32 $0x180, s0;
	[sflag:s21] =	ssyncadd.s32 $0xFFFFC000  }
0xa2: {  	[tilespmem:s24], [sflag:$0x2] =	stream.indirect.gather [hbm4b:s4+s23], $0x80, s31, s23, $0xb8;
	[tilespmem:$0x1E800] =	vst v63  }
0xa3: {  	_ =	swait.ge [sflag:s25], $0x4000  }
0xa4: {  	[sflag:s25] =	ssyncset.done $0x0  }
0xa5: {  	[sflag:s25] =	ssyncadd.s32 $0xFFFFC000  }
0xa6: {  	[spmem:s1] =	stream.indirect.scatter.add.f32 [tilespmem:s20], [sflag:$0x3], $0x80, s28, s23, $0xb8;
	[tilespmem:$0x1E800] =	vst v63  }
0xa7: {  	_ =	swait.ge [sflag:s21], $0x4000  }
0xa8: {  	[sflag:s21] =	ssyncset.done $0x0  }
0xa9: {  	[sflag:s21] =	ssyncadd.s32 $0xFFFFC000  }
0xaa: {  	_ =	swait.ge [sflag:s26], $0x4000  }
0xab: {  	[sflag:s26] =	ssyncset.done $0x0  }
0xac: {  	[sflag:s26] =	ssyncadd.s32 $0xFFFFC000  }
0xad: {  	[spmem:s1] =	stream.indirect.scatter.add.f32 [tilespmem:s24], [sflag:$0x3], $0x80, s29, s23, $0xb8;
	[tilespmem:$0x1E800] =	vst v63  }
0xae: {  	_ =	swait.ge [sflag:s21], $0x4000  }
0xaf: {  	[sflag:s21] =	ssyncset.done $0x0  }
0xb0: {  	s0 =	sshll.u32 s2, $0x6;
	[sflag:s21] =	ssyncadd.s32 $0xFFFFC000  }
0xb1: {  	s30 =	sshrl.u32 s5, $0x3;
	s0 =	sor.u32 $0x1C03, s0;
	[bflag:$0x0] =	sbarrier.arrive $0xFFFF  }
0xb2: {  	[hbm:s14], [sflag:s0] =	dma.local [spmem:s30], $0x800  }
0xb3: {  	_ =	swait.ge [sflag:s21], $0x800  }
0xb4: {  	[sflag:s21] =	ssyncset.done $0x0  }
0xb5: {  	s31 =	sshrl.u32 s6, $0x3;
	[sflag:s21] =	ssyncadd.s32 $0xFFFFF800  }
0xb6: {  	[hbm:s15], [sflag:s0] =	dma.local [spmem:s31], $0x800  }
0xb7: {  	_ =	swait.ge [sflag:s21], $0x800  }
0xb8: {  	[sflag:s21] =	ssyncset.done $0x0  }
0xb9: {  	s31 =	sshrl.u32 s7, $0x3;
	[sflag:s21] =	ssyncadd.s32 $0xFFFFF800  }
0xba: {  	[hbm:s16], [sflag:s0] =	dma.local [spmem:s31], $0x800  }
0xbb: {  	_ =	swait.ge [sflag:s21], $0x800  }
0xbc: {  	[sflag:s21] =	ssyncset.done $0x0  }
0xbd: {  	s31 =	sshrl.u32 s8, $0x3;
	[sflag:s21] =	ssyncadd.s32 $0xFFFFF800  }
0xbe: {  	[hbm:s17], [sflag:s0] =	dma.local [spmem:s31], $0x800  }
0xbf: {  	s3 =	sadd.s32 $0x1, s3;
	_ =	swait.ge [sflag:s21], $0x800  }
0xc0: {  	p0 =	sne.s32 s3, s19;
	[sflag:s21] =	ssyncset.done $0x0  }
.Ltmp3:
0xc1: {  	s31 =	sshrl.u32 s9, $0x3;
	[sflag:s21] =	ssyncadd.s32 $0xFFFFF800;
	(pc) =	sbr.rel @p0 .LBB2_1-.Ltmp3, $4  }
0xc2: {  	[hbm:s18], [sflag:s0] =	dma.local [spmem:s31], $0x800  }
0xc3: {  	_ =	swait.ge [sflag:s21], $0x800  }
0xc4: {  	[sflag:s21] =	ssyncset.done $0x0  }
0xc5: {  	[sflag:s21] =	ssyncadd.s32 $0xFFFFF800  }
0xc6: {  	_ =	sfence.sel $0x180000  }
0xc7: {  	[bflag:$0x0] =	sbarrier.arrive $0xFFFF  }
0xc8: {  	_ =	strace $0x9000004D  }
0xc9: {  	[bflag:$0x2] =	sbarrier.arrive $0xFFFF  }
0xca: {  	p0 =	sne.s32 s2, $0x0;
	s0 =	rddreg [dreg:$0x3]  }
0xcb: {  	s0 =	sadd.s32 @!p0 $0x100000, s0  }
0xcc: {  	[sflag:s0] =	ssyncadd.tile.s32 @!p0 $0x1;
	_ =	shalt  }
.Lfunc_end2:
_tile_overlayer_lowered:
.L_overlay_start_2:
0xcd: {  	(tag) =	ssettag $0x2  }
0xce: {  	s0 =	rddreg [dreg:$0x0];
	s2 =	stileid.u32  }
0xcf: {  	s1 =	rddreg [dreg:$0x1];
	p0 =	sne.s32 s2, $0x0  }
0xd0: {  	s3 =	rddreg [dreg:$0x2];
	[bflag:$0x3] =	sbarrier.arrive $0xFFFF;
	s2 =	simm.s32 @!p0 $0x1C03  }
0xd1: {  	[timem:s3], [sflag:s2] =	dma.local @!p0 [hbm:s0], s1  }
0xd2: {  	s0 =	simm.s32 @!p0 $0x3  }
0xd3: {  	_ =	swait.ge @!p0 [sflag:s0], s1  }
0xd4: {  	s1 =	ssub.s32 @!p0 $0x0, s1;
	[sflag:s0] =	ssyncset.done @!p0 $0x0  }
0xd5: {  	[sflag:s0] =	ssyncadd.s32 @!p0 s1  }
0xd6: {  	[bflag:$0x3] =	sbarrier.arrive $0xFFFF  }
0xd7: {  	_ =	shalt  }

// kernel: kernel.19.cloned.1.call-start
scs
__scs_entry_jumppad:
0x0: {  	(pc) =	sbr.rel $0x88, $3  }
0x1: {  	(tag) =	ssettag $0x0;
	lr =	simm.s32 $0x1  }
0x2: {  	[smem:$0x3F99] =	sst lr;
	_ =	strace $0xD0000000  }
0x3: {  	_ = 	snop  }
0x4: {  	_ = 	snop  }
0x5: {  	_ = 	snop  }
0x6: {  	_ = 	snop  }
0x7: {  	_ = 	snop  }
__scs_overlays_trampoline_lowered:
0x8: {  	[smem:$0x3FA8] =	sst s0  }
0x9: {  	[smem:$0x3FA9] =	sst s1  }
0xa: {  	[smem:$0x3FAA] =	sst s2  }
0xb: {  	[smem:$0x3FAB] =	sst s3  }
0xc: {  	[smem:$0x3FAC] =	sst s4  }
0xd: {  	[smem:$0x3FAD] =	sst s5  }
0xe: {  	[smem:$0x3FAE] =	sst s6  }
0xf: {  	[smem:$0x3FAF] =	sst s7  }
0x10: {  	[smem:$0x3FB0] =	sst s8  }
0x11: {  	[smem:$0x3FB1] =	sst s9;
	s0 =	simm.s32 @!p0 $0x0  }
0x12: {  	s1 =	sld [smem:$0x3F97];
	s0 =	simm.s32 @p0 $0x1  }
0x13: {  	[smem:$0x3FB2] =	sst s0;
	s0 =	simm.s32 @!p1 $0x0  }
0x14: {  	s2 =	sld [smem:$0x3F96];
	s0 =	simm.s32 @p1 $0x1  }
0x15: {  	[smem:$0x3FB3] =	sst s0;
	s0 =	simm.s32 @!p2 $0x0  }
0x16: {  	s3 =	sld [smem:$0x3FDB];
	s0 =	simm.s32 @p2 $0x1  }
0x17: {  	s4 =	simm.s32 $0x1BF5;
	[smem:$0x3FB5] =	sst s0  }
0x18: {  	s0 =	sld [smem:$0x3F98];
	_ =	swait.ge [sflag:s4], $0x0  }
0x19: {  	s7 =	sld [smem:$0x3F99]  }
0x1a: {  	s8 =	sadd.s32 $0xFFFFE003, lr  }
0x1b: {  	s9 =	sadd.s32 $0xFFFFFEF7, lr;
	s5 =	simm.s32 $0xFFFFFFFF;
	p2 =	slt.u32 s8, $0xFFFFF086  }
0x1c: {  	p1 =	slt.u32 s9, $0xF7A;
	s5 =	simm.s32 @!p2 $0x0  }
0x1d: {  	s5 =	simm.s32 @p1 $0x1;
	p0 =	seq.s32 s7, s2  }
0x1e: {  	s7 =	smul.u32 @!p0 $0xF7A, s2;
	p2 =	seq.s32 @!p0 s5, $0x0  }
0x1f: {  	s9 =	smul.u32 $0xF7A, s1;
	s8 =	simm.s32 @!p0 $0x1BF5;
	p2 =	por !p2, p0  }
0x20: {  	[sflag:s8] =	ssyncset.s32 @!p0 $0xFFFFF086;
	s6 =	sadd.s32 @!p0 s3, s7;
	s7 =	simm.s32 @!p0 $0x108  }
0x21: {  	s3 =	sadd.s32 s3, s9;
	s6 =	sadd.s32 @!p0 $0x88, s6;
	s7 =	simm.s32 @p2 $0x1082  }
0x22: {  	[simem:s7], [sflag:s8] =	dma.local @!p0 [hbm:s6], $0xF7A  }
0x23: {  	s9 =	sor.u32 $0xD0000000, s2;
	s6 =	simm.s32 $0x108;
	_ =	swait.ge @!p0 [sflag:s8], $0x0  }
0x24: {  	s3 =	sadd.s32 $0x88, s3;
	s6 =	simm.s32 @!p1 $0x1082;
	[sflag:s4] =	ssyncset.s32 $0xFFFFF086  }
0x25: {  	[simem:s6], [sflag:s4] =	dma.local [hbm:s3], $0xF7A  }
0x26: {  	[smem:$0x3F99] =	sst s1;
	(tag) =	ssettag s2;
	_ =	strace s9  }
0x27: {  	s1 =	sld [smem:$0x3FA9]  }
0x28: {  	s2 =	sld [smem:$0x3FAA]  }
0x29: {  	s4 =	sld [smem:$0x3FAC]  }
0x2a: {  	p0 =	seq.s32 s5, $0x0;
	s5 =	sld [smem:$0x3FAD]  }
0x2b: {  	s6 =	sld [smem:$0x3FAE]  }
0x2c: {  	s7 =	sld [smem:$0x3FAF]  }
0x2d: {  	s3 =	simm.s32 $0x108;
	s8 =	sld [smem:$0x3FB0]  }
0x2e: {  	s3 =	simm.s32 @!p0 $0x1082;
	s9 =	sld [smem:$0x3FB1]  }
0x2f: {  	lr =	sadd.s32 s0, s3;
	s0 =	sld [smem:$0x3FA8]  }
0x30: {  	s3 =	sld [smem:$0x3FAB]  }
0x31: {  	[smem:$0x3FB4] =	sst s10  }
0x32: {  	s10 =	sld [smem:$0x3FB2];
	_ =	sdelay $0x3  }
0x33: {  	p0 =	seq.s32 s10, $0x1;
	s10 =	sld [smem:$0x3FB4];
	_ =	sdelay $0x3  }
0x34: {  	[smem:$0x3FB4] =	sst s10  }
0x35: {  	s10 =	sld [smem:$0x3FB3];
	_ =	sdelay $0x3  }
0x36: {  	p1 =	seq.s32 s10, $0x1;
	s10 =	sld [smem:$0x3FB4];
	_ =	sdelay $0x3  }
0x37: {  	[smem:$0x3FB4] =	sst s10  }
0x38: {  	s10 =	sld [smem:$0x3FB5]  }
0x39: {  	_ = 	snop;
	(pc) =	sbr.ind lr, $3  }
0x3a: {  	_ = 	snop  }
0x3b: {  	_ = 	snop  }
0x3c: {  	p2 =	seq.s32 s10, $0x1;
	s10 =	sld [smem:$0x3FB4]  }
0x3d: {  	_ =	shalt  }
0x3e: {  	_ =	shalt  }
0x3f: {  	_ =	shalt  }
0x40: {  	_ =	shalt  }
0x41: {  	_ =	shalt  }
0x42: {  	_ =	shalt  }
0x43: {  	_ =	shalt  }
0x44: {  	_ =	shalt  }
0x45: {  	_ =	shalt  }
0x46: {  	_ =	shalt  }
0x47: {  	_ =	shalt  }
0x48: {  	_ =	shalt  }
0x49: {  	_ =	shalt  }
0x4a: {  	_ =	shalt  }
0x4b: {  	_ =	shalt  }
0x4c: {  	_ =	shalt  }
0x4d: {  	_ =	shalt  }
0x4e: {  	_ =	shalt  }
0x4f: {  	_ =	shalt  }
0x50: {  	_ =	shalt  }
0x51: {  	_ =	shalt  }
0x52: {  	_ =	shalt  }
0x53: {  	_ =	shalt  }
0x54: {  	_ =	shalt  }
0x55: {  	_ =	shalt  }
0x56: {  	_ =	shalt  }
0x57: {  	_ =	shalt  }
0x58: {  	_ =	shalt  }
0x59: {  	_ =	shalt  }
0x5a: {  	_ =	shalt  }
0x5b: {  	_ =	shalt  }
0x5c: {  	_ =	shalt  }
0x5d: {  	_ =	shalt  }
0x5e: {  	_ =	shalt  }
0x5f: {  	_ =	shalt  }
0x60: {  	_ =	shalt  }
0x61: {  	_ =	shalt  }
0x62: {  	_ =	shalt  }
0x63: {  	_ =	shalt  }
0x64: {  	_ =	shalt  }
0x65: {  	_ =	shalt  }
0x66: {  	_ =	shalt  }
0x67: {  	_ =	shalt  }
0x68: {  	_ =	shalt  }
0x69: {  	_ =	shalt  }
0x6a: {  	_ =	shalt  }
0x6b: {  	_ =	shalt  }
0x6c: {  	_ =	shalt  }
0x6d: {  	_ =	shalt  }
0x6e: {  	_ =	shalt  }
0x6f: {  	_ =	shalt  }
0x70: {  	_ =	shalt  }
0x71: {  	_ =	shalt  }
0x72: {  	_ =	shalt  }
0x73: {  	_ =	shalt  }
0x74: {  	_ =	shalt  }
0x75: {  	_ =	shalt  }
0x76: {  	_ =	shalt  }
0x77: {  	_ =	shalt  }
0x78: {  	_ =	shalt  }
0x79: {  	_ =	shalt  }
0x7a: {  	_ =	shalt  }
0x7b: {  	_ =	shalt  }
0x7c: {  	_ =	shalt  }
0x7d: {  	_ =	shalt  }
0x7e: {  	_ =	shalt  }
0x7f: {  	_ =	shalt  }
0x80: {  	_ =	shalt  }
0x81: {  	_ =	shalt  }
0x82: {  	_ =	shalt  }
0x83: {  	_ =	shalt  }
0x84: {  	_ =	shalt  }
0x85: {  	_ =	shalt  }
0x86: {  	_ =	shalt  }
0x87: {  	_ =	shalt  }
.Lfunc_end0:
.L_simem_size_0:
called_computation.3_lowered:
.L_overlay_start_0:
0x88: {  	s2 =	sld [smem:$0x3FD9]  }
0x89: {  	s3 =	sld [smem:$0x3FFE];
	_ =	sdelay $0x1  }
0x8a: {  	s1 =	srdreg.scid  }
0x8b: {  	s0 =	sand.u32 $0x1, s1  }
0x8c: {  	s17 =	sshll.u32 s0, $0xA;
	s2 =	sadd.s32 s3, s2  }
0x8d: {  	s2 =	sadd.s32 s2, s17  }
0x8e: {  	[smem:$0x3FC0] =	sst s2  }
0x8f: {  	_ = 	snop  }
0x90: {  	s2 =	sld [smem:$0x3FD0];
	(tm) =	ssettm $0x1  }
0x91: {  	s18 =	sld [smem:$0x3FFB];
	_ =	sdelay $0x3  }
0x92: {  	_ =	strace s18  }
0x93: {  	s3 =	sld [smem:$0x3FFC];
	_ =	sdelay $0x3  }
0x94: {  	_ =	strace s3  }
0x95: {  	s3 =	sld [smem:$0x3FFD];
	_ =	sdelay $0x3  }
0x96: {  	_ =	strace s3  }
0x97: {  	_ =	strace $0x8FFFFFFF  }
0x98: {  	s19 =	sld [smem:$0x3FDB];
	_ =	sdelay $0x1  }
0x99: {  	s4 =	simm.s32 $_scs_section_size  }
0x9a: {  	s5 =	simm.s32 $_size__tile_overlayer_lowered;
	s6 =	simm.s32 $_tile_overlayer_lowered  }
0x9b: {  	s22 =	simm.s32 $0x1BFF;
	s21 =	sshll.u32 s6, $0x1;
	s3 =	sadd.s32 s4, s19  }
0x9c: {  	s7 =	simm.s32 $0x0;
	s20 =	sshll.u32 s5, $0x1;
	s5 =	sadd.s32 s21, s3  }
0x9d: {  	[timem:s7], [sflag:s22] =	dma.local [hbm:s5], s20  }
0x9e: {  	_ =	swait.ge [sflag:s22], s20  }
0x9f: {  	s4 =	ssub.s32 $0x0, s20;
	[sflag:s22] =	ssyncset.done $0x0  }
0xa0: {  	[sflag:s22] =	ssyncadd.s32 s4;
	_ =	sdelay $0x1  }
0xa1: {  	s23 =	simm.s32 $0x1B8B  }
0xa2: {  	_ =	swait.ge [sflag:s23], $0x1  }
0xa3: {  	[sflag:s23] =	ssyncset.done $0x0  }
0xa4: {  	s25 =	simm.s32 $0x1B8E;
	s24 =	sld [smem:$0x3FFE];
	[sflag:s23] =	ssyncadd.s32 $0xFFFFFFFF  }
0xa5: {  	s26 =	simm.s32 $execute0_lowered;
	[smem:$0x3FD2] =	sst s25  }
0xa6: {  	s5 =	sshll.u32 s26, $0x1;
	_ =	strace $0x8000004F;
	[dreg:$0x1] =	wrdreg $0xFFFFFFFF  }
0xa7: {  	s28 =	simm.s32 $_size_execute0_lowered;
	s3 =	sadd.s32 s3, s5;
	[dreg:$0x0] =	wrdreg $0x0  }
0xa8: {  	s5 =	sshll.u32 s28, $0x1;
	[dreg:$0x2] =	wrdreg s3  }
0xa9: {  	[dreg:$0x3] =	wrdreg s5  }
0xaa: {  	[dreg:$0x4] =	wrdreg $0xC0  }
0xab: {  	_ =	task [dreg:s7], $0x5FFFF  }
0xac: {  	[dreg:$0x1] =	wrdreg $0xFFFFFFFF  }
0xad: {  	[dreg:$0x0] =	wrdreg $0x60  }
0xae: {  	[dreg:$0x2] =	wrdreg s24  }
0xaf: {  	[dreg:$0x3] =	wrdreg s2  }
0xb0: {  	[dreg:$0x4] =	wrdreg $0xA8000  }
0xb1: {  	[dreg:$0x5] =	wrdreg $0x9  }
0xb2: {  	_ =	task.clear_ibuf [dreg:s7], $0x6FFFF;
	_ =	strace $0x9000004F  }
0xb3: {  	s29 =	simm.s32 $0x9;
	_ =	strace $0x80000051  }
0xb4: {  	_ =	swait.ge [sflag:s29], $0x1  }
0xb5: {  	[sflag:s29] =	ssyncadd.s32 $0xFFFFFFFF  }
0xb6: {  	_ =	strace $0x90000051  }
0xb7: {  	_ =	sfence  }
0xb8: {  	s30 =	sld [smem:$0x0];
	_ =	sdelay $0x2  }
0xb9: {  	s31 =	sshll.u32 s1, $0xD;
	s1 =	sshrl.u32 s1, $0x2  }
0xba: {  	s3 =	sand.u32 $0x4000, s31;
	s1 =	sadd.s32 s1, s30  }
0xbb: {  	s0 =	sor.u32 s3, s0;
	s1 =	sshll.u32 s1, $0x11  }
0xbc: {  	s0 =	sor.u32 s1, s0  }
0xbd: {  	s0 =	sadd.s32 $0x8F2B, s0  }
0xbe: {  	[sflag:s0] =	ssyncadd.remote.s32 $0x1  }
0xbf: {  	_ =	sfence.sel $0xFFFF  }
0xc0: {  	[dreg:$0x0] =	wrdreg $0xFFFFFFFF;
	(pc) =	sbr.abs _section_cstart, $3  }
0xc1: {  	[dreg:$0x1] =	wrdreg $0xFFFFFFFF  }
0xc2: {  	_ =	task.clear_ibuf [dreg:s7], $0x2FFFF;
	_ =	strace $0x9FFFFFFF  }
0xc3: {  	(tm) =	ssettm $0x7FFFFFFF  }
tec
execute0_lowered:
.L_overlay_start_1:
0x0: {  	(tag) =	ssettag $0x1  }
0x1: {  	s5 =	rddreg [dreg:$0x0]  }
0x2: {  	s13 =	rddreg [dreg:$0x1]  }
0x3: {  	s1 =	rddreg [dreg:$0x2];
	s3 =	simm.s32 $0x0;
	s4 =	srdreg.scid  }
0x4: {  	s2 =	stileid.u32;
	s23 =	simm.s32 $0x80;
	s24 =	simm.s32 $0x6800  }
0x5: {  	s25 =	simm.s32 $0x1;
	s28 =	simm.s32 $0x2700;
	s29 =	simm.s32 $0x2780  }
0x6: {  	[smem:$0x7FF] =	sst s3;
	s10 =	sand.u32 $0x1, s4;
	s7 =	smul.u32 $0x50000, s2  }
0x7: {  	s4 =	sadd.s32 $0xE800, s5;
	s14 =	smul.u32 $0x14000, s2;
	s12 =	sadd.s32 $0x4800, s5  }
0x8: {  	s18 =	sadd.s32 $0x5E800, s5;
	_ =	strace $0x80000050;
	s6 =	ssub.s32 $0x2, s10  }
0x9: {  	s26 =	sshll.u32 s10, $0x4;
	s22 =	smul.u32 $0x140000, s10;
	s8 =	sshrl.u32 s6, $0x1  }
0xa: {  	s30 =	sshrl.u32 s7, $0x2;
	s15 =	sadd.s32 $0x4000, s14;
	s31 =	sor.u32 s2, s26  }
0xb: {  	s16 =	sadd.s32 $0x8000, s14;
	s17 =	sadd.s32 $0xC000, s14;
	s20 =	sadd.s32 $0x10000, s14  }
0xc: {  	s26 =	simm.s32 $0x2;
	s19 =	ssub.s32 s6, s8;
	s5 =	sadd.s32 s30, s1  }
0xd: {  	s6 =	sadd.s32 s15, s1;
	s11 =	smul.u32 $0x2800, s31;
	s7 =	sadd.s32 s16, s1  }
0xe: {  	s8 =	sadd.s32 s17, s1;
	s9 =	sadd.s32 s20, s1;
	s14 =	sadd.s32 s14, s22  }
0xf: {  	s15 =	sadd.s32 s22, s15;
	s16 =	sadd.s32 s22, s16;
	s17 =	sadd.s32 s22, s17  }
0x10: {  	s20 =	sadd.s32 s22, s20;
	s22 =	simm.s32 $0x1400;
	s14 =	sshrl.u32 s14, $0x3  }
0x11: {  	s15 =	sshrl.u32 s15, $0x3;
	s16 =	sshrl.u32 s16, $0x3;
	s17 =	sshrl.u32 s17, $0x3  }
0x12: {  	s20 =	sshrl.u32 s20, $0x3;
	s19 =	smax.u32 s19, $0x1;
	s21 =	sshrl.u32 s11, $0x3  }
0x13: {  	s14 =	sadd.s32 s18, s14;
	s15 =	sadd.s32 s18, s15;
	s16 =	sadd.s32 s18, s16  }
0x14: {  	s17 =	sadd.s32 s18, s17;
	s18 =	sadd.s32 s18, s20;
	s20 =	simm.s32 $0x2800  }
0x15: {  	s10 =	sadd.s32 s12, s21;
	s11 =	sadd.s32 s13, s21;
	s21 =	sadd.s32 $0x280, s21  }
0x16: {  	v0 =	vimm.f32 $0.0e+00;
	s12 =	sadd.s32 s12, s21;
	s13 =	sadd.s32 s13, s21;
	s21 =	simm.s32 $0x3  }
.LBB2_1:
0x17: {  	s30 =	simm.s32 $0x0;
	s31 =	simm.s32 $0x200  }
.LBB2_2:
0x18: {  	p0 =	sne.s32 s31, $0xFE00;
	[tilespmem:s30+$0x2870] =	vst v0  }
0x19: {  	[tilespmem:s30+$0x2800] =	vst v0  }
0x1a: {  	[tilespmem:s30+$0x2810] =	vst v0  }
.Ltmp0:
0x1b: {  	[tilespmem:s30+$0x2820] =	vst v0;
	(pc) =	sbr.rel @p0 .LBB2_2-.Ltmp0, $4  }
0x1c: {  	[tilespmem:s30+$0x2830] =	vst v0  }
0x1d: {  	[tilespmem:s30+$0x2840] =	vst v0  }
0x1e: {  	[tilespmem:s30+$0x2850] =	vst v0  }
0x1f: {  	[tilespmem:s30+$0x2860] =	vst v0;
	s30 =	sshra.s32 s31, $0x2;
	s31 =	sadd.s32 $0x200, s31  }
0x20: {  	[tilespmem:s30+$0x2870] =	vst v0  }
0x21: {  	[tilespmem:s30+$0x2800] =	vst v0  }
0x22: {  	[tilespmem:s30+$0x2810] =	vst v0  }
0x23: {  	[tilespmem:s30+$0x2820] =	vst v0  }
0x24: {  	[tilespmem:s30+$0x2830] =	vst v0  }
0x25: {  	[tilespmem:s30+$0x2840] =	vst v0  }
0x26: {  	[tilespmem:s30+$0x2850] =	vst v0  }
0x27: {  	[tilespmem:s30+$0x2860] =	vst v0  }
0x28: {  	[spmem:s5] =	stream.linear.scatter [tilespmem:s20], [sflag:$0x3], $0x4000, $0x38;
	[tilespmem:$0x1E800] =	vst v63  }
0x29: {  	_ =	swait.ge [sflag:s21], $0x4000  }
0x2a: {  	[sflag:s21] =	ssyncset.done $0x0  }
0x2b: {  	[sflag:s21] =	ssyncadd.s32 $0xFFFFC000  }
0x2c: {  	[spmem:s6] =	stream.linear.scatter [tilespmem:s20], [sflag:$0x3], $0x4000, $0x38;
	[tilespmem:$0x1E800] =	vst v63  }
0x2d: {  	_ =	swait.ge [sflag:s21], $0x4000  }
0x2e: {  	[sflag:s21] =	ssyncset.done $0x0  }
0x2f: {  	[sflag:s21] =	ssyncadd.s32 $0xFFFFC000  }
0x30: {  	[spmem:s7] =	stream.linear.scatter [tilespmem:s20], [sflag:$0x3], $0x4000, $0x38;
	[tilespmem:$0x1E800] =	vst v63  }
0x31: {  	_ =	swait.ge [sflag:s21], $0x4000  }
0x32: {  	[sflag:s21] =	ssyncset.done $0x0  }
0x33: {  	[sflag:s21] =	ssyncadd.s32 $0xFFFFC000  }
0x34: {  	[spmem:s8] =	stream.linear.scatter [tilespmem:s20], [sflag:$0x3], $0x4000, $0x38;
	[tilespmem:$0x1E800] =	vst v63  }
0x35: {  	_ =	swait.ge [sflag:s21], $0x4000  }
0x36: {  	[sflag:s21] =	ssyncset.done $0x0  }
0x37: {  	[sflag:s21] =	ssyncadd.s32 $0xFFFFC000  }
0x38: {  	[spmem:s9] =	stream.linear.scatter [tilespmem:s20], [sflag:$0x3], $0x4000, $0x38;
	[tilespmem:$0x1E800] =	vst v63  }
0x39: {  	_ =	swait.ge [sflag:s21], $0x4000  }
0x3a: {  	[sflag:s21] =	ssyncset.done $0x0  }
0x3b: {  	[sflag:s21] =	ssyncadd.s32 $0xFFFFC000  }
0x3c: {  	s30 =	simm.s32 $0x0;
	[bflag:$0x0] =	sbarrier.arrive $0xFFFF  }
0x3d: {  	[tilespmem:s30], [sflag:$0x3] =	stream.linear.gather [hbm4b:s10+s30], $0x1400, $0x38;
	[tilespmem:$0x1E800] =	vst v63  }
0x3e: {  	_ =	swait.ge [sflag:s21], $0x1400  }
0x3f: {  	[sflag:s21] =	ssyncset.done $0x0  }
0x40: {  	[sflag:s21] =	ssyncadd.s32 $0xFFFFEC00  }
0x41: {  	[tilespmem:s22], [sflag:$0x3] =	stream.linear.gather [hbm4b:s11+s30], $0x1400, $0x38;
	[tilespmem:$0x1E800] =	vst v63  }
0x42: {  	_ =	swait.ge [sflag:s21], $0x1400  }
0x43: {  	[sflag:s21] =	ssyncset.done $0x0  }
0x44: {  	[sflag:s21] =	ssyncadd.s32 $0xFFFFEC00  }
0x45: {  	[tilespmem:s20], [sflag:$0x1] =	stream.indirect.gather [hbm4b:s4+s23], $0x80, s30, s23, $0xb8;
	[tilespmem:$0x1E800] =	vst v63  }
0x46: {  	_ = 	snop  }
0x47: {  	[tilespmem:s24], [sflag:$0x2] =	stream.indirect.gather [hbm4b:s4+s23], $0x80, s23, s23, $0xb8;
	[tilespmem:$0x1E800] =	vst v63  }
0x48: {  	_ =	swait.ge [sflag:s25], $0x4000  }
0x49: {  	[sflag:s25] =	ssyncset.done $0x0  }
0x4a: {  	s30 =	simm.s32 $0x1400;
	[sflag:s25] =	ssyncadd.s32 $0xFFFFC000  }
0x4b: {  	[spmem:s1] =	stream.indirect.scatter.add.f32 [tilespmem:s20], [sflag:$0x3], $0x80, s30, s23, $0xb8;
	[tilespmem:$0x1E800] =	vst v63  }
0x4c: {  	_ =	swait.ge [sflag:s21], $0x4000  }
0x4d: {  	[sflag:s21] =	ssyncset.done $0x0  }
0x4e: {  	s30 =	simm.s32 $0x100;
	[sflag:s21] =	ssyncadd.s32 $0xFFFFC000  }
0x4f: {  	[tilespmem:s20], [sflag:$0x1] =	stream.indirect.gather [hbm4b:s4+s23], $0x80, s30, s23, $0xb8;
	[tilespmem:$0x1E800] =	vst v63  }
0x50: {  	_ =	swait.ge [sflag:s26], $0x4000  }
0x51: {  	[sflag:s26] =	ssyncset.done $0x0  }
0x52: {  	s30 =	simm.s32 $0x1480;
	[sflag:s26] =	ssyncadd.s32 $0xFFFFC000  }
0x53: {  	[spmem:s1] =	stream.indirect.scatter.add.f32 [tilespmem:s24], [sflag:$0x3], $0x80, s30, s23, $0xb8;
	[tilespmem:$0x1E800] =	vst v63  }
0x54: {  	_ =	swait.ge [sflag:s21], $0x4000  }
0x55: {  	[sflag:s21] =	ssyncset.done $0x0  }
0x56: {  	s31 =	simm.s32 $0x180;
	s30 =	simm.s32 $0x400;
	[sflag:s21] =	ssyncadd.s32 $0xFFFFC000  }
.LBB2_4:
0x57: {  	[tilespmem:s24], [sflag:$0x2] =	stream.indirect.gather [hbm4b:s4+s23], $0x80, s31, s23, $0xb8;
	[tilespmem:$0x1E800] =	vst v63  }
0x58: {  	s31 =	smov.u32 s30  }
0x59: {  	p0 =	sne.s32 s30, $0x4800;
	s30 =	sadd.s32 $0x400, s30;
	_ =	swait.ge [sflag:s25], $0x4000  }
0x5a: {  	s31 =	sshra.s32 s31, $0x2;
	[sflag:s25] =	ssyncset.done $0x0  }
0x5b: {  	s0 =	sadd.s32 $0x1400, s31;
	[sflag:s25] =	ssyncadd.s32 $0xFFFFC000  }
0x5c: {  	[spmem:s1] =	stream.indirect.scatter.add.f32 [tilespmem:s20], [sflag:$0x3], $0x80, s0, s23, $0xb8;
	[tilespmem:$0x1E800] =	vst v63  }
0x5d: {  	_ =	swait.ge [sflag:s21], $0x4000  }
0x5e: {  	[sflag:s21] =	ssyncset.done $0x0  }
0x5f: {  	s0 =	sadd.s32 $0x100, s31;
	[sflag:s21] =	ssyncadd.s32 $0xFFFFC000  }
0x60: {  	[tilespmem:s20], [sflag:$0x1] =	stream.indirect.gather [hbm4b:s4+s23], $0x80, s0, s23, $0xb8;
	[tilespmem:$0x1E800] =	vst v63  }
0x61: {  	_ =	swait.ge [sflag:s26], $0x4000  }
0x62: {  	[sflag:s26] =	ssyncset.done $0x0  }
.Ltmp1:
0x63: {  	s0 =	sadd.s32 $0x1480, s31;
	[sflag:s26] =	ssyncadd.s32 $0xFFFFC000;
	(pc) =	sbr.rel @p0 .LBB2_4-.Ltmp1, $4  }
0x64: {  	[spmem:s1] =	stream.indirect.scatter.add.f32 [tilespmem:s24], [sflag:$0x3], $0x80, s0, s23, $0xb8;
	[tilespmem:$0x1E800] =	vst v63  }
0x65: {  	_ =	swait.ge [sflag:s21], $0x4000  }
0x66: {  	[sflag:s21] =	ssyncset.done $0x0  }
0x67: {  	s31 =	sadd.s32 $0x180, s31;
	[sflag:s21] =	ssyncadd.s32 $0xFFFFC000  }
0x68: {  	[tilespmem:s24], [sflag:$0x2] =	stream.indirect.gather [hbm4b:s4+s23], $0x80, s31, s23, $0xb8;
	[tilespmem:$0x1E800] =	vst v63  }
0x69: {  	_ =	swait.ge [sflag:s25], $0x4000  }
0x6a: {  	[sflag:s25] =	ssyncset.done $0x0  }
0x6b: {  	[sflag:s25] =	ssyncadd.s32 $0xFFFFC000  }
0x6c: {  	[spmem:s1] =	stream.indirect.scatter.add.f32 [tilespmem:s20], [sflag:$0x3], $0x80, s28, s23, $0xb8;
	[tilespmem:$0x1E800] =	vst v63  }
0x6d: {  	_ =	swait.ge [sflag:s21], $0x4000  }
0x6e: {  	[sflag:s21] =	ssyncset.done $0x0  }
0x6f: {  	[sflag:s21] =	ssyncadd.s32 $0xFFFFC000  }
0x70: {  	_ =	swait.ge [sflag:s26], $0x4000  }
0x71: {  	[sflag:s26] =	ssyncset.done $0x0  }
0x72: {  	[sflag:s26] =	ssyncadd.s32 $0xFFFFC000  }
0x73: {  	[spmem:s1] =	stream.indirect.scatter.add.f32 [tilespmem:s24], [sflag:$0x3], $0x80, s29, s23, $0xb8;
	[tilespmem:$0x1E800] =	vst v63  }
0x74: {  	_ =	swait.ge [sflag:s21], $0x4000  }
0x75: {  	[sflag:s21] =	ssyncset.done $0x0  }
0x76: {  	s0 =	simm.s32 $0x0;
	[sflag:s21] =	ssyncadd.s32 $0xFFFFC000  }
0x77: {  	[tilespmem:s0], [sflag:$0x3] =	stream.linear.gather [hbm4b:s12+s0], $0x1400, $0x38;
	[tilespmem:$0x1E800] =	vst v63  }
0x78: {  	_ =	swait.ge [sflag:s21], $0x1400  }
0x79: {  	[sflag:s21] =	ssyncset.done $0x0  }
0x7a: {  	[sflag:s21] =	ssyncadd.s32 $0xFFFFEC00  }
0x7b: {  	[tilespmem:s22], [sflag:$0x3] =	stream.linear.gather [hbm4b:s13+s0], $0x1400, $0x38;
	[tilespmem:$0x1E800] =	vst v63  }
0x7c: {  	_ =	swait.ge [sflag:s21], $0x1400  }
0x7d: {  	[sflag:s21] =	ssyncset.done $0x0  }
0x7e: {  	[sflag:s21] =	ssyncadd.s32 $0xFFFFEC00  }
0x7f: {  	[tilespmem:s20], [sflag:$0x1] =	stream.indirect.gather [hbm4b:s4+s23], $0x80, s0, s23, $0xb8;
	[tilespmem:$0x1E800] =	vst v63  }
0x80: {  	_ = 	snop  }
0x81: {  	[tilespmem:s24], [sflag:$0x2] =	stream.indirect.gather [hbm4b:s4+s23], $0x80, s23, s23, $0xb8;
	[tilespmem:$0x1E800] =	vst v63  }
0x82: {  	_ =	swait.ge [sflag:s25], $0x4000  }
0x83: {  	[sflag:s25] =	ssyncset.done $0x0  }
0x84: {  	s0 =	simm.s32 $0x1400;
	[sflag:s25] =	ssyncadd.s32 $0xFFFFC000  }
0x85: {  	[spmem:s1] =	stream.indirect.scatter.add.f32 [tilespmem:s20], [sflag:$0x3], $0x80, s0, s23, $0xb8;
	[tilespmem:$0x1E800] =	vst v63  }
0x86: {  	_ =	swait.ge [sflag:s21], $0x4000  }
0x87: {  	[sflag:s21] =	ssyncset.done $0x0  }
0x88: {  	s0 =	simm.s32 $0x100;
	[sflag:s21] =	ssyncadd.s32 $0xFFFFC000  }
0x89: {  	[tilespmem:s20], [sflag:$0x1] =	stream.indirect.gather [hbm4b:s4+s23], $0x80, s0, s23, $0xb8;
	[tilespmem:$0x1E800] =	vst v63  }
0x8a: {  	_ =	swait.ge [sflag:s26], $0x4000  }
0x8b: {  	[sflag:s26] =	ssyncset.done $0x0  }
0x8c: {  	s0 =	simm.s32 $0x1480;
	[sflag:s26] =	ssyncadd.s32 $0xFFFFC000  }
0x8d: {  	[spmem:s1] =	stream.indirect.scatter.add.f32 [tilespmem:s24], [sflag:$0x3], $0x80, s0, s23, $0xb8;
	[tilespmem:$0x1E800] =	vst v63  }
0x8e: {  	_ =	swait.ge [sflag:s21], $0x4000  }
0x8f: {  	[sflag:s21] =	ssyncset.done $0x0  }
0x90: {  	s30 =	simm.s32 $0x400;
	s31 =	simm.s32 $0x180;
	[sflag:s21] =	ssyncadd.s32 $0xFFFFC000  }
.LBB2_6:
0x91: {  	[tilespmem:s24], [sflag:$0x2] =	stream.indirect.gather [hbm4b:s4+s23], $0x80, s31, s23, $0xb8;
	[tilespmem:$0x1E800] =	vst v63  }
0x92: {  	s0 =	smov.u32 s30  }
0x93: {  	p0 =	sne.s32 s30, $0x4800;
	s30 =	sadd.s32 $0x400, s30;
	_ =	swait.ge [sflag:s25], $0x4000  }
0x94: {  	s0 =	sshra.s32 s0, $0x2;
	[sflag:s25] =	ssyncset.done $0x0  }
0x95: {  	s31 =	sadd.s32 $0x1400, s0;
	[sflag:s25] =	ssyncadd.s32 $0xFFFFC000  }
0x96: {  	[spmem:s1] =	stream.indirect.scatter.add.f32 [tilespmem:s20], [sflag:$0x3], $0x80, s31, s23, $0xb8;
	[tilespmem:$0x1E800] =	vst v63  }
0x97: {  	_ =	swait.ge [sflag:s21], $0x4000  }
0x98: {  	[sflag:s21] =	ssyncset.done $0x0  }
0x99: {  	s31 =	sadd.s32 $0x100, s0;
	[sflag:s21] =	ssyncadd.s32 $0xFFFFC000  }
0x9a: {  	[tilespmem:s20], [sflag:$0x1] =	stream.indirect.gather [hbm4b:s4+s23], $0x80, s31, s23, $0xb8;
	[tilespmem:$0x1E800] =	vst v63  }
0x9b: {  	_ =	swait.ge [sflag:s26], $0x4000  }
0x9c: {  	[sflag:s26] =	ssyncset.done $0x0  }
.Ltmp2:
0x9d: {  	s31 =	sadd.s32 $0x1480, s0;
	[sflag:s26] =	ssyncadd.s32 $0xFFFFC000;
	(pc) =	sbr.rel @p0 .LBB2_6-.Ltmp2, $4  }
0x9e: {  	[spmem:s1] =	stream.indirect.scatter.add.f32 [tilespmem:s24], [sflag:$0x3], $0x80, s31, s23, $0xb8;
	[tilespmem:$0x1E800] =	vst v63  }
0x9f: {  	_ =	swait.ge [sflag:s21], $0x4000  }
0xa0: {  	[sflag:s21] =	ssyncset.done $0x0  }
0xa1: {  	s31 =	sadd.s32 $0x180, s0;
	[sflag:s21] =	ssyncadd.s32 $0xFFFFC000  }
0xa2: {  	[tilespmem:s24], [sflag:$0x2] =	stream.indirect.gather [hbm4b:s4+s23], $0x80, s31, s23, $0xb8;
	[tilespmem:$0x1E800] =	vst v63  }
0xa3: {  	_ =	swait.ge [sflag:s25], $0x4000  }
0xa4: {  	[sflag:s25] =	ssyncset.done $0x0  }
0xa5: {  	[sflag:s25] =	ssyncadd.s32 $0xFFFFC000  }
0xa6: {  	[spmem:s1] =	stream.indirect.scatter.add.f32 [tilespmem:s20], [sflag:$0x3], $0x80, s28, s23, $0xb8;
	[tilespmem:$0x1E800] =	vst v63  }
0xa7: {  	_ =	swait.ge [sflag:s21], $0x4000  }
0xa8: {  	[sflag:s21] =	ssyncset.done $0x0  }
0xa9: {  	[sflag:s21] =	ssyncadd.s32 $0xFFFFC000  }
0xaa: {  	_ =	swait.ge [sflag:s26], $0x4000  }
0xab: {  	[sflag:s26] =	ssyncset.done $0x0  }
0xac: {  	[sflag:s26] =	ssyncadd.s32 $0xFFFFC000  }
0xad: {  	[spmem:s1] =	stream.indirect.scatter.add.f32 [tilespmem:s24], [sflag:$0x3], $0x80, s29, s23, $0xb8;
	[tilespmem:$0x1E800] =	vst v63  }
0xae: {  	_ =	swait.ge [sflag:s21], $0x4000  }
0xaf: {  	[sflag:s21] =	ssyncset.done $0x0  }
0xb0: {  	s0 =	sshll.u32 s2, $0x6;
	[sflag:s21] =	ssyncadd.s32 $0xFFFFC000  }
0xb1: {  	s30 =	sshrl.u32 s5, $0x3;
	s0 =	sor.u32 $0x1C03, s0;
	[bflag:$0x0] =	sbarrier.arrive $0xFFFF  }
0xb2: {  	[hbm:s14], [sflag:s0] =	dma.local [spmem:s30], $0x800  }
0xb3: {  	_ =	swait.ge [sflag:s21], $0x800  }
0xb4: {  	[sflag:s21] =	ssyncset.done $0x0  }
0xb5: {  	s31 =	sshrl.u32 s6, $0x3;
	[sflag:s21] =	ssyncadd.s32 $0xFFFFF800  }
0xb6: {  	[hbm:s15], [sflag:s0] =	dma.local [spmem:s31], $0x800  }
0xb7: {  	_ =	swait.ge [sflag:s21], $0x800  }
0xb8: {  	[sflag:s21] =	ssyncset.done $0x0  }
0xb9: {  	s31 =	sshrl.u32 s7, $0x3;
	[sflag:s21] =	ssyncadd.s32 $0xFFFFF800  }
0xba: {  	[hbm:s16], [sflag:s0] =	dma.local [spmem:s31], $0x800  }
0xbb: {  	_ =	swait.ge [sflag:s21], $0x800  }
0xbc: {  	[sflag:s21] =	ssyncset.done $0x0  }
0xbd: {  	s31 =	sshrl.u32 s8, $0x3;
	[sflag:s21] =	ssyncadd.s32 $0xFFFFF800  }
0xbe: {  	[hbm:s17], [sflag:s0] =	dma.local [spmem:s31], $0x800  }
0xbf: {  	s3 =	sadd.s32 $0x1, s3;
	_ =	swait.ge [sflag:s21], $0x800  }
0xc0: {  	p0 =	sne.s32 s3, s19;
	[sflag:s21] =	ssyncset.done $0x0  }
.Ltmp3:
0xc1: {  	s31 =	sshrl.u32 s9, $0x3;
	[sflag:s21] =	ssyncadd.s32 $0xFFFFF800;
	(pc) =	sbr.rel @p0 .LBB2_1-.Ltmp3, $4  }
0xc2: {  	[hbm:s18], [sflag:s0] =	dma.local [spmem:s31], $0x800  }
0xc3: {  	_ =	swait.ge [sflag:s21], $0x800  }
0xc4: {  	[sflag:s21] =	ssyncset.done $0x0  }
0xc5: {  	[sflag:s21] =	ssyncadd.s32 $0xFFFFF800  }
0xc6: {  	_ =	sfence.sel $0x180000  }
0xc7: {  	[bflag:$0x0] =	sbarrier.arrive $0xFFFF  }
0xc8: {  	_ =	strace $0x90000050  }
0xc9: {  	[bflag:$0x2] =	sbarrier.arrive $0xFFFF  }
0xca: {  	p0 =	sne.s32 s2, $0x0;
	s0 =	rddreg [dreg:$0x3]  }
0xcb: {  	s0 =	sadd.s32 @!p0 $0x100000, s0  }
0xcc: {  	[sflag:s0] =	ssyncadd.tile.s32 @!p0 $0x1;
	_ =	shalt  }
.Lfunc_end2:
_tile_overlayer_lowered:
.L_overlay_start_2:
0xcd: {  	(tag) =	ssettag $0x2  }
0xce: {  	s0 =	rddreg [dreg:$0x0];
	s2 =	stileid.u32  }
0xcf: {  	s1 =	rddreg [dreg:$0x1];
	p0 =	sne.s32 s2, $0x0  }
0xd0: {  	s3 =	rddreg [dreg:$0x2];
	[bflag:$0x3] =	sbarrier.arrive $0xFFFF;
	s2 =	simm.s32 @!p0 $0x1C03  }
0xd1: {  	[timem:s3], [sflag:s2] =	dma.local @!p0 [hbm:s0], s1  }
0xd2: {  	s0 =	simm.s32 @!p0 $0x3  }
0xd3: {  	_ =	swait.ge @!p0 [sflag:s0], s1  }
0xd4: {  	s1 =	ssub.s32 @!p0 $0x0, s1;
	[sflag:s0] =	ssyncset.done @!p0 $0x0  }
0xd5: {  	[sflag:s0] =	ssyncadd.s32 @!p0 s1  }
0xd6: {  	[bflag:$0x3] =	sbarrier.arrive $0xFFFF  }
0xd7: {  	_ =	shalt  }

</sc_bundles>
